<compile_context>
chip_gen: v7x
topology: tpu7x:2x2x1
jax: 0.10.2.dev20260603
libtpu: 0.0.44.dev20260713+nightly
codegen_flags: <defaults>
</compile_context>

<pallas_src>
import functools

import jax
import jax.numpy as jnp
from jax import lax
from jax.experimental import pallas as pl
from jax.experimental.pallas import tpu as pltpu
from jax.experimental.pallas import tpu_sc as plsc

K_NEIGH = 60
B = 1024
D = 32
N = 100000
CHUNK = 128
M_CHUNKS = 784
N_PAD = M_CHUNKS * CHUNK
C_BLK = 2048
N_BLKS = N_PAD // C_BLK
BIG = 1e30
KEY_INF = 3.0e38
NC, NS = 2, 16
NW = NC * NS
ROWS_PER_W = B // NW
CAND_CAP = 1024


def _qmean_body(hs_ref, q_ref):
    q_ref[...] = jnp.mean(hs_ref[...], axis=1)


def _dist_body(q_ref, keyst_ref, d2_ref, dmin_ref):
    i = pl.program_id(0)
    q = q_ref[...]
    kt = keyst_ref[...]
    qk = lax.dot_general(q, kt, (((1,), (0,)), ((), ())),
                         preferred_element_type=jnp.float32)
    q2 = jnp.sum(q * q, axis=1, keepdims=True)
    k2 = jnp.sum(kt * kt, axis=0, keepdims=True)
    d2 = (q2 + k2) - 2.0 * qk
    col = i * C_BLK + lax.broadcasted_iota(jnp.int32, (1, C_BLK), 1)
    d2 = jnp.where(col < N, d2, BIG)
    for c in range(C_BLK // CHUNK):
        d2_ref[pl.ds(c * B, B), :] = d2[:, c * CHUNK:(c + 1) * CHUNK]
    dmin_ref[...] = jnp.min(d2.reshape(B, C_BLK // CHUNK, CHUNK),
                            axis=-1)[None]


def _merge64(kx, vx, bufs):
    b0k, b1k, b2k, b3k, b0v, b1v, b2v, b3v = bufs
    bk = [b0k, b1k, b2k, b3k]
    bv = [b0v, b1v, b2v, b3v]
    for i in range(4):
        rk = lax.rev(kx, (0,))
        rv = lax.rev(vx, (0,))
        m = bk[i] <= rk
        lok = jnp.where(m, bk[i], rk)
        lov = jnp.where(m, bv[i], rv)
        hik = jnp.where(m, rk, bk[i])
        hiv = jnp.where(m, rv, bv[i])
        bk[i], bv[i] = plsc.sort_key_val(lok, lov)
        kx, vx = plsc.sort_key_val(hik, hiv)
    return (bk[0], bk[1], bk[2], bk[3], bv[0], bv[1], bv[2], bv[3])


def _stream_step(kx, vx, carry):
    cnt = plsc.all_reduce_population_count(kx < carry[8])

    def do(c):
        skx, svx = plsc.sort_key_val(kx, vx)
        b = _merge64(skx, svx, c[:8])
        return b + (jnp.full((16,), b[3][15], jnp.float32),)

    return lax.cond(cnt[0] > 0, do, lambda c: c, carry)


def _fresh_bufs():
    k = jnp.full((16,), KEY_INF, jnp.float32)
    v = jnp.zeros((16,), jnp.int32)
    return (k, k, k, k, v, v, v, v, k)


def _sc_body(dmin_hbm, d2_hbm, sct_hbm, knnd_hbm, knns_hbm, *s):
    (dminb0, idxd0, idxs0, d2v0, scv0,
     dminb1, idxd1, idxs1, d2v1, scv1,
     candk_v, candv_v, kout_v, sout_v,
     semm0, semd0, sems0, semm1, semd1, sems1) = s
    sets = ((dminb0, idxd0, idxs0, d2v0, scv0, semm0, semd0, sems0),
            (dminb1, idxd1, idxs1, d2v1, scv1, semm1, semd1, sems1))
    iota = lax.iota(jnp.int32, 16)
    inf_v = jnp.full((16,), KEY_INF, jnp.float32)
    wid = lax.axis_index("s") * NC + lax.axis_index("c")
    row0 = wid * ROWS_PER_W

    def issue_dmin(st, row):
        return pltpu.async_copy(dmin_hbm.at[row], st[0], st[5])

    def phase1(st, row):
        dminb = st[0]

        def p1(j, bufs):
            kx = dminb[pl.ds(j * 16, 16)]
            vx = j * 16 + iota
            return _stream_step(kx, vx, bufs)

        bufs = lax.fori_loop(0, M_CHUNKS // 16, p1, _fresh_bufs())
        thr = bufs[3][11]
        for i in range(4):
            cid = bufs[4 + i]
            st[1][pl.ds(i * 16, 16)] = cid * B + row
            st[2][pl.ds(i * 16, 16)] = cid
        return thr

    def drain(st, r_prev, thr):
        pltpu.make_async_copy(d2_hbm.at[st[1]], st[3], st[6]).wait()
        d2v, scv = st[3], st[4]
        thrv = jnp.full((16,), thr, jnp.float32)

        def p2(sl, off):
            srow = jnp.full((16,), sl, jnp.int32)

            def g_step(off, g):
                kx = plsc.load_gather(d2v, [srow, g * 16 + iota])
                m = kx <= thrv
                plsc.store_compressed(candk_v.at[pl.ds(off, 16)], kx, mask=m)
                vx = sl * CHUNK + g * 16 + iota
                plsc.store_compressed(candv_v.at[pl.ds(off, 16)], vx, mask=m)
                cnt = plsc.all_reduce_population_count(m)
                return jnp.minimum(off + cnt[0], CAND_CAP - 16)

            for g in range(CHUNK // 16):
                off = g_step(off, g)
            return off

        off = lax.fori_loop(0, 64, p2, 0)
        candk_v[pl.ds(off, 16)] = inf_v

        def p3(j, bufs):
            kx = candk_v[pl.ds(j * 16, 16)]
            vx = candv_v[pl.ds(j * 16, 16)]
            return _stream_step(kx, vx, bufs)

        bufs = lax.fori_loop(0, (off + 15) >> 4, p3, _fresh_bufs())

        pltpu.make_async_copy(sct_hbm.at[st[2]], st[4], st[7]).wait()
        for i in range(4):
            kout_v[pl.ds(r_prev * 64 + i * 16, 16)] = bufs[i]
            pos = bufs[4 + i]
            sout_v[pl.ds(r_prev * 64 + i * 16, 16)] = plsc.load_gather(
                scv, [pos >> 7, pos & 127])

    def body_row(r, thr_prev, cur, prv):
        row = row0 + r
        pltpu.make_async_copy(dmin_hbm.at[row], cur[0], cur[5]).wait()
        thr = phase1(cur, row)

        @pl.when(r < ROWS_PER_W - 1)
        def _():
            issue_dmin(prv, row + 1)

        @pl.when(r >= 1)
        def _():
            drain(prv, r - 1, thr_prev)

        pltpu.async_copy(d2_hbm.at[cur[1]], cur[3], cur[6])
        pltpu.async_copy(sct_hbm.at[cur[2]], cur[4], cur[7])
        return thr

    issue_dmin(sets[0], row0)

    def pair(rr, thr):
        thr = body_row(2 * rr, thr, sets[0], sets[1])
        thr = body_row(2 * rr + 1, thr, sets[1], sets[0])
        return thr

    thr = lax.fori_loop(0, ROWS_PER_W // 2, pair, jnp.float32(0))
    drain(sets[1], ROWS_PER_W - 1, thr)

    pltpu.sync_copy(kout_v, knnd_hbm.at[pl.ds(row0 * 64, ROWS_PER_W * 64)])
    pltpu.sync_copy(sout_v, knns_hbm.at[pl.ds(row0 * 64, ROWS_PER_W * 64)])


def _sc_topk(dmin_flat, d2_flat, sc_tbl):
    mesh = plsc.VectorSubcoreMesh(core_axis_name="c", subcore_axis_name="s",
                                  num_cores=NC, num_subcores=NS)

    def pset():
        return [
            pltpu.VMEM((M_CHUNKS,), jnp.float32),
            pltpu.VMEM((64,), jnp.int32),
            pltpu.VMEM((64,), jnp.int32),
            pltpu.VMEM((64, CHUNK), jnp.float32),
            pltpu.VMEM((64, CHUNK), jnp.float32),
        ]

    f = pl.kernel(
        _sc_body,
        out_type=(jax.ShapeDtypeStruct((B * 64,), jnp.float32),
                  jax.ShapeDtypeStruct((B * 64,), jnp.float32)),
        mesh=mesh,
        compiler_params=pltpu.CompilerParams(needs_layout_passes=False),
        scratch_types=pset() + pset() + [
            pltpu.VMEM((CAND_CAP,), jnp.float32),
            pltpu.VMEM((CAND_CAP,), jnp.int32),
            pltpu.VMEM((ROWS_PER_W * 64,), jnp.float32),
            pltpu.VMEM((ROWS_PER_W * 64,), jnp.float32),
        ] + [pltpu.SemaphoreType.DMA] * 6,
    )
    return f(dmin_flat, d2_flat, sc_tbl)


def _mlp_body(kd_ref, ks_ref, p_ref, kw1_ref, kb1_ref, kw2_ref, kb2_ref,
              lw1_ref, lb1_ref, lw2_ref, lb2_ref, out_ref):
    kd = kd_ref[...][:, :K_NEIGH]
    ks = ks_ref[...][:, :K_NEIGH]
    p = p_ref[...]
    h = jnp.maximum(
        lax.dot_general(kd, kw1_ref[...], (((1,), (0,)), ((), ())),
                        preferred_element_type=jnp.float32) + kb1_ref[...],
        0.0)
    logits = lax.dot_general(h, kw2_ref[...], (((1,), (0,)), ((), ())),
                             preferred_element_type=jnp.float32) + kb2_ref[...]
    logits = logits - jnp.max(logits, axis=1, keepdims=True)
    e = jnp.exp(logits)
    w = e / jnp.sum(e, axis=1, keepdims=True)
    np_s = jnp.sum(w * ks, axis=1, keepdims=True)
    lw1 = lw1_ref[...]
    lh = (p * lw1[0:1, :] + np_s * lw1[1:2, :]
          + lax.dot_general(kd, lw1[2:, :], (((1,), (0,)), ((), ())),
                            preferred_element_type=jnp.float32)
          + lb1_ref[...])
    lh = jnp.maximum(lh, 0.0)
    ll = lax.dot_general(lh, lw2_ref[...], (((1,), (0,)), ((), ())),
                         preferred_element_type=jnp.float32) + lb2_ref[...]
    ll = ll - jnp.max(ll, axis=1, keepdims=True)
    le = jnp.exp(ll)
    lam = le / jnp.sum(le, axis=1, keepdims=True)
    out_ref[...] = (p * lam[:, 0:1] + np_s * lam[:, 1:2])


def kernel(hs, p_scores, ds_keys, ds_scores, knet_w1, knet_b1, knet_w2,
           knet_b2, lam_w1, lam_b1, lam_w2, lam_b2):
    T = hs.shape[1]

    q = pl.pallas_call(
        _qmean_body,
        grid=(8,),
        in_specs=[pl.BlockSpec((B // 8, T, D), lambda i: (i, 0, 0))],
        out_specs=pl.BlockSpec((B // 8, D), lambda i: (i, 0)),
        out_shape=jax.ShapeDtypeStruct((B, D), jnp.float32),
    )(hs)

    keys_t = ds_keys.T
    d2, dmin3 = pl.pallas_call(
        _dist_body,
        grid=(N_BLKS,),
        in_specs=[
            pl.BlockSpec((B, D), lambda i: (0, 0)),
            pl.BlockSpec((D, C_BLK), lambda i: (0, i)),
        ],
        out_specs=[
            pl.BlockSpec(((C_BLK // CHUNK) * B, CHUNK), lambda i: (i, 0)),
            pl.BlockSpec((1, B, C_BLK // CHUNK), lambda i: (i, 0, 0)),
        ],
        out_shape=[
            jax.ShapeDtypeStruct((M_CHUNKS * B, CHUNK), jnp.float32),
            jax.ShapeDtypeStruct((N_BLKS, B, C_BLK // CHUNK), jnp.float32),
        ],
    )(q, keys_t)

    dmin_flat = jnp.transpose(dmin3, (1, 0, 2)).reshape(B, M_CHUNKS)
    d2_flat = d2
    sc_tbl = jnp.concatenate(
        [ds_scores, jnp.zeros((N_PAD - N,), jnp.float32)]).reshape(
            M_CHUNKS, CHUNK)

    knnd64, knns64 = _sc_topk(dmin_flat, d2_flat, sc_tbl)
    knn_d = knnd64.reshape(B, 64)
    knn_s = knns64.reshape(B, 64)

    out = pl.pallas_call(
        _mlp_body,
        grid=(1,),
        in_specs=[
            pl.BlockSpec((B, 64), lambda i: (0, 0)),
            pl.BlockSpec((B, 64), lambda i: (0, 0)),
            pl.BlockSpec((B, 1), lambda i: (0, 0)),
            pl.BlockSpec(knet_w1.shape, lambda i: (0, 0)),
            pl.BlockSpec((1, 128), lambda i: (0, 0)),
            pl.BlockSpec(knet_w2.shape, lambda i: (0, 0)),
            pl.BlockSpec((1, K_NEIGH), lambda i: (0, 0)),
            pl.BlockSpec(lam_w1.shape, lambda i: (0, 0)),
            pl.BlockSpec((1, 128), lambda i: (0, 0)),
            pl.BlockSpec(lam_w2.shape, lambda i: (0, 0)),
            pl.BlockSpec((1, 2), lambda i: (0, 0)),
        ],
        out_specs=pl.BlockSpec((B, 1), lambda i: (0, 0)),
        out_shape=jax.ShapeDtypeStruct((B, 1), jnp.float32),
    )(knn_d, knn_s, p_scores[:, None], knet_w1, knet_b1[None, :], knet_w2,
      knet_b2[None, :], lam_w1, lam_b1[None, :], lam_w2, lam_b2[None, :])
    return out

# --- scband reference (transcript-rebuilt; emitter-appended) ---
"""Pipeline reference for scband-rampsimple-78975858639413 (READ-ONLY COPY).

The authoritative reference and input builder live on the scoring server;
editing this copy changes nothing except your own understanding.
"""

import jax, jax.numpy as jnp
import numpy as np

K_NEIGH = 60
K_NET_DIM = 128
LAMBDA_NET_DIM = 128


def setup_inputs(seed: int = 0) -> dict:
    key = jax.random.key(seed)
    ks = jax.random.split(key, 12)
    B, T, D = 1024, 200, 32
    N = 100000
    hs = jax.random.normal(ks[0], (B, T, D), dtype=jnp.float32)
    p_scores = jax.random.uniform(ks[1], (B,), dtype=jnp.float32) * 4.0 + 1.0
    ds_keys = jax.random.normal(ks[2], (N, D), dtype=jnp.float32)
    ds_scores = jax.random.uniform(ks[3], (N,), dtype=jnp.float32) * 4.0 + 1.0
    knet_w1 = jax.random.normal(ks[4], (K_NEIGH, K_NET_DIM), dtype=jnp.float32) * (1.0 / np.sqrt(K_NEIGH))
    knet_b1 = jnp.zeros((K_NET_DIM,), dtype=jnp.float32)
    knet_w2 = jax.random.normal(ks[5], (K_NET_DIM, K_NEIGH), dtype=jnp.float32) * (1.0 / np.sqrt(K_NET_DIM))
    knet_b2 = jnp.zeros((K_NEIGH,), dtype=jnp.float32)
    lam_w1 = jax.random.normal(ks[6], (2 + K_NEIGH, LAMBDA_NET_DIM), dtype=jnp.float32) * (1.0 / np.sqrt(2 + K_NEIGH))
    lam_b1 = jnp.zeros((LAMBDA_NET_DIM,), dtype=jnp.float32)
    lam_w2 = jax.random.normal(ks[7], (LAMBDA_NET_DIM, 2), dtype=jnp.float32) * (1.0 / np.sqrt(LAMBDA_NET_DIM))
    lam_b2 = jnp.zeros((2,), dtype=jnp.float32)
    return {"hs": hs, "p_scores": p_scores, "ds_keys": ds_keys, "ds_scores": ds_scores,
            "knet_w1": knet_w1, "knet_b1": knet_b1, "knet_w2": knet_w2, "knet_b2": knet_b2,
            "lam_w1": lam_w1, "lam_b1": lam_b1, "lam_w2": lam_w2, "lam_b2": lam_b2}


def reference(hs, p_scores, ds_keys, ds_scores, knet_w1, knet_b1, knet_w2, knet_b2, lam_w1, lam_b1, lam_w2, lam_b2):
    # nonparametric_model_inference: mean-pool SSL embeddings over time, then kNN search
    q = jnp.mean(hs, axis=1)  # [B, D]
    # squared-L2 distance kNN search over the datastore (faiss IndexFlatL2 equivalent)
    q2 = jnp.sum(q * q, axis=1, keepdims=True)               # [B, 1]
    k2 = jnp.sum(ds_keys * ds_keys, axis=1)                  # [N]
    d2 = q2 + k2[None, :] - 2.0 * (q @ ds_keys.T)            # [B, N]
    neg_d, idx = jax.lax.top_k(-d2, K_NEIGH)                 # smallest distances
    knn_distances = -neg_d                                   # [B, k]
    knn_scores = jnp.take(ds_scores, idx, axis=0)            # [B, k]
    # torch code converts search results via numpy -> detached constants
    knn_distances = jax.lax.stop_gradient(knn_distances)
    knn_scores = jax.lax.stop_gradient(knn_scores)
    # k_net: Linear -> ReLU -> (Dropout eval) -> Linear -> Softmax
    h = jax.nn.relu(knn_distances @ knet_w1 + knet_b1)
    weights = jax.nn.softmax(h @ knet_w2 + knet_b2, axis=-1)
    np_scores = jnp.sum(weights * knn_scores, axis=1)        # [B]
    # lambda_net (original): cat([p, np, distances]) -> Linear -> ReLU -> Linear -> Softmax
    lam_in = jnp.concatenate([p_scores[:, None], np_scores[:, None], knn_distances], axis=1)
    lh = jax.nn.relu(lam_in @ lam_w1 + lam_b1)
    lambdas = jax.nn.softmax(lh @ lam_w2 + lam_b2, axis=-1)  # [B, 2]
    final_scores = jnp.sum(jnp.stack([p_scores, np_scores], axis=1) * lambdas, axis=1, keepdims=True)  # [B, 1]
    return final_scores

if __name__ == "__main__":
    import jax
    _d = setup_inputs()
    print(jax.jit(kernel)(*tuple(_d.values())))

</pallas_src>

<mosaic_0001>
#map = affine_map<(d0, d1) -> (0, 0)>
#map1 = affine_map<(d0, d1) -> (0)>
module attributes {stable_mosaic.version = 14 : i64} {
  func.func @_sc_body(%arg0: i32, %arg1: i32, %arg2: memref<1024x784xf32, #tpu.memory_space<hbm>>, %arg3: memref<802816x128xf32, #tpu.memory_space<hbm>>, %arg4: memref<784x128xf32, #tpu.memory_space<hbm>>, %arg5: memref<65536xf32, #tpu.memory_space<hbm>>, %arg6: memref<65536xf32, #tpu.memory_space<hbm>>, %arg7: memref<784xf32, #tpu.memory_space<vmem>>, %arg8: memref<64xi32, #tpu.memory_space<vmem>>, %arg9: memref<64xi32, #tpu.memory_space<vmem>>, %arg10: memref<64x128xf32, #tpu.memory_space<vmem>>, %arg11: memref<64x128xf32, #tpu.memory_space<vmem>>, %arg12: memref<784xf32, #tpu.memory_space<vmem>>, %arg13: memref<64xi32, #tpu.memory_space<vmem>>, %arg14: memref<64xi32, #tpu.memory_space<vmem>>, %arg15: memref<64x128xf32, #tpu.memory_space<vmem>>, %arg16: memref<64x128xf32, #tpu.memory_space<vmem>>, %arg17: memref<1024xf32, #tpu.memory_space<vmem>>, %arg18: memref<1024xi32, #tpu.memory_space<vmem>>, %arg19: memref<2048xf32, #tpu.memory_space<vmem>>, %arg20: memref<2048xf32, #tpu.memory_space<vmem>>, %arg21: memref<!tpu.dma_semaphore, #tpu.memory_space<semaphore_mem>>, %arg22: memref<!tpu.dma_semaphore, #tpu.memory_space<semaphore_mem>>, %arg23: memref<!tpu.dma_semaphore, #tpu.memory_space<semaphore_mem>>, %arg24: memref<!tpu.dma_semaphore, #tpu.memory_space<semaphore_mem>>, %arg25: memref<!tpu.dma_semaphore, #tpu.memory_space<semaphore_mem>>, %arg26: memref<!tpu.dma_semaphore, #tpu.memory_space<semaphore_mem>>) attributes {dimension_semantics = [#tpu.dimension_semantics<core_parallel>, #tpu.dimension_semantics<subcore_parallel>], iteration_bounds = array<i64: 2, 16>, scalar_prefetch = 0 : i64, scratch_operands = 20 : i64, tpu.core_type = #tpu.core_type<sc_vector_subcore>, window_params = [{transform_indices = #map}, {transform_indices = #map}, {transform_indices = #map}, {transform_indices = #map1}, {transform_indices = #map1}]} {
    %iota3A = tpu.iota {dimensions = array<i32: 0>} : vector<16xi32>
    %broadcast_in_dim3A = arith.constant 3.000000e+38 : f32
    %broadcast_in_dim3A_0 = vector.broadcast %broadcast_in_dim3A : f32 to vector<16xf32>
    %mul3A = arith.constant 2 : i32
    %mul3A_1 = arith.muli %arg1, %mul3A : i32
    %add3A = arith.addi %mul3A_1, %arg0 : i32
    %mul3A_2 = arith.constant 32 : i32
    %mul3A_3 = arith.muli %add3A, %mul3A_2 : i32
    %dma_start3A = arith.constant 0 : i32
    %dma_start3A_4 = tpu.memref_slice %arg2[%mul3A_3, %dma_start3A] : memref<1024x784xf32, #tpu.memory_space<hbm>> -> memref<1x784xf32, #tpu.memory_space<hbm>>
    %dma_start3A_5 = tpu.memref_squeeze %dma_start3A_4 : memref<1x784xf32, #tpu.memory_space<hbm>> -> memref<784xf32, #tpu.memory_space<hbm>>
    %dma_start3A_6 = arith.constant 0 : i32
    %dma_start3A_7 = tpu.memref_slice %arg2[%mul3A_3, %dma_start3A_6] : memref<1024x784xf32, #tpu.memory_space<hbm>> -> memref<1x784xf32, #tpu.memory_space<hbm>>
    %dma_start3A_8 = tpu.memref_squeeze %dma_start3A_7 : memref<1x784xf32, #tpu.memory_space<hbm>> -> memref<784xf32, #tpu.memory_space<hbm>>
    tpu.enqueue_dma source(%dma_start3A_8 : memref<784xf32, #tpu.memory_space<hbm>>) target(%arg7 : memref<784xf32, #tpu.memory_space<vmem>>) target_semaphore(%arg21 : memref<!tpu.dma_semaphore, #tpu.memory_space<semaphore_mem>>)
    %scan3A = arith.constant 0.000000e+00 : f32
    %scan3A_9 = arith.constant 0 : i32
    %scan3A_10 = arith.constant 16 : i32
    %scan3A_11 = arith.addi %scan3A_9, %scan3A_10 : i32
    %scan3A_12 = arith.constant 1 : i32
    %scan3A_13 = scf.for %scan3A_92 = %scan3A_9 to %scan3A_11 step %scan3A_12 iter_args(%scan3A_93 = %scan3A) -> (f32)  : i32 {
      %mul3A_94 = arith.constant 2 : i32
      %mul3A_95 = arith.muli %mul3A_94, %scan3A_92 : i32
      %add3A_96 = arith.addi %mul3A_3, %mul3A_95 : i32
      %dma_wait3A_97 = arith.constant 0 : i32
      %dma_wait3A_98 = tpu.memref_slice %arg2[%add3A_96, %dma_wait3A_97] : memref<1024x784xf32, #tpu.memory_space<hbm>> -> memref<1x784xf32, #tpu.memory_space<hbm>>
      %dma_wait3A_99 = tpu.memref_squeeze %dma_wait3A_98 : memref<1x784xf32, #tpu.memory_space<hbm>> -> memref<784xf32, #tpu.memory_space<hbm>>
      %dma_wait3A_100 = arith.constant 0 : i32
      %dma_wait3A_101 = tpu.memref_slice %arg2[%add3A_96, %dma_wait3A_100] : memref<1024x784xf32, #tpu.memory_space<hbm>> -> memref<1x784xf32, #tpu.memory_space<hbm>>
      %dma_wait3A_102 = tpu.memref_squeeze %dma_wait3A_101 : memref<1x784xf32, #tpu.memory_space<hbm>> -> memref<784xf32, #tpu.memory_space<hbm>>
      tpu.wait_dma2 semaphore(%arg21 : memref<!tpu.dma_semaphore, #tpu.memory_space<semaphore_mem>>) src(%dma_wait3A_102 : memref<784xf32, #tpu.memory_space<hbm>>) dst(%arg7 : memref<784xf32, #tpu.memory_space<vmem>>)
      %broadcast_in_dim3A_103 = arith.constant 3.000000e+38 : f32
      %broadcast_in_dim3A_104 = vector.broadcast %broadcast_in_dim3A_103 : f32 to vector<16xf32>
      %broadcast_in_dim3A_105 = arith.constant 0 : i32
      %broadcast_in_dim3A_106 = vector.broadcast %broadcast_in_dim3A_105 : i32 to vector<16xi32>
      %scan3A_107 = arith.constant 0 : i32
      %scan3A_108 = arith.constant 49 : i32
      %scan3A_109 = arith.addi %scan3A_107, %scan3A_108 : i32
      %scan3A_110 = arith.constant 1 : i32
      %scan3A_111:9 = scf.for %scan3A_236 = %scan3A_107 to %scan3A_109 step %scan3A_110 iter_args(%scan3A_237 = %broadcast_in_dim3A_104, %scan3A_238 = %broadcast_in_dim3A_104, %scan3A_239 = %broadcast_in_dim3A_104, %scan3A_240 = %broadcast_in_dim3A_104, %scan3A_241 = %broadcast_in_dim3A_106, %scan3A_242 = %broadcast_in_dim3A_106, %scan3A_243 = %broadcast_in_dim3A_106, %scan3A_244 = %broadcast_in_dim3A_106, %scan3A_245 = %broadcast_in_dim3A_104) -> (vector<16xf32>, vector<16xf32>, vector<16xf32>, vector<16xf32>, vector<16xi32>, vector<16xi32>, vector<16xi32>, vector<16xi32>, vector<16xf32>)  : i32 {
        %mul3A_246 = arith.constant 16 : i32
        %mul3A_247 = arith.muli %scan3A_236, %mul3A_246 : i32
        %get3A = arith.index_cast %mul3A_247 : i32 to index
        %get3A_248 = tpu.vector_load %arg7[%get3A] {strides = array<i32>} : memref<784xf32, #tpu.memory_space<vmem>>, vector<16xf32>,
        %mul3A_249 = arith.constant 16 : i32
        %mul3A_250 = arith.muli %scan3A_236, %mul3A_249 : i32
        %add3A_251 = vector.broadcast %mul3A_250 : i32 to vector<16xi32>
        %add3A_252 = arith.addi %add3A_251, %iota3A : vector<16xi32>
        %lt3A_253 = arith.cmpf olt, %get3A_248, %scan3A_245 : vector<16xf32>
        %all_reduce_population_count3A = tpu.all_reduce %lt3A_253 {dim = 0 : i64, kind = #tpu.reduction_kind<sum>} : vector<16xi1> -> vector<16xi32>
        %slice3A_254 = vector.extract_strided_slice %all_reduce_population_count3A {offsets = [0], sizes = [1], strides = [1]} : vector<16xi32> to vector<1xi32>
        %squeeze3A_255 = vector.extract %slice3A_254[0] : i32 from vector<1xi32>
        %gt3A = arith.constant 0 : i32
        %gt3A_256 = arith.cmpi sgt, %squeeze3A_255, %gt3A : i32
        %convert_element_type3A_257 = arith.extui %gt3A_256 : i1 to i32
        %cond3A_258 = arith.constant 0 : i32
        %cond3A_259 = arith.cmpi ne, %convert_element_type3A_257, %cond3A_258 : i32
        %cond3A_260:9 = scf.if %cond3A_259 -> (vector<16xf32>, vector<16xf32>, vector<16xf32>, vector<16xf32>, vector<16xi32>, vector<16xi32>, vector<16xi32>, vector<16xi32>, vector<16xf32>) {
          %masked_sort3A = arith.constant dense<true> : vector<16xi1>
          %masked_sort3A_261, %masked_sort3A_262, %masked_sort3A_263 = tpu.sort %get3A_248, %add3A_252 masked %masked_sort3A : (vector<16xf32>, vector<16xi32>, vector<16xi1>) -> (vector<16xi1>, vector<16xf32>, vector<16xi32>)
          %rev3A = arith.constant 15 : i32
          %rev3A_264 = vector.broadcast %rev3A : i32 to vector<16xi32>
          %rev3A_265 = tpu.iota {dimensions = array<i32: 0>} : vector<16xi32>
          %rev3A_266 = arith.subi %rev3A_264, %rev3A_265 : vector<16xi32>
          %rev3A_267 = tpu.dynamic_gather %masked_sort3A_262[%rev3A_266] in [0] : vector<16xf32>, vector<16xi32> -> vector<16xf32>
          %rev3A_268 = arith.constant 15 : i32
          %rev3A_269 = vector.broadcast %rev3A_268 : i32 to vector<16xi32>
          %rev3A_270 = tpu.iota {dimensions = array<i32: 0>} : vector<16xi32>
          %rev3A_271 = arith.subi %rev3A_269, %rev3A_270 : vector<16xi32>
          %rev3A_272 = tpu.dynamic_gather %masked_sort3A_263[%rev3A_271] in [0] : vector<16xi32>, vector<16xi32> -> vector<16xi32>
          %le3A = arith.cmpf ole, %scan3A_237, %rev3A_267 : vector<16xf32>
          %select_n3A = arith.select %le3A, %scan3A_237, %rev3A_267 : vector<16xi1>, vector<16xf32>
          %select_n3A_273 = arith.select %le3A, %scan3A_241, %rev3A_272 : vector<16xi1>, vector<16xi32>
          %select_n3A_274 = arith.select %le3A, %rev3A_267, %scan3A_237 : vector<16xi1>, vector<16xf32>
          %select_n3A_275 = arith.select %le3A, %rev3A_272, %scan3A_241 : vector<16xi1>, vector<16xi32>
          %masked_sort3A_276 = arith.constant dense<true> : vector<16xi1>
          %masked_sort3A_277, %masked_sort3A_278, %masked_sort3A_279 = tpu.sort %select_n3A, %select_n3A_273 masked %masked_sort3A_276 : (vector<16xf32>, vector<16xi32>, vector<16xi1>) -> (vector<16xi1>, vector<16xf32>, vector<16xi32>)
          %masked_sort3A_280 = arith.constant dense<true> : vector<16xi1>
          %masked_sort3A_281, %masked_sort3A_282, %masked_sort3A_283 = tpu.sort %select_n3A_274, %select_n3A_275 masked %masked_sort3A_280 : (vector<16xf32>, vector<16xi32>, vector<16xi1>) -> (vector<16xi1>, vector<16xf32>, vector<16xi32>)
          %rev3A_284 = arith.constant 15 : i32
          %rev3A_285 = vector.broadcast %rev3A_284 : i32 to vector<16xi32>
          %rev3A_286 = tpu.iota {dimensions = array<i32: 0>} : vector<16xi32>
          %rev3A_287 = arith.subi %rev3A_285, %rev3A_286 : vector<16xi32>
          %rev3A_288 = tpu.dynamic_gather %masked_sort3A_282[%rev3A_287] in [0] : vector<16xf32>, vector<16xi32> -> vector<16xf32>
          %rev3A_289 = arith.constant 15 : i32
          %rev3A_290 = vector.broadcast %rev3A_289 : i32 to vector<16xi32>
          %rev3A_291 = tpu.iota {dimensions = array<i32: 0>} : vector<16xi32>
          %rev3A_292 = arith.subi %rev3A_290, %rev3A_291 : vector<16xi32>
          %rev3A_293 = tpu.dynamic_gather %masked_sort3A_283[%rev3A_292] in [0] : vector<16xi32>, vector<16xi32> -> vector<16xi32>
          %le3A_294 = arith.cmpf ole, %scan3A_238, %rev3A_288 : vector<16xf32>
          %select_n3A_295 = arith.select %le3A_294, %scan3A_238, %rev3A_288 : vector<16xi1>, vector<16xf32>
          %select_n3A_296 = arith.select %le3A_294, %scan3A_242, %rev3A_293 : vector<16xi1>, vector<16xi32>
          %select_n3A_297 = arith.select %le3A_294, %rev3A_288, %scan3A_238 : vector<16xi1>, vector<16xf32>
          %select_n3A_298 = arith.select %le3A_294, %rev3A_293, %scan3A_242 : vector<16xi1>, vector<16xi32>
          %masked_sort3A_299 = arith.constant dense<true> : vector<16xi1>
          %masked_sort3A_300, %masked_sort3A_301, %masked_sort3A_302 = tpu.sort %select_n3A_295, %select_n3A_296 masked %masked_sort3A_299 : (vector<16xf32>, vector<16xi32>, vector<16xi1>) -> (vector<16xi1>, vector<16xf32>, vector<16xi32>)
          %masked_sort3A_303 = arith.constant dense<true> : vector<16xi1>
          %masked_sort3A_304, %masked_sort3A_305, %masked_sort3A_306 = tpu.sort %select_n3A_297, %select_n3A_298 masked %masked_sort3A_303 : (vector<16xf32>, vector<16xi32>, vector<16xi1>) -> (vector<16xi1>, vector<16xf32>, vector<16xi32>)
          %rev3A_307 = arith.constant 15 : i32
          %rev3A_308 = vector.broadcast %rev3A_307 : i32 to vector<16xi32>
          %rev3A_309 = tpu.iota {dimensions = array<i32: 0>} : vector<16xi32>
          %rev3A_310 = arith.subi %rev3A_308, %rev3A_309 : vector<16xi32>
          %rev3A_311 = tpu.dynamic_gather %masked_sort3A_305[%rev3A_310] in [0] : vector<16xf32>, vector<16xi32> -> vector<16xf32>
          %rev3A_312 = arith.constant 15 : i32
          %rev3A_313 = vector.broadcast %rev3A_312 : i32 to vector<16xi32>
          %rev3A_314 = tpu.iota {dimensions = array<i32: 0>} : vector<16xi32>
          %rev3A_315 = arith.subi %rev3A_313, %rev3A_314 : vector<16xi32>
          %rev3A_316 = tpu.dynamic_gather %masked_sort3A_306[%rev3A_315] in [0] : vector<16xi32>, vector<16xi32> -> vector<16xi32>
          %le3A_317 = arith.cmpf ole, %scan3A_239, %rev3A_311 : vector<16xf32>
          %select_n3A_318 = arith.select %le3A_317, %scan3A_239, %rev3A_311 : vector<16xi1>, vector<16xf32>
          %select_n3A_319 = arith.select %le3A_317, %scan3A_243, %rev3A_316 : vector<16xi1>, vector<16xi32>
          %select_n3A_320 = arith.select %le3A_317, %rev3A_311, %scan3A_239 : vector<16xi1>, vector<16xf32>
          %select_n3A_321 = arith.select %le3A_317, %rev3A_316, %scan3A_243 : vector<16xi1>, vector<16xi32>
          %masked_sort3A_322 = arith.constant dense<true> : vector<16xi1>
          %masked_sort3A_323, %masked_sort3A_324, %masked_sort3A_325 = tpu.sort %select_n3A_318, %select_n3A_319 masked %masked_sort3A_322 : (vector<16xf32>, vector<16xi32>, vector<16xi1>) -> (vector<16xi1>, vector<16xf32>, vector<16xi32>)
          %masked_sort3A_326 = arith.constant dense<true> : vector<16xi1>
          %masked_sort3A_327, %masked_sort3A_328, %masked_sort3A_329 = tpu.sort %select_n3A_320, %select_n3A_321 masked %masked_sort3A_326 : (vector<16xf32>, vector<16xi32>, vector<16xi1>) -> (vector<16xi1>, vector<16xf32>, vector<16xi32>)
          %rev3A_330 = arith.constant 15 : i32
          %rev3A_331 = vector.broadcast %rev3A_330 : i32 to vector<16xi32>
          %rev3A_332 = tpu.iota {dimensions = array<i32: 0>} : vector<16xi32>
          %rev3A_333 = arith.subi %rev3A_331, %rev3A_332 : vector<16xi32>
          %rev3A_334 = tpu.dynamic_gather %masked_sort3A_328[%rev3A_333] in [0] : vector<16xf32>, vector<16xi32> -> vector<16xf32>
          %rev3A_335 = arith.constant 15 : i32
          %rev3A_336 = vector.broadcast %rev3A_335 : i32 to vector<16xi32>
          %rev3A_337 = tpu.iota {dimensions = array<i32: 0>} : vector<16xi32>
          %rev3A_338 = arith.subi %rev3A_336, %rev3A_337 : vector<16xi32>
          %rev3A_339 = tpu.dynamic_gather %masked_sort3A_329[%rev3A_338] in [0] : vector<16xi32>, vector<16xi32> -> vector<16xi32>
          %le3A_340 = arith.cmpf ole, %scan3A_240, %rev3A_334 : vector<16xf32>
          %select_n3A_341 = arith.select %le3A_340, %scan3A_240, %rev3A_334 : vector<16xi1>, vector<16xf32>
          %select_n3A_342 = arith.select %le3A_340, %scan3A_244, %rev3A_339 : vector<16xi1>, vector<16xi32>
          %select_n3A_343 = arith.select %le3A_340, %rev3A_334, %scan3A_240 : vector<16xi1>, vector<16xf32>
          %select_n3A_344 = arith.select %le3A_340, %rev3A_339, %scan3A_244 : vector<16xi1>, vector<16xi32>
          %masked_sort3A_345 = arith.constant dense<true> : vector<16xi1>
          %masked_sort3A_346, %masked_sort3A_347, %masked_sort3A_348 = tpu.sort %select_n3A_341, %select_n3A_342 masked %masked_sort3A_345 : (vector<16xf32>, vector<16xi32>, vector<16xi1>) -> (vector<16xi1>, vector<16xf32>, vector<16xi32>)
          %masked_sort3A_349 = arith.constant dense<true> : vector<16xi1>
          %masked_sort3A_350, %masked_sort3A_351, %masked_sort3A_352 = tpu.sort %select_n3A_343, %select_n3A_344 masked %masked_sort3A_349 : (vector<16xf32>, vector<16xi32>, vector<16xi1>) -> (vector<16xi1>, vector<16xf32>, vector<16xi32>)
          %slice3A_353 = vector.extract_strided_slice %masked_sort3A_347 {offsets = [15], sizes = [1], strides = [1]} : vector<16xf32> to vector<1xf32>
          %squeeze3A_354 = vector.extract %slice3A_353[0] : f32 from vector<1xf32>
          %broadcast_in_dim3A_355 = vector.broadcast %squeeze3A_354 : f32 to vector<16xf32>
          scf.yield %masked_sort3A_278, %masked_sort3A_301, %masked_sort3A_324, %masked_sort3A_347, %masked_sort3A_279, %masked_sort3A_302, %masked_sort3A_325, %masked_sort3A_348, %broadcast_in_dim3A_355 : vector<16xf32>, vector<16xf32>, vector<16xf32>, vector<16xf32>, vector<16xi32>, vector<16xi32>, vector<16xi32>, vector<16xi32>, vector<16xf32>
        } else {
          scf.yield %scan3A_237, %scan3A_238, %scan3A_239, %scan3A_240, %scan3A_241, %scan3A_242, %scan3A_243, %scan3A_244, %scan3A_245 : vector<16xf32>, vector<16xf32>, vector<16xf32>, vector<16xf32>, vector<16xi32>, vector<16xi32>, vector<16xi32>, vector<16xi32>, vector<16xf32>
        }
        scf.yield %cond3A_260#0, %cond3A_260#1, %cond3A_260#2, %cond3A_260#3, %cond3A_260#4, %cond3A_260#5, %cond3A_260#6, %cond3A_260#7, %cond3A_260#8 : vector<16xf32>, vector<16xf32>, vector<16xf32>, vector<16xf32>, vector<16xi32>, vector<16xi32>, vector<16xi32>, vector<16xi32>, vector<16xf32>
      }
      %scan3A_112 = arith.constant 49 : i32
      %slice3A = vector.extract_strided_slice %scan3A_111#3 {offsets = [11], sizes = [1], strides = [1]} : vector<16xf32> to vector<1xf32>
      %squeeze3A = vector.extract %slice3A[0] : f32 from vector<1xf32>
      %mul3A_113 = arith.constant 1024 : i32
      %mul3A_114 = vector.broadcast %mul3A_113 : i32 to vector<16xi32>
      %mul3A_115 = arith.muli %scan3A_111#4, %mul3A_114 : vector<16xi32>
      %add3A_116 = vector.broadcast %add3A_96 : i32 to vector<16xi32>
      %add3A_117 = arith.addi %mul3A_115, %add3A_116 : vector<16xi32>
      %swap3A_118 = arith.constant 0 : index
      %swap3A_119 = tpu.vector_load %arg8[%swap3A_118] {strides = array<i32>} : memref<64xi32, #tpu.memory_space<vmem>>, vector<16xi32>,
      tpu.vector_store %arg8[%swap3A_118], %add3A_117 {strides = array<i32>} : memref<64xi32, #tpu.memory_space<vmem>>, vector<16xi32>,
      %swap3A_120 = arith.constant 0 : index
      %swap3A_121 = tpu.vector_load %arg9[%swap3A_120] {strides = array<i32>} : memref<64xi32, #tpu.memory_space<vmem>>, vector<16xi32>,
      tpu.vector_store %arg9[%swap3A_120], %scan3A_111#4 {strides = array<i32>} : memref<64xi32, #tpu.memory_space<vmem>>, vector<16xi32>,
      %mul3A_122 = arith.constant 1024 : i32
      %mul3A_123 = vector.broadcast %mul3A_122 : i32 to vector<16xi32>
      %mul3A_124 = arith.muli %scan3A_111#5, %mul3A_123 : vector<16xi32>
      %add3A_125 = vector.broadcast %add3A_96 : i32 to vector<16xi32>
      %add3A_126 = arith.addi %mul3A_124, %add3A_125 : vector<16xi32>
      %swap3A_127 = arith.constant 16 : index
      %swap3A_128 = tpu.vector_load %arg8[%swap3A_127] {strides = array<i32>} : memref<64xi32, #tpu.memory_space<vmem>>, vector<16xi32>,
      tpu.vector_store %arg8[%swap3A_127], %add3A_126 {strides = array<i32>} : memref<64xi32, #tpu.memory_space<vmem>>, vector<16xi32>,
      %swap3A_129 = arith.constant 16 : index
      %swap3A_130 = tpu.vector_load %arg9[%swap3A_129] {strides = array<i32>} : memref<64xi32, #tpu.memory_space<vmem>>, vector<16xi32>,
      tpu.vector_store %arg9[%swap3A_129], %scan3A_111#5 {strides = array<i32>} : memref<64xi32, #tpu.memory_space<vmem>>, vector<16xi32>,
      %mul3A_131 = arith.constant 1024 : i32
      %mul3A_132 = vector.broadcast %mul3A_131 : i32 to vector<16xi32>
      %mul3A_133 = arith.muli %scan3A_111#6, %mul3A_132 : vector<16xi32>
      %add3A_134 = vector.broadcast %add3A_96 : i32 to vector<16xi32>
      %add3A_135 = arith.addi %mul3A_133, %add3A_134 : vector<16xi32>
      %swap3A_136 = arith.constant 32 : index
      %swap3A_137 = tpu.vector_load %arg8[%swap3A_136] {strides = array<i32>} : memref<64xi32, #tpu.memory_space<vmem>>, vector<16xi32>,
      tpu.vector_store %arg8[%swap3A_136], %add3A_135 {strides = array<i32>} : memref<64xi32, #tpu.memory_space<vmem>>, vector<16xi32>,
      %swap3A_138 = arith.constant 32 : index
      %swap3A_139 = tpu.vector_load %arg9[%swap3A_138] {strides = array<i32>} : memref<64xi32, #tpu.memory_space<vmem>>, vector<16xi32>,
      tpu.vector_store %arg9[%swap3A_138], %scan3A_111#6 {strides = array<i32>} : memref<64xi32, #tpu.memory_space<vmem>>, vector<16xi32>,
      %mul3A_140 = arith.constant 1024 : i32
      %mul3A_141 = vector.broadcast %mul3A_140 : i32 to vector<16xi32>
      %mul3A_142 = arith.muli %scan3A_111#7, %mul3A_141 : vector<16xi32>
      %add3A_143 = vector.broadcast %add3A_96 : i32 to vector<16xi32>
      %add3A_144 = arith.addi %mul3A_142, %add3A_143 : vector<16xi32>
      %swap3A_145 = arith.constant 48 : index
      %swap3A_146 = tpu.vector_load %arg8[%swap3A_145] {strides = array<i32>} : memref<64xi32, #tpu.memory_space<vmem>>, vector<16xi32>,
      tpu.vector_store %arg8[%swap3A_145], %add3A_144 {strides = array<i32>} : memref<64xi32, #tpu.memory_space<vmem>>, vector<16xi32>,
      %swap3A_147 = arith.constant 48 : index
      %swap3A_148 = tpu.vector_load %arg9[%swap3A_147] {strides = array<i32>} : memref<64xi32, #tpu.memory_space<vmem>>, vector<16xi32>,
      tpu.vector_store %arg9[%swap3A_147], %scan3A_111#7 {strides = array<i32>} : memref<64xi32, #tpu.memory_space<vmem>>, vector<16xi32>,
      %lt3A = arith.constant 31 : i32
      %lt3A_149 = arith.cmpi slt, %mul3A_95, %lt3A : i32
      %convert_element_type3A = arith.extui %lt3A_149 : i1 to i32
      %cond3A = arith.constant 0 : i32
      %cond3A_150 = arith.cmpi ne, %convert_element_type3A, %cond3A : i32
      scf.if %cond3A_150 {
        %add3A_236 = arith.constant 1 : i32
        %add3A_237 = arith.addi %add3A_96, %add3A_236 : i32
        %dma_start3A_238 = arith.constant 0 : i32
        %dma_start3A_239 = tpu.memref_slice %arg2[%add3A_237, %dma_start3A_238] : memref<1024x784xf32, #tpu.memory_space<hbm>> -> memref<1x784xf32, #tpu.memory_space<hbm>>
        %dma_start3A_240 = tpu.memref_squeeze %dma_start3A_239 : memref<1x784xf32, #tpu.memory_space<hbm>> -> memref<784xf32, #tpu.memory_space<hbm>>
        %dma_start3A_241 = arith.constant 0 : i32
        %dma_start3A_242 = tpu.memref_slice %arg2[%add3A_237, %dma_start3A_241] : memref<1024x784xf32, #tpu.memory_space<hbm>> -> memref<1x784xf32, #tpu.memory_space<hbm>>
        %dma_start3A_243 = tpu.memref_squeeze %dma_start3A_242 : memref<1x784xf32, #tpu.memory_space<hbm>> -> memref<784xf32, #tpu.memory_space<hbm>>
        tpu.enqueue_dma source(%dma_start3A_243 : memref<784xf32, #tpu.memory_space<hbm>>) target(%arg12 : memref<784xf32, #tpu.memory_space<vmem>>) target_semaphore(%arg24 : memref<!tpu.dma_semaphore, #tpu.memory_space<semaphore_mem>>)
      } else {
      }
      %ge3A = arith.constant 1 : i32
      %ge3A_151 = arith.cmpi sge, %mul3A_95, %ge3A : i32
      %convert_element_type3A_152 = arith.extui %ge3A_151 : i1 to i32
      %cond3A_153 = arith.constant 0 : i32
      %cond3A_154 = arith.cmpi ne, %convert_element_type3A_152, %cond3A_153 : i32
      scf.if %cond3A_154 {
        %sub3A = arith.constant 1 : i32
        %sub3A_236 = arith.subi %mul3A_95, %sub3A : i32
        %dma_wait3A_237 = arith.constant 0 : i32
        %dma_wait3A_238 = arith.constant 0 : i32
        %dma_wait3A_239 = tpu.memref_slice %arg3[%dma_wait3A_237, %dma_wait3A_238] : memref<802816x128xf32, #tpu.memory_space<hbm>> -> memref<802816x128xf32, #tpu.memory_space<hbm>>
        tpu.wait_indirect_dma semaphore(%arg25 : memref<!tpu.dma_semaphore, #tpu.memory_space<semaphore_mem>>) src(%dma_wait3A_239 : memref<802816x128xf32, #tpu.memory_space<hbm>>) dst(%arg15 : memref<64x128xf32, #tpu.memory_space<vmem>>)
        %broadcast_in_dim3A_240 = vector.broadcast %scan3A_93 : f32 to vector<16xf32>
        %scan3A_241 = arith.constant 0 : i32
        %scan3A_242 = arith.constant 0 : i32
        %scan3A_243 = arith.constant 64 : i32
        %scan3A_244 = arith.addi %scan3A_242, %scan3A_243 : i32
        %scan3A_245 = arith.constant 1 : i32
        %scan3A_246 = scf.for %scan3A_348 = %scan3A_242 to %scan3A_244 step %scan3A_245 iter_args(%scan3A_349 = %scan3A_241) -> (i32)  : i32 {
          %broadcast_in_dim3A_350 = vector.broadcast %scan3A_348 : i32 to vector<16xi32>
          %add3A_351 = arith.constant 0 : i32
          %add3A_352 = vector.broadcast %add3A_351 : i32 to vector<16xi32>
          %add3A_353 = arith.addi %add3A_352, %iota3A : vector<16xi32>
          %gather3A_354 = tpu.vector_load_idx %arg15[%broadcast_in_dim3A_350, %add3A_353] : memref<64x128xf32, #tpu.memory_space<vmem>>[vector<16xi32>, vector<16xi32>], vector<16xf32>,
          %le3A = arith.cmpf ole, %gather3A_354, %broadcast_in_dim3A_240 : vector<16xf32>
          %swap3A_355 = arith.index_cast %scan3A_349 : i32 to index
          %swap3A_356 = tpu.vector_load %arg17[%swap3A_355] masked %le3A {strides = array<i32>} : memref<1024xf32, #tpu.memory_space<vmem>>, vector<16xf32>, vector<16xi1>
          tpu.vector_store %arg17[%swap3A_355], %gather3A_354 masked %le3A {strides = array<i32>} : memref<1024xf32, #tpu.memory_space<vmem>>, vector<16xf32>, vector<16xi1>
          %mul3A_357 = arith.constant 128 : i32
          %mul3A_358 = arith.muli %scan3A_348, %mul3A_357 : i32
          %add3A_359 = arith.constant 0 : i32
          %add3A_360 = arith.addi %mul3A_358, %add3A_359 : i32
          %add3A_361 = vector.broadcast %add3A_360 : i32 to vector<16xi32>
          %add3A_362 = arith.addi %add3A_361, %iota3A : vector<16xi32>
          %swap3A_363 = arith.index_cast %scan3A_349 : i32 to index
          %swap3A_364 = tpu.vector_load %arg18[%swap3A_363] masked %le3A {strides = array<i32>} : memref<1024xi32, #tpu.memory_space<vmem>>, vector<16xi32>, vector<16xi1>
          tpu.vector_store %arg18[%swap3A_363], %add3A_362 masked %le3A {strides = array<i32>} : memref<1024xi32, #tpu.memory_space<vmem>>, vector<16xi32>, vector<16xi1>
          %all_reduce_population_count3A = tpu.all_reduce %le3A {dim = 0 : i64, kind = #tpu.reduction_kind<sum>} : vector<16xi1> -> vector<16xi32>
          %slice3A_365 = vector.extract_strided_slice %all_reduce_population_count3A {offsets = [0], sizes = [1], strides = [1]} : vector<16xi32> to vector<1xi32>
          %squeeze3A_366 = vector.extract %slice3A_365[0] : i32 from vector<1xi32>
          %add3A_367 = arith.addi %scan3A_349, %squeeze3A_366 : i32
          %min3A = arith.constant 1008 : i32
          %min3A_368 = arith.minsi %add3A_367, %min3A : i32
          %add3A_369 = arith.constant 16 : i32
          %add3A_370 = vector.broadcast %add3A_369 : i32 to vector<16xi32>
          %add3A_371 = arith.addi %add3A_370, %iota3A : vector<16xi32>
          %gather3A_372 = tpu.vector_load_idx %arg15[%broadcast_in_dim3A_350, %add3A_371] : memref<64x128xf32, #tpu.memory_space<vmem>>[vector<16xi32>, vector<16xi32>], vector<16xf32>,
          %le3A_373 = arith.cmpf ole, %gather3A_372, %broadcast_in_dim3A_240 : vector<16xf32>
          %swap3A_374 = arith.index_cast %min3A_368 : i32 to index
          %swap3A_375 = tpu.vector_load %arg17[%swap3A_374] masked %le3A_373 {strides = array<i32>} : memref<1024xf32, #tpu.memory_space<vmem>>, vector<16xf32>, vector<16xi1>
          tpu.vector_store %arg17[%swap3A_374], %gather3A_372 masked %le3A_373 {strides = array<i32>} : memref<1024xf32, #tpu.memory_space<vmem>>, vector<16xf32>, vector<16xi1>
          %mul3A_376 = arith.constant 128 : i32
          %mul3A_377 = arith.muli %scan3A_348, %mul3A_376 : i32
          %add3A_378 = arith.constant 16 : i32
          %add3A_379 = arith.addi %mul3A_377, %add3A_378 : i32
          %add3A_380 = vector.broadcast %add3A_379 : i32 to vector<16xi32>
          %add3A_381 = arith.addi %add3A_380, %iota3A : vector<16xi32>
          %swap3A_382 = arith.index_cast %min3A_368 : i32 to index
          %swap3A_383 = tpu.vector_load %arg18[%swap3A_382] masked %le3A_373 {strides = array<i32>} : memref<1024xi32, #tpu.memory_space<vmem>>, vector<16xi32>, vector<16xi1>
          tpu.vector_store %arg18[%swap3A_382], %add3A_381 masked %le3A_373 {strides = array<i32>} : memref<1024xi32, #tpu.memory_space<vmem>>, vector<16xi32>, vector<16xi1>
          %all_reduce_population_count3A_384 = tpu.all_reduce %le3A_373 {dim = 0 : i64, kind = #tpu.reduction_kind<sum>} : vector<16xi1> -> vector<16xi32>
          %slice3A_385 = vector.extract_strided_slice %all_reduce_population_count3A_384 {offsets = [0], sizes = [1], strides = [1]} : vector<16xi32> to vector<1xi32>
          %squeeze3A_386 = vector.extract %slice3A_385[0] : i32 from vector<1xi32>
          %add3A_387 = arith.addi %min3A_368, %squeeze3A_386 : i32
          %min3A_388 = arith.constant 1008 : i32
          %min3A_389 = arith.minsi %add3A_387, %min3A_388 : i32
          %add3A_390 = arith.constant 32 : i32
          %add3A_391 = vector.broadcast %add3A_390 : i32 to vector<16xi32>
          %add3A_392 = arith.addi %add3A_391, %iota3A : vector<16xi32>
          %gather3A_393 = tpu.vector_load_idx %arg15[%broadcast_in_dim3A_350, %add3A_392] : memref<64x128xf32, #tpu.memory_space<vmem>>[vector<16xi32>, vector<16xi32>], vector<16xf32>,
          %le3A_394 = arith.cmpf ole, %gather3A_393, %broadcast_in_dim3A_240 : vector<16xf32>
          %swap3A_395 = arith.index_cast %min3A_389 : i32 to index
          %swap3A_396 = tpu.vector_load %arg17[%swap3A_395] masked %le3A_394 {strides = array<i32>} : memref<1024xf32, #tpu.memory_space<vmem>>, vector<16xf32>, vector<16xi1>
          tpu.vector_store %arg17[%swap3A_395], %gather3A_393 masked %le3A_394 {strides = array<i32>} : memref<1024xf32, #tpu.memory_space<vmem>>, vector<16xf32>, vector<16xi1>
          %mul3A_397 = arith.constant 128 : i32
          %mul3A_398 = arith.muli %scan3A_348, %mul3A_397 : i32
          %add3A_399 = arith.constant 32 : i32
          %add3A_400 = arith.addi %mul3A_398, %add3A_399 : i32
          %add3A_401 = vector.broadcast %add3A_400 : i32 to vector<16xi32>
          %add3A_402 = arith.addi %add3A_401, %iota3A : vector<16xi32>
          %swap3A_403 = arith.index_cast %min3A_389 : i32 to index
          %swap3A_404 = tpu.vector_load %arg18[%swap3A_403] masked %le3A_394 {strides = array<i32>} : memref<1024xi32, #tpu.memory_space<vmem>>, vector<16xi32>, vector<16xi1>
          tpu.vector_store %arg18[%swap3A_403], %add3A_402 masked %le3A_394 {strides = array<i32>} : memref<1024xi32, #tpu.memory_space<vmem>>, vector<16xi32>, vector<16xi1>
          %all_reduce_population_count3A_405 = tpu.all_reduce %le3A_394 {dim = 0 : i64, kind = #tpu.reduction_kind<sum>} : vector<16xi1> -> vector<16xi32>
          %slice3A_406 = vector.extract_strided_slice %all_reduce_population_count3A_405 {offsets = [0], sizes = [1], strides = [1]} : vector<16xi32> to vector<1xi32>
          %squeeze3A_407 = vector.extract %slice3A_406[0] : i32 from vector<1xi32>
          %add3A_408 = arith.addi %min3A_389, %squeeze3A_407 : i32
          %min3A_409 = arith.constant 1008 : i32
          %min3A_410 = arith.minsi %add3A_408, %min3A_409 : i32
          %add3A_411 = arith.constant 48 : i32
          %add3A_412 = vector.broadcast %add3A_411 : i32 to vector<16xi32>
          %add3A_413 = arith.addi %add3A_412, %iota3A : vector<16xi32>
          %gather3A_414 = tpu.vector_load_idx %arg15[%broadcast_in_dim3A_350, %add3A_413] : memref<64x128xf32, #tpu.memory_space<vmem>>[vector<16xi32>, vector<16xi32>], vector<16xf32>,
          %le3A_415 = arith.cmpf ole, %gather3A_414, %broadcast_in_dim3A_240 : vector<16xf32>
          %swap3A_416 = arith.index_cast %min3A_410 : i32 to index
          %swap3A_417 = tpu.vector_load %arg17[%swap3A_416] masked %le3A_415 {strides = array<i32>} : memref<1024xf32, #tpu.memory_space<vmem>>, vector<16xf32>, vector<16xi1>
          tpu.vector_store %arg17[%swap3A_416], %gather3A_414 masked %le3A_415 {strides = array<i32>} : memref<1024xf32, #tpu.memory_space<vmem>>, vector<16xf32>, vector<16xi1>
          %mul3A_418 = arith.constant 128 : i32
          %mul3A_419 = arith.muli %scan3A_348, %mul3A_418 : i32
          %add3A_420 = arith.constant 48 : i32
          %add3A_421 = arith.addi %mul3A_419, %add3A_420 : i32
          %add3A_422 = vector.broadcast %add3A_421 : i32 to vector<16xi32>
          %add3A_423 = arith.addi %add3A_422, %iota3A : vector<16xi32>
          %swap3A_424 = arith.index_cast %min3A_410 : i32 to index
          %swap3A_425 = tpu.vector_load %arg18[%swap3A_424] masked %le3A_415 {strides = array<i32>} : memref<1024xi32, #tpu.memory_space<vmem>>, vector<16xi32>, vector<16xi1>
          tpu.vector_store %arg18[%swap3A_424], %add3A_423 masked %le3A_415 {strides = array<i32>} : memref<1024xi32, #tpu.memory_space<vmem>>, vector<16xi32>, vector<16xi1>
          %all_reduce_population_count3A_426 = tpu.all_reduce %le3A_415 {dim = 0 : i64, kind = #tpu.reduction_kind<sum>} : vector<16xi1> -> vector<16xi32>
          %slice3A_427 = vector.extract_strided_slice %all_reduce_population_count3A_426 {offsets = [0], sizes = [1], strides = [1]} : vector<16xi32> to vector<1xi32>
          %squeeze3A_428 = vector.extract %slice3A_427[0] : i32 from vector<1xi32>
          %add3A_429 = arith.addi %min3A_410, %squeeze3A_428 : i32
          %min3A_430 = arith.constant 1008 : i32
          %min3A_431 = arith.minsi %add3A_429, %min3A_430 : i32
          %add3A_432 = arith.constant 64 : i32
          %add3A_433 = vector.broadcast %add3A_432 : i32 to vector<16xi32>
          %add3A_434 = arith.addi %add3A_433, %iota3A : vector<16xi32>
          %gather3A_435 = tpu.vector_load_idx %arg15[%broadcast_in_dim3A_350, %add3A_434] : memref<64x128xf32, #tpu.memory_space<vmem>>[vector<16xi32>, vector<16xi32>], vector<16xf32>,
          %le3A_436 = arith.cmpf ole, %gather3A_435, %broadcast_in_dim3A_240 : vector<16xf32>
          %swap3A_437 = arith.index_cast %min3A_431 : i32 to index
          %swap3A_438 = tpu.vector_load %arg17[%swap3A_437] masked %le3A_436 {strides = array<i32>} : memref<1024xf32, #tpu.memory_space<vmem>>, vector<16xf32>, vector<16xi1>
          tpu.vector_store %arg17[%swap3A_437], %gather3A_435 masked %le3A_436 {strides = array<i32>} : memref<1024xf32, #tpu.memory_space<vmem>>, vector<16xf32>, vector<16xi1>
          %mul3A_439 = arith.constant 128 : i32
          %mul3A_440 = arith.muli %scan3A_348, %mul3A_439 : i32
          %add3A_441 = arith.constant 64 : i32
          %add3A_442 = arith.addi %mul3A_440, %add3A_441 : i32
          %add3A_443 = vector.broadcast %add3A_442 : i32 to vector<16xi32>
          %add3A_444 = arith.addi %add3A_443, %iota3A : vector<16xi32>
          %swap3A_445 = arith.index_cast %min3A_431 : i32 to index
          %swap3A_446 = tpu.vector_load %arg18[%swap3A_445] masked %le3A_436 {strides = array<i32>} : memref<1024xi32, #tpu.memory_space<vmem>>, vector<16xi32>, vector<16xi1>
          tpu.vector_store %arg18[%swap3A_445], %add3A_444 masked %le3A_436 {strides = array<i32>} : memref<1024xi32, #tpu.memory_space<vmem>>, vector<16xi32>, vector<16xi1>
          %all_reduce_population_count3A_447 = tpu.all_reduce %le3A_436 {dim = 0 : i64, kind = #tpu.reduction_kind<sum>} : vector<16xi1> -> vector<16xi32>
          %slice3A_448 = vector.extract_strided_slice %all_reduce_population_count3A_447 {offsets = [0], sizes = [1], strides = [1]} : vector<16xi32> to vector<1xi32>
          %squeeze3A_449 = vector.extract %slice3A_448[0] : i32 from vector<1xi32>
          %add3A_450 = arith.addi %min3A_431, %squeeze3A_449 : i32
          %min3A_451 = arith.constant 1008 : i32
          %min3A_452 = arith.minsi %add3A_450, %min3A_451 : i32
          %add3A_453 = arith.constant 80 : i32
          %add3A_454 = vector.broadcast %add3A_453 : i32 to vector<16xi32>
          %add3A_455 = arith.addi %add3A_454, %iota3A : vector<16xi32>
          %gather3A_456 = tpu.vector_load_idx %arg15[%broadcast_in_dim3A_350, %add3A_455] : memref<64x128xf32, #tpu.memory_space<vmem>>[vector<16xi32>, vector<16xi32>], vector<16xf32>,
          %le3A_457 = arith.cmpf ole, %gather3A_456, %broadcast_in_dim3A_240 : vector<16xf32>
          %swap3A_458 = arith.index_cast %min3A_452 : i32 to index
          %swap3A_459 = tpu.vector_load %arg17[%swap3A_458] masked %le3A_457 {strides = array<i32>} : memref<1024xf32, #tpu.memory_space<vmem>>, vector<16xf32>, vector<16xi1>
          tpu.vector_store %arg17[%swap3A_458], %gather3A_456 masked %le3A_457 {strides = array<i32>} : memref<1024xf32, #tpu.memory_space<vmem>>, vector<16xf32>, vector<16xi1>
          %mul3A_460 = arith.constant 128 : i32
          %mul3A_461 = arith.muli %scan3A_348, %mul3A_460 : i32
          %add3A_462 = arith.constant 80 : i32
          %add3A_463 = arith.addi %mul3A_461, %add3A_462 : i32
          %add3A_464 = vector.broadcast %add3A_463 : i32 to vector<16xi32>
          %add3A_465 = arith.addi %add3A_464, %iota3A : vector<16xi32>
          %swap3A_466 = arith.index_cast %min3A_452 : i32 to index
          %swap3A_467 = tpu.vector_load %arg18[%swap3A_466] masked %le3A_457 {strides = array<i32>} : memref<1024xi32, #tpu.memory_space<vmem>>, vector<16xi32>, vector<16xi1>
          tpu.vector_store %arg18[%swap3A_466], %add3A_465 masked %le3A_457 {strides = array<i32>} : memref<1024xi32, #tpu.memory_space<vmem>>, vector<16xi32>, vector<16xi1>
          %all_reduce_population_count3A_468 = tpu.all_reduce %le3A_457 {dim = 0 : i64, kind = #tpu.reduction_kind<sum>} : vector<16xi1> -> vector<16xi32>
          %slice3A_469 = vector.extract_strided_slice %all_reduce_population_count3A_468 {offsets = [0], sizes = [1], strides = [1]} : vector<16xi32> to vector<1xi32>
          %squeeze3A_470 = vector.extract %slice3A_469[0] : i32 from vector<1xi32>
          %add3A_471 = arith.addi %min3A_452, %squeeze3A_470 : i32
          %min3A_472 = arith.constant 1008 : i32
          %min3A_473 = arith.minsi %add3A_471, %min3A_472 : i32
          %add3A_474 = arith.constant 96 : i32
          %add3A_475 = vector.broadcast %add3A_474 : i32 to vector<16xi32>
          %add3A_476 = arith.addi %add3A_475, %iota3A : vector<16xi32>
          %gather3A_477 = tpu.vector_load_idx %arg15[%broadcast_in_dim3A_350, %add3A_476] : memref<64x128xf32, #tpu.memory_space<vmem>>[vector<16xi32>, vector<16xi32>], vector<16xf32>,
          %le3A_478 = arith.cmpf ole, %gather3A_477, %broadcast_in_dim3A_240 : vector<16xf32>
          %swap3A_479 = arith.index_cast %min3A_473 : i32 to index
          %swap3A_480 = tpu.vector_load %arg17[%swap3A_479] masked %le3A_478 {strides = array<i32>} : memref<1024xf32, #tpu.memory_space<vmem>>, vector<16xf32>, vector<16xi1>
          tpu.vector_store %arg17[%swap3A_479], %gather3A_477 masked %le3A_478 {strides = array<i32>} : memref<1024xf32, #tpu.memory_space<vmem>>, vector<16xf32>, vector<16xi1>
          %mul3A_481 = arith.constant 128 : i32
          %mul3A_482 = arith.muli %scan3A_348, %mul3A_481 : i32
          %add3A_483 = arith.constant 96 : i32
          %add3A_484 = arith.addi %mul3A_482, %add3A_483 : i32
          %add3A_485 = vector.broadcast %add3A_484 : i32 to vector<16xi32>
          %add3A_486 = arith.addi %add3A_485, %iota3A : vector<16xi32>
          %swap3A_487 = arith.index_cast %min3A_473 : i32 to index
          %swap3A_488 = tpu.vector_load %arg18[%swap3A_487] masked %le3A_478 {strides = array<i32>} : memref<1024xi32, #tpu.memory_space<vmem>>, vector<16xi32>, vector<16xi1>
          tpu.vector_store %arg18[%swap3A_487], %add3A_486 masked %le3A_478 {strides = array<i32>} : memref<1024xi32, #tpu.memory_space<vmem>>, vector<16xi32>, vector<16xi1>
          %all_reduce_population_count3A_489 = tpu.all_reduce %le3A_478 {dim = 0 : i64, kind = #tpu.reduction_kind<sum>} : vector<16xi1> -> vector<16xi32>
          %slice3A_490 = vector.extract_strided_slice %all_reduce_population_count3A_489 {offsets = [0], sizes = [1], strides = [1]} : vector<16xi32> to vector<1xi32>
          %squeeze3A_491 = vector.extract %slice3A_490[0] : i32 from vector<1xi32>
          %add3A_492 = arith.addi %min3A_473, %squeeze3A_491 : i32
          %min3A_493 = arith.constant 1008 : i32
          %min3A_494 = arith.minsi %add3A_492, %min3A_493 : i32
          %add3A_495 = arith.constant 112 : i32
          %add3A_496 = vector.broadcast %add3A_495 : i32 to vector<16xi32>
          %add3A_497 = arith.addi %add3A_496, %iota3A : vector<16xi32>
          %gather3A_498 = tpu.vector_load_idx %arg15[%broadcast_in_dim3A_350, %add3A_497] : memref<64x128xf32, #tpu.memory_space<vmem>>[vector<16xi32>, vector<16xi32>], vector<16xf32>,
          %le3A_499 = arith.cmpf ole, %gather3A_498, %broadcast_in_dim3A_240 : vector<16xf32>
          %swap3A_500 = arith.index_cast %min3A_494 : i32 to index
          %swap3A_501 = tpu.vector_load %arg17[%swap3A_500] masked %le3A_499 {strides = array<i32>} : memref<1024xf32, #tpu.memory_space<vmem>>, vector<16xf32>, vector<16xi1>
          tpu.vector_store %arg17[%swap3A_500], %gather3A_498 masked %le3A_499 {strides = array<i32>} : memref<1024xf32, #tpu.memory_space<vmem>>, vector<16xf32>, vector<16xi1>
          %mul3A_502 = arith.constant 128 : i32
          %mul3A_503 = arith.muli %scan3A_348, %mul3A_502 : i32
          %add3A_504 = arith.constant 112 : i32
          %add3A_505 = arith.addi %mul3A_503, %add3A_504 : i32
          %add3A_506 = vector.broadcast %add3A_505 : i32 to vector<16xi32>
          %add3A_507 = arith.addi %add3A_506, %iota3A : vector<16xi32>
          %swap3A_508 = arith.index_cast %min3A_494 : i32 to index
          %swap3A_509 = tpu.vector_load %arg18[%swap3A_508] masked %le3A_499 {strides = array<i32>} : memref<1024xi32, #tpu.memory_space<vmem>>, vector<16xi32>, vector<16xi1>
          tpu.vector_store %arg18[%swap3A_508], %add3A_507 masked %le3A_499 {strides = array<i32>} : memref<1024xi32, #tpu.memory_space<vmem>>, vector<16xi32>, vector<16xi1>
          %all_reduce_population_count3A_510 = tpu.all_reduce %le3A_499 {dim = 0 : i64, kind = #tpu.reduction_kind<sum>} : vector<16xi1> -> vector<16xi32>
          %slice3A_511 = vector.extract_strided_slice %all_reduce_population_count3A_510 {offsets = [0], sizes = [1], strides = [1]} : vector<16xi32> to vector<1xi32>
          %squeeze3A_512 = vector.extract %slice3A_511[0] : i32 from vector<1xi32>
          %add3A_513 = arith.addi %min3A_494, %squeeze3A_512 : i32
          %min3A_514 = arith.constant 1008 : i32
          %min3A_515 = arith.minsi %add3A_513, %min3A_514 : i32
          scf.yield %min3A_515 : i32
        }
        %scan3A_247 = arith.constant 64 : i32
        %swap3A_248 = arith.index_cast %scan3A_246 : i32 to index
        %swap3A_249 = tpu.vector_load %arg17[%swap3A_248] {strides = array<i32>} : memref<1024xf32, #tpu.memory_space<vmem>>, vector<16xf32>,
        tpu.vector_store %arg17[%swap3A_248], %broadcast_in_dim3A_0 {strides = array<i32>} : memref<1024xf32, #tpu.memory_space<vmem>>, vector<16xf32>,
        %add3A_250 = arith.constant 15 : i32
        %add3A_251 = arith.addi %scan3A_246, %add3A_250 : i32
        %shift_right_arithmetic3A_252 = arith.constant 4 : i32
        %shift_right_arithmetic3A_253 = arith.shrsi %add3A_251, %shift_right_arithmetic3A_252 : i32
        %broadcast_in_dim3A_254 = arith.constant 3.000000e+38 : f32
        %broadcast_in_dim3A_255 = vector.broadcast %broadcast_in_dim3A_254 : f32 to vector<16xf32>
        %broadcast_in_dim3A_256 = arith.constant 0 : i32
        %broadcast_in_dim3A_257 = vector.broadcast %broadcast_in_dim3A_256 : i32 to vector<16xi32>
        %while3A_258 = arith.constant 0 : i32
        %while3A_259 = arith.subi %shift_right_arithmetic3A_253, %while3A_258 : i32
        %while3A_260 = arith.addi %while3A_258, %while3A_259 : i32
        %while3A_261 = arith.constant 1 : i32
        %while3A_262 = arith.divsi %while3A_259, %while3A_261 : i32
        %while3A_263 = arith.muli %while3A_262, %while3A_261 : i32
        %while3A_264 = arith.addi %while3A_258, %while3A_263 : i32
        %while3A_265 = arith.constant 1 : i32
        %while3A_266:9 = scf.for %while3A_348 = %while3A_258 to %while3A_264 step %while3A_265 iter_args(%while3A_349 = %broadcast_in_dim3A_255, %while3A_350 = %broadcast_in_dim3A_255, %while3A_351 = %broadcast_in_dim3A_255, %while3A_352 = %broadcast_in_dim3A_255, %while3A_353 = %broadcast_in_dim3A_257, %while3A_354 = %broadcast_in_dim3A_257, %while3A_355 = %broadcast_in_dim3A_257, %while3A_356 = %broadcast_in_dim3A_257, %while3A_357 = %broadcast_in_dim3A_255) -> (vector<16xf32>, vector<16xf32>, vector<16xf32>, vector<16xf32>, vector<16xi32>, vector<16xi32>, vector<16xi32>, vector<16xi32>, vector<16xf32>)  : i32 {
          %mul3A_358 = arith.constant 16 : i32
          %mul3A_359 = arith.muli %while3A_348, %mul3A_358 : i32
          %get3A = arith.index_cast %mul3A_359 : i32 to index
          %get3A_360 = tpu.vector_load %arg17[%get3A] {strides = array<i32>} : memref<1024xf32, #tpu.memory_space<vmem>>, vector<16xf32>,
          %mul3A_361 = arith.constant 16 : i32
          %mul3A_362 = arith.muli %while3A_348, %mul3A_361 : i32
          %get3A_363 = arith.index_cast %mul3A_362 : i32 to index
          %get3A_364 = tpu.vector_load %arg18[%get3A_363] {strides = array<i32>} : memref<1024xi32, #tpu.memory_space<vmem>>, vector<16xi32>,
          %lt3A_365 = arith.cmpf olt, %get3A_360, %while3A_357 : vector<16xf32>
          %all_reduce_population_count3A = tpu.all_reduce %lt3A_365 {dim = 0 : i64, kind = #tpu.reduction_kind<sum>} : vector<16xi1> -> vector<16xi32>
          %slice3A_366 = vector.extract_strided_slice %all_reduce_population_count3A {offsets = [0], sizes = [1], strides = [1]} : vector<16xi32> to vector<1xi32>
          %squeeze3A_367 = vector.extract %slice3A_366[0] : i32 from vector<1xi32>
          %gt3A = arith.constant 0 : i32
          %gt3A_368 = arith.cmpi sgt, %squeeze3A_367, %gt3A : i32
          %convert_element_type3A_369 = arith.extui %gt3A_368 : i1 to i32
          %cond3A_370 = arith.constant 0 : i32
          %cond3A_371 = arith.cmpi ne, %convert_element_type3A_369, %cond3A_370 : i32
          %cond3A_372:9 = scf.if %cond3A_371 -> (vector<16xf32>, vector<16xf32>, vector<16xf32>, vector<16xf32>, vector<16xi32>, vector<16xi32>, vector<16xi32>, vector<16xi32>, vector<16xf32>) {
            %masked_sort3A = arith.constant dense<true> : vector<16xi1>
            %masked_sort3A_373, %masked_sort3A_374, %masked_sort3A_375 = tpu.sort %get3A_360, %get3A_364 masked %masked_sort3A : (vector<16xf32>, vector<16xi32>, vector<16xi1>) -> (vector<16xi1>, vector<16xf32>, vector<16xi32>)
            %rev3A = arith.constant 15 : i32
            %rev3A_376 = vector.broadcast %rev3A : i32 to vector<16xi32>
            %rev3A_377 = tpu.iota {dimensions = array<i32: 0>} : vector<16xi32>
            %rev3A_378 = arith.subi %rev3A_376, %rev3A_377 : vector<16xi32>
            %rev3A_379 = tpu.dynamic_gather %masked_sort3A_374[%rev3A_378] in [0] : vector<16xf32>, vector<16xi32> -> vector<16xf32>
            %rev3A_380 = arith.constant 15 : i32
            %rev3A_381 = vector.broadcast %rev3A_380 : i32 to vector<16xi32>
            %rev3A_382 = tpu.iota {dimensions = array<i32: 0>} : vector<16xi32>
            %rev3A_383 = arith.subi %rev3A_381, %rev3A_382 : vector<16xi32>
            %rev3A_384 = tpu.dynamic_gather %masked_sort3A_375[%rev3A_383] in [0] : vector<16xi32>, vector<16xi32> -> vector<16xi32>
            %le3A = arith.cmpf ole, %while3A_349, %rev3A_379 : vector<16xf32>
            %select_n3A = arith.select %le3A, %while3A_349, %rev3A_379 : vector<16xi1>, vector<16xf32>
            %select_n3A_385 = arith.select %le3A, %while3A_353, %rev3A_384 : vector<16xi1>, vector<16xi32>
            %select_n3A_386 = arith.select %le3A, %rev3A_379, %while3A_349 : vector<16xi1>, vector<16xf32>
            %select_n3A_387 = arith.select %le3A, %rev3A_384, %while3A_353 : vector<16xi1>, vector<16xi32>
            %masked_sort3A_388 = arith.constant dense<true> : vector<16xi1>
            %masked_sort3A_389, %masked_sort3A_390, %masked_sort3A_391 = tpu.sort %select_n3A, %select_n3A_385 masked %masked_sort3A_388 : (vector<16xf32>, vector<16xi32>, vector<16xi1>) -> (vector<16xi1>, vector<16xf32>, vector<16xi32>)
            %masked_sort3A_392 = arith.constant dense<true> : vector<16xi1>
            %masked_sort3A_393, %masked_sort3A_394, %masked_sort3A_395 = tpu.sort %select_n3A_386, %select_n3A_387 masked %masked_sort3A_392 : (vector<16xf32>, vector<16xi32>, vector<16xi1>) -> (vector<16xi1>, vector<16xf32>, vector<16xi32>)
            %rev3A_396 = arith.constant 15 : i32
            %rev3A_397 = vector.broadcast %rev3A_396 : i32 to vector<16xi32>
            %rev3A_398 = tpu.iota {dimensions = array<i32: 0>} : vector<16xi32>
            %rev3A_399 = arith.subi %rev3A_397, %rev3A_398 : vector<16xi32>
            %rev3A_400 = tpu.dynamic_gather %masked_sort3A_394[%rev3A_399] in [0] : vector<16xf32>, vector<16xi32> -> vector<16xf32>
            %rev3A_401 = arith.constant 15 : i32
            %rev3A_402 = vector.broadcast %rev3A_401 : i32 to vector<16xi32>
            %rev3A_403 = tpu.iota {dimensions = array<i32: 0>} : vector<16xi32>
            %rev3A_404 = arith.subi %rev3A_402, %rev3A_403 : vector<16xi32>
            %rev3A_405 = tpu.dynamic_gather %masked_sort3A_395[%rev3A_404] in [0] : vector<16xi32>, vector<16xi32> -> vector<16xi32>
            %le3A_406 = arith.cmpf ole, %while3A_350, %rev3A_400 : vector<16xf32>
            %select_n3A_407 = arith.select %le3A_406, %while3A_350, %rev3A_400 : vector<16xi1>, vector<16xf32>
            %select_n3A_408 = arith.select %le3A_406, %while3A_354, %rev3A_405 : vector<16xi1>, vector<16xi32>
            %select_n3A_409 = arith.select %le3A_406, %rev3A_400, %while3A_350 : vector<16xi1>, vector<16xf32>
            %select_n3A_410 = arith.select %le3A_406, %rev3A_405, %while3A_354 : vector<16xi1>, vector<16xi32>
            %masked_sort3A_411 = arith.constant dense<true> : vector<16xi1>
            %masked_sort3A_412, %masked_sort3A_413, %masked_sort3A_414 = tpu.sort %select_n3A_407, %select_n3A_408 masked %masked_sort3A_411 : (vector<16xf32>, vector<16xi32>, vector<16xi1>) -> (vector<16xi1>, vector<16xf32>, vector<16xi32>)
            %masked_sort3A_415 = arith.constant dense<true> : vector<16xi1>
            %masked_sort3A_416, %masked_sort3A_417, %masked_sort3A_418 = tpu.sort %select_n3A_409, %select_n3A_410 masked %masked_sort3A_415 : (vector<16xf32>, vector<16xi32>, vector<16xi1>) -> (vector<16xi1>, vector<16xf32>, vector<16xi32>)
            %rev3A_419 = arith.constant 15 : i32
            %rev3A_420 = vector.broadcast %rev3A_419 : i32 to vector<16xi32>
            %rev3A_421 = tpu.iota {dimensions = array<i32: 0>} : vector<16xi32>
            %rev3A_422 = arith.subi %rev3A_420, %rev3A_421 : vector<16xi32>
            %rev3A_423 = tpu.dynamic_gather %masked_sort3A_417[%rev3A_422] in [0] : vector<16xf32>, vector<16xi32> -> vector<16xf32>
            %rev3A_424 = arith.constant 15 : i32
            %rev3A_425 = vector.broadcast %rev3A_424 : i32 to vector<16xi32>
            %rev3A_426 = tpu.iota {dimensions = array<i32: 0>} : vector<16xi32>
            %rev3A_427 = arith.subi %rev3A_425, %rev3A_426 : vector<16xi32>
            %rev3A_428 = tpu.dynamic_gather %masked_sort3A_418[%rev3A_427] in [0] : vector<16xi32>, vector<16xi32> -> vector<16xi32>
            %le3A_429 = arith.cmpf ole, %while3A_351, %rev3A_423 : vector<16xf32>
            %select_n3A_430 = arith.select %le3A_429, %while3A_351, %rev3A_423 : vector<16xi1>, vector<16xf32>
            %select_n3A_431 = arith.select %le3A_429, %while3A_355, %rev3A_428 : vector<16xi1>, vector<16xi32>
            %select_n3A_432 = arith.select %le3A_429, %rev3A_423, %while3A_351 : vector<16xi1>, vector<16xf32>
            %select_n3A_433 = arith.select %le3A_429, %rev3A_428, %while3A_355 : vector<16xi1>, vector<16xi32>
            %masked_sort3A_434 = arith.constant dense<true> : vector<16xi1>
            %masked_sort3A_435, %masked_sort3A_436, %masked_sort3A_437 = tpu.sort %select_n3A_430, %select_n3A_431 masked %masked_sort3A_434 : (vector<16xf32>, vector<16xi32>, vector<16xi1>) -> (vector<16xi1>, vector<16xf32>, vector<16xi32>)
            %masked_sort3A_438 = arith.constant dense<true> : vector<16xi1>
            %masked_sort3A_439, %masked_sort3A_440, %masked_sort3A_441 = tpu.sort %select_n3A_432, %select_n3A_433 masked %masked_sort3A_438 : (vector<16xf32>, vector<16xi32>, vector<16xi1>) -> (vector<16xi1>, vector<16xf32>, vector<16xi32>)
            %rev3A_442 = arith.constant 15 : i32
            %rev3A_443 = vector.broadcast %rev3A_442 : i32 to vector<16xi32>
            %rev3A_444 = tpu.iota {dimensions = array<i32: 0>} : vector<16xi32>
            %rev3A_445 = arith.subi %rev3A_443, %rev3A_444 : vector<16xi32>
            %rev3A_446 = tpu.dynamic_gather %masked_sort3A_440[%rev3A_445] in [0] : vector<16xf32>, vector<16xi32> -> vector<16xf32>
            %rev3A_447 = arith.constant 15 : i32
            %rev3A_448 = vector.broadcast %rev3A_447 : i32 to vector<16xi32>
            %rev3A_449 = tpu.iota {dimensions = array<i32: 0>} : vector<16xi32>
            %rev3A_450 = arith.subi %rev3A_448, %rev3A_449 : vector<16xi32>
            %rev3A_451 = tpu.dynamic_gather %masked_sort3A_441[%rev3A_450] in [0] : vector<16xi32>, vector<16xi32> -> vector<16xi32>
            %le3A_452 = arith.cmpf ole, %while3A_352, %rev3A_446 : vector<16xf32>
            %select_n3A_453 = arith.select %le3A_452, %while3A_352, %rev3A_446 : vector<16xi1>, vector<16xf32>
            %select_n3A_454 = arith.select %le3A_452, %while3A_356, %rev3A_451 : vector<16xi1>, vector<16xi32>
            %select_n3A_455 = arith.select %le3A_452, %rev3A_446, %while3A_352 : vector<16xi1>, vector<16xf32>
            %select_n3A_456 = arith.select %le3A_452, %rev3A_451, %while3A_356 : vector<16xi1>, vector<16xi32>
            %masked_sort3A_457 = arith.constant dense<true> : vector<16xi1>
            %masked_sort3A_458, %masked_sort3A_459, %masked_sort3A_460 = tpu.sort %select_n3A_453, %select_n3A_454 masked %masked_sort3A_457 : (vector<16xf32>, vector<16xi32>, vector<16xi1>) -> (vector<16xi1>, vector<16xf32>, vector<16xi32>)
            %masked_sort3A_461 = arith.constant dense<true> : vector<16xi1>
            %masked_sort3A_462, %masked_sort3A_463, %masked_sort3A_464 = tpu.sort %select_n3A_455, %select_n3A_456 masked %masked_sort3A_461 : (vector<16xf32>, vector<16xi32>, vector<16xi1>) -> (vector<16xi1>, vector<16xf32>, vector<16xi32>)
            %slice3A_465 = vector.extract_strided_slice %masked_sort3A_459 {offsets = [15], sizes = [1], strides = [1]} : vector<16xf32> to vector<1xf32>
            %squeeze3A_466 = vector.extract %slice3A_465[0] : f32 from vector<1xf32>
            %broadcast_in_dim3A_467 = vector.broadcast %squeeze3A_466 : f32 to vector<16xf32>
            scf.yield %masked_sort3A_390, %masked_sort3A_413, %masked_sort3A_436, %masked_sort3A_459, %masked_sort3A_391, %masked_sort3A_414, %masked_sort3A_437, %masked_sort3A_460, %broadcast_in_dim3A_467 : vector<16xf32>, vector<16xf32>, vector<16xf32>, vector<16xf32>, vector<16xi32>, vector<16xi32>, vector<16xi32>, vector<16xi32>, vector<16xf32>
          } else {
            scf.yield %while3A_349, %while3A_350, %while3A_351, %while3A_352, %while3A_353, %while3A_354, %while3A_355, %while3A_356, %while3A_357 : vector<16xf32>, vector<16xf32>, vector<16xf32>, vector<16xf32>, vector<16xi32>, vector<16xi32>, vector<16xi32>, vector<16xi32>, vector<16xf32>
          }
          scf.yield %cond3A_372#0, %cond3A_372#1, %cond3A_372#2, %cond3A_372#3, %cond3A_372#4, %cond3A_372#5, %cond3A_372#6, %cond3A_372#7, %cond3A_372#8 : vector<16xf32>, vector<16xf32>, vector<16xf32>, vector<16xf32>, vector<16xi32>, vector<16xi32>, vector<16xi32>, vector<16xi32>, vector<16xf32>
        }
        %while3A_267 = arith.constant 1 : i32
        %while3A_268:9 = scf.for %while3A_348 = %while3A_264 to %while3A_260 step %while3A_267 iter_args(%while3A_349 = %while3A_266#0, %while3A_350 = %while3A_266#1, %while3A_351 = %while3A_266#2, %while3A_352 = %while3A_266#3, %while3A_353 = %while3A_266#4, %while3A_354 = %while3A_266#5, %while3A_355 = %while3A_266#6, %while3A_356 = %while3A_266#7, %while3A_357 = %while3A_266#8) -> (vector<16xf32>, vector<16xf32>, vector<16xf32>, vector<16xf32>, vector<16xi32>, vector<16xi32>, vector<16xi32>, vector<16xi32>, vector<16xf32>)  : i32 {
          %mul3A_358 = arith.constant 16 : i32
          %mul3A_359 = arith.muli %while3A_348, %mul3A_358 : i32
          %get3A = arith.index_cast %mul3A_359 : i32 to index
          %get3A_360 = tpu.vector_load %arg17[%get3A] {strides = array<i32>} : memref<1024xf32, #tpu.memory_space<vmem>>, vector<16xf32>,
          %mul3A_361 = arith.constant 16 : i32
          %mul3A_362 = arith.muli %while3A_348, %mul3A_361 : i32
          %get3A_363 = arith.index_cast %mul3A_362 : i32 to index
          %get3A_364 = tpu.vector_load %arg18[%get3A_363] {strides = array<i32>} : memref<1024xi32, #tpu.memory_space<vmem>>, vector<16xi32>,
          %lt3A_365 = arith.cmpf olt, %get3A_360, %while3A_357 : vector<16xf32>
          %all_reduce_population_count3A = tpu.all_reduce %lt3A_365 {dim = 0 : i64, kind = #tpu.reduction_kind<sum>} : vector<16xi1> -> vector<16xi32>
          %slice3A_366 = vector.extract_strided_slice %all_reduce_population_count3A {offsets = [0], sizes = [1], strides = [1]} : vector<16xi32> to vector<1xi32>
          %squeeze3A_367 = vector.extract %slice3A_366[0] : i32 from vector<1xi32>
          %gt3A = arith.constant 0 : i32
          %gt3A_368 = arith.cmpi sgt, %squeeze3A_367, %gt3A : i32
          %convert_element_type3A_369 = arith.extui %gt3A_368 : i1 to i32
          %cond3A_370 = arith.constant 0 : i32
          %cond3A_371 = arith.cmpi ne, %convert_element_type3A_369, %cond3A_370 : i32
          %cond3A_372:9 = scf.if %cond3A_371 -> (vector<16xf32>, vector<16xf32>, vector<16xf32>, vector<16xf32>, vector<16xi32>, vector<16xi32>, vector<16xi32>, vector<16xi32>, vector<16xf32>) {
            %masked_sort3A = arith.constant dense<true> : vector<16xi1>
            %masked_sort3A_373, %masked_sort3A_374, %masked_sort3A_375 = tpu.sort %get3A_360, %get3A_364 masked %masked_sort3A : (vector<16xf32>, vector<16xi32>, vector<16xi1>) -> (vector<16xi1>, vector<16xf32>, vector<16xi32>)
            %rev3A = arith.constant 15 : i32
            %rev3A_376 = vector.broadcast %rev3A : i32 to vector<16xi32>
            %rev3A_377 = tpu.iota {dimensions = array<i32: 0>} : vector<16xi32>
            %rev3A_378 = arith.subi %rev3A_376, %rev3A_377 : vector<16xi32>
            %rev3A_379 = tpu.dynamic_gather %masked_sort3A_374[%rev3A_378] in [0] : vector<16xf32>, vector<16xi32> -> vector<16xf32>
            %rev3A_380 = arith.constant 15 : i32
            %rev3A_381 = vector.broadcast %rev3A_380 : i32 to vector<16xi32>
            %rev3A_382 = tpu.iota {dimensions = array<i32: 0>} : vector<16xi32>
            %rev3A_383 = arith.subi %rev3A_381, %rev3A_382 : vector<16xi32>
            %rev3A_384 = tpu.dynamic_gather %masked_sort3A_375[%rev3A_383] in [0] : vector<16xi32>, vector<16xi32> -> vector<16xi32>
            %le3A = arith.cmpf ole, %while3A_349, %rev3A_379 : vector<16xf32>
            %select_n3A = arith.select %le3A, %while3A_349, %rev3A_379 : vector<16xi1>, vector<16xf32>
            %select_n3A_385 = arith.select %le3A, %while3A_353, %rev3A_384 : vector<16xi1>, vector<16xi32>
            %select_n3A_386 = arith.select %le3A, %rev3A_379, %while3A_349 : vector<16xi1>, vector<16xf32>
            %select_n3A_387 = arith.select %le3A, %rev3A_384, %while3A_353 : vector<16xi1>, vector<16xi32>
            %masked_sort3A_388 = arith.constant dense<true> : vector<16xi1>
            %masked_sort3A_389, %masked_sort3A_390, %masked_sort3A_391 = tpu.sort %select_n3A, %select_n3A_385 masked %masked_sort3A_388 : (vector<16xf32>, vector<16xi32>, vector<16xi1>) -> (vector<16xi1>, vector<16xf32>, vector<16xi32>)
            %masked_sort3A_392 = arith.constant dense<true> : vector<16xi1>
            %masked_sort3A_393, %masked_sort3A_394, %masked_sort3A_395 = tpu.sort %select_n3A_386, %select_n3A_387 masked %masked_sort3A_392 : (vector<16xf32>, vector<16xi32>, vector<16xi1>) -> (vector<16xi1>, vector<16xf32>, vector<16xi32>)
            %rev3A_396 = arith.constant 15 : i32
            %rev3A_397 = vector.broadcast %rev3A_396 : i32 to vector<16xi32>
            %rev3A_398 = tpu.iota {dimensions = array<i32: 0>} : vector<16xi32>
            %rev3A_399 = arith.subi %rev3A_397, %rev3A_398 : vector<16xi32>
            %rev3A_400 = tpu.dynamic_gather %masked_sort3A_394[%rev3A_399] in [0] : vector<16xf32>, vector<16xi32> -> vector<16xf32>
            %rev3A_401 = arith.constant 15 : i32
            %rev3A_402 = vector.broadcast %rev3A_401 : i32 to vector<16xi32>
            %rev3A_403 = tpu.iota {dimensions = array<i32: 0>} : vector<16xi32>
            %rev3A_404 = arith.subi %rev3A_402, %rev3A_403 : vector<16xi32>
            %rev3A_405 = tpu.dynamic_gather %masked_sort3A_395[%rev3A_404] in [0] : vector<16xi32>, vector<16xi32> -> vector<16xi32>
            %le3A_406 = arith.cmpf ole, %while3A_350, %rev3A_400 : vector<16xf32>
            %select_n3A_407 = arith.select %le3A_406, %while3A_350, %rev3A_400 : vector<16xi1>, vector<16xf32>
            %select_n3A_408 = arith.select %le3A_406, %while3A_354, %rev3A_405 : vector<16xi1>, vector<16xi32>
            %select_n3A_409 = arith.select %le3A_406, %rev3A_400, %while3A_350 : vector<16xi1>, vector<16xf32>
            %select_n3A_410 = arith.select %le3A_406, %rev3A_405, %while3A_354 : vector<16xi1>, vector<16xi32>
            %masked_sort3A_411 = arith.constant dense<true> : vector<16xi1>
            %masked_sort3A_412, %masked_sort3A_413, %masked_sort3A_414 = tpu.sort %select_n3A_407, %select_n3A_408 masked %masked_sort3A_411 : (vector<16xf32>, vector<16xi32>, vector<16xi1>) -> (vector<16xi1>, vector<16xf32>, vector<16xi32>)
            %masked_sort3A_415 = arith.constant dense<true> : vector<16xi1>
            %masked_sort3A_416, %masked_sort3A_417, %masked_sort3A_418 = tpu.sort %select_n3A_409, %select_n3A_410 masked %masked_sort3A_415 : (vector<16xf32>, vector<16xi32>, vector<16xi1>) -> (vector<16xi1>, vector<16xf32>, vector<16xi32>)
            %rev3A_419 = arith.constant 15 : i32
            %rev3A_420 = vector.broadcast %rev3A_419 : i32 to vector<16xi32>
            %rev3A_421 = tpu.iota {dimensions = array<i32: 0>} : vector<16xi32>
            %rev3A_422 = arith.subi %rev3A_420, %rev3A_421 : vector<16xi32>
            %rev3A_423 = tpu.dynamic_gather %masked_sort3A_417[%rev3A_422] in [0] : vector<16xf32>, vector<16xi32> -> vector<16xf32>
            %rev3A_424 = arith.constant 15 : i32
            %rev3A_425 = vector.broadcast %rev3A_424 : i32 to vector<16xi32>
            %rev3A_426 = tpu.iota {dimensions = array<i32: 0>} : vector<16xi32>
            %rev3A_427 = arith.subi %rev3A_425, %rev3A_426 : vector<16xi32>
            %rev3A_428 = tpu.dynamic_gather %masked_sort3A_418[%rev3A_427] in [0] : vector<16xi32>, vector<16xi32> -> vector<16xi32>
            %le3A_429 = arith.cmpf ole, %while3A_351, %rev3A_423 : vector<16xf32>
            %select_n3A_430 = arith.select %le3A_429, %while3A_351, %rev3A_423 : vector<16xi1>, vector<16xf32>
            %select_n3A_431 = arith.select %le3A_429, %while3A_355, %rev3A_428 : vector<16xi1>, vector<16xi32>
            %select_n3A_432 = arith.select %le3A_429, %rev3A_423, %while3A_351 : vector<16xi1>, vector<16xf32>
            %select_n3A_433 = arith.select %le3A_429, %rev3A_428, %while3A_355 : vector<16xi1>, vector<16xi32>
            %masked_sort3A_434 = arith.constant dense<true> : vector<16xi1>
            %masked_sort3A_435, %masked_sort3A_436, %masked_sort3A_437 = tpu.sort %select_n3A_430, %select_n3A_431 masked %masked_sort3A_434 : (vector<16xf32>, vector<16xi32>, vector<16xi1>) -> (vector<16xi1>, vector<16xf32>, vector<16xi32>)
            %masked_sort3A_438 = arith.constant dense<true> : vector<16xi1>
            %masked_sort3A_439, %masked_sort3A_440, %masked_sort3A_441 = tpu.sort %select_n3A_432, %select_n3A_433 masked %masked_sort3A_438 : (vector<16xf32>, vector<16xi32>, vector<16xi1>) -> (vector<16xi1>, vector<16xf32>, vector<16xi32>)
            %rev3A_442 = arith.constant 15 : i32
            %rev3A_443 = vector.broadcast %rev3A_442 : i32 to vector<16xi32>
            %rev3A_444 = tpu.iota {dimensions = array<i32: 0>} : vector<16xi32>
            %rev3A_445 = arith.subi %rev3A_443, %rev3A_444 : vector<16xi32>
            %rev3A_446 = tpu.dynamic_gather %masked_sort3A_440[%rev3A_445] in [0] : vector<16xf32>, vector<16xi32> -> vector<16xf32>
            %rev3A_447 = arith.constant 15 : i32
            %rev3A_448 = vector.broadcast %rev3A_447 : i32 to vector<16xi32>
            %rev3A_449 = tpu.iota {dimensions = array<i32: 0>} : vector<16xi32>
            %rev3A_450 = arith.subi %rev3A_448, %rev3A_449 : vector<16xi32>
            %rev3A_451 = tpu.dynamic_gather %masked_sort3A_441[%rev3A_450] in [0] : vector<16xi32>, vector<16xi32> -> vector<16xi32>
            %le3A_452 = arith.cmpf ole, %while3A_352, %rev3A_446 : vector<16xf32>
            %select_n3A_453 = arith.select %le3A_452, %while3A_352, %rev3A_446 : vector<16xi1>, vector<16xf32>
            %select_n3A_454 = arith.select %le3A_452, %while3A_356, %rev3A_451 : vector<16xi1>, vector<16xi32>
            %select_n3A_455 = arith.select %le3A_452, %rev3A_446, %while3A_352 : vector<16xi1>, vector<16xf32>
            %select_n3A_456 = arith.select %le3A_452, %rev3A_451, %while3A_356 : vector<16xi1>, vector<16xi32>
            %masked_sort3A_457 = arith.constant dense<true> : vector<16xi1>
            %masked_sort3A_458, %masked_sort3A_459, %masked_sort3A_460 = tpu.sort %select_n3A_453, %select_n3A_454 masked %masked_sort3A_457 : (vector<16xf32>, vector<16xi32>, vector<16xi1>) -> (vector<16xi1>, vector<16xf32>, vector<16xi32>)
            %masked_sort3A_461 = arith.constant dense<true> : vector<16xi1>
            %masked_sort3A_462, %masked_sort3A_463, %masked_sort3A_464 = tpu.sort %select_n3A_455, %select_n3A_456 masked %masked_sort3A_461 : (vector<16xf32>, vector<16xi32>, vector<16xi1>) -> (vector<16xi1>, vector<16xf32>, vector<16xi32>)
            %slice3A_465 = vector.extract_strided_slice %masked_sort3A_459 {offsets = [15], sizes = [1], strides = [1]} : vector<16xf32> to vector<1xf32>
            %squeeze3A_466 = vector.extract %slice3A_465[0] : f32 from vector<1xf32>
            %broadcast_in_dim3A_467 = vector.broadcast %squeeze3A_466 : f32 to vector<16xf32>
            scf.yield %masked_sort3A_390, %masked_sort3A_413, %masked_sort3A_436, %masked_sort3A_459, %masked_sort3A_391, %masked_sort3A_414, %masked_sort3A_437, %masked_sort3A_460, %broadcast_in_dim3A_467 : vector<16xf32>, vector<16xf32>, vector<16xf32>, vector<16xf32>, vector<16xi32>, vector<16xi32>, vector<16xi32>, vector<16xi32>, vector<16xf32>
          } else {
            scf.yield %while3A_349, %while3A_350, %while3A_351, %while3A_352, %while3A_353, %while3A_354, %while3A_355, %while3A_356, %while3A_357 : vector<16xf32>, vector<16xf32>, vector<16xf32>, vector<16xf32>, vector<16xi32>, vector<16xi32>, vector<16xi32>, vector<16xi32>, vector<16xf32>
          }
          scf.yield %cond3A_372#0, %cond3A_372#1, %cond3A_372#2, %cond3A_372#3, %cond3A_372#4, %cond3A_372#5, %cond3A_372#6, %cond3A_372#7, %cond3A_372#8 : vector<16xf32>, vector<16xf32>, vector<16xf32>, vector<16xf32>, vector<16xi32>, vector<16xi32>, vector<16xi32>, vector<16xi32>, vector<16xf32>
        }
        %dma_wait3A_269 = arith.constant 0 : i32
        %dma_wait3A_270 = arith.constant 0 : i32
        %dma_wait3A_271 = tpu.memref_slice %arg4[%dma_wait3A_269, %dma_wait3A_270] : memref<784x128xf32, #tpu.memory_space<hbm>> -> memref<784x128xf32, #tpu.memory_space<hbm>>
        tpu.wait_indirect_dma semaphore(%arg26 : memref<!tpu.dma_semaphore, #tpu.memory_space<semaphore_mem>>) src(%dma_wait3A_271 : memref<784x128xf32, #tpu.memory_space<hbm>>) dst(%arg16 : memref<64x128xf32, #tpu.memory_space<vmem>>)
        %mul3A_272 = arith.constant 64 : i32
        %mul3A_273 = arith.muli %sub3A_236, %mul3A_272 : i32
        %add3A_274 = arith.constant 0 : i32
        %add3A_275 = arith.addi %mul3A_273, %add3A_274 : i32
        %swap3A_276 = arith.index_cast %add3A_275 : i32 to index
        %swap3A_277 = tpu.vector_load %arg19[%swap3A_276] {strides = array<i32>} : memref<2048xf32, #tpu.memory_space<vmem>>, vector<16xf32>,
        tpu.vector_store %arg19[%swap3A_276], %while3A_268#0 {strides = array<i32>} : memref<2048xf32, #tpu.memory_space<vmem>>, vector<16xf32>,
        %shift_right_arithmetic3A_278 = arith.constant 7 : i32
        %shift_right_arithmetic3A_279 = vector.broadcast %shift_right_arithmetic3A_278 : i32 to vector<16xi32>
        %shift_right_arithmetic3A_280 = arith.shrsi %while3A_268#4, %shift_right_arithmetic3A_279 : vector<16xi32>
        %and3A_281 = arith.constant 127 : i32
        %and3A_282 = vector.broadcast %and3A_281 : i32 to vector<16xi32>
        %and3A_283 = arith.andi %while3A_268#4, %and3A_282 : vector<16xi32>
        %gather3A_284 = tpu.vector_load_idx %arg16[%shift_right_arithmetic3A_280, %and3A_283] : memref<64x128xf32, #tpu.memory_space<vmem>>[vector<16xi32>, vector<16xi32>], vector<16xf32>,
        %mul3A_285 = arith.constant 64 : i32
        %mul3A_286 = arith.muli %sub3A_236, %mul3A_285 : i32
        %add3A_287 = arith.constant 0 : i32
        %add3A_288 = arith.addi %mul3A_286, %add3A_287 : i32
        %swap3A_289 = arith.index_cast %add3A_288 : i32 to index
        %swap3A_290 = tpu.vector_load %arg20[%swap3A_289] {strides = array<i32>} : memref<2048xf32, #tpu.memory_space<vmem>>, vector<16xf32>,
        tpu.vector_store %arg20[%swap3A_289], %gather3A_284 {strides = array<i32>} : memref<2048xf32, #tpu.memory_space<vmem>>, vector<16xf32>,
        %mul3A_291 = arith.constant 64 : i32
        %mul3A_292 = arith.muli %sub3A_236, %mul3A_291 : i32
        %add3A_293 = arith.constant 16 : i32
        %add3A_294 = arith.addi %mul3A_292, %add3A_293 : i32
        %swap3A_295 = arith.index_cast %add3A_294 : i32 to index
        %swap3A_296 = tpu.vector_load %arg19[%swap3A_295] {strides = array<i32>} : memref<2048xf32, #tpu.memory_space<vmem>>, vector<16xf32>,
        tpu.vector_store %arg19[%swap3A_295], %while3A_268#1 {strides = array<i32>} : memref<2048xf32, #tpu.memory_space<vmem>>, vector<16xf32>,
        %shift_right_arithmetic3A_297 = arith.constant 7 : i32
        %shift_right_arithmetic3A_298 = vector.broadcast %shift_right_arithmetic3A_297 : i32 to vector<16xi32>
        %shift_right_arithmetic3A_299 = arith.shrsi %while3A_268#5, %shift_right_arithmetic3A_298 : vector<16xi32>
        %and3A_300 = arith.constant 127 : i32
        %and3A_301 = vector.broadcast %and3A_300 : i32 to vector<16xi32>
        %and3A_302 = arith.andi %while3A_268#5, %and3A_301 : vector<16xi32>
        %gather3A_303 = tpu.vector_load_idx %arg16[%shift_right_arithmetic3A_299, %and3A_302] : memref<64x128xf32, #tpu.memory_space<vmem>>[vector<16xi32>, vector<16xi32>], vector<16xf32>,
        %mul3A_304 = arith.constant 64 : i32
        %mul3A_305 = arith.muli %sub3A_236, %mul3A_304 : i32
        %add3A_306 = arith.constant 16 : i32
        %add3A_307 = arith.addi %mul3A_305, %add3A_306 : i32
        %swap3A_308 = arith.index_cast %add3A_307 : i32 to index
        %swap3A_309 = tpu.vector_load %arg20[%swap3A_308] {strides = array<i32>} : memref<2048xf32, #tpu.memory_space<vmem>>, vector<16xf32>,
        tpu.vector_store %arg20[%swap3A_308], %gather3A_303 {strides = array<i32>} : memref<2048xf32, #tpu.memory_space<vmem>>, vector<16xf32>,
        %mul3A_310 = arith.constant 64 : i32
        %mul3A_311 = arith.muli %sub3A_236, %mul3A_310 : i32
        %add3A_312 = arith.constant 32 : i32
        %add3A_313 = arith.addi %mul3A_311, %add3A_312 : i32
        %swap3A_314 = arith.index_cast %add3A_313 : i32 to index
        %swap3A_315 = tpu.vector_load %arg19[%swap3A_314] {strides = array<i32>} : memref<2048xf32, #tpu.memory_space<vmem>>, vector<16xf32>,
        tpu.vector_store %arg19[%swap3A_314], %while3A_268#2 {strides = array<i32>} : memref<2048xf32, #tpu.memory_space<vmem>>, vector<16xf32>,
        %shift_right_arithmetic3A_316 = arith.constant 7 : i32
        %shift_right_arithmetic3A_317 = vector.broadcast %shift_right_arithmetic3A_316 : i32 to vector<16xi32>
        %shift_right_arithmetic3A_318 = arith.shrsi %while3A_268#6, %shift_right_arithmetic3A_317 : vector<16xi32>
        %and3A_319 = arith.constant 127 : i32
        %and3A_320 = vector.broadcast %and3A_319 : i32 to vector<16xi32>
        %and3A_321 = arith.andi %while3A_268#6, %and3A_320 : vector<16xi32>
        %gather3A_322 = tpu.vector_load_idx %arg16[%shift_right_arithmetic3A_318, %and3A_321] : memref<64x128xf32, #tpu.memory_space<vmem>>[vector<16xi32>, vector<16xi32>], vector<16xf32>,
        %mul3A_323 = arith.constant 64 : i32
        %mul3A_324 = arith.muli %sub3A_236, %mul3A_323 : i32
        %add3A_325 = arith.constant 32 : i32
        %add3A_326 = arith.addi %mul3A_324, %add3A_325 : i32
        %swap3A_327 = arith.index_cast %add3A_326 : i32 to index
        %swap3A_328 = tpu.vector_load %arg20[%swap3A_327] {strides = array<i32>} : memref<2048xf32, #tpu.memory_space<vmem>>, vector<16xf32>,
        tpu.vector_store %arg20[%swap3A_327], %gather3A_322 {strides = array<i32>} : memref<2048xf32, #tpu.memory_space<vmem>>, vector<16xf32>,
        %mul3A_329 = arith.constant 64 : i32
        %mul3A_330 = arith.muli %sub3A_236, %mul3A_329 : i32
        %add3A_331 = arith.constant 48 : i32
        %add3A_332 = arith.addi %mul3A_330, %add3A_331 : i32
        %swap3A_333 = arith.index_cast %add3A_332 : i32 to index
        %swap3A_334 = tpu.vector_load %arg19[%swap3A_333] {strides = array<i32>} : memref<2048xf32, #tpu.memory_space<vmem>>, vector<16xf32>,
        tpu.vector_store %arg19[%swap3A_333], %while3A_268#3 {strides = array<i32>} : memref<2048xf32, #tpu.memory_space<vmem>>, vector<16xf32>,
        %shift_right_arithmetic3A_335 = arith.constant 7 : i32
        %shift_right_arithmetic3A_336 = vector.broadcast %shift_right_arithmetic3A_335 : i32 to vector<16xi32>
        %shift_right_arithmetic3A_337 = arith.shrsi %while3A_268#7, %shift_right_arithmetic3A_336 : vector<16xi32>
        %and3A_338 = arith.constant 127 : i32
        %and3A_339 = vector.broadcast %and3A_338 : i32 to vector<16xi32>
        %and3A_340 = arith.andi %while3A_268#7, %and3A_339 : vector<16xi32>
        %gather3A_341 = tpu.vector_load_idx %arg16[%shift_right_arithmetic3A_337, %and3A_340] : memref<64x128xf32, #tpu.memory_space<vmem>>[vector<16xi32>, vector<16xi32>], vector<16xf32>,
        %mul3A_342 = arith.constant 64 : i32
        %mul3A_343 = arith.muli %sub3A_236, %mul3A_342 : i32
        %add3A_344 = arith.constant 48 : i32
        %add3A_345 = arith.addi %mul3A_343, %add3A_344 : i32
        %swap3A_346 = arith.index_cast %add3A_345 : i32 to index
        %swap3A_347 = tpu.vector_load %arg20[%swap3A_346] {strides = array<i32>} : memref<2048xf32, #tpu.memory_space<vmem>>, vector<16xf32>,
        tpu.vector_store %arg20[%swap3A_346], %gather3A_341 {strides = array<i32>} : memref<2048xf32, #tpu.memory_space<vmem>>, vector<16xf32>,
      } else {
      }
      %dma_start3A_155 = arith.constant 0 : i32
      %dma_start3A_156 = arith.constant 0 : i32
      %dma_start3A_157 = tpu.memref_slice %arg3[%dma_start3A_155, %dma_start3A_156] : memref<802816x128xf32, #tpu.memory_space<hbm>> -> memref<802816x128xf32, #tpu.memory_space<hbm>>
      tpu.enqueue_indirect_dma source(%dma_start3A_157 : memref<802816x128xf32, #tpu.memory_space<hbm>>) target(%arg10 : memref<64x128xf32, #tpu.memory_space<vmem>>) offsets(%arg8 : memref<64xi32, #tpu.memory_space<vmem>>) semaphore(%arg22 : memref<!tpu.dma_semaphore, #tpu.memory_space<semaphore_mem>>)
      %dma_start3A_158 = arith.constant 0 : i32
      %dma_start3A_159 = arith.constant 0 : i32
      %dma_start3A_160 = tpu.memref_slice %arg4[%dma_start3A_158, %dma_start3A_159] : memref<784x128xf32, #tpu.memory_space<hbm>> -> memref<784x128xf32, #tpu.memory_space<hbm>>
      tpu.enqueue_indirect_dma source(%dma_start3A_160 : memref<784x128xf32, #tpu.memory_space<hbm>>) target(%arg11 : memref<64x128xf32, #tpu.memory_space<vmem>>) offsets(%arg9 : memref<64xi32, #tpu.memory_space<vmem>>) semaphore(%arg23 : memref<!tpu.dma_semaphore, #tpu.memory_space<semaphore_mem>>)
      %mul3A_161 = arith.constant 2 : i32
      %mul3A_162 = arith.muli %mul3A_161, %scan3A_92 : i32
      %add3A_163 = arith.constant 1 : i32
      %add3A_164 = arith.addi %mul3A_162, %add3A_163 : i32
      %add3A_165 = arith.addi %mul3A_3, %add3A_164 : i32
      %dma_wait3A_166 = arith.constant 0 : i32
      %dma_wait3A_167 = tpu.memref_slice %arg2[%add3A_165, %dma_wait3A_166] : memref<1024x784xf32, #tpu.memory_space<hbm>> -> memref<1x784xf32, #tpu.memory_space<hbm>>
      %dma_wait3A_168 = tpu.memref_squeeze %dma_wait3A_167 : memref<1x784xf32, #tpu.memory_space<hbm>> -> memref<784xf32, #tpu.memory_space<hbm>>
      %dma_wait3A_169 = arith.constant 0 : i32
      %dma_wait3A_170 = tpu.memref_slice %arg2[%add3A_165, %dma_wait3A_169] : memref<1024x784xf32, #tpu.memory_space<hbm>> -> memref<1x784xf32, #tpu.memory_space<hbm>>
      %dma_wait3A_171 = tpu.memref_squeeze %dma_wait3A_170 : memref<1x784xf32, #tpu.memory_space<hbm>> -> memref<784xf32, #tpu.memory_space<hbm>>
      tpu.wait_dma2 semaphore(%arg24 : memref<!tpu.dma_semaphore, #tpu.memory_space<semaphore_mem>>) src(%dma_wait3A_171 : memref<784xf32, #tpu.memory_space<hbm>>) dst(%arg12 : memref<784xf32, #tpu.memory_space<vmem>>)
      %broadcast_in_dim3A_172 = arith.constant 3.000000e+38 : f32
      %broadcast_in_dim3A_173 = vector.broadcast %broadcast_in_dim3A_172 : f32 to vector<16xf32>
      %broadcast_in_dim3A_174 = arith.constant 0 : i32
      %broadcast_in_dim3A_175 = vector.broadcast %broadcast_in_dim3A_174 : i32 to vector<16xi32>
      %scan3A_176 = arith.constant 0 : i32
      %scan3A_177 = arith.constant 49 : i32
      %scan3A_178 = arith.addi %scan3A_176, %scan3A_177 : i32
      %scan3A_179 = arith.constant 1 : i32
      %scan3A_180:9 = scf.for %scan3A_236 = %scan3A_176 to %scan3A_178 step %scan3A_179 iter_args(%scan3A_237 = %broadcast_in_dim3A_173, %scan3A_238 = %broadcast_in_dim3A_173, %scan3A_239 = %broadcast_in_dim3A_173, %scan3A_240 = %broadcast_in_dim3A_173, %scan3A_241 = %broadcast_in_dim3A_175, %scan3A_242 = %broadcast_in_dim3A_175, %scan3A_243 = %broadcast_in_dim3A_175, %scan3A_244 = %broadcast_in_dim3A_175, %scan3A_245 = %broadcast_in_dim3A_173) -> (vector<16xf32>, vector<16xf32>, vector<16xf32>, vector<16xf32>, vector<16xi32>, vector<16xi32>, vector<16xi32>, vector<16xi32>, vector<16xf32>)  : i32 {
        %mul3A_246 = arith.constant 16 : i32
        %mul3A_247 = arith.muli %scan3A_236, %mul3A_246 : i32
        %get3A = arith.index_cast %mul3A_247 : i32 to index
        %get3A_248 = tpu.vector_load %arg12[%get3A] {strides = array<i32>} : memref<784xf32, #tpu.memory_space<vmem>>, vector<16xf32>,
        %mul3A_249 = arith.constant 16 : i32
        %mul3A_250 = arith.muli %scan3A_236, %mul3A_249 : i32
        %add3A_251 = vector.broadcast %mul3A_250 : i32 to vector<16xi32>
        %add3A_252 = arith.addi %add3A_251, %iota3A : vector<16xi32>
        %lt3A_253 = arith.cmpf olt, %get3A_248, %scan3A_245 : vector<16xf32>
        %all_reduce_population_count3A = tpu.all_reduce %lt3A_253 {dim = 0 : i64, kind = #tpu.reduction_kind<sum>} : vector<16xi1> -> vector<16xi32>
        %slice3A_254 = vector.extract_strided_slice %all_reduce_population_count3A {offsets = [0], sizes = [1], strides = [1]} : vector<16xi32> to vector<1xi32>
        %squeeze3A_255 = vector.extract %slice3A_254[0] : i32 from vector<1xi32>
        %gt3A = arith.constant 0 : i32
        %gt3A_256 = arith.cmpi sgt, %squeeze3A_255, %gt3A : i32
        %convert_element_type3A_257 = arith.extui %gt3A_256 : i1 to i32
        %cond3A_258 = arith.constant 0 : i32
        %cond3A_259 = arith.cmpi ne, %convert_element_type3A_257, %cond3A_258 : i32
        %cond3A_260:9 = scf.if %cond3A_259 -> (vector<16xf32>, vector<16xf32>, vector<16xf32>, vector<16xf32>, vector<16xi32>, vector<16xi32>, vector<16xi32>, vector<16xi32>, vector<16xf32>) {
          %masked_sort3A = arith.constant dense<true> : vector<16xi1>
          %masked_sort3A_261, %masked_sort3A_262, %masked_sort3A_263 = tpu.sort %get3A_248, %add3A_252 masked %masked_sort3A : (vector<16xf32>, vector<16xi32>, vector<16xi1>) -> (vector<16xi1>, vector<16xf32>, vector<16xi32>)
          %rev3A = arith.constant 15 : i32
          %rev3A_264 = vector.broadcast %rev3A : i32 to vector<16xi32>
          %rev3A_265 = tpu.iota {dimensions = array<i32: 0>} : vector<16xi32>
          %rev3A_266 = arith.subi %rev3A_264, %rev3A_265 : vector<16xi32>
          %rev3A_267 = tpu.dynamic_gather %masked_sort3A_262[%rev3A_266] in [0] : vector<16xf32>, vector<16xi32> -> vector<16xf32>
          %rev3A_268 = arith.constant 15 : i32
          %rev3A_269 = vector.broadcast %rev3A_268 : i32 to vector<16xi32>
          %rev3A_270 = tpu.iota {dimensions = array<i32: 0>} : vector<16xi32>
          %rev3A_271 = arith.subi %rev3A_269, %rev3A_270 : vector<16xi32>
          %rev3A_272 = tpu.dynamic_gather %masked_sort3A_263[%rev3A_271] in [0] : vector<16xi32>, vector<16xi32> -> vector<16xi32>
          %le3A = arith.cmpf ole, %scan3A_237, %rev3A_267 : vector<16xf32>
          %select_n3A = arith.select %le3A, %scan3A_237, %rev3A_267 : vector<16xi1>, vector<16xf32>
          %select_n3A_273 = arith.select %le3A, %scan3A_241, %rev3A_272 : vector<16xi1>, vector<16xi32>
          %select_n3A_274 = arith.select %le3A, %rev3A_267, %scan3A_237 : vector<16xi1>, vector<16xf32>
          %select_n3A_275 = arith.select %le3A, %rev3A_272, %scan3A_241 : vector<16xi1>, vector<16xi32>
          %masked_sort3A_276 = arith.constant dense<true> : vector<16xi1>
          %masked_sort3A_277, %masked_sort3A_278, %masked_sort3A_279 = tpu.sort %select_n3A, %select_n3A_273 masked %masked_sort3A_276 : (vector<16xf32>, vector<16xi32>, vector<16xi1>) -> (vector<16xi1>, vector<16xf32>, vector<16xi32>)
          %masked_sort3A_280 = arith.constant dense<true> : vector<16xi1>
          %masked_sort3A_281, %masked_sort3A_282, %masked_sort3A_283 = tpu.sort %select_n3A_274, %select_n3A_275 masked %masked_sort3A_280 : (vector<16xf32>, vector<16xi32>, vector<16xi1>) -> (vector<16xi1>, vector<16xf32>, vector<16xi32>)
          %rev3A_284 = arith.constant 15 : i32
          %rev3A_285 = vector.broadcast %rev3A_284 : i32 to vector<16xi32>
          %rev3A_286 = tpu.iota {dimensions = array<i32: 0>} : vector<16xi32>
          %rev3A_287 = arith.subi %rev3A_285, %rev3A_286 : vector<16xi32>
          %rev3A_288 = tpu.dynamic_gather %masked_sort3A_282[%rev3A_287] in [0] : vector<16xf32>, vector<16xi32> -> vector<16xf32>
          %rev3A_289 = arith.constant 15 : i32
          %rev3A_290 = vector.broadcast %rev3A_289 : i32 to vector<16xi32>
          %rev3A_291 = tpu.iota {dimensions = array<i32: 0>} : vector<16xi32>
          %rev3A_292 = arith.subi %rev3A_290, %rev3A_291 : vector<16xi32>
          %rev3A_293 = tpu.dynamic_gather %masked_sort3A_283[%rev3A_292] in [0] : vector<16xi32>, vector<16xi32> -> vector<16xi32>
          %le3A_294 = arith.cmpf ole, %scan3A_238, %rev3A_288 : vector<16xf32>
          %select_n3A_295 = arith.select %le3A_294, %scan3A_238, %rev3A_288 : vector<16xi1>, vector<16xf32>
          %select_n3A_296 = arith.select %le3A_294, %scan3A_242, %rev3A_293 : vector<16xi1>, vector<16xi32>
          %select_n3A_297 = arith.select %le3A_294, %rev3A_288, %scan3A_238 : vector<16xi1>, vector<16xf32>
          %select_n3A_298 = arith.select %le3A_294, %rev3A_293, %scan3A_242 : vector<16xi1>, vector<16xi32>
          %masked_sort3A_299 = arith.constant dense<true> : vector<16xi1>
          %masked_sort3A_300, %masked_sort3A_301, %masked_sort3A_302 = tpu.sort %select_n3A_295, %select_n3A_296 masked %masked_sort3A_299 : (vector<16xf32>, vector<16xi32>, vector<16xi1>) -> (vector<16xi1>, vector<16xf32>, vector<16xi32>)
          %masked_sort3A_303 = arith.constant dense<true> : vector<16xi1>
          %masked_sort3A_304, %masked_sort3A_305, %masked_sort3A_306 = tpu.sort %select_n3A_297, %select_n3A_298 masked %masked_sort3A_303 : (vector<16xf32>, vector<16xi32>, vector<16xi1>) -> (vector<16xi1>, vector<16xf32>, vector<16xi32>)
          %rev3A_307 = arith.constant 15 : i32
          %rev3A_308 = vector.broadcast %rev3A_307 : i32 to vector<16xi32>
          %rev3A_309 = tpu.iota {dimensions = array<i32: 0>} : vector<16xi32>
          %rev3A_310 = arith.subi %rev3A_308, %rev3A_309 : vector<16xi32>
          %rev3A_311 = tpu.dynamic_gather %masked_sort3A_305[%rev3A_310] in [0] : vector<16xf32>, vector<16xi32> -> vector<16xf32>
          %rev3A_312 = arith.constant 15 : i32
          %rev3A_313 = vector.broadcast %rev3A_312 : i32 to vector<16xi32>
          %rev3A_314 = tpu.iota {dimensions = array<i32: 0>} : vector<16xi32>
          %rev3A_315 = arith.subi %rev3A_313, %rev3A_314 : vector<16xi32>
          %rev3A_316 = tpu.dynamic_gather %masked_sort3A_306[%rev3A_315] in [0] : vector<16xi32>, vector<16xi32> -> vector<16xi32>
          %le3A_317 = arith.cmpf ole, %scan3A_239, %rev3A_311 : vector<16xf32>
          %select_n3A_318 = arith.select %le3A_317, %scan3A_239, %rev3A_311 : vector<16xi1>, vector<16xf32>
          %select_n3A_319 = arith.select %le3A_317, %scan3A_243, %rev3A_316 : vector<16xi1>, vector<16xi32>
          %select_n3A_320 = arith.select %le3A_317, %rev3A_311, %scan3A_239 : vector<16xi1>, vector<16xf32>
          %select_n3A_321 = arith.select %le3A_317, %rev3A_316, %scan3A_243 : vector<16xi1>, vector<16xi32>
          %masked_sort3A_322 = arith.constant dense<true> : vector<16xi1>
          %masked_sort3A_323, %masked_sort3A_324, %masked_sort3A_325 = tpu.sort %select_n3A_318, %select_n3A_319 masked %masked_sort3A_322 : (vector<16xf32>, vector<16xi32>, vector<16xi1>) -> (vector<16xi1>, vector<16xf32>, vector<16xi32>)
          %masked_sort3A_326 = arith.constant dense<true> : vector<16xi1>
          %masked_sort3A_327, %masked_sort3A_328, %masked_sort3A_329 = tpu.sort %select_n3A_320, %select_n3A_321 masked %masked_sort3A_326 : (vector<16xf32>, vector<16xi32>, vector<16xi1>) -> (vector<16xi1>, vector<16xf32>, vector<16xi32>)
          %rev3A_330 = arith.constant 15 : i32
          %rev3A_331 = vector.broadcast %rev3A_330 : i32 to vector<16xi32>
          %rev3A_332 = tpu.iota {dimensions = array<i32: 0>} : vector<16xi32>
          %rev3A_333 = arith.subi %rev3A_331, %rev3A_332 : vector<16xi32>
          %rev3A_334 = tpu.dynamic_gather %masked_sort3A_328[%rev3A_333] in [0] : vector<16xf32>, vector<16xi32> -> vector<16xf32>
          %rev3A_335 = arith.constant 15 : i32
          %rev3A_336 = vector.broadcast %rev3A_335 : i32 to vector<16xi32>
          %rev3A_337 = tpu.iota {dimensions = array<i32: 0>} : vector<16xi32>
          %rev3A_338 = arith.subi %rev3A_336, %rev3A_337 : vector<16xi32>
          %rev3A_339 = tpu.dynamic_gather %masked_sort3A_329[%rev3A_338] in [0] : vector<16xi32>, vector<16xi32> -> vector<16xi32>
          %le3A_340 = arith.cmpf ole, %scan3A_240, %rev3A_334 : vector<16xf32>
          %select_n3A_341 = arith.select %le3A_340, %scan3A_240, %rev3A_334 : vector<16xi1>, vector<16xf32>
          %select_n3A_342 = arith.select %le3A_340, %scan3A_244, %rev3A_339 : vector<16xi1>, vector<16xi32>
          %select_n3A_343 = arith.select %le3A_340, %rev3A_334, %scan3A_240 : vector<16xi1>, vector<16xf32>
          %select_n3A_344 = arith.select %le3A_340, %rev3A_339, %scan3A_244 : vector<16xi1>, vector<16xi32>
          %masked_sort3A_345 = arith.constant dense<true> : vector<16xi1>
          %masked_sort3A_346, %masked_sort3A_347, %masked_sort3A_348 = tpu.sort %select_n3A_341, %select_n3A_342 masked %masked_sort3A_345 : (vector<16xf32>, vector<16xi32>, vector<16xi1>) -> (vector<16xi1>, vector<16xf32>, vector<16xi32>)
          %masked_sort3A_349 = arith.constant dense<true> : vector<16xi1>
          %masked_sort3A_350, %masked_sort3A_351, %masked_sort3A_352 = tpu.sort %select_n3A_343, %select_n3A_344 masked %masked_sort3A_349 : (vector<16xf32>, vector<16xi32>, vector<16xi1>) -> (vector<16xi1>, vector<16xf32>, vector<16xi32>)
          %slice3A_353 = vector.extract_strided_slice %masked_sort3A_347 {offsets = [15], sizes = [1], strides = [1]} : vector<16xf32> to vector<1xf32>
          %squeeze3A_354 = vector.extract %slice3A_353[0] : f32 from vector<1xf32>
          %broadcast_in_dim3A_355 = vector.broadcast %squeeze3A_354 : f32 to vector<16xf32>
          scf.yield %masked_sort3A_278, %masked_sort3A_301, %masked_sort3A_324, %masked_sort3A_347, %masked_sort3A_279, %masked_sort3A_302, %masked_sort3A_325, %masked_sort3A_348, %broadcast_in_dim3A_355 : vector<16xf32>, vector<16xf32>, vector<16xf32>, vector<16xf32>, vector<16xi32>, vector<16xi32>, vector<16xi32>, vector<16xi32>, vector<16xf32>
        } else {
          scf.yield %scan3A_237, %scan3A_238, %scan3A_239, %scan3A_240, %scan3A_241, %scan3A_242, %scan3A_243, %scan3A_244, %scan3A_245 : vector<16xf32>, vector<16xf32>, vector<16xf32>, vector<16xf32>, vector<16xi32>, vector<16xi32>, vector<16xi32>, vector<16xi32>, vector<16xf32>
        }
        scf.yield %cond3A_260#0, %cond3A_260#1, %cond3A_260#2, %cond3A_260#3, %cond3A_260#4, %cond3A_260#5, %cond3A_260#6, %cond3A_260#7, %cond3A_260#8 : vector<16xf32>, vector<16xf32>, vector<16xf32>, vector<16xf32>, vector<16xi32>, vector<16xi32>, vector<16xi32>, vector<16xi32>, vector<16xf32>
      }
      %scan3A_181 = arith.constant 49 : i32
      %slice3A_182 = vector.extract_strided_slice %scan3A_180#3 {offsets = [11], sizes = [1], strides = [1]} : vector<16xf32> to vector<1xf32>
      %squeeze3A_183 = vector.extract %slice3A_182[0] : f32 from vector<1xf32>
      %mul3A_184 = arith.constant 1024 : i32
      %mul3A_185 = vector.broadcast %mul3A_184 : i32 to vector<16xi32>
      %mul3A_186 = arith.muli %scan3A_180#4, %mul3A_185 : vector<16xi32>
      %add3A_187 = vector.broadcast %add3A_165 : i32 to vector<16xi32>
      %add3A_188 = arith.addi %mul3A_186, %add3A_187 : vector<16xi32>
      %swap3A_189 = arith.constant 0 : index
      %swap3A_190 = tpu.vector_load %arg13[%swap3A_189] {strides = array<i32>} : memref<64xi32, #tpu.memory_space<vmem>>, vector<16xi32>,
      tpu.vector_store %arg13[%swap3A_189], %add3A_188 {strides = array<i32>} : memref<64xi32, #tpu.memory_space<vmem>>, vector<16xi32>,
      %swap3A_191 = arith.constant 0 : index
      %swap3A_192 = tpu.vector_load %arg14[%swap3A_191] {strides = array<i32>} : memref<64xi32, #tpu.memory_space<vmem>>, vector<16xi32>,
      tpu.vector_store %arg14[%swap3A_191], %scan3A_180#4 {strides = array<i32>} : memref<64xi32, #tpu.memory_space<vmem>>, vector<16xi32>,
      %mul3A_193 = arith.constant 1024 : i32
      %mul3A_194 = vector.broadcast %mul3A_193 : i32 to vector<16xi32>
      %mul3A_195 = arith.muli %scan3A_180#5, %mul3A_194 : vector<16xi32>
      %add3A_196 = vector.broadcast %add3A_165 : i32 to vector<16xi32>
      %add3A_197 = arith.addi %mul3A_195, %add3A_196 : vector<16xi32>
      %swap3A_198 = arith.constant 16 : index
      %swap3A_199 = tpu.vector_load %arg13[%swap3A_198] {strides = array<i32>} : memref<64xi32, #tpu.memory_space<vmem>>, vector<16xi32>,
      tpu.vector_store %arg13[%swap3A_198], %add3A_197 {strides = array<i32>} : memref<64xi32, #tpu.memory_space<vmem>>, vector<16xi32>,
      %swap3A_200 = arith.constant 16 : index
      %swap3A_201 = tpu.vector_load %arg14[%swap3A_200] {strides = array<i32>} : memref<64xi32, #tpu.memory_space<vmem>>, vector<16xi32>,
      tpu.vector_store %arg14[%swap3A_200], %scan3A_180#5 {strides = array<i32>} : memref<64xi32, #tpu.memory_space<vmem>>, vector<16xi32>,
      %mul3A_202 = arith.constant 1024 : i32
      %mul3A_203 = vector.broadcast %mul3A_202 : i32 to vector<16xi32>
      %mul3A_204 = arith.muli %scan3A_180#6, %mul3A_203 : vector<16xi32>
      %add3A_205 = vector.broadcast %add3A_165 : i32 to vector<16xi32>
      %add3A_206 = arith.addi %mul3A_204, %add3A_205 : vector<16xi32>
      %swap3A_207 = arith.constant 32 : index
      %swap3A_208 = tpu.vector_load %arg13[%swap3A_207] {strides = array<i32>} : memref<64xi32, #tpu.memory_space<vmem>>, vector<16xi32>,
      tpu.vector_store %arg13[%swap3A_207], %add3A_206 {strides = array<i32>} : memref<64xi32, #tpu.memory_space<vmem>>, vector<16xi32>,
      %swap3A_209 = arith.constant 32 : index
      %swap3A_210 = tpu.vector_load %arg14[%swap3A_209] {strides = array<i32>} : memref<64xi32, #tpu.memory_space<vmem>>, vector<16xi32>,
      tpu.vector_store %arg14[%swap3A_209], %scan3A_180#6 {strides = array<i32>} : memref<64xi32, #tpu.memory_space<vmem>>, vector<16xi32>,
      %mul3A_211 = arith.constant 1024 : i32
      %mul3A_212 = vector.broadcast %mul3A_211 : i32 to vector<16xi32>
      %mul3A_213 = arith.muli %scan3A_180#7, %mul3A_212 : vector<16xi32>
      %add3A_214 = vector.broadcast %add3A_165 : i32 to vector<16xi32>
      %add3A_215 = arith.addi %mul3A_213, %add3A_214 : vector<16xi32>
      %swap3A_216 = arith.constant 48 : index
      %swap3A_217 = tpu.vector_load %arg13[%swap3A_216] {strides = array<i32>} : memref<64xi32, #tpu.memory_space<vmem>>, vector<16xi32>,
      tpu.vector_store %arg13[%swap3A_216], %add3A_215 {strides = array<i32>} : memref<64xi32, #tpu.memory_space<vmem>>, vector<16xi32>,
      %swap3A_218 = arith.constant 48 : index
      %swap3A_219 = tpu.vector_load %arg14[%swap3A_218] {strides = array<i32>} : memref<64xi32, #tpu.memory_space<vmem>>, vector<16xi32>,
      tpu.vector_store %arg14[%swap3A_218], %scan3A_180#7 {strides = array<i32>} : memref<64xi32, #tpu.memory_space<vmem>>, vector<16xi32>,
      %lt3A_220 = arith.constant 31 : i32
      %lt3A_221 = arith.cmpi slt, %add3A_164, %lt3A_220 : i32
      %convert_element_type3A_222 = arith.extui %lt3A_221 : i1 to i32
      %cond3A_223 = arith.constant 0 : i32
      %cond3A_224 = arith.cmpi ne, %convert_element_type3A_222, %cond3A_223 : i32
      scf.if %cond3A_224 {
        %add3A_236 = arith.constant 1 : i32
        %add3A_237 = arith.addi %add3A_165, %add3A_236 : i32
        %dma_start3A_238 = arith.constant 0 : i32
        %dma_start3A_239 = tpu.memref_slice %arg2[%add3A_237, %dma_start3A_238] : memref<1024x784xf32, #tpu.memory_space<hbm>> -> memref<1x784xf32, #tpu.memory_space<hbm>>
        %dma_start3A_240 = tpu.memref_squeeze %dma_start3A_239 : memref<1x784xf32, #tpu.memory_space<hbm>> -> memref<784xf32, #tpu.memory_space<hbm>>
        %dma_start3A_241 = arith.constant 0 : i32
        %dma_start3A_242 = tpu.memref_slice %arg2[%add3A_237, %dma_start3A_241] : memref<1024x784xf32, #tpu.memory_space<hbm>> -> memref<1x784xf32, #tpu.memory_space<hbm>>
        %dma_start3A_243 = tpu.memref_squeeze %dma_start3A_242 : memref<1x784xf32, #tpu.memory_space<hbm>> -> memref<784xf32, #tpu.memory_space<hbm>>
        tpu.enqueue_dma source(%dma_start3A_243 : memref<784xf32, #tpu.memory_space<hbm>>) target(%arg7 : memref<784xf32, #tpu.memory_space<vmem>>) target_semaphore(%arg21 : memref<!tpu.dma_semaphore, #tpu.memory_space<semaphore_mem>>)
      } else {
      }
      %ge3A_225 = arith.constant 1 : i32
      %ge3A_226 = arith.cmpi sge, %add3A_164, %ge3A_225 : i32
      %convert_element_type3A_227 = arith.extui %ge3A_226 : i1 to i32
      %cond3A_228 = arith.constant 0 : i32
      %cond3A_229 = arith.cmpi ne, %convert_element_type3A_227, %cond3A_228 : i32
      scf.if %cond3A_229 {
        %sub3A = arith.constant 1 : i32
        %sub3A_236 = arith.subi %add3A_164, %sub3A : i32
        %dma_wait3A_237 = arith.constant 0 : i32
        %dma_wait3A_238 = arith.constant 0 : i32
        %dma_wait3A_239 = tpu.memref_slice %arg3[%dma_wait3A_237, %dma_wait3A_238] : memref<802816x128xf32, #tpu.memory_space<hbm>> -> memref<802816x128xf32, #tpu.memory_space<hbm>>
        tpu.wait_indirect_dma semaphore(%arg22 : memref<!tpu.dma_semaphore, #tpu.memory_space<semaphore_mem>>) src(%dma_wait3A_239 : memref<802816x128xf32, #tpu.memory_space<hbm>>) dst(%arg10 : memref<64x128xf32, #tpu.memory_space<vmem>>)
        %broadcast_in_dim3A_240 = vector.broadcast %squeeze3A : f32 to vector<16xf32>
        %scan3A_241 = arith.constant 0 : i32
        %scan3A_242 = arith.constant 0 : i32
        %scan3A_243 = arith.constant 64 : i32
        %scan3A_244 = arith.addi %scan3A_242, %scan3A_243 : i32
        %scan3A_245 = arith.constant 1 : i32
        %scan3A_246 = scf.for %scan3A_348 = %scan3A_242 to %scan3A_244 step %scan3A_245 iter_args(%scan3A_349 = %scan3A_241) -> (i32)  : i32 {
          %broadcast_in_dim3A_350 = vector.broadcast %scan3A_348 : i32 to vector<16xi32>
          %add3A_351 = arith.constant 0 : i32
          %add3A_352 = vector.broadcast %add3A_351 : i32 to vector<16xi32>
          %add3A_353 = arith.addi %add3A_352, %iota3A : vector<16xi32>
          %gather3A_354 = tpu.vector_load_idx %arg10[%broadcast_in_dim3A_350, %add3A_353] : memref<64x128xf32, #tpu.memory_space<vmem>>[vector<16xi32>, vector<16xi32>], vector<16xf32>,
          %le3A = arith.cmpf ole, %gather3A_354, %broadcast_in_dim3A_240 : vector<16xf32>
          %swap3A_355 = arith.index_cast %scan3A_349 : i32 to index
          %swap3A_356 = tpu.vector_load %arg17[%swap3A_355] masked %le3A {strides = array<i32>} : memref<1024xf32, #tpu.memory_space<vmem>>, vector<16xf32>, vector<16xi1>
          tpu.vector_store %arg17[%swap3A_355], %gather3A_354 masked %le3A {strides = array<i32>} : memref<1024xf32, #tpu.memory_space<vmem>>, vector<16xf32>, vector<16xi1>
          %mul3A_357 = arith.constant 128 : i32
          %mul3A_358 = arith.muli %scan3A_348, %mul3A_357 : i32
          %add3A_359 = arith.constant 0 : i32
          %add3A_360 = arith.addi %mul3A_358, %add3A_359 : i32
          %add3A_361 = vector.broadcast %add3A_360 : i32 to vector<16xi32>
          %add3A_362 = arith.addi %add3A_361, %iota3A : vector<16xi32>
          %swap3A_363 = arith.index_cast %scan3A_349 : i32 to index
          %swap3A_364 = tpu.vector_load %arg18[%swap3A_363] masked %le3A {strides = array<i32>} : memref<1024xi32, #tpu.memory_space<vmem>>, vector<16xi32>, vector<16xi1>
          tpu.vector_store %arg18[%swap3A_363], %add3A_362 masked %le3A {strides = array<i32>} : memref<1024xi32, #tpu.memory_space<vmem>>, vector<16xi32>, vector<16xi1>
          %all_reduce_population_count3A = tpu.all_reduce %le3A {dim = 0 : i64, kind = #tpu.reduction_kind<sum>} : vector<16xi1> -> vector<16xi32>
          %slice3A_365 = vector.extract_strided_slice %all_reduce_population_count3A {offsets = [0], sizes = [1], strides = [1]} : vector<16xi32> to vector<1xi32>
          %squeeze3A_366 = vector.extract %slice3A_365[0] : i32 from vector<1xi32>
          %add3A_367 = arith.addi %scan3A_349, %squeeze3A_366 : i32
          %min3A = arith.constant 1008 : i32
          %min3A_368 = arith.minsi %add3A_367, %min3A : i32
          %add3A_369 = arith.constant 16 : i32
          %add3A_370 = vector.broadcast %add3A_369 : i32 to vector<16xi32>
          %add3A_371 = arith.addi %add3A_370, %iota3A : vector<16xi32>
          %gather3A_372 = tpu.vector_load_idx %arg10[%broadcast_in_dim3A_350, %add3A_371] : memref<64x128xf32, #tpu.memory_space<vmem>>[vector<16xi32>, vector<16xi32>], vector<16xf32>,
          %le3A_373 = arith.cmpf ole, %gather3A_372, %broadcast_in_dim3A_240 : vector<16xf32>
          %swap3A_374 = arith.index_cast %min3A_368 : i32 to index
          %swap3A_375 = tpu.vector_load %arg17[%swap3A_374] masked %le3A_373 {strides = array<i32>} : memref<1024xf32, #tpu.memory_space<vmem>>, vector<16xf32>, vector<16xi1>
          tpu.vector_store %arg17[%swap3A_374], %gather3A_372 masked %le3A_373 {strides = array<i32>} : memref<1024xf32, #tpu.memory_space<vmem>>, vector<16xf32>, vector<16xi1>
          %mul3A_376 = arith.constant 128 : i32
          %mul3A_377 = arith.muli %scan3A_348, %mul3A_376 : i32
          %add3A_378 = arith.constant 16 : i32
          %add3A_379 = arith.addi %mul3A_377, %add3A_378 : i32
          %add3A_380 = vector.broadcast %add3A_379 : i32 to vector<16xi32>
          %add3A_381 = arith.addi %add3A_380, %iota3A : vector<16xi32>
          %swap3A_382 = arith.index_cast %min3A_368 : i32 to index
          %swap3A_383 = tpu.vector_load %arg18[%swap3A_382] masked %le3A_373 {strides = array<i32>} : memref<1024xi32, #tpu.memory_space<vmem>>, vector<16xi32>, vector<16xi1>
          tpu.vector_store %arg18[%swap3A_382], %add3A_381 masked %le3A_373 {strides = array<i32>} : memref<1024xi32, #tpu.memory_space<vmem>>, vector<16xi32>, vector<16xi1>
          %all_reduce_population_count3A_384 = tpu.all_reduce %le3A_373 {dim = 0 : i64, kind = #tpu.reduction_kind<sum>} : vector<16xi1> -> vector<16xi32>
          %slice3A_385 = vector.extract_strided_slice %all_reduce_population_count3A_384 {offsets = [0], sizes = [1], strides = [1]} : vector<16xi32> to vector<1xi32>
          %squeeze3A_386 = vector.extract %slice3A_385[0] : i32 from vector<1xi32>
          %add3A_387 = arith.addi %min3A_368, %squeeze3A_386 : i32
          %min3A_388 = arith.constant 1008 : i32
          %min3A_389 = arith.minsi %add3A_387, %min3A_388 : i32
          %add3A_390 = arith.constant 32 : i32
          %add3A_391 = vector.broadcast %add3A_390 : i32 to vector<16xi32>
          %add3A_392 = arith.addi %add3A_391, %iota3A : vector<16xi32>
          %gather3A_393 = tpu.vector_load_idx %arg10[%broadcast_in_dim3A_350, %add3A_392] : memref<64x128xf32, #tpu.memory_space<vmem>>[vector<16xi32>, vector<16xi32>], vector<16xf32>,
          %le3A_394 = arith.cmpf ole, %gather3A_393, %broadcast_in_dim3A_240 : vector<16xf32>
          %swap3A_395 = arith.index_cast %min3A_389 : i32 to index
          %swap3A_396 = tpu.vector_load %arg17[%swap3A_395] masked %le3A_394 {strides = array<i32>} : memref<1024xf32, #tpu.memory_space<vmem>>, vector<16xf32>, vector<16xi1>
          tpu.vector_store %arg17[%swap3A_395], %gather3A_393 masked %le3A_394 {strides = array<i32>} : memref<1024xf32, #tpu.memory_space<vmem>>, vector<16xf32>, vector<16xi1>
          %mul3A_397 = arith.constant 128 : i32
          %mul3A_398 = arith.muli %scan3A_348, %mul3A_397 : i32
          %add3A_399 = arith.constant 32 : i32
          %add3A_400 = arith.addi %mul3A_398, %add3A_399 : i32
          %add3A_401 = vector.broadcast %add3A_400 : i32 to vector<16xi32>
          %add3A_402 = arith.addi %add3A_401, %iota3A : vector<16xi32>
          %swap3A_403 = arith.index_cast %min3A_389 : i32 to index
          %swap3A_404 = tpu.vector_load %arg18[%swap3A_403] masked %le3A_394 {strides = array<i32>} : memref<1024xi32, #tpu.memory_space<vmem>>, vector<16xi32>, vector<16xi1>
          tpu.vector_store %arg18[%swap3A_403], %add3A_402 masked %le3A_394 {strides = array<i32>} : memref<1024xi32, #tpu.memory_space<vmem>>, vector<16xi32>, vector<16xi1>
          %all_reduce_population_count3A_405 = tpu.all_reduce %le3A_394 {dim = 0 : i64, kind = #tpu.reduction_kind<sum>} : vector<16xi1> -> vector<16xi32>
          %slice3A_406 = vector.extract_strided_slice %all_reduce_population_count3A_405 {offsets = [0], sizes = [1], strides = [1]} : vector<16xi32> to vector<1xi32>
          %squeeze3A_407 = vector.extract %slice3A_406[0] : i32 from vector<1xi32>
          %add3A_408 = arith.addi %min3A_389, %squeeze3A_407 : i32
          %min3A_409 = arith.constant 1008 : i32
          %min3A_410 = arith.minsi %add3A_408, %min3A_409 : i32
          %add3A_411 = arith.constant 48 : i32
          %add3A_412 = vector.broadcast %add3A_411 : i32 to vector<16xi32>
          %add3A_413 = arith.addi %add3A_412, %iota3A : vector<16xi32>
          %gather3A_414 = tpu.vector_load_idx %arg10[%broadcast_in_dim3A_350, %add3A_413] : memref<64x128xf32, #tpu.memory_space<vmem>>[vector<16xi32>, vector<16xi32>], vector<16xf32>,
          %le3A_415 = arith.cmpf ole, %gather3A_414, %broadcast_in_dim3A_240 : vector<16xf32>
          %swap3A_416 = arith.index_cast %min3A_410 : i32 to index
          %swap3A_417 = tpu.vector_load %arg17[%swap3A_416] masked %le3A_415 {strides = array<i32>} : memref<1024xf32, #tpu.memory_space<vmem>>, vector<16xf32>, vector<16xi1>
          tpu.vector_store %arg17[%swap3A_416], %gather3A_414 masked %le3A_415 {strides = array<i32>} : memref<1024xf32, #tpu.memory_space<vmem>>, vector<16xf32>, vector<16xi1>
          %mul3A_418 = arith.constant 128 : i32
          %mul3A_419 = arith.muli %scan3A_348, %mul3A_418 : i32
          %add3A_420 = arith.constant 48 : i32
          %add3A_421 = arith.addi %mul3A_419, %add3A_420 : i32
          %add3A_422 = vector.broadcast %add3A_421 : i32 to vector<16xi32>
          %add3A_423 = arith.addi %add3A_422, %iota3A : vector<16xi32>
          %swap3A_424 = arith.index_cast %min3A_410 : i32 to index
          %swap3A_425 = tpu.vector_load %arg18[%swap3A_424] masked %le3A_415 {strides = array<i32>} : memref<1024xi32, #tpu.memory_space<vmem>>, vector<16xi32>, vector<16xi1>
          tpu.vector_store %arg18[%swap3A_424], %add3A_423 masked %le3A_415 {strides = array<i32>} : memref<1024xi32, #tpu.memory_space<vmem>>, vector<16xi32>, vector<16xi1>
          %all_reduce_population_count3A_426 = tpu.all_reduce %le3A_415 {dim = 0 : i64, kind = #tpu.reduction_kind<sum>} : vector<16xi1> -> vector<16xi32>
          %slice3A_427 = vector.extract_strided_slice %all_reduce_population_count3A_426 {offsets = [0], sizes = [1], strides = [1]} : vector<16xi32> to vector<1xi32>
          %squeeze3A_428 = vector.extract %slice3A_427[0] : i32 from vector<1xi32>
          %add3A_429 = arith.addi %min3A_410, %squeeze3A_428 : i32
          %min3A_430 = arith.constant 1008 : i32
          %min3A_431 = arith.minsi %add3A_429, %min3A_430 : i32
          %add3A_432 = arith.constant 64 : i32
          %add3A_433 = vector.broadcast %add3A_432 : i32 to vector<16xi32>
          %add3A_434 = arith.addi %add3A_433, %iota3A : vector<16xi32>
          %gather3A_435 = tpu.vector_load_idx %arg10[%broadcast_in_dim3A_350, %add3A_434] : memref<64x128xf32, #tpu.memory_space<vmem>>[vector<16xi32>, vector<16xi32>], vector<16xf32>,
          %le3A_436 = arith.cmpf ole, %gather3A_435, %broadcast_in_dim3A_240 : vector<16xf32>
          %swap3A_437 = arith.index_cast %min3A_431 : i32 to index
          %swap3A_438 = tpu.vector_load %arg17[%swap3A_437] masked %le3A_436 {strides = array<i32>} : memref<1024xf32, #tpu.memory_space<vmem>>, vector<16xf32>, vector<16xi1>
          tpu.vector_store %arg17[%swap3A_437], %gather3A_435 masked %le3A_436 {strides = array<i32>} : memref<1024xf32, #tpu.memory_space<vmem>>, vector<16xf32>, vector<16xi1>
          %mul3A_439 = arith.constant 128 : i32
          %mul3A_440 = arith.muli %scan3A_348, %mul3A_439 : i32
          %add3A_441 = arith.constant 64 : i32
          %add3A_442 = arith.addi %mul3A_440, %add3A_441 : i32
          %add3A_443 = vector.broadcast %add3A_442 : i32 to vector<16xi32>
          %add3A_444 = arith.addi %add3A_443, %iota3A : vector<16xi32>
          %swap3A_445 = arith.index_cast %min3A_431 : i32 to index
          %swap3A_446 = tpu.vector_load %arg18[%swap3A_445] masked %le3A_436 {strides = array<i32>} : memref<1024xi32, #tpu.memory_space<vmem>>, vector<16xi32>, vector<16xi1>
          tpu.vector_store %arg18[%swap3A_445], %add3A_444 masked %le3A_436 {strides = array<i32>} : memref<1024xi32, #tpu.memory_space<vmem>>, vector<16xi32>, vector<16xi1>
          %all_reduce_population_count3A_447 = tpu.all_reduce %le3A_436 {dim = 0 : i64, kind = #tpu.reduction_kind<sum>} : vector<16xi1> -> vector<16xi32>
          %slice3A_448 = vector.extract_strided_slice %all_reduce_population_count3A_447 {offsets = [0], sizes = [1], strides = [1]} : vector<16xi32> to vector<1xi32>
          %squeeze3A_449 = vector.extract %slice3A_448[0] : i32 from vector<1xi32>
          %add3A_450 = arith.addi %min3A_431, %squeeze3A_449 : i32
          %min3A_451 = arith.constant 1008 : i32
          %min3A_452 = arith.minsi %add3A_450, %min3A_451 : i32
          %add3A_453 = arith.constant 80 : i32
          %add3A_454 = vector.broadcast %add3A_453 : i32 to vector<16xi32>
          %add3A_455 = arith.addi %add3A_454, %iota3A : vector<16xi32>
          %gather3A_456 = tpu.vector_load_idx %arg10[%broadcast_in_dim3A_350, %add3A_455] : memref<64x128xf32, #tpu.memory_space<vmem>>[vector<16xi32>, vector<16xi32>], vector<16xf32>,
          %le3A_457 = arith.cmpf ole, %gather3A_456, %broadcast_in_dim3A_240 : vector<16xf32>
          %swap3A_458 = arith.index_cast %min3A_452 : i32 to index
          %swap3A_459 = tpu.vector_load %arg17[%swap3A_458] masked %le3A_457 {strides = array<i32>} : memref<1024xf32, #tpu.memory_space<vmem>>, vector<16xf32>, vector<16xi1>
          tpu.vector_store %arg17[%swap3A_458], %gather3A_456 masked %le3A_457 {strides = array<i32>} : memref<1024xf32, #tpu.memory_space<vmem>>, vector<16xf32>, vector<16xi1>
          %mul3A_460 = arith.constant 128 : i32
          %mul3A_461 = arith.muli %scan3A_348, %mul3A_460 : i32
          %add3A_462 = arith.constant 80 : i32
          %add3A_463 = arith.addi %mul3A_461, %add3A_462 : i32
          %add3A_464 = vector.broadcast %add3A_463 : i32 to vector<16xi32>
          %add3A_465 = arith.addi %add3A_464, %iota3A : vector<16xi32>
          %swap3A_466 = arith.index_cast %min3A_452 : i32 to index
          %swap3A_467 = tpu.vector_load %arg18[%swap3A_466] masked %le3A_457 {strides = array<i32>} : memref<1024xi32, #tpu.memory_space<vmem>>, vector<16xi32>, vector<16xi1>
          tpu.vector_store %arg18[%swap3A_466], %add3A_465 masked %le3A_457 {strides = array<i32>} : memref<1024xi32, #tpu.memory_space<vmem>>, vector<16xi32>, vector<16xi1>
          %all_reduce_population_count3A_468 = tpu.all_reduce %le3A_457 {dim = 0 : i64, kind = #tpu.reduction_kind<sum>} : vector<16xi1> -> vector<16xi32>
          %slice3A_469 = vector.extract_strided_slice %all_reduce_population_count3A_468 {offsets = [0], sizes = [1], strides = [1]} : vector<16xi32> to vector<1xi32>
          %squeeze3A_470 = vector.extract %slice3A_469[0] : i32 from vector<1xi32>
          %add3A_471 = arith.addi %min3A_452, %squeeze3A_470 : i32
          %min3A_472 = arith.constant 1008 : i32
          %min3A_473 = arith.minsi %add3A_471, %min3A_472 : i32
          %add3A_474 = arith.constant 96 : i32
          %add3A_475 = vector.broadcast %add3A_474 : i32 to vector<16xi32>
          %add3A_476 = arith.addi %add3A_475, %iota3A : vector<16xi32>
          %gather3A_477 = tpu.vector_load_idx %arg10[%broadcast_in_dim3A_350, %add3A_476] : memref<64x128xf32, #tpu.memory_space<vmem>>[vector<16xi32>, vector<16xi32>], vector<16xf32>,
          %le3A_478 = arith.cmpf ole, %gather3A_477, %broadcast_in_dim3A_240 : vector<16xf32>
          %swap3A_479 = arith.index_cast %min3A_473 : i32 to index
          %swap3A_480 = tpu.vector_load %arg17[%swap3A_479] masked %le3A_478 {strides = array<i32>} : memref<1024xf32, #tpu.memory_space<vmem>>, vector<16xf32>, vector<16xi1>
          tpu.vector_store %arg17[%swap3A_479], %gather3A_477 masked %le3A_478 {strides = array<i32>} : memref<1024xf32, #tpu.memory_space<vmem>>, vector<16xf32>, vector<16xi1>
          %mul3A_481 = arith.constant 128 : i32
          %mul3A_482 = arith.muli %scan3A_348, %mul3A_481 : i32
          %add3A_483 = arith.constant 96 : i32
          %add3A_484 = arith.addi %mul3A_482, %add3A_483 : i32
          %add3A_485 = vector.broadcast %add3A_484 : i32 to vector<16xi32>
          %add3A_486 = arith.addi %add3A_485, %iota3A : vector<16xi32>
          %swap3A_487 = arith.index_cast %min3A_473 : i32 to index
          %swap3A_488 = tpu.vector_load %arg18[%swap3A_487] masked %le3A_478 {strides = array<i32>} : memref<1024xi32, #tpu.memory_space<vmem>>, vector<16xi32>, vector<16xi1>
          tpu.vector_store %arg18[%swap3A_487], %add3A_486 masked %le3A_478 {strides = array<i32>} : memref<1024xi32, #tpu.memory_space<vmem>>, vector<16xi32>, vector<16xi1>
          %all_reduce_population_count3A_489 = tpu.all_reduce %le3A_478 {dim = 0 : i64, kind = #tpu.reduction_kind<sum>} : vector<16xi1> -> vector<16xi32>
          %slice3A_490 = vector.extract_strided_slice %all_reduce_population_count3A_489 {offsets = [0], sizes = [1], strides = [1]} : vector<16xi32> to vector<1xi32>
          %squeeze3A_491 = vector.extract %slice3A_490[0] : i32 from vector<1xi32>
          %add3A_492 = arith.addi %min3A_473, %squeeze3A_491 : i32
          %min3A_493 = arith.constant 1008 : i32
          %min3A_494 = arith.minsi %add3A_492, %min3A_493 : i32
          %add3A_495 = arith.constant 112 : i32
          %add3A_496 = vector.broadcast %add3A_495 : i32 to vector<16xi32>
          %add3A_497 = arith.addi %add3A_496, %iota3A : vector<16xi32>
          %gather3A_498 = tpu.vector_load_idx %arg10[%broadcast_in_dim3A_350, %add3A_497] : memref<64x128xf32, #tpu.memory_space<vmem>>[vector<16xi32>, vector<16xi32>], vector<16xf32>,
          %le3A_499 = arith.cmpf ole, %gather3A_498, %broadcast_in_dim3A_240 : vector<16xf32>
          %swap3A_500 = arith.index_cast %min3A_494 : i32 to index
          %swap3A_501 = tpu.vector_load %arg17[%swap3A_500] masked %le3A_499 {strides = array<i32>} : memref<1024xf32, #tpu.memory_space<vmem>>, vector<16xf32>, vector<16xi1>
          tpu.vector_store %arg17[%swap3A_500], %gather3A_498 masked %le3A_499 {strides = array<i32>} : memref<1024xf32, #tpu.memory_space<vmem>>, vector<16xf32>, vector<16xi1>
          %mul3A_502 = arith.constant 128 : i32
          %mul3A_503 = arith.muli %scan3A_348, %mul3A_502 : i32
          %add3A_504 = arith.constant 112 : i32
          %add3A_505 = arith.addi %mul3A_503, %add3A_504 : i32
          %add3A_506 = vector.broadcast %add3A_505 : i32 to vector<16xi32>
          %add3A_507 = arith.addi %add3A_506, %iota3A : vector<16xi32>
          %swap3A_508 = arith.index_cast %min3A_494 : i32 to index
          %swap3A_509 = tpu.vector_load %arg18[%swap3A_508] masked %le3A_499 {strides = array<i32>} : memref<1024xi32, #tpu.memory_space<vmem>>, vector<16xi32>, vector<16xi1>
          tpu.vector_store %arg18[%swap3A_508], %add3A_507 masked %le3A_499 {strides = array<i32>} : memref<1024xi32, #tpu.memory_space<vmem>>, vector<16xi32>, vector<16xi1>
          %all_reduce_population_count3A_510 = tpu.all_reduce %le3A_499 {dim = 0 : i64, kind = #tpu.reduction_kind<sum>} : vector<16xi1> -> vector<16xi32>
          %slice3A_511 = vector.extract_strided_slice %all_reduce_population_count3A_510 {offsets = [0], sizes = [1], strides = [1]} : vector<16xi32> to vector<1xi32>
          %squeeze3A_512 = vector.extract %slice3A_511[0] : i32 from vector<1xi32>
          %add3A_513 = arith.addi %min3A_494, %squeeze3A_512 : i32
          %min3A_514 = arith.constant 1008 : i32
          %min3A_515 = arith.minsi %add3A_513, %min3A_514 : i32
          scf.yield %min3A_515 : i32
        }
        %scan3A_247 = arith.constant 64 : i32
        %swap3A_248 = arith.index_cast %scan3A_246 : i32 to index
        %swap3A_249 = tpu.vector_load %arg17[%swap3A_248] {strides = array<i32>} : memref<1024xf32, #tpu.memory_space<vmem>>, vector<16xf32>,
        tpu.vector_store %arg17[%swap3A_248], %broadcast_in_dim3A_0 {strides = array<i32>} : memref<1024xf32, #tpu.memory_space<vmem>>, vector<16xf32>,
        %add3A_250 = arith.constant 15 : i32
        %add3A_251 = arith.addi %scan3A_246, %add3A_250 : i32
        %shift_right_arithmetic3A_252 = arith.constant 4 : i32
        %shift_right_arithmetic3A_253 = arith.shrsi %add3A_251, %shift_right_arithmetic3A_252 : i32
        %broadcast_in_dim3A_254 = arith.constant 3.000000e+38 : f32
        %broadcast_in_dim3A_255 = vector.broadcast %broadcast_in_dim3A_254 : f32 to vector<16xf32>
        %broadcast_in_dim3A_256 = arith.constant 0 : i32
        %broadcast_in_dim3A_257 = vector.broadcast %broadcast_in_dim3A_256 : i32 to vector<16xi32>
        %while3A_258 = arith.constant 0 : i32
        %while3A_259 = arith.subi %shift_right_arithmetic3A_253, %while3A_258 : i32
        %while3A_260 = arith.addi %while3A_258, %while3A_259 : i32
        %while3A_261 = arith.constant 1 : i32
        %while3A_262 = arith.divsi %while3A_259, %while3A_261 : i32
        %while3A_263 = arith.muli %while3A_262, %while3A_261 : i32
        %while3A_264 = arith.addi %while3A_258, %while3A_263 : i32
        %while3A_265 = arith.constant 1 : i32
        %while3A_266:9 = scf.for %while3A_348 = %while3A_258 to %while3A_264 step %while3A_265 iter_args(%while3A_349 = %broadcast_in_dim3A_255, %while3A_350 = %broadcast_in_dim3A_255, %while3A_351 = %broadcast_in_dim3A_255, %while3A_352 = %broadcast_in_dim3A_255, %while3A_353 = %broadcast_in_dim3A_257, %while3A_354 = %broadcast_in_dim3A_257, %while3A_355 = %broadcast_in_dim3A_257, %while3A_356 = %broadcast_in_dim3A_257, %while3A_357 = %broadcast_in_dim3A_255) -> (vector<16xf32>, vector<16xf32>, vector<16xf32>, vector<16xf32>, vector<16xi32>, vector<16xi32>, vector<16xi32>, vector<16xi32>, vector<16xf32>)  : i32 {
          %mul3A_358 = arith.constant 16 : i32
          %mul3A_359 = arith.muli %while3A_348, %mul3A_358 : i32
          %get3A = arith.index_cast %mul3A_359 : i32 to index
          %get3A_360 = tpu.vector_load %arg17[%get3A] {strides = array<i32>} : memref<1024xf32, #tpu.memory_space<vmem>>, vector<16xf32>,
          %mul3A_361 = arith.constant 16 : i32
          %mul3A_362 = arith.muli %while3A_348, %mul3A_361 : i32
          %get3A_363 = arith.index_cast %mul3A_362 : i32 to index
          %get3A_364 = tpu.vector_load %arg18[%get3A_363] {strides = array<i32>} : memref<1024xi32, #tpu.memory_space<vmem>>, vector<16xi32>,
          %lt3A_365 = arith.cmpf olt, %get3A_360, %while3A_357 : vector<16xf32>
          %all_reduce_population_count3A = tpu.all_reduce %lt3A_365 {dim = 0 : i64, kind = #tpu.reduction_kind<sum>} : vector<16xi1> -> vector<16xi32>
          %slice3A_366 = vector.extract_strided_slice %all_reduce_population_count3A {offsets = [0], sizes = [1], strides = [1]} : vector<16xi32> to vector<1xi32>
          %squeeze3A_367 = vector.extract %slice3A_366[0] : i32 from vector<1xi32>
          %gt3A = arith.constant 0 : i32
          %gt3A_368 = arith.cmpi sgt, %squeeze3A_367, %gt3A : i32
          %convert_element_type3A_369 = arith.extui %gt3A_368 : i1 to i32
          %cond3A_370 = arith.constant 0 : i32
          %cond3A_371 = arith.cmpi ne, %convert_element_type3A_369, %cond3A_370 : i32
          %cond3A_372:9 = scf.if %cond3A_371 -> (vector<16xf32>, vector<16xf32>, vector<16xf32>, vector<16xf32>, vector<16xi32>, vector<16xi32>, vector<16xi32>, vector<16xi32>, vector<16xf32>) {
            %masked_sort3A = arith.constant dense<true> : vector<16xi1>
            %masked_sort3A_373, %masked_sort3A_374, %masked_sort3A_375 = tpu.sort %get3A_360, %get3A_364 masked %masked_sort3A : (vector<16xf32>, vector<16xi32>, vector<16xi1>) -> (vector<16xi1>, vector<16xf32>, vector<16xi32>)
            %rev3A = arith.constant 15 : i32
            %rev3A_376 = vector.broadcast %rev3A : i32 to vector<16xi32>
            %rev3A_377 = tpu.iota {dimensions = array<i32: 0>} : vector<16xi32>
            %rev3A_378 = arith.subi %rev3A_376, %rev3A_377 : vector<16xi32>
            %rev3A_379 = tpu.dynamic_gather %masked_sort3A_374[%rev3A_378] in [0] : vector<16xf32>, vector<16xi32> -> vector<16xf32>
            %rev3A_380 = arith.constant 15 : i32
            %rev3A_381 = vector.broadcast %rev3A_380 : i32 to vector<16xi32>
            %rev3A_382 = tpu.iota {dimensions = array<i32: 0>} : vector<16xi32>
            %rev3A_383 = arith.subi %rev3A_381, %rev3A_382 : vector<16xi32>
            %rev3A_384 = tpu.dynamic_gather %masked_sort3A_375[%rev3A_383] in [0] : vector<16xi32>, vector<16xi32> -> vector<16xi32>
            %le3A = arith.cmpf ole, %while3A_349, %rev3A_379 : vector<16xf32>
            %select_n3A = arith.select %le3A, %while3A_349, %rev3A_379 : vector<16xi1>, vector<16xf32>
            %select_n3A_385 = arith.select %le3A, %while3A_353, %rev3A_384 : vector<16xi1>, vector<16xi32>
            %select_n3A_386 = arith.select %le3A, %rev3A_379, %while3A_349 : vector<16xi1>, vector<16xf32>
            %select_n3A_387 = arith.select %le3A, %rev3A_384, %while3A_353 : vector<16xi1>, vector<16xi32>
            %masked_sort3A_388 = arith.constant dense<true> : vector<16xi1>
            %masked_sort3A_389, %masked_sort3A_390, %masked_sort3A_391 = tpu.sort %select_n3A, %select_n3A_385 masked %masked_sort3A_388 : (vector<16xf32>, vector<16xi32>, vector<16xi1>) -> (vector<16xi1>, vector<16xf32>, vector<16xi32>)
            %masked_sort3A_392 = arith.constant dense<true> : vector<16xi1>
            %masked_sort3A_393, %masked_sort3A_394, %masked_sort3A_395 = tpu.sort %select_n3A_386, %select_n3A_387 masked %masked_sort3A_392 : (vector<16xf32>, vector<16xi32>, vector<16xi1>) -> (vector<16xi1>, vector<16xf32>, vector<16xi32>)
            %rev3A_396 = arith.constant 15 : i32
            %rev3A_397 = vector.broadcast %rev3A_396 : i32 to vector<16xi32>
            %rev3A_398 = tpu.iota {dimensions = array<i32: 0>} : vector<16xi32>
            %rev3A_399 = arith.subi %rev3A_397, %rev3A_398 : vector<16xi32>
            %rev3A_400 = tpu.dynamic_gather %masked_sort3A_394[%rev3A_399] in [0] : vector<16xf32>, vector<16xi32> -> vector<16xf32>
            %rev3A_401 = arith.constant 15 : i32
            %rev3A_402 = vector.broadcast %rev3A_401 : i32 to vector<16xi32>
            %rev3A_403 = tpu.iota {dimensions = array<i32: 0>} : vector<16xi32>
            %rev3A_404 = arith.subi %rev3A_402, %rev3A_403 : vector<16xi32>
            %rev3A_405 = tpu.dynamic_gather %masked_sort3A_395[%rev3A_404] in [0] : vector<16xi32>, vector<16xi32> -> vector<16xi32>
            %le3A_406 = arith.cmpf ole, %while3A_350, %rev3A_400 : vector<16xf32>
            %select_n3A_407 = arith.select %le3A_406, %while3A_350, %rev3A_400 : vector<16xi1>, vector<16xf32>
            %select_n3A_408 = arith.select %le3A_406, %while3A_354, %rev3A_405 : vector<16xi1>, vector<16xi32>
            %select_n3A_409 = arith.select %le3A_406, %rev3A_400, %while3A_350 : vector<16xi1>, vector<16xf32>
            %select_n3A_410 = arith.select %le3A_406, %rev3A_405, %while3A_354 : vector<16xi1>, vector<16xi32>
            %masked_sort3A_411 = arith.constant dense<true> : vector<16xi1>
            %masked_sort3A_412, %masked_sort3A_413, %masked_sort3A_414 = tpu.sort %select_n3A_407, %select_n3A_408 masked %masked_sort3A_411 : (vector<16xf32>, vector<16xi32>, vector<16xi1>) -> (vector<16xi1>, vector<16xf32>, vector<16xi32>)
            %masked_sort3A_415 = arith.constant dense<true> : vector<16xi1>
            %masked_sort3A_416, %masked_sort3A_417, %masked_sort3A_418 = tpu.sort %select_n3A_409, %select_n3A_410 masked %masked_sort3A_415 : (vector<16xf32>, vector<16xi32>, vector<16xi1>) -> (vector<16xi1>, vector<16xf32>, vector<16xi32>)
            %rev3A_419 = arith.constant 15 : i32
            %rev3A_420 = vector.broadcast %rev3A_419 : i32 to vector<16xi32>
            %rev3A_421 = tpu.iota {dimensions = array<i32: 0>} : vector<16xi32>
            %rev3A_422 = arith.subi %rev3A_420, %rev3A_421 : vector<16xi32>
            %rev3A_423 = tpu.dynamic_gather %masked_sort3A_417[%rev3A_422] in [0] : vector<16xf32>, vector<16xi32> -> vector<16xf32>
            %rev3A_424 = arith.constant 15 : i32
            %rev3A_425 = vector.broadcast %rev3A_424 : i32 to vector<16xi32>
            %rev3A_426 = tpu.iota {dimensions = array<i32: 0>} : vector<16xi32>
            %rev3A_427 = arith.subi %rev3A_425, %rev3A_426 : vector<16xi32>
            %rev3A_428 = tpu.dynamic_gather %masked_sort3A_418[%rev3A_427] in [0] : vector<16xi32>, vector<16xi32> -> vector<16xi32>
            %le3A_429 = arith.cmpf ole, %while3A_351, %rev3A_423 : vector<16xf32>
            %select_n3A_430 = arith.select %le3A_429, %while3A_351, %rev3A_423 : vector<16xi1>, vector<16xf32>
            %select_n3A_431 = arith.select %le3A_429, %while3A_355, %rev3A_428 : vector<16xi1>, vector<16xi32>
            %select_n3A_432 = arith.select %le3A_429, %rev3A_423, %while3A_351 : vector<16xi1>, vector<16xf32>
            %select_n3A_433 = arith.select %le3A_429, %rev3A_428, %while3A_355 : vector<16xi1>, vector<16xi32>
            %masked_sort3A_434 = arith.constant dense<true> : vector<16xi1>
            %masked_sort3A_435, %masked_sort3A_436, %masked_sort3A_437 = tpu.sort %select_n3A_430, %select_n3A_431 masked %masked_sort3A_434 : (vector<16xf32>, vector<16xi32>, vector<16xi1>) -> (vector<16xi1>, vector<16xf32>, vector<16xi32>)
            %masked_sort3A_438 = arith.constant dense<true> : vector<16xi1>
            %masked_sort3A_439, %masked_sort3A_440, %masked_sort3A_441 = tpu.sort %select_n3A_432, %select_n3A_433 masked %masked_sort3A_438 : (vector<16xf32>, vector<16xi32>, vector<16xi1>) -> (vector<16xi1>, vector<16xf32>, vector<16xi32>)
            %rev3A_442 = arith.constant 15 : i32
            %rev3A_443 = vector.broadcast %rev3A_442 : i32 to vector<16xi32>
            %rev3A_444 = tpu.iota {dimensions = array<i32: 0>} : vector<16xi32>
            %rev3A_445 = arith.subi %rev3A_443, %rev3A_444 : vector<16xi32>
            %rev3A_446 = tpu.dynamic_gather %masked_sort3A_440[%rev3A_445] in [0] : vector<16xf32>, vector<16xi32> -> vector<16xf32>
            %rev3A_447 = arith.constant 15 : i32
            %rev3A_448 = vector.broadcast %rev3A_447 : i32 to vector<16xi32>
            %rev3A_449 = tpu.iota {dimensions = array<i32: 0>} : vector<16xi32>
            %rev3A_450 = arith.subi %rev3A_448, %rev3A_449 : vector<16xi32>
            %rev3A_451 = tpu.dynamic_gather %masked_sort3A_441[%rev3A_450] in [0] : vector<16xi32>, vector<16xi32> -> vector<16xi32>
            %le3A_452 = arith.cmpf ole, %while3A_352, %rev3A_446 : vector<16xf32>
            %select_n3A_453 = arith.select %le3A_452, %while3A_352, %rev3A_446 : vector<16xi1>, vector<16xf32>
            %select_n3A_454 = arith.select %le3A_452, %while3A_356, %rev3A_451 : vector<16xi1>, vector<16xi32>
            %select_n3A_455 = arith.select %le3A_452, %rev3A_446, %while3A_352 : vector<16xi1>, vector<16xf32>
            %select_n3A_456 = arith.select %le3A_452, %rev3A_451, %while3A_356 : vector<16xi1>, vector<16xi32>
            %masked_sort3A_457 = arith.constant dense<true> : vector<16xi1>
            %masked_sort3A_458, %masked_sort3A_459, %masked_sort3A_460 = tpu.sort %select_n3A_453, %select_n3A_454 masked %masked_sort3A_457 : (vector<16xf32>, vector<16xi32>, vector<16xi1>) -> (vector<16xi1>, vector<16xf32>, vector<16xi32>)
            %masked_sort3A_461 = arith.constant dense<true> : vector<16xi1>
            %masked_sort3A_462, %masked_sort3A_463, %masked_sort3A_464 = tpu.sort %select_n3A_455, %select_n3A_456 masked %masked_sort3A_461 : (vector<16xf32>, vector<16xi32>, vector<16xi1>) -> (vector<16xi1>, vector<16xf32>, vector<16xi32>)
            %slice3A_465 = vector.extract_strided_slice %masked_sort3A_459 {offsets = [15], sizes = [1], strides = [1]} : vector<16xf32> to vector<1xf32>
            %squeeze3A_466 = vector.extract %slice3A_465[0] : f32 from vector<1xf32>
            %broadcast_in_dim3A_467 = vector.broadcast %squeeze3A_466 : f32 to vector<16xf32>
            scf.yield %masked_sort3A_390, %masked_sort3A_413, %masked_sort3A_436, %masked_sort3A_459, %masked_sort3A_391, %masked_sort3A_414, %masked_sort3A_437, %masked_sort3A_460, %broadcast_in_dim3A_467 : vector<16xf32>, vector<16xf32>, vector<16xf32>, vector<16xf32>, vector<16xi32>, vector<16xi32>, vector<16xi32>, vector<16xi32>, vector<16xf32>
          } else {
            scf.yield %while3A_349, %while3A_350, %while3A_351, %while3A_352, %while3A_353, %while3A_354, %while3A_355, %while3A_356, %while3A_357 : vector<16xf32>, vector<16xf32>, vector<16xf32>, vector<16xf32>, vector<16xi32>, vector<16xi32>, vector<16xi32>, vector<16xi32>, vector<16xf32>
          }
          scf.yield %cond3A_372#0, %cond3A_372#1, %cond3A_372#2, %cond3A_372#3, %cond3A_372#4, %cond3A_372#5, %cond3A_372#6, %cond3A_372#7, %cond3A_372#8 : vector<16xf32>, vector<16xf32>, vector<16xf32>, vector<16xf32>, vector<16xi32>, vector<16xi32>, vector<16xi32>, vector<16xi32>, vector<16xf32>
        }
        %while3A_267 = arith.constant 1 : i32
        %while3A_268:9 = scf.for %while3A_348 = %while3A_264 to %while3A_260 step %while3A_267 iter_args(%while3A_349 = %while3A_266#0, %while3A_350 = %while3A_266#1, %while3A_351 = %while3A_266#2, %while3A_352 = %while3A_266#3, %while3A_353 = %while3A_266#4, %while3A_354 = %while3A_266#5, %while3A_355 = %while3A_266#6, %while3A_356 = %while3A_266#7, %while3A_357 = %while3A_266#8) -> (vector<16xf32>, vector<16xf32>, vector<16xf32>, vector<16xf32>, vector<16xi32>, vector<16xi32>, vector<16xi32>, vector<16xi32>, vector<16xf32>)  : i32 {
          %mul3A_358 = arith.constant 16 : i32
          %mul3A_359 = arith.muli %while3A_348, %mul3A_358 : i32
          %get3A = arith.index_cast %mul3A_359 : i32 to index
          %get3A_360 = tpu.vector_load %arg17[%get3A] {strides = array<i32>} : memref<1024xf32, #tpu.memory_space<vmem>>, vector<16xf32>,
          %mul3A_361 = arith.constant 16 : i32
          %mul3A_362 = arith.muli %while3A_348, %mul3A_361 : i32
          %get3A_363 = arith.index_cast %mul3A_362 : i32 to index
          %get3A_364 = tpu.vector_load %arg18[%get3A_363] {strides = array<i32>} : memref<1024xi32, #tpu.memory_space<vmem>>, vector<16xi32>,
          %lt3A_365 = arith.cmpf olt, %get3A_360, %while3A_357 : vector<16xf32>
          %all_reduce_population_count3A = tpu.all_reduce %lt3A_365 {dim = 0 : i64, kind = #tpu.reduction_kind<sum>} : vector<16xi1> -> vector<16xi32>
          %slice3A_366 = vector.extract_strided_slice %all_reduce_population_count3A {offsets = [0], sizes = [1], strides = [1]} : vector<16xi32> to vector<1xi32>
          %squeeze3A_367 = vector.extract %slice3A_366[0] : i32 from vector<1xi32>
          %gt3A = arith.constant 0 : i32
          %gt3A_368 = arith.cmpi sgt, %squeeze3A_367, %gt3A : i32
          %convert_element_type3A_369 = arith.extui %gt3A_368 : i1 to i32
          %cond3A_370 = arith.constant 0 : i32
          %cond3A_371 = arith.cmpi ne, %convert_element_type3A_369, %cond3A_370 : i32
          %cond3A_372:9 = scf.if %cond3A_371 -> (vector<16xf32>, vector<16xf32>, vector<16xf32>, vector<16xf32>, vector<16xi32>, vector<16xi32>, vector<16xi32>, vector<16xi32>, vector<16xf32>) {
            %masked_sort3A = arith.constant dense<true> : vector<16xi1>
            %masked_sort3A_373, %masked_sort3A_374, %masked_sort3A_375 = tpu.sort %get3A_360, %get3A_364 masked %masked_sort3A : (vector<16xf32>, vector<16xi32>, vector<16xi1>) -> (vector<16xi1>, vector<16xf32>, vector<16xi32>)
            %rev3A = arith.constant 15 : i32
            %rev3A_376 = vector.broadcast %rev3A : i32 to vector<16xi32>
            %rev3A_377 = tpu.iota {dimensions = array<i32: 0>} : vector<16xi32>
            %rev3A_378 = arith.subi %rev3A_376, %rev3A_377 : vector<16xi32>
            %rev3A_379 = tpu.dynamic_gather %masked_sort3A_374[%rev3A_378] in [0] : vector<16xf32>, vector<16xi32> -> vector<16xf32>
            %rev3A_380 = arith.constant 15 : i32
            %rev3A_381 = vector.broadcast %rev3A_380 : i32 to vector<16xi32>
            %rev3A_382 = tpu.iota {dimensions = array<i32: 0>} : vector<16xi32>
            %rev3A_383 = arith.subi %rev3A_381, %rev3A_382 : vector<16xi32>
            %rev3A_384 = tpu.dynamic_gather %masked_sort3A_375[%rev3A_383] in [0] : vector<16xi32>, vector<16xi32> -> vector<16xi32>
            %le3A = arith.cmpf ole, %while3A_349, %rev3A_379 : vector<16xf32>
            %select_n3A = arith.select %le3A, %while3A_349, %rev3A_379 : vector<16xi1>, vector<16xf32>
            %select_n3A_385 = arith.select %le3A, %while3A_353, %rev3A_384 : vector<16xi1>, vector<16xi32>
            %select_n3A_386 = arith.select %le3A, %rev3A_379, %while3A_349 : vector<16xi1>, vector<16xf32>
            %select_n3A_387 = arith.select %le3A, %rev3A_384, %while3A_353 : vector<16xi1>, vector<16xi32>
            %masked_sort3A_388 = arith.constant dense<true> : vector<16xi1>
            %masked_sort3A_389, %masked_sort3A_390, %masked_sort3A_391 = tpu.sort %select_n3A, %select_n3A_385 masked %masked_sort3A_388 : (vector<16xf32>, vector<16xi32>, vector<16xi1>) -> (vector<16xi1>, vector<16xf32>, vector<16xi32>)
            %masked_sort3A_392 = arith.constant dense<true> : vector<16xi1>
            %masked_sort3A_393, %masked_sort3A_394, %masked_sort3A_395 = tpu.sort %select_n3A_386, %select_n3A_387 masked %masked_sort3A_392 : (vector<16xf32>, vector<16xi32>, vector<16xi1>) -> (vector<16xi1>, vector<16xf32>, vector<16xi32>)
            %rev3A_396 = arith.constant 15 : i32
            %rev3A_397 = vector.broadcast %rev3A_396 : i32 to vector<16xi32>
            %rev3A_398 = tpu.iota {dimensions = array<i32: 0>} : vector<16xi32>
            %rev3A_399 = arith.subi %rev3A_397, %rev3A_398 : vector<16xi32>
            %rev3A_400 = tpu.dynamic_gather %masked_sort3A_394[%rev3A_399] in [0] : vector<16xf32>, vector<16xi32> -> vector<16xf32>
            %rev3A_401 = arith.constant 15 : i32
            %rev3A_402 = vector.broadcast %rev3A_401 : i32 to vector<16xi32>
            %rev3A_403 = tpu.iota {dimensions = array<i32: 0>} : vector<16xi32>
            %rev3A_404 = arith.subi %rev3A_402, %rev3A_403 : vector<16xi32>
            %rev3A_405 = tpu.dynamic_gather %masked_sort3A_395[%rev3A_404] in [0] : vector<16xi32>, vector<16xi32> -> vector<16xi32>
            %le3A_406 = arith.cmpf ole, %while3A_350, %rev3A_400 : vector<16xf32>
            %select_n3A_407 = arith.select %le3A_406, %while3A_350, %rev3A_400 : vector<16xi1>, vector<16xf32>
            %select_n3A_408 = arith.select %le3A_406, %while3A_354, %rev3A_405 : vector<16xi1>, vector<16xi32>
            %select_n3A_409 = arith.select %le3A_406, %rev3A_400, %while3A_350 : vector<16xi1>, vector<16xf32>
            %select_n3A_410 = arith.select %le3A_406, %rev3A_405, %while3A_354 : vector<16xi1>, vector<16xi32>
            %masked_sort3A_411 = arith.constant dense<true> : vector<16xi1>
            %masked_sort3A_412, %masked_sort3A_413, %masked_sort3A_414 = tpu.sort %select_n3A_407, %select_n3A_408 masked %masked_sort3A_411 : (vector<16xf32>, vector<16xi32>, vector<16xi1>) -> (vector<16xi1>, vector<16xf32>, vector<16xi32>)
            %masked_sort3A_415 = arith.constant dense<true> : vector<16xi1>
            %masked_sort3A_416, %masked_sort3A_417, %masked_sort3A_418 = tpu.sort %select_n3A_409, %select_n3A_410 masked %masked_sort3A_415 : (vector<16xf32>, vector<16xi32>, vector<16xi1>) -> (vector<16xi1>, vector<16xf32>, vector<16xi32>)
            %rev3A_419 = arith.constant 15 : i32
            %rev3A_420 = vector.broadcast %rev3A_419 : i32 to vector<16xi32>
            %rev3A_421 = tpu.iota {dimensions = array<i32: 0>} : vector<16xi32>
            %rev3A_422 = arith.subi %rev3A_420, %rev3A_421 : vector<16xi32>
            %rev3A_423 = tpu.dynamic_gather %masked_sort3A_417[%rev3A_422] in [0] : vector<16xf32>, vector<16xi32> -> vector<16xf32>
            %rev3A_424 = arith.constant 15 : i32
            %rev3A_425 = vector.broadcast %rev3A_424 : i32 to vector<16xi32>
            %rev3A_426 = tpu.iota {dimensions = array<i32: 0>} : vector<16xi32>
            %rev3A_427 = arith.subi %rev3A_425, %rev3A_426 : vector<16xi32>
            %rev3A_428 = tpu.dynamic_gather %masked_sort3A_418[%rev3A_427] in [0] : vector<16xi32>, vector<16xi32> -> vector<16xi32>
            %le3A_429 = arith.cmpf ole, %while3A_351, %rev3A_423 : vector<16xf32>
            %select_n3A_430 = arith.select %le3A_429, %while3A_351, %rev3A_423 : vector<16xi1>, vector<16xf32>
            %select_n3A_431 = arith.select %le3A_429, %while3A_355, %rev3A_428 : vector<16xi1>, vector<16xi32>
            %select_n3A_432 = arith.select %le3A_429, %rev3A_423, %while3A_351 : vector<16xi1>, vector<16xf32>
            %select_n3A_433 = arith.select %le3A_429, %rev3A_428, %while3A_355 : vector<16xi1>, vector<16xi32>
            %masked_sort3A_434 = arith.constant dense<true> : vector<16xi1>
            %masked_sort3A_435, %masked_sort3A_436, %masked_sort3A_437 = tpu.sort %select_n3A_430, %select_n3A_431 masked %masked_sort3A_434 : (vector<16xf32>, vector<16xi32>, vector<16xi1>) -> (vector<16xi1>, vector<16xf32>, vector<16xi32>)
            %masked_sort3A_438 = arith.constant dense<true> : vector<16xi1>
            %masked_sort3A_439, %masked_sort3A_440, %masked_sort3A_441 = tpu.sort %select_n3A_432, %select_n3A_433 masked %masked_sort3A_438 : (vector<16xf32>, vector<16xi32>, vector<16xi1>) -> (vector<16xi1>, vector<16xf32>, vector<16xi32>)
            %rev3A_442 = arith.constant 15 : i32
            %rev3A_443 = vector.broadcast %rev3A_442 : i32 to vector<16xi32>
            %rev3A_444 = tpu.iota {dimensions = array<i32: 0>} : vector<16xi32>
            %rev3A_445 = arith.subi %rev3A_443, %rev3A_444 : vector<16xi32>
            %rev3A_446 = tpu.dynamic_gather %masked_sort3A_440[%rev3A_445] in [0] : vector<16xf32>, vector<16xi32> -> vector<16xf32>
            %rev3A_447 = arith.constant 15 : i32
            %rev3A_448 = vector.broadcast %rev3A_447 : i32 to vector<16xi32>
            %rev3A_449 = tpu.iota {dimensions = array<i32: 0>} : vector<16xi32>
            %rev3A_450 = arith.subi %rev3A_448, %rev3A_449 : vector<16xi32>
            %rev3A_451 = tpu.dynamic_gather %masked_sort3A_441[%rev3A_450] in [0] : vector<16xi32>, vector<16xi32> -> vector<16xi32>
            %le3A_452 = arith.cmpf ole, %while3A_352, %rev3A_446 : vector<16xf32>
            %select_n3A_453 = arith.select %le3A_452, %while3A_352, %rev3A_446 : vector<16xi1>, vector<16xf32>
            %select_n3A_454 = arith.select %le3A_452, %while3A_356, %rev3A_451 : vector<16xi1>, vector<16xi32>
            %select_n3A_455 = arith.select %le3A_452, %rev3A_446, %while3A_352 : vector<16xi1>, vector<16xf32>
            %select_n3A_456 = arith.select %le3A_452, %rev3A_451, %while3A_356 : vector<16xi1>, vector<16xi32>
            %masked_sort3A_457 = arith.constant dense<true> : vector<16xi1>
            %masked_sort3A_458, %masked_sort3A_459, %masked_sort3A_460 = tpu.sort %select_n3A_453, %select_n3A_454 masked %masked_sort3A_457 : (vector<16xf32>, vector<16xi32>, vector<16xi1>) -> (vector<16xi1>, vector<16xf32>, vector<16xi32>)
            %masked_sort3A_461 = arith.constant dense<true> : vector<16xi1>
            %masked_sort3A_462, %masked_sort3A_463, %masked_sort3A_464 = tpu.sort %select_n3A_455, %select_n3A_456 masked %masked_sort3A_461 : (vector<16xf32>, vector<16xi32>, vector<16xi1>) -> (vector<16xi1>, vector<16xf32>, vector<16xi32>)
            %slice3A_465 = vector.extract_strided_slice %masked_sort3A_459 {offsets = [15], sizes = [1], strides = [1]} : vector<16xf32> to vector<1xf32>
            %squeeze3A_466 = vector.extract %slice3A_465[0] : f32 from vector<1xf32>
            %broadcast_in_dim3A_467 = vector.broadcast %squeeze3A_466 : f32 to vector<16xf32>
            scf.yield %masked_sort3A_390, %masked_sort3A_413, %masked_sort3A_436, %masked_sort3A_459, %masked_sort3A_391, %masked_sort3A_414, %masked_sort3A_437, %masked_sort3A_460, %broadcast_in_dim3A_467 : vector<16xf32>, vector<16xf32>, vector<16xf32>, vector<16xf32>, vector<16xi32>, vector<16xi32>, vector<16xi32>, vector<16xi32>, vector<16xf32>
          } else {
            scf.yield %while3A_349, %while3A_350, %while3A_351, %while3A_352, %while3A_353, %while3A_354, %while3A_355, %while3A_356, %while3A_357 : vector<16xf32>, vector<16xf32>, vector<16xf32>, vector<16xf32>, vector<16xi32>, vector<16xi32>, vector<16xi32>, vector<16xi32>, vector<16xf32>
          }
          scf.yield %cond3A_372#0, %cond3A_372#1, %cond3A_372#2, %cond3A_372#3, %cond3A_372#4, %cond3A_372#5, %cond3A_372#6, %cond3A_372#7, %cond3A_372#8 : vector<16xf32>, vector<16xf32>, vector<16xf32>, vector<16xf32>, vector<16xi32>, vector<16xi32>, vector<16xi32>, vector<16xi32>, vector<16xf32>
        }
        %dma_wait3A_269 = arith.constant 0 : i32
        %dma_wait3A_270 = arith.constant 0 : i32
        %dma_wait3A_271 = tpu.memref_slice %arg4[%dma_wait3A_269, %dma_wait3A_270] : memref<784x128xf32, #tpu.memory_space<hbm>> -> memref<784x128xf32, #tpu.memory_space<hbm>>
        tpu.wait_indirect_dma semaphore(%arg23 : memref<!tpu.dma_semaphore, #tpu.memory_space<semaphore_mem>>) src(%dma_wait3A_271 : memref<784x128xf32, #tpu.memory_space<hbm>>) dst(%arg11 : memref<64x128xf32, #tpu.memory_space<vmem>>)
        %mul3A_272 = arith.constant 64 : i32
        %mul3A_273 = arith.muli %sub3A_236, %mul3A_272 : i32
        %add3A_274 = arith.constant 0 : i32
        %add3A_275 = arith.addi %mul3A_273, %add3A_274 : i32
        %swap3A_276 = arith.index_cast %add3A_275 : i32 to index
        %swap3A_277 = tpu.vector_load %arg19[%swap3A_276] {strides = array<i32>} : memref<2048xf32, #tpu.memory_space<vmem>>, vector<16xf32>,
        tpu.vector_store %arg19[%swap3A_276], %while3A_268#0 {strides = array<i32>} : memref<2048xf32, #tpu.memory_space<vmem>>, vector<16xf32>,
        %shift_right_arithmetic3A_278 = arith.constant 7 : i32
        %shift_right_arithmetic3A_279 = vector.broadcast %shift_right_arithmetic3A_278 : i32 to vector<16xi32>
        %shift_right_arithmetic3A_280 = arith.shrsi %while3A_268#4, %shift_right_arithmetic3A_279 : vector<16xi32>
        %and3A_281 = arith.constant 127 : i32
        %and3A_282 = vector.broadcast %and3A_281 : i32 to vector<16xi32>
        %and3A_283 = arith.andi %while3A_268#4, %and3A_282 : vector<16xi32>
        %gather3A_284 = tpu.vector_load_idx %arg11[%shift_right_arithmetic3A_280, %and3A_283] : memref<64x128xf32, #tpu.memory_space<vmem>>[vector<16xi32>, vector<16xi32>], vector<16xf32>,
        %mul3A_285 = arith.constant 64 : i32
        %mul3A_286 = arith.muli %sub3A_236, %mul3A_285 : i32
        %add3A_287 = arith.constant 0 : i32
        %add3A_288 = arith.addi %mul3A_286, %add3A_287 : i32
        %swap3A_289 = arith.index_cast %add3A_288 : i32 to index
        %swap3A_290 = tpu.vector_load %arg20[%swap3A_289] {strides = array<i32>} : memref<2048xf32, #tpu.memory_space<vmem>>, vector<16xf32>,
        tpu.vector_store %arg20[%swap3A_289], %gather3A_284 {strides = array<i32>} : memref<2048xf32, #tpu.memory_space<vmem>>, vector<16xf32>,
        %mul3A_291 = arith.constant 64 : i32
        %mul3A_292 = arith.muli %sub3A_236, %mul3A_291 : i32
        %add3A_293 = arith.constant 16 : i32
        %add3A_294 = arith.addi %mul3A_292, %add3A_293 : i32
        %swap3A_295 = arith.index_cast %add3A_294 : i32 to index
        %swap3A_296 = tpu.vector_load %arg19[%swap3A_295] {strides = array<i32>} : memref<2048xf32, #tpu.memory_space<vmem>>, vector<16xf32>,
        tpu.vector_store %arg19[%swap3A_295], %while3A_268#1 {strides = array<i32>} : memref<2048xf32, #tpu.memory_space<vmem>>, vector<16xf32>,
        %shift_right_arithmetic3A_297 = arith.constant 7 : i32
        %shift_right_arithmetic3A_298 = vector.broadcast %shift_right_arithmetic3A_297 : i32 to vector<16xi32>
        %shift_right_arithmetic3A_299 = arith.shrsi %while3A_268#5, %shift_right_arithmetic3A_298 : vector<16xi32>
        %and3A_300 = arith.constant 127 : i32
        %and3A_301 = vector.broadcast %and3A_300 : i32 to vector<16xi32>
        %and3A_302 = arith.andi %while3A_268#5, %and3A_301 : vector<16xi32>
        %gather3A_303 = tpu.vector_load_idx %arg11[%shift_right_arithmetic3A_299, %and3A_302] : memref<64x128xf32, #tpu.memory_space<vmem>>[vector<16xi32>, vector<16xi32>], vector<16xf32>,
        %mul3A_304 = arith.constant 64 : i32
        %mul3A_305 = arith.muli %sub3A_236, %mul3A_304 : i32
        %add3A_306 = arith.constant 16 : i32
        %add3A_307 = arith.addi %mul3A_305, %add3A_306 : i32
        %swap3A_308 = arith.index_cast %add3A_307 : i32 to index
        %swap3A_309 = tpu.vector_load %arg20[%swap3A_308] {strides = array<i32>} : memref<2048xf32, #tpu.memory_space<vmem>>, vector<16xf32>,
        tpu.vector_store %arg20[%swap3A_308], %gather3A_303 {strides = array<i32>} : memref<2048xf32, #tpu.memory_space<vmem>>, vector<16xf32>,
        %mul3A_310 = arith.constant 64 : i32
        %mul3A_311 = arith.muli %sub3A_236, %mul3A_310 : i32
        %add3A_312 = arith.constant 32 : i32
        %add3A_313 = arith.addi %mul3A_311, %add3A_312 : i32
        %swap3A_314 = arith.index_cast %add3A_313 : i32 to index
        %swap3A_315 = tpu.vector_load %arg19[%swap3A_314] {strides = array<i32>} : memref<2048xf32, #tpu.memory_space<vmem>>, vector<16xf32>,
        tpu.vector_store %arg19[%swap3A_314], %while3A_268#2 {strides = array<i32>} : memref<2048xf32, #tpu.memory_space<vmem>>, vector<16xf32>,
        %shift_right_arithmetic3A_316 = arith.constant 7 : i32
        %shift_right_arithmetic3A_317 = vector.broadcast %shift_right_arithmetic3A_316 : i32 to vector<16xi32>
        %shift_right_arithmetic3A_318 = arith.shrsi %while3A_268#6, %shift_right_arithmetic3A_317 : vector<16xi32>
        %and3A_319 = arith.constant 127 : i32
        %and3A_320 = vector.broadcast %and3A_319 : i32 to vector<16xi32>
        %and3A_321 = arith.andi %while3A_268#6, %and3A_320 : vector<16xi32>
        %gather3A_322 = tpu.vector_load_idx %arg11[%shift_right_arithmetic3A_318, %and3A_321] : memref<64x128xf32, #tpu.memory_space<vmem>>[vector<16xi32>, vector<16xi32>], vector<16xf32>,
        %mul3A_323 = arith.constant 64 : i32
        %mul3A_324 = arith.muli %sub3A_236, %mul3A_323 : i32
        %add3A_325 = arith.constant 32 : i32
        %add3A_326 = arith.addi %mul3A_324, %add3A_325 : i32
        %swap3A_327 = arith.index_cast %add3A_326 : i32 to index
        %swap3A_328 = tpu.vector_load %arg20[%swap3A_327] {strides = array<i32>} : memref<2048xf32, #tpu.memory_space<vmem>>, vector<16xf32>,
        tpu.vector_store %arg20[%swap3A_327], %gather3A_322 {strides = array<i32>} : memref<2048xf32, #tpu.memory_space<vmem>>, vector<16xf32>,
        %mul3A_329 = arith.constant 64 : i32
        %mul3A_330 = arith.muli %sub3A_236, %mul3A_329 : i32
        %add3A_331 = arith.constant 48 : i32
        %add3A_332 = arith.addi %mul3A_330, %add3A_331 : i32
        %swap3A_333 = arith.index_cast %add3A_332 : i32 to index
        %swap3A_334 = tpu.vector_load %arg19[%swap3A_333] {strides = array<i32>} : memref<2048xf32, #tpu.memory_space<vmem>>, vector<16xf32>,
        tpu.vector_store %arg19[%swap3A_333], %while3A_268#3 {strides = array<i32>} : memref<2048xf32, #tpu.memory_space<vmem>>, vector<16xf32>,
        %shift_right_arithmetic3A_335 = arith.constant 7 : i32
        %shift_right_arithmetic3A_336 = vector.broadcast %shift_right_arithmetic3A_335 : i32 to vector<16xi32>
        %shift_right_arithmetic3A_337 = arith.shrsi %while3A_268#7, %shift_right_arithmetic3A_336 : vector<16xi32>
        %and3A_338 = arith.constant 127 : i32
        %and3A_339 = vector.broadcast %and3A_338 : i32 to vector<16xi32>
        %and3A_340 = arith.andi %while3A_268#7, %and3A_339 : vector<16xi32>
        %gather3A_341 = tpu.vector_load_idx %arg11[%shift_right_arithmetic3A_337, %and3A_340] : memref<64x128xf32, #tpu.memory_space<vmem>>[vector<16xi32>, vector<16xi32>], vector<16xf32>,
        %mul3A_342 = arith.constant 64 : i32
        %mul3A_343 = arith.muli %sub3A_236, %mul3A_342 : i32
        %add3A_344 = arith.constant 48 : i32
        %add3A_345 = arith.addi %mul3A_343, %add3A_344 : i32
        %swap3A_346 = arith.index_cast %add3A_345 : i32 to index
        %swap3A_347 = tpu.vector_load %arg20[%swap3A_346] {strides = array<i32>} : memref<2048xf32, #tpu.memory_space<vmem>>, vector<16xf32>,
        tpu.vector_store %arg20[%swap3A_346], %gather3A_341 {strides = array<i32>} : memref<2048xf32, #tpu.memory_space<vmem>>, vector<16xf32>,
      } else {
      }
      %dma_start3A_230 = arith.constant 0 : i32
      %dma_start3A_231 = arith.constant 0 : i32
      %dma_start3A_232 = tpu.memref_slice %arg3[%dma_start3A_230, %dma_start3A_231] : memref<802816x128xf32, #tpu.memory_space<hbm>> -> memref<802816x128xf32, #tpu.memory_space<hbm>>
      tpu.enqueue_indirect_dma source(%dma_start3A_232 : memref<802816x128xf32, #tpu.memory_space<hbm>>) target(%arg15 : memref<64x128xf32, #tpu.memory_space<vmem>>) offsets(%arg13 : memref<64xi32, #tpu.memory_space<vmem>>) semaphore(%arg25 : memref<!tpu.dma_semaphore, #tpu.memory_space<semaphore_mem>>)
      %dma_start3A_233 = arith.constant 0 : i32
      %dma_start3A_234 = arith.constant 0 : i32
      %dma_start3A_235 = tpu.memref_slice %arg4[%dma_start3A_233, %dma_start3A_234] : memref<784x128xf32, #tpu.memory_space<hbm>> -> memref<784x128xf32, #tpu.memory_space<hbm>>
      tpu.enqueue_indirect_dma source(%dma_start3A_235 : memref<784x128xf32, #tpu.memory_space<hbm>>) target(%arg16 : memref<64x128xf32, #tpu.memory_space<vmem>>) offsets(%arg14 : memref<64xi32, #tpu.memory_space<vmem>>) semaphore(%arg26 : memref<!tpu.dma_semaphore, #tpu.memory_space<semaphore_mem>>)
      scf.yield %squeeze3A_183 : f32
    }
    %scan3A_14 = arith.constant 16 : i32
    %dma_wait3A = arith.constant 0 : i32
    %dma_wait3A_15 = arith.constant 0 : i32
    %dma_wait3A_16 = tpu.memref_slice %arg3[%dma_wait3A, %dma_wait3A_15] : memref<802816x128xf32, #tpu.memory_space<hbm>> -> memref<802816x128xf32, #tpu.memory_space<hbm>>
    tpu.wait_indirect_dma semaphore(%arg25 : memref<!tpu.dma_semaphore, #tpu.memory_space<semaphore_mem>>) src(%dma_wait3A_16 : memref<802816x128xf32, #tpu.memory_space<hbm>>) dst(%arg15 : memref<64x128xf32, #tpu.memory_space<vmem>>)
    %broadcast_in_dim3A_17 = vector.broadcast %scan3A_13 : f32 to vector<16xf32>
    %scan3A_18 = arith.constant 0 : i32
    %scan3A_19 = arith.constant 0 : i32
    %scan3A_20 = arith.constant 64 : i32
    %scan3A_21 = arith.addi %scan3A_19, %scan3A_20 : i32
    %scan3A_22 = arith.constant 1 : i32
    %scan3A_23 = scf.for %scan3A_92 = %scan3A_19 to %scan3A_21 step %scan3A_22 iter_args(%scan3A_93 = %scan3A_18) -> (i32)  : i32 {
      %broadcast_in_dim3A_94 = vector.broadcast %scan3A_92 : i32 to vector<16xi32>
      %add3A_95 = arith.constant 0 : i32
      %add3A_96 = vector.broadcast %add3A_95 : i32 to vector<16xi32>
      %add3A_97 = arith.addi %add3A_96, %iota3A : vector<16xi32>
      %gather3A_98 = tpu.vector_load_idx %arg15[%broadcast_in_dim3A_94, %add3A_97] : memref<64x128xf32, #tpu.memory_space<vmem>>[vector<16xi32>, vector<16xi32>], vector<16xf32>,
      %le3A = arith.cmpf ole, %gather3A_98, %broadcast_in_dim3A_17 : vector<16xf32>
      %swap3A_99 = arith.index_cast %scan3A_93 : i32 to index
      %swap3A_100 = tpu.vector_load %arg17[%swap3A_99] masked %le3A {strides = array<i32>} : memref<1024xf32, #tpu.memory_space<vmem>>, vector<16xf32>, vector<16xi1>
      tpu.vector_store %arg17[%swap3A_99], %gather3A_98 masked %le3A {strides = array<i32>} : memref<1024xf32, #tpu.memory_space<vmem>>, vector<16xf32>, vector<16xi1>
      %mul3A_101 = arith.constant 128 : i32
      %mul3A_102 = arith.muli %scan3A_92, %mul3A_101 : i32
      %add3A_103 = arith.constant 0 : i32
      %add3A_104 = arith.addi %mul3A_102, %add3A_103 : i32
      %add3A_105 = vector.broadcast %add3A_104 : i32 to vector<16xi32>
      %add3A_106 = arith.addi %add3A_105, %iota3A : vector<16xi32>
      %swap3A_107 = arith.index_cast %scan3A_93 : i32 to index
      %swap3A_108 = tpu.vector_load %arg18[%swap3A_107] masked %le3A {strides = array<i32>} : memref<1024xi32, #tpu.memory_space<vmem>>, vector<16xi32>, vector<16xi1>
      tpu.vector_store %arg18[%swap3A_107], %add3A_106 masked %le3A {strides = array<i32>} : memref<1024xi32, #tpu.memory_space<vmem>>, vector<16xi32>, vector<16xi1>
      %all_reduce_population_count3A = tpu.all_reduce %le3A {dim = 0 : i64, kind = #tpu.reduction_kind<sum>} : vector<16xi1> -> vector<16xi32>
      %slice3A = vector.extract_strided_slice %all_reduce_population_count3A {offsets = [0], sizes = [1], strides = [1]} : vector<16xi32> to vector<1xi32>
      %squeeze3A = vector.extract %slice3A[0] : i32 from vector<1xi32>
      %add3A_109 = arith.addi %scan3A_93, %squeeze3A : i32
      %min3A = arith.constant 1008 : i32
      %min3A_110 = arith.minsi %add3A_109, %min3A : i32
      %add3A_111 = arith.constant 16 : i32
      %add3A_112 = vector.broadcast %add3A_111 : i32 to vector<16xi32>
      %add3A_113 = arith.addi %add3A_112, %iota3A : vector<16xi32>
      %gather3A_114 = tpu.vector_load_idx %arg15[%broadcast_in_dim3A_94, %add3A_113] : memref<64x128xf32, #tpu.memory_space<vmem>>[vector<16xi32>, vector<16xi32>], vector<16xf32>,
      %le3A_115 = arith.cmpf ole, %gather3A_114, %broadcast_in_dim3A_17 : vector<16xf32>
      %swap3A_116 = arith.index_cast %min3A_110 : i32 to index
      %swap3A_117 = tpu.vector_load %arg17[%swap3A_116] masked %le3A_115 {strides = array<i32>} : memref<1024xf32, #tpu.memory_space<vmem>>, vector<16xf32>, vector<16xi1>
      tpu.vector_store %arg17[%swap3A_116], %gather3A_114 masked %le3A_115 {strides = array<i32>} : memref<1024xf32, #tpu.memory_space<vmem>>, vector<16xf32>, vector<16xi1>
      %mul3A_118 = arith.constant 128 : i32
      %mul3A_119 = arith.muli %scan3A_92, %mul3A_118 : i32
      %add3A_120 = arith.constant 16 : i32
      %add3A_121 = arith.addi %mul3A_119, %add3A_120 : i32
      %add3A_122 = vector.broadcast %add3A_121 : i32 to vector<16xi32>
      %add3A_123 = arith.addi %add3A_122, %iota3A : vector<16xi32>
      %swap3A_124 = arith.index_cast %min3A_110 : i32 to index
      %swap3A_125 = tpu.vector_load %arg18[%swap3A_124] masked %le3A_115 {strides = array<i32>} : memref<1024xi32, #tpu.memory_space<vmem>>, vector<16xi32>, vector<16xi1>
      tpu.vector_store %arg18[%swap3A_124], %add3A_123 masked %le3A_115 {strides = array<i32>} : memref<1024xi32, #tpu.memory_space<vmem>>, vector<16xi32>, vector<16xi1>
      %all_reduce_population_count3A_126 = tpu.all_reduce %le3A_115 {dim = 0 : i64, kind = #tpu.reduction_kind<sum>} : vector<16xi1> -> vector<16xi32>
      %slice3A_127 = vector.extract_strided_slice %all_reduce_population_count3A_126 {offsets = [0], sizes = [1], strides = [1]} : vector<16xi32> to vector<1xi32>
      %squeeze3A_128 = vector.extract %slice3A_127[0] : i32 from vector<1xi32>
      %add3A_129 = arith.addi %min3A_110, %squeeze3A_128 : i32
      %min3A_130 = arith.constant 1008 : i32
      %min3A_131 = arith.minsi %add3A_129, %min3A_130 : i32
      %add3A_132 = arith.constant 32 : i32
      %add3A_133 = vector.broadcast %add3A_132 : i32 to vector<16xi32>
      %add3A_134 = arith.addi %add3A_133, %iota3A : vector<16xi32>
      %gather3A_135 = tpu.vector_load_idx %arg15[%broadcast_in_dim3A_94, %add3A_134] : memref<64x128xf32, #tpu.memory_space<vmem>>[vector<16xi32>, vector<16xi32>], vector<16xf32>,
      %le3A_136 = arith.cmpf ole, %gather3A_135, %broadcast_in_dim3A_17 : vector<16xf32>
      %swap3A_137 = arith.index_cast %min3A_131 : i32 to index
      %swap3A_138 = tpu.vector_load %arg17[%swap3A_137] masked %le3A_136 {strides = array<i32>} : memref<1024xf32, #tpu.memory_space<vmem>>, vector<16xf32>, vector<16xi1>
      tpu.vector_store %arg17[%swap3A_137], %gather3A_135 masked %le3A_136 {strides = array<i32>} : memref<1024xf32, #tpu.memory_space<vmem>>, vector<16xf32>, vector<16xi1>
      %mul3A_139 = arith.constant 128 : i32
      %mul3A_140 = arith.muli %scan3A_92, %mul3A_139 : i32
      %add3A_141 = arith.constant 32 : i32
      %add3A_142 = arith.addi %mul3A_140, %add3A_141 : i32
      %add3A_143 = vector.broadcast %add3A_142 : i32 to vector<16xi32>
      %add3A_144 = arith.addi %add3A_143, %iota3A : vector<16xi32>
      %swap3A_145 = arith.index_cast %min3A_131 : i32 to index
      %swap3A_146 = tpu.vector_load %arg18[%swap3A_145] masked %le3A_136 {strides = array<i32>} : memref<1024xi32, #tpu.memory_space<vmem>>, vector<16xi32>, vector<16xi1>
      tpu.vector_store %arg18[%swap3A_145], %add3A_144 masked %le3A_136 {strides = array<i32>} : memref<1024xi32, #tpu.memory_space<vmem>>, vector<16xi32>, vector<16xi1>
      %all_reduce_population_count3A_147 = tpu.all_reduce %le3A_136 {dim = 0 : i64, kind = #tpu.reduction_kind<sum>} : vector<16xi1> -> vector<16xi32>
      %slice3A_148 = vector.extract_strided_slice %all_reduce_population_count3A_147 {offsets = [0], sizes = [1], strides = [1]} : vector<16xi32> to vector<1xi32>
      %squeeze3A_149 = vector.extract %slice3A_148[0] : i32 from vector<1xi32>
      %add3A_150 = arith.addi %min3A_131, %squeeze3A_149 : i32
      %min3A_151 = arith.constant 1008 : i32
      %min3A_152 = arith.minsi %add3A_150, %min3A_151 : i32
      %add3A_153 = arith.constant 48 : i32
      %add3A_154 = vector.broadcast %add3A_153 : i32 to vector<16xi32>
      %add3A_155 = arith.addi %add3A_154, %iota3A : vector<16xi32>
      %gather3A_156 = tpu.vector_load_idx %arg15[%broadcast_in_dim3A_94, %add3A_155] : memref<64x128xf32, #tpu.memory_space<vmem>>[vector<16xi32>, vector<16xi32>], vector<16xf32>,
      %le3A_157 = arith.cmpf ole, %gather3A_156, %broadcast_in_dim3A_17 : vector<16xf32>
      %swap3A_158 = arith.index_cast %min3A_152 : i32 to index
      %swap3A_159 = tpu.vector_load %arg17[%swap3A_158] masked %le3A_157 {strides = array<i32>} : memref<1024xf32, #tpu.memory_space<vmem>>, vector<16xf32>, vector<16xi1>
      tpu.vector_store %arg17[%swap3A_158], %gather3A_156 masked %le3A_157 {strides = array<i32>} : memref<1024xf32, #tpu.memory_space<vmem>>, vector<16xf32>, vector<16xi1>
      %mul3A_160 = arith.constant 128 : i32
      %mul3A_161 = arith.muli %scan3A_92, %mul3A_160 : i32
      %add3A_162 = arith.constant 48 : i32
      %add3A_163 = arith.addi %mul3A_161, %add3A_162 : i32
      %add3A_164 = vector.broadcast %add3A_163 : i32 to vector<16xi32>
      %add3A_165 = arith.addi %add3A_164, %iota3A : vector<16xi32>
      %swap3A_166 = arith.index_cast %min3A_152 : i32 to index
      %swap3A_167 = tpu.vector_load %arg18[%swap3A_166] masked %le3A_157 {strides = array<i32>} : memref<1024xi32, #tpu.memory_space<vmem>>, vector<16xi32>, vector<16xi1>
      tpu.vector_store %arg18[%swap3A_166], %add3A_165 masked %le3A_157 {strides = array<i32>} : memref<1024xi32, #tpu.memory_space<vmem>>, vector<16xi32>, vector<16xi1>
      %all_reduce_population_count3A_168 = tpu.all_reduce %le3A_157 {dim = 0 : i64, kind = #tpu.reduction_kind<sum>} : vector<16xi1> -> vector<16xi32>
      %slice3A_169 = vector.extract_strided_slice %all_reduce_population_count3A_168 {offsets = [0], sizes = [1], strides = [1]} : vector<16xi32> to vector<1xi32>
      %squeeze3A_170 = vector.extract %slice3A_169[0] : i32 from vector<1xi32>
      %add3A_171 = arith.addi %min3A_152, %squeeze3A_170 : i32
      %min3A_172 = arith.constant 1008 : i32
      %min3A_173 = arith.minsi %add3A_171, %min3A_172 : i32
      %add3A_174 = arith.constant 64 : i32
      %add3A_175 = vector.broadcast %add3A_174 : i32 to vector<16xi32>
      %add3A_176 = arith.addi %add3A_175, %iota3A : vector<16xi32>
      %gather3A_177 = tpu.vector_load_idx %arg15[%broadcast_in_dim3A_94, %add3A_176] : memref<64x128xf32, #tpu.memory_space<vmem>>[vector<16xi32>, vector<16xi32>], vector<16xf32>,
      %le3A_178 = arith.cmpf ole, %gather3A_177, %broadcast_in_dim3A_17 : vector<16xf32>
      %swap3A_179 = arith.index_cast %min3A_173 : i32 to index
      %swap3A_180 = tpu.vector_load %arg17[%swap3A_179] masked %le3A_178 {strides = array<i32>} : memref<1024xf32, #tpu.memory_space<vmem>>, vector<16xf32>, vector<16xi1>
      tpu.vector_store %arg17[%swap3A_179], %gather3A_177 masked %le3A_178 {strides = array<i32>} : memref<1024xf32, #tpu.memory_space<vmem>>, vector<16xf32>, vector<16xi1>
      %mul3A_181 = arith.constant 128 : i32
      %mul3A_182 = arith.muli %scan3A_92, %mul3A_181 : i32
      %add3A_183 = arith.constant 64 : i32
      %add3A_184 = arith.addi %mul3A_182, %add3A_183 : i32
      %add3A_185 = vector.broadcast %add3A_184 : i32 to vector<16xi32>
      %add3A_186 = arith.addi %add3A_185, %iota3A : vector<16xi32>
      %swap3A_187 = arith.index_cast %min3A_173 : i32 to index
      %swap3A_188 = tpu.vector_load %arg18[%swap3A_187] masked %le3A_178 {strides = array<i32>} : memref<1024xi32, #tpu.memory_space<vmem>>, vector<16xi32>, vector<16xi1>
      tpu.vector_store %arg18[%swap3A_187], %add3A_186 masked %le3A_178 {strides = array<i32>} : memref<1024xi32, #tpu.memory_space<vmem>>, vector<16xi32>, vector<16xi1>
      %all_reduce_population_count3A_189 = tpu.all_reduce %le3A_178 {dim = 0 : i64, kind = #tpu.reduction_kind<sum>} : vector<16xi1> -> vector<16xi32>
      %slice3A_190 = vector.extract_strided_slice %all_reduce_population_count3A_189 {offsets = [0], sizes = [1], strides = [1]} : vector<16xi32> to vector<1xi32>
      %squeeze3A_191 = vector.extract %slice3A_190[0] : i32 from vector<1xi32>
      %add3A_192 = arith.addi %min3A_173, %squeeze3A_191 : i32
      %min3A_193 = arith.constant 1008 : i32
      %min3A_194 = arith.minsi %add3A_192, %min3A_193 : i32
      %add3A_195 = arith.constant 80 : i32
      %add3A_196 = vector.broadcast %add3A_195 : i32 to vector<16xi32>
      %add3A_197 = arith.addi %add3A_196, %iota3A : vector<16xi32>
      %gather3A_198 = tpu.vector_load_idx %arg15[%broadcast_in_dim3A_94, %add3A_197] : memref<64x128xf32, #tpu.memory_space<vmem>>[vector<16xi32>, vector<16xi32>], vector<16xf32>,
      %le3A_199 = arith.cmpf ole, %gather3A_198, %broadcast_in_dim3A_17 : vector<16xf32>
      %swap3A_200 = arith.index_cast %min3A_194 : i32 to index
      %swap3A_201 = tpu.vector_load %arg17[%swap3A_200] masked %le3A_199 {strides = array<i32>} : memref<1024xf32, #tpu.memory_space<vmem>>, vector<16xf32>, vector<16xi1>
      tpu.vector_store %arg17[%swap3A_200], %gather3A_198 masked %le3A_199 {strides = array<i32>} : memref<1024xf32, #tpu.memory_space<vmem>>, vector<16xf32>, vector<16xi1>
      %mul3A_202 = arith.constant 128 : i32
      %mul3A_203 = arith.muli %scan3A_92, %mul3A_202 : i32
      %add3A_204 = arith.constant 80 : i32
      %add3A_205 = arith.addi %mul3A_203, %add3A_204 : i32
      %add3A_206 = vector.broadcast %add3A_205 : i32 to vector<16xi32>
      %add3A_207 = arith.addi %add3A_206, %iota3A : vector<16xi32>
      %swap3A_208 = arith.index_cast %min3A_194 : i32 to index
      %swap3A_209 = tpu.vector_load %arg18[%swap3A_208] masked %le3A_199 {strides = array<i32>} : memref<1024xi32, #tpu.memory_space<vmem>>, vector<16xi32>, vector<16xi1>
      tpu.vector_store %arg18[%swap3A_208], %add3A_207 masked %le3A_199 {strides = array<i32>} : memref<1024xi32, #tpu.memory_space<vmem>>, vector<16xi32>, vector<16xi1>
      %all_reduce_population_count3A_210 = tpu.all_reduce %le3A_199 {dim = 0 : i64, kind = #tpu.reduction_kind<sum>} : vector<16xi1> -> vector<16xi32>
      %slice3A_211 = vector.extract_strided_slice %all_reduce_population_count3A_210 {offsets = [0], sizes = [1], strides = [1]} : vector<16xi32> to vector<1xi32>
      %squeeze3A_212 = vector.extract %slice3A_211[0] : i32 from vector<1xi32>
      %add3A_213 = arith.addi %min3A_194, %squeeze3A_212 : i32
      %min3A_214 = arith.constant 1008 : i32
      %min3A_215 = arith.minsi %add3A_213, %min3A_214 : i32
      %add3A_216 = arith.constant 96 : i32
      %add3A_217 = vector.broadcast %add3A_216 : i32 to vector<16xi32>
      %add3A_218 = arith.addi %add3A_217, %iota3A : vector<16xi32>
      %gather3A_219 = tpu.vector_load_idx %arg15[%broadcast_in_dim3A_94, %add3A_218] : memref<64x128xf32, #tpu.memory_space<vmem>>[vector<16xi32>, vector<16xi32>], vector<16xf32>,
      %le3A_220 = arith.cmpf ole, %gather3A_219, %broadcast_in_dim3A_17 : vector<16xf32>
      %swap3A_221 = arith.index_cast %min3A_215 : i32 to index
      %swap3A_222 = tpu.vector_load %arg17[%swap3A_221] masked %le3A_220 {strides = array<i32>} : memref<1024xf32, #tpu.memory_space<vmem>>, vector<16xf32>, vector<16xi1>
      tpu.vector_store %arg17[%swap3A_221], %gather3A_219 masked %le3A_220 {strides = array<i32>} : memref<1024xf32, #tpu.memory_space<vmem>>, vector<16xf32>, vector<16xi1>
      %mul3A_223 = arith.constant 128 : i32
      %mul3A_224 = arith.muli %scan3A_92, %mul3A_223 : i32
      %add3A_225 = arith.constant 96 : i32
      %add3A_226 = arith.addi %mul3A_224, %add3A_225 : i32
      %add3A_227 = vector.broadcast %add3A_226 : i32 to vector<16xi32>
      %add3A_228 = arith.addi %add3A_227, %iota3A : vector<16xi32>
      %swap3A_229 = arith.index_cast %min3A_215 : i32 to index
      %swap3A_230 = tpu.vector_load %arg18[%swap3A_229] masked %le3A_220 {strides = array<i32>} : memref<1024xi32, #tpu.memory_space<vmem>>, vector<16xi32>, vector<16xi1>
      tpu.vector_store %arg18[%swap3A_229], %add3A_228 masked %le3A_220 {strides = array<i32>} : memref<1024xi32, #tpu.memory_space<vmem>>, vector<16xi32>, vector<16xi1>
      %all_reduce_population_count3A_231 = tpu.all_reduce %le3A_220 {dim = 0 : i64, kind = #tpu.reduction_kind<sum>} : vector<16xi1> -> vector<16xi32>
      %slice3A_232 = vector.extract_strided_slice %all_reduce_population_count3A_231 {offsets = [0], sizes = [1], strides = [1]} : vector<16xi32> to vector<1xi32>
      %squeeze3A_233 = vector.extract %slice3A_232[0] : i32 from vector<1xi32>
      %add3A_234 = arith.addi %min3A_215, %squeeze3A_233 : i32
      %min3A_235 = arith.constant 1008 : i32
      %min3A_236 = arith.minsi %add3A_234, %min3A_235 : i32
      %add3A_237 = arith.constant 112 : i32
      %add3A_238 = vector.broadcast %add3A_237 : i32 to vector<16xi32>
      %add3A_239 = arith.addi %add3A_238, %iota3A : vector<16xi32>
      %gather3A_240 = tpu.vector_load_idx %arg15[%broadcast_in_dim3A_94, %add3A_239] : memref<64x128xf32, #tpu.memory_space<vmem>>[vector<16xi32>, vector<16xi32>], vector<16xf32>,
      %le3A_241 = arith.cmpf ole, %gather3A_240, %broadcast_in_dim3A_17 : vector<16xf32>
      %swap3A_242 = arith.index_cast %min3A_236 : i32 to index
      %swap3A_243 = tpu.vector_load %arg17[%swap3A_242] masked %le3A_241 {strides = array<i32>} : memref<1024xf32, #tpu.memory_space<vmem>>, vector<16xf32>, vector<16xi1>
      tpu.vector_store %arg17[%swap3A_242], %gather3A_240 masked %le3A_241 {strides = array<i32>} : memref<1024xf32, #tpu.memory_space<vmem>>, vector<16xf32>, vector<16xi1>
      %mul3A_244 = arith.constant 128 : i32
      %mul3A_245 = arith.muli %scan3A_92, %mul3A_244 : i32
      %add3A_246 = arith.constant 112 : i32
      %add3A_247 = arith.addi %mul3A_245, %add3A_246 : i32
      %add3A_248 = vector.broadcast %add3A_247 : i32 to vector<16xi32>
      %add3A_249 = arith.addi %add3A_248, %iota3A : vector<16xi32>
      %swap3A_250 = arith.index_cast %min3A_236 : i32 to index
      %swap3A_251 = tpu.vector_load %arg18[%swap3A_250] masked %le3A_241 {strides = array<i32>} : memref<1024xi32, #tpu.memory_space<vmem>>, vector<16xi32>, vector<16xi1>
      tpu.vector_store %arg18[%swap3A_250], %add3A_249 masked %le3A_241 {strides = array<i32>} : memref<1024xi32, #tpu.memory_space<vmem>>, vector<16xi32>, vector<16xi1>
      %all_reduce_population_count3A_252 = tpu.all_reduce %le3A_241 {dim = 0 : i64, kind = #tpu.reduction_kind<sum>} : vector<16xi1> -> vector<16xi32>
      %slice3A_253 = vector.extract_strided_slice %all_reduce_population_count3A_252 {offsets = [0], sizes = [1], strides = [1]} : vector<16xi32> to vector<1xi32>
      %squeeze3A_254 = vector.extract %slice3A_253[0] : i32 from vector<1xi32>
      %add3A_255 = arith.addi %min3A_236, %squeeze3A_254 : i32
      %min3A_256 = arith.constant 1008 : i32
      %min3A_257 = arith.minsi %add3A_255, %min3A_256 : i32
      scf.yield %min3A_257 : i32
    }
    %scan3A_24 = arith.constant 64 : i32
    %swap3A = arith.index_cast %scan3A_23 : i32 to index
    %swap3A_25 = tpu.vector_load %arg17[%swap3A] {strides = array<i32>} : memref<1024xf32, #tpu.memory_space<vmem>>, vector<16xf32>,
    tpu.vector_store %arg17[%swap3A], %broadcast_in_dim3A_0 {strides = array<i32>} : memref<1024xf32, #tpu.memory_space<vmem>>, vector<16xf32>,
    %add3A_26 = arith.constant 15 : i32
    %add3A_27 = arith.addi %scan3A_23, %add3A_26 : i32
    %shift_right_arithmetic3A = arith.constant 4 : i32
    %shift_right_arithmetic3A_28 = arith.shrsi %add3A_27, %shift_right_arithmetic3A : i32
    %broadcast_in_dim3A_29 = arith.constant 3.000000e+38 : f32
    %broadcast_in_dim3A_30 = vector.broadcast %broadcast_in_dim3A_29 : f32 to vector<16xf32>
    %broadcast_in_dim3A_31 = arith.constant 0 : i32
    %broadcast_in_dim3A_32 = vector.broadcast %broadcast_in_dim3A_31 : i32 to vector<16xi32>
    %while3A = arith.constant 0 : i32
    %while3A_33 = arith.subi %shift_right_arithmetic3A_28, %while3A : i32
    %while3A_34 = arith.addi %while3A, %while3A_33 : i32
    %while3A_35 = arith.constant 1 : i32
    %while3A_36 = arith.divsi %while3A_33, %while3A_35 : i32
    %while3A_37 = arith.muli %while3A_36, %while3A_35 : i32
    %while3A_38 = arith.addi %while3A, %while3A_37 : i32
    %while3A_39 = arith.constant 1 : i32
    %while3A_40:9 = scf.for %while3A_92 = %while3A to %while3A_38 step %while3A_39 iter_args(%while3A_93 = %broadcast_in_dim3A_30, %while3A_94 = %broadcast_in_dim3A_30, %while3A_95 = %broadcast_in_dim3A_30, %while3A_96 = %broadcast_in_dim3A_30, %while3A_97 = %broadcast_in_dim3A_32, %while3A_98 = %broadcast_in_dim3A_32, %while3A_99 = %broadcast_in_dim3A_32, %while3A_100 = %broadcast_in_dim3A_32, %while3A_101 = %broadcast_in_dim3A_30) -> (vector<16xf32>, vector<16xf32>, vector<16xf32>, vector<16xf32>, vector<16xi32>, vector<16xi32>, vector<16xi32>, vector<16xi32>, vector<16xf32>)  : i32 {
      %mul3A_102 = arith.constant 16 : i32
      %mul3A_103 = arith.muli %while3A_92, %mul3A_102 : i32
      %get3A = arith.index_cast %mul3A_103 : i32 to index
      %get3A_104 = tpu.vector_load %arg17[%get3A] {strides = array<i32>} : memref<1024xf32, #tpu.memory_space<vmem>>, vector<16xf32>,
      %mul3A_105 = arith.constant 16 : i32
      %mul3A_106 = arith.muli %while3A_92, %mul3A_105 : i32
      %get3A_107 = arith.index_cast %mul3A_106 : i32 to index
      %get3A_108 = tpu.vector_load %arg18[%get3A_107] {strides = array<i32>} : memref<1024xi32, #tpu.memory_space<vmem>>, vector<16xi32>,
      %lt3A = arith.cmpf olt, %get3A_104, %while3A_101 : vector<16xf32>
      %all_reduce_population_count3A = tpu.all_reduce %lt3A {dim = 0 : i64, kind = #tpu.reduction_kind<sum>} : vector<16xi1> -> vector<16xi32>
      %slice3A = vector.extract_strided_slice %all_reduce_population_count3A {offsets = [0], sizes = [1], strides = [1]} : vector<16xi32> to vector<1xi32>
      %squeeze3A = vector.extract %slice3A[0] : i32 from vector<1xi32>
      %gt3A = arith.constant 0 : i32
      %gt3A_109 = arith.cmpi sgt, %squeeze3A, %gt3A : i32
      %convert_element_type3A = arith.extui %gt3A_109 : i1 to i32
      %cond3A = arith.constant 0 : i32
      %cond3A_110 = arith.cmpi ne, %convert_element_type3A, %cond3A : i32
      %cond3A_111:9 = scf.if %cond3A_110 -> (vector<16xf32>, vector<16xf32>, vector<16xf32>, vector<16xf32>, vector<16xi32>, vector<16xi32>, vector<16xi32>, vector<16xi32>, vector<16xf32>) {
        %masked_sort3A = arith.constant dense<true> : vector<16xi1>
        %masked_sort3A_112, %masked_sort3A_113, %masked_sort3A_114 = tpu.sort %get3A_104, %get3A_108 masked %masked_sort3A : (vector<16xf32>, vector<16xi32>, vector<16xi1>) -> (vector<16xi1>, vector<16xf32>, vector<16xi32>)
        %rev3A = arith.constant 15 : i32
        %rev3A_115 = vector.broadcast %rev3A : i32 to vector<16xi32>
        %rev3A_116 = tpu.iota {dimensions = array<i32: 0>} : vector<16xi32>
        %rev3A_117 = arith.subi %rev3A_115, %rev3A_116 : vector<16xi32>
        %rev3A_118 = tpu.dynamic_gather %masked_sort3A_113[%rev3A_117] in [0] : vector<16xf32>, vector<16xi32> -> vector<16xf32>
        %rev3A_119 = arith.constant 15 : i32
        %rev3A_120 = vector.broadcast %rev3A_119 : i32 to vector<16xi32>
        %rev3A_121 = tpu.iota {dimensions = array<i32: 0>} : vector<16xi32>
        %rev3A_122 = arith.subi %rev3A_120, %rev3A_121 : vector<16xi32>
        %rev3A_123 = tpu.dynamic_gather %masked_sort3A_114[%rev3A_122] in [0] : vector<16xi32>, vector<16xi32> -> vector<16xi32>
        %le3A = arith.cmpf ole, %while3A_93, %rev3A_118 : vector<16xf32>
        %select_n3A = arith.select %le3A, %while3A_93, %rev3A_118 : vector<16xi1>, vector<16xf32>
        %select_n3A_124 = arith.select %le3A, %while3A_97, %rev3A_123 : vector<16xi1>, vector<16xi32>
        %select_n3A_125 = arith.select %le3A, %rev3A_118, %while3A_93 : vector<16xi1>, vector<16xf32>
        %select_n3A_126 = arith.select %le3A, %rev3A_123, %while3A_97 : vector<16xi1>, vector<16xi32>
        %masked_sort3A_127 = arith.constant dense<true> : vector<16xi1>
        %masked_sort3A_128, %masked_sort3A_129, %masked_sort3A_130 = tpu.sort %select_n3A, %select_n3A_124 masked %masked_sort3A_127 : (vector<16xf32>, vector<16xi32>, vector<16xi1>) -> (vector<16xi1>, vector<16xf32>, vector<16xi32>)
        %masked_sort3A_131 = arith.constant dense<true> : vector<16xi1>
        %masked_sort3A_132, %masked_sort3A_133, %masked_sort3A_134 = tpu.sort %select_n3A_125, %select_n3A_126 masked %masked_sort3A_131 : (vector<16xf32>, vector<16xi32>, vector<16xi1>) -> (vector<16xi1>, vector<16xf32>, vector<16xi32>)
        %rev3A_135 = arith.constant 15 : i32
        %rev3A_136 = vector.broadcast %rev3A_135 : i32 to vector<16xi32>
        %rev3A_137 = tpu.iota {dimensions = array<i32: 0>} : vector<16xi32>
        %rev3A_138 = arith.subi %rev3A_136, %rev3A_137 : vector<16xi32>
        %rev3A_139 = tpu.dynamic_gather %masked_sort3A_133[%rev3A_138] in [0] : vector<16xf32>, vector<16xi32> -> vector<16xf32>
        %rev3A_140 = arith.constant 15 : i32
        %rev3A_141 = vector.broadcast %rev3A_140 : i32 to vector<16xi32>
        %rev3A_142 = tpu.iota {dimensions = array<i32: 0>} : vector<16xi32>
        %rev3A_143 = arith.subi %rev3A_141, %rev3A_142 : vector<16xi32>
        %rev3A_144 = tpu.dynamic_gather %masked_sort3A_134[%rev3A_143] in [0] : vector<16xi32>, vector<16xi32> -> vector<16xi32>
        %le3A_145 = arith.cmpf ole, %while3A_94, %rev3A_139 : vector<16xf32>
        %select_n3A_146 = arith.select %le3A_145, %while3A_94, %rev3A_139 : vector<16xi1>, vector<16xf32>
        %select_n3A_147 = arith.select %le3A_145, %while3A_98, %rev3A_144 : vector<16xi1>, vector<16xi32>
        %select_n3A_148 = arith.select %le3A_145, %rev3A_139, %while3A_94 : vector<16xi1>, vector<16xf32>
        %select_n3A_149 = arith.select %le3A_145, %rev3A_144, %while3A_98 : vector<16xi1>, vector<16xi32>
        %masked_sort3A_150 = arith.constant dense<true> : vector<16xi1>
        %masked_sort3A_151, %masked_sort3A_152, %masked_sort3A_153 = tpu.sort %select_n3A_146, %select_n3A_147 masked %masked_sort3A_150 : (vector<16xf32>, vector<16xi32>, vector<16xi1>) -> (vector<16xi1>, vector<16xf32>, vector<16xi32>)
        %masked_sort3A_154 = arith.constant dense<true> : vector<16xi1>
        %masked_sort3A_155, %masked_sort3A_156, %masked_sort3A_157 = tpu.sort %select_n3A_148, %select_n3A_149 masked %masked_sort3A_154 : (vector<16xf32>, vector<16xi32>, vector<16xi1>) -> (vector<16xi1>, vector<16xf32>, vector<16xi32>)
        %rev3A_158 = arith.constant 15 : i32
        %rev3A_159 = vector.broadcast %rev3A_158 : i32 to vector<16xi32>
        %rev3A_160 = tpu.iota {dimensions = array<i32: 0>} : vector<16xi32>
        %rev3A_161 = arith.subi %rev3A_159, %rev3A_160 : vector<16xi32>
        %rev3A_162 = tpu.dynamic_gather %masked_sort3A_156[%rev3A_161] in [0] : vector<16xf32>, vector<16xi32> -> vector<16xf32>
        %rev3A_163 = arith.constant 15 : i32
        %rev3A_164 = vector.broadcast %rev3A_163 : i32 to vector<16xi32>
        %rev3A_165 = tpu.iota {dimensions = array<i32: 0>} : vector<16xi32>
        %rev3A_166 = arith.subi %rev3A_164, %rev3A_165 : vector<16xi32>
        %rev3A_167 = tpu.dynamic_gather %masked_sort3A_157[%rev3A_166] in [0] : vector<16xi32>, vector<16xi32> -> vector<16xi32>
        %le3A_168 = arith.cmpf ole, %while3A_95, %rev3A_162 : vector<16xf32>
        %select_n3A_169 = arith.select %le3A_168, %while3A_95, %rev3A_162 : vector<16xi1>, vector<16xf32>
        %select_n3A_170 = arith.select %le3A_168, %while3A_99, %rev3A_167 : vector<16xi1>, vector<16xi32>
        %select_n3A_171 = arith.select %le3A_168, %rev3A_162, %while3A_95 : vector<16xi1>, vector<16xf32>
        %select_n3A_172 = arith.select %le3A_168, %rev3A_167, %while3A_99 : vector<16xi1>, vector<16xi32>
        %masked_sort3A_173 = arith.constant dense<true> : vector<16xi1>
        %masked_sort3A_174, %masked_sort3A_175, %masked_sort3A_176 = tpu.sort %select_n3A_169, %select_n3A_170 masked %masked_sort3A_173 : (vector<16xf32>, vector<16xi32>, vector<16xi1>) -> (vector<16xi1>, vector<16xf32>, vector<16xi32>)
        %masked_sort3A_177 = arith.constant dense<true> : vector<16xi1>
        %masked_sort3A_178, %masked_sort3A_179, %masked_sort3A_180 = tpu.sort %select_n3A_171, %select_n3A_172 masked %masked_sort3A_177 : (vector<16xf32>, vector<16xi32>, vector<16xi1>) -> (vector<16xi1>, vector<16xf32>, vector<16xi32>)
        %rev3A_181 = arith.constant 15 : i32
        %rev3A_182 = vector.broadcast %rev3A_181 : i32 to vector<16xi32>
        %rev3A_183 = tpu.iota {dimensions = array<i32: 0>} : vector<16xi32>
        %rev3A_184 = arith.subi %rev3A_182, %rev3A_183 : vector<16xi32>
        %rev3A_185 = tpu.dynamic_gather %masked_sort3A_179[%rev3A_184] in [0] : vector<16xf32>, vector<16xi32> -> vector<16xf32>
        %rev3A_186 = arith.constant 15 : i32
        %rev3A_187 = vector.broadcast %rev3A_186 : i32 to vector<16xi32>
        %rev3A_188 = tpu.iota {dimensions = array<i32: 0>} : vector<16xi32>
        %rev3A_189 = arith.subi %rev3A_187, %rev3A_188 : vector<16xi32>
        %rev3A_190 = tpu.dynamic_gather %masked_sort3A_180[%rev3A_189] in [0] : vector<16xi32>, vector<16xi32> -> vector<16xi32>
        %le3A_191 = arith.cmpf ole, %while3A_96, %rev3A_185 : vector<16xf32>
        %select_n3A_192 = arith.select %le3A_191, %while3A_96, %rev3A_185 : vector<16xi1>, vector<16xf32>
        %select_n3A_193 = arith.select %le3A_191, %while3A_100, %rev3A_190 : vector<16xi1>, vector<16xi32>
        %select_n3A_194 = arith.select %le3A_191, %rev3A_185, %while3A_96 : vector<16xi1>, vector<16xf32>
        %select_n3A_195 = arith.select %le3A_191, %rev3A_190, %while3A_100 : vector<16xi1>, vector<16xi32>
        %masked_sort3A_196 = arith.constant dense<true> : vector<16xi1>
        %masked_sort3A_197, %masked_sort3A_198, %masked_sort3A_199 = tpu.sort %select_n3A_192, %select_n3A_193 masked %masked_sort3A_196 : (vector<16xf32>, vector<16xi32>, vector<16xi1>) -> (vector<16xi1>, vector<16xf32>, vector<16xi32>)
        %masked_sort3A_200 = arith.constant dense<true> : vector<16xi1>
        %masked_sort3A_201, %masked_sort3A_202, %masked_sort3A_203 = tpu.sort %select_n3A_194, %select_n3A_195 masked %masked_sort3A_200 : (vector<16xf32>, vector<16xi32>, vector<16xi1>) -> (vector<16xi1>, vector<16xf32>, vector<16xi32>)
        %slice3A_204 = vector.extract_strided_slice %masked_sort3A_198 {offsets = [15], sizes = [1], strides = [1]} : vector<16xf32> to vector<1xf32>
        %squeeze3A_205 = vector.extract %slice3A_204[0] : f32 from vector<1xf32>
        %broadcast_in_dim3A_206 = vector.broadcast %squeeze3A_205 : f32 to vector<16xf32>
        scf.yield %masked_sort3A_129, %masked_sort3A_152, %masked_sort3A_175, %masked_sort3A_198, %masked_sort3A_130, %masked_sort3A_153, %masked_sort3A_176, %masked_sort3A_199, %broadcast_in_dim3A_206 : vector<16xf32>, vector<16xf32>, vector<16xf32>, vector<16xf32>, vector<16xi32>, vector<16xi32>, vector<16xi32>, vector<16xi32>, vector<16xf32>
      } else {
        scf.yield %while3A_93, %while3A_94, %while3A_95, %while3A_96, %while3A_97, %while3A_98, %while3A_99, %while3A_100, %while3A_101 : vector<16xf32>, vector<16xf32>, vector<16xf32>, vector<16xf32>, vector<16xi32>, vector<16xi32>, vector<16xi32>, vector<16xi32>, vector<16xf32>
      }
      scf.yield %cond3A_111#0, %cond3A_111#1, %cond3A_111#2, %cond3A_111#3, %cond3A_111#4, %cond3A_111#5, %cond3A_111#6, %cond3A_111#7, %cond3A_111#8 : vector<16xf32>, vector<16xf32>, vector<16xf32>, vector<16xf32>, vector<16xi32>, vector<16xi32>, vector<16xi32>, vector<16xi32>, vector<16xf32>
    }
    %while3A_41 = arith.constant 1 : i32
    %while3A_42:9 = scf.for %while3A_92 = %while3A_38 to %while3A_34 step %while3A_41 iter_args(%while3A_93 = %while3A_40#0, %while3A_94 = %while3A_40#1, %while3A_95 = %while3A_40#2, %while3A_96 = %while3A_40#3, %while3A_97 = %while3A_40#4, %while3A_98 = %while3A_40#5, %while3A_99 = %while3A_40#6, %while3A_100 = %while3A_40#7, %while3A_101 = %while3A_40#8) -> (vector<16xf32>, vector<16xf32>, vector<16xf32>, vector<16xf32>, vector<16xi32>, vector<16xi32>, vector<16xi32>, vector<16xi32>, vector<16xf32>)  : i32 {
      %mul3A_102 = arith.constant 16 : i32
      %mul3A_103 = arith.muli %while3A_92, %mul3A_102 : i32
      %get3A = arith.index_cast %mul3A_103 : i32 to index
      %get3A_104 = tpu.vector_load %arg17[%get3A] {strides = array<i32>} : memref<1024xf32, #tpu.memory_space<vmem>>, vector<16xf32>,
      %mul3A_105 = arith.constant 16 : i32
      %mul3A_106 = arith.muli %while3A_92, %mul3A_105 : i32
      %get3A_107 = arith.index_cast %mul3A_106 : i32 to index
      %get3A_108 = tpu.vector_load %arg18[%get3A_107] {strides = array<i32>} : memref<1024xi32, #tpu.memory_space<vmem>>, vector<16xi32>,
      %lt3A = arith.cmpf olt, %get3A_104, %while3A_101 : vector<16xf32>
      %all_reduce_population_count3A = tpu.all_reduce %lt3A {dim = 0 : i64, kind = #tpu.reduction_kind<sum>} : vector<16xi1> -> vector<16xi32>
      %slice3A = vector.extract_strided_slice %all_reduce_population_count3A {offsets = [0], sizes = [1], strides = [1]} : vector<16xi32> to vector<1xi32>
      %squeeze3A = vector.extract %slice3A[0] : i32 from vector<1xi32>
      %gt3A = arith.constant 0 : i32
      %gt3A_109 = arith.cmpi sgt, %squeeze3A, %gt3A : i32
      %convert_element_type3A = arith.extui %gt3A_109 : i1 to i32
      %cond3A = arith.constant 0 : i32
      %cond3A_110 = arith.cmpi ne, %convert_element_type3A, %cond3A : i32
      %cond3A_111:9 = scf.if %cond3A_110 -> (vector<16xf32>, vector<16xf32>, vector<16xf32>, vector<16xf32>, vector<16xi32>, vector<16xi32>, vector<16xi32>, vector<16xi32>, vector<16xf32>) {
        %masked_sort3A = arith.constant dense<true> : vector<16xi1>
        %masked_sort3A_112, %masked_sort3A_113, %masked_sort3A_114 = tpu.sort %get3A_104, %get3A_108 masked %masked_sort3A : (vector<16xf32>, vector<16xi32>, vector<16xi1>) -> (vector<16xi1>, vector<16xf32>, vector<16xi32>)
        %rev3A = arith.constant 15 : i32
        %rev3A_115 = vector.broadcast %rev3A : i32 to vector<16xi32>
        %rev3A_116 = tpu.iota {dimensions = array<i32: 0>} : vector<16xi32>
        %rev3A_117 = arith.subi %rev3A_115, %rev3A_116 : vector<16xi32>
        %rev3A_118 = tpu.dynamic_gather %masked_sort3A_113[%rev3A_117] in [0] : vector<16xf32>, vector<16xi32> -> vector<16xf32>
        %rev3A_119 = arith.constant 15 : i32
        %rev3A_120 = vector.broadcast %rev3A_119 : i32 to vector<16xi32>
        %rev3A_121 = tpu.iota {dimensions = array<i32: 0>} : vector<16xi32>
        %rev3A_122 = arith.subi %rev3A_120, %rev3A_121 : vector<16xi32>
        %rev3A_123 = tpu.dynamic_gather %masked_sort3A_114[%rev3A_122] in [0] : vector<16xi32>, vector<16xi32> -> vector<16xi32>
        %le3A = arith.cmpf ole, %while3A_93, %rev3A_118 : vector<16xf32>
        %select_n3A = arith.select %le3A, %while3A_93, %rev3A_118 : vector<16xi1>, vector<16xf32>
        %select_n3A_124 = arith.select %le3A, %while3A_97, %rev3A_123 : vector<16xi1>, vector<16xi32>
        %select_n3A_125 = arith.select %le3A, %rev3A_118, %while3A_93 : vector<16xi1>, vector<16xf32>
        %select_n3A_126 = arith.select %le3A, %rev3A_123, %while3A_97 : vector<16xi1>, vector<16xi32>
        %masked_sort3A_127 = arith.constant dense<true> : vector<16xi1>
        %masked_sort3A_128, %masked_sort3A_129, %masked_sort3A_130 = tpu.sort %select_n3A, %select_n3A_124 masked %masked_sort3A_127 : (vector<16xf32>, vector<16xi32>, vector<16xi1>) -> (vector<16xi1>, vector<16xf32>, vector<16xi32>)
        %masked_sort3A_131 = arith.constant dense<true> : vector<16xi1>
        %masked_sort3A_132, %masked_sort3A_133, %masked_sort3A_134 = tpu.sort %select_n3A_125, %select_n3A_126 masked %masked_sort3A_131 : (vector<16xf32>, vector<16xi32>, vector<16xi1>) -> (vector<16xi1>, vector<16xf32>, vector<16xi32>)
        %rev3A_135 = arith.constant 15 : i32
        %rev3A_136 = vector.broadcast %rev3A_135 : i32 to vector<16xi32>
        %rev3A_137 = tpu.iota {dimensions = array<i32: 0>} : vector<16xi32>
        %rev3A_138 = arith.subi %rev3A_136, %rev3A_137 : vector<16xi32>
        %rev3A_139 = tpu.dynamic_gather %masked_sort3A_133[%rev3A_138] in [0] : vector<16xf32>, vector<16xi32> -> vector<16xf32>
        %rev3A_140 = arith.constant 15 : i32
        %rev3A_141 = vector.broadcast %rev3A_140 : i32 to vector<16xi32>
        %rev3A_142 = tpu.iota {dimensions = array<i32: 0>} : vector<16xi32>
        %rev3A_143 = arith.subi %rev3A_141, %rev3A_142 : vector<16xi32>
        %rev3A_144 = tpu.dynamic_gather %masked_sort3A_134[%rev3A_143] in [0] : vector<16xi32>, vector<16xi32> -> vector<16xi32>
        %le3A_145 = arith.cmpf ole, %while3A_94, %rev3A_139 : vector<16xf32>
        %select_n3A_146 = arith.select %le3A_145, %while3A_94, %rev3A_139 : vector<16xi1>, vector<16xf32>
        %select_n3A_147 = arith.select %le3A_145, %while3A_98, %rev3A_144 : vector<16xi1>, vector<16xi32>
        %select_n3A_148 = arith.select %le3A_145, %rev3A_139, %while3A_94 : vector<16xi1>, vector<16xf32>
        %select_n3A_149 = arith.select %le3A_145, %rev3A_144, %while3A_98 : vector<16xi1>, vector<16xi32>
        %masked_sort3A_150 = arith.constant dense<true> : vector<16xi1>
        %masked_sort3A_151, %masked_sort3A_152, %masked_sort3A_153 = tpu.sort %select_n3A_146, %select_n3A_147 masked %masked_sort3A_150 : (vector<16xf32>, vector<16xi32>, vector<16xi1>) -> (vector<16xi1>, vector<16xf32>, vector<16xi32>)
        %masked_sort3A_154 = arith.constant dense<true> : vector<16xi1>
        %masked_sort3A_155, %masked_sort3A_156, %masked_sort3A_157 = tpu.sort %select_n3A_148, %select_n3A_149 masked %masked_sort3A_154 : (vector<16xf32>, vector<16xi32>, vector<16xi1>) -> (vector<16xi1>, vector<16xf32>, vector<16xi32>)
        %rev3A_158 = arith.constant 15 : i32
        %rev3A_159 = vector.broadcast %rev3A_158 : i32 to vector<16xi32>
        %rev3A_160 = tpu.iota {dimensions = array<i32: 0>} : vector<16xi32>
        %rev3A_161 = arith.subi %rev3A_159, %rev3A_160 : vector<16xi32>
        %rev3A_162 = tpu.dynamic_gather %masked_sort3A_156[%rev3A_161] in [0] : vector<16xf32>, vector<16xi32> -> vector<16xf32>
        %rev3A_163 = arith.constant 15 : i32
        %rev3A_164 = vector.broadcast %rev3A_163 : i32 to vector<16xi32>
        %rev3A_165 = tpu.iota {dimensions = array<i32: 0>} : vector<16xi32>
        %rev3A_166 = arith.subi %rev3A_164, %rev3A_165 : vector<16xi32>
        %rev3A_167 = tpu.dynamic_gather %masked_sort3A_157[%rev3A_166] in [0] : vector<16xi32>, vector<16xi32> -> vector<16xi32>
        %le3A_168 = arith.cmpf ole, %while3A_95, %rev3A_162 : vector<16xf32>
        %select_n3A_169 = arith.select %le3A_168, %while3A_95, %rev3A_162 : vector<16xi1>, vector<16xf32>
        %select_n3A_170 = arith.select %le3A_168, %while3A_99, %rev3A_167 : vector<16xi1>, vector<16xi32>
        %select_n3A_171 = arith.select %le3A_168, %rev3A_162, %while3A_95 : vector<16xi1>, vector<16xf32>
        %select_n3A_172 = arith.select %le3A_168, %rev3A_167, %while3A_99 : vector<16xi1>, vector<16xi32>
        %masked_sort3A_173 = arith.constant dense<true> : vector<16xi1>
        %masked_sort3A_174, %masked_sort3A_175, %masked_sort3A_176 = tpu.sort %select_n3A_169, %select_n3A_170 masked %masked_sort3A_173 : (vector<16xf32>, vector<16xi32>, vector<16xi1>) -> (vector<16xi1>, vector<16xf32>, vector<16xi32>)
        %masked_sort3A_177 = arith.constant dense<true> : vector<16xi1>
        %masked_sort3A_178, %masked_sort3A_179, %masked_sort3A_180 = tpu.sort %select_n3A_171, %select_n3A_172 masked %masked_sort3A_177 : (vector<16xf32>, vector<16xi32>, vector<16xi1>) -> (vector<16xi1>, vector<16xf32>, vector<16xi32>)
        %rev3A_181 = arith.constant 15 : i32
        %rev3A_182 = vector.broadcast %rev3A_181 : i32 to vector<16xi32>
        %rev3A_183 = tpu.iota {dimensions = array<i32: 0>} : vector<16xi32>
        %rev3A_184 = arith.subi %rev3A_182, %rev3A_183 : vector<16xi32>
        %rev3A_185 = tpu.dynamic_gather %masked_sort3A_179[%rev3A_184] in [0] : vector<16xf32>, vector<16xi32> -> vector<16xf32>
        %rev3A_186 = arith.constant 15 : i32
        %rev3A_187 = vector.broadcast %rev3A_186 : i32 to vector<16xi32>
        %rev3A_188 = tpu.iota {dimensions = array<i32: 0>} : vector<16xi32>
        %rev3A_189 = arith.subi %rev3A_187, %rev3A_188 : vector<16xi32>
        %rev3A_190 = tpu.dynamic_gather %masked_sort3A_180[%rev3A_189] in [0] : vector<16xi32>, vector<16xi32> -> vector<16xi32>
        %le3A_191 = arith.cmpf ole, %while3A_96, %rev3A_185 : vector<16xf32>
        %select_n3A_192 = arith.select %le3A_191, %while3A_96, %rev3A_185 : vector<16xi1>, vector<16xf32>
        %select_n3A_193 = arith.select %le3A_191, %while3A_100, %rev3A_190 : vector<16xi1>, vector<16xi32>
        %select_n3A_194 = arith.select %le3A_191, %rev3A_185, %while3A_96 : vector<16xi1>, vector<16xf32>
        %select_n3A_195 = arith.select %le3A_191, %rev3A_190, %while3A_100 : vector<16xi1>, vector<16xi32>
        %masked_sort3A_196 = arith.constant dense<true> : vector<16xi1>
        %masked_sort3A_197, %masked_sort3A_198, %masked_sort3A_199 = tpu.sort %select_n3A_192, %select_n3A_193 masked %masked_sort3A_196 : (vector<16xf32>, vector<16xi32>, vector<16xi1>) -> (vector<16xi1>, vector<16xf32>, vector<16xi32>)
        %masked_sort3A_200 = arith.constant dense<true> : vector<16xi1>
        %masked_sort3A_201, %masked_sort3A_202, %masked_sort3A_203 = tpu.sort %select_n3A_194, %select_n3A_195 masked %masked_sort3A_200 : (vector<16xf32>, vector<16xi32>, vector<16xi1>) -> (vector<16xi1>, vector<16xf32>, vector<16xi32>)
        %slice3A_204 = vector.extract_strided_slice %masked_sort3A_198 {offsets = [15], sizes = [1], strides = [1]} : vector<16xf32> to vector<1xf32>
        %squeeze3A_205 = vector.extract %slice3A_204[0] : f32 from vector<1xf32>
        %broadcast_in_dim3A_206 = vector.broadcast %squeeze3A_205 : f32 to vector<16xf32>
        scf.yield %masked_sort3A_129, %masked_sort3A_152, %masked_sort3A_175, %masked_sort3A_198, %masked_sort3A_130, %masked_sort3A_153, %masked_sort3A_176, %masked_sort3A_199, %broadcast_in_dim3A_206 : vector<16xf32>, vector<16xf32>, vector<16xf32>, vector<16xf32>, vector<16xi32>, vector<16xi32>, vector<16xi32>, vector<16xi32>, vector<16xf32>
      } else {
        scf.yield %while3A_93, %while3A_94, %while3A_95, %while3A_96, %while3A_97, %while3A_98, %while3A_99, %while3A_100, %while3A_101 : vector<16xf32>, vector<16xf32>, vector<16xf32>, vector<16xf32>, vector<16xi32>, vector<16xi32>, vector<16xi32>, vector<16xi32>, vector<16xf32>
      }
      scf.yield %cond3A_111#0, %cond3A_111#1, %cond3A_111#2, %cond3A_111#3, %cond3A_111#4, %cond3A_111#5, %cond3A_111#6, %cond3A_111#7, %cond3A_111#8 : vector<16xf32>, vector<16xf32>, vector<16xf32>, vector<16xf32>, vector<16xi32>, vector<16xi32>, vector<16xi32>, vector<16xi32>, vector<16xf32>
    }
    %dma_wait3A_43 = arith.constant 0 : i32
    %dma_wait3A_44 = arith.constant 0 : i32
    %dma_wait3A_45 = tpu.memref_slice %arg4[%dma_wait3A_43, %dma_wait3A_44] : memref<784x128xf32, #tpu.memory_space<hbm>> -> memref<784x128xf32, #tpu.memory_space<hbm>>
    tpu.wait_indirect_dma semaphore(%arg26 : memref<!tpu.dma_semaphore, #tpu.memory_space<semaphore_mem>>) src(%dma_wait3A_45 : memref<784x128xf32, #tpu.memory_space<hbm>>) dst(%arg16 : memref<64x128xf32, #tpu.memory_space<vmem>>)
    %swap3A_46 = arith.constant 1984 : index
    %swap3A_47 = tpu.vector_load %arg19[%swap3A_46] {strides = array<i32>} : memref<2048xf32, #tpu.memory_space<vmem>>, vector<16xf32>,
    tpu.vector_store %arg19[%swap3A_46], %while3A_42#0 {strides = array<i32>} : memref<2048xf32, #tpu.memory_space<vmem>>, vector<16xf32>,
    %shift_right_arithmetic3A_48 = arith.constant 7 : i32
    %shift_right_arithmetic3A_49 = vector.broadcast %shift_right_arithmetic3A_48 : i32 to vector<16xi32>
    %shift_right_arithmetic3A_50 = arith.shrsi %while3A_42#4, %shift_right_arithmetic3A_49 : vector<16xi32>
    %and3A = arith.constant 127 : i32
    %and3A_51 = vector.broadcast %and3A : i32 to vector<16xi32>
    %and3A_52 = arith.andi %while3A_42#4, %and3A_51 : vector<16xi32>
    %gather3A = tpu.vector_load_idx %arg16[%shift_right_arithmetic3A_50, %and3A_52] : memref<64x128xf32, #tpu.memory_space<vmem>>[vector<16xi32>, vector<16xi32>], vector<16xf32>,
    %swap3A_53 = arith.constant 1984 : index
    %swap3A_54 = tpu.vector_load %arg20[%swap3A_53] {strides = array<i32>} : memref<2048xf32, #tpu.memory_space<vmem>>, vector<16xf32>,
    tpu.vector_store %arg20[%swap3A_53], %gather3A {strides = array<i32>} : memref<2048xf32, #tpu.memory_space<vmem>>, vector<16xf32>,
    %swap3A_55 = arith.constant 2000 : index
    %swap3A_56 = tpu.vector_load %arg19[%swap3A_55] {strides = array<i32>} : memref<2048xf32, #tpu.memory_space<vmem>>, vector<16xf32>,
    tpu.vector_store %arg19[%swap3A_55], %while3A_42#1 {strides = array<i32>} : memref<2048xf32, #tpu.memory_space<vmem>>, vector<16xf32>,
    %shift_right_arithmetic3A_57 = arith.constant 7 : i32
    %shift_right_arithmetic3A_58 = vector.broadcast %shift_right_arithmetic3A_57 : i32 to vector<16xi32>
    %shift_right_arithmetic3A_59 = arith.shrsi %while3A_42#5, %shift_right_arithmetic3A_58 : vector<16xi32>
    %and3A_60 = arith.constant 127 : i32
    %and3A_61 = vector.broadcast %and3A_60 : i32 to vector<16xi32>
    %and3A_62 = arith.andi %while3A_42#5, %and3A_61 : vector<16xi32>
    %gather3A_63 = tpu.vector_load_idx %arg16[%shift_right_arithmetic3A_59, %and3A_62] : memref<64x128xf32, #tpu.memory_space<vmem>>[vector<16xi32>, vector<16xi32>], vector<16xf32>,
    %swap3A_64 = arith.constant 2000 : index
    %swap3A_65 = tpu.vector_load %arg20[%swap3A_64] {strides = array<i32>} : memref<2048xf32, #tpu.memory_space<vmem>>, vector<16xf32>,
    tpu.vector_store %arg20[%swap3A_64], %gather3A_63 {strides = array<i32>} : memref<2048xf32, #tpu.memory_space<vmem>>, vector<16xf32>,
    %swap3A_66 = arith.constant 2016 : index
    %swap3A_67 = tpu.vector_load %arg19[%swap3A_66] {strides = array<i32>} : memref<2048xf32, #tpu.memory_space<vmem>>, vector<16xf32>,
    tpu.vector_store %arg19[%swap3A_66], %while3A_42#2 {strides = array<i32>} : memref<2048xf32, #tpu.memory_space<vmem>>, vector<16xf32>,
    %shift_right_arithmetic3A_68 = arith.constant 7 : i32
    %shift_right_arithmetic3A_69 = vector.broadcast %shift_right_arithmetic3A_68 : i32 to vector<16xi32>
    %shift_right_arithmetic3A_70 = arith.shrsi %while3A_42#6, %shift_right_arithmetic3A_69 : vector<16xi32>
    %and3A_71 = arith.constant 127 : i32
    %and3A_72 = vector.broadcast %and3A_71 : i32 to vector<16xi32>
    %and3A_73 = arith.andi %while3A_42#6, %and3A_72 : vector<16xi32>
    %gather3A_74 = tpu.vector_load_idx %arg16[%shift_right_arithmetic3A_70, %and3A_73] : memref<64x128xf32, #tpu.memory_space<vmem>>[vector<16xi32>, vector<16xi32>], vector<16xf32>,
    %swap3A_75 = arith.constant 2016 : index
    %swap3A_76 = tpu.vector_load %arg20[%swap3A_75] {strides = array<i32>} : memref<2048xf32, #tpu.memory_space<vmem>>, vector<16xf32>,
    tpu.vector_store %arg20[%swap3A_75], %gather3A_74 {strides = array<i32>} : memref<2048xf32, #tpu.memory_space<vmem>>, vector<16xf32>,
    %swap3A_77 = arith.constant 2032 : index
    %swap3A_78 = tpu.vector_load %arg19[%swap3A_77] {strides = array<i32>} : memref<2048xf32, #tpu.memory_space<vmem>>, vector<16xf32>,
    tpu.vector_store %arg19[%swap3A_77], %while3A_42#3 {strides = array<i32>} : memref<2048xf32, #tpu.memory_space<vmem>>, vector<16xf32>,
    %shift_right_arithmetic3A_79 = arith.constant 7 : i32
    %shift_right_arithmetic3A_80 = vector.broadcast %shift_right_arithmetic3A_79 : i32 to vector<16xi32>
    %shift_right_arithmetic3A_81 = arith.shrsi %while3A_42#7, %shift_right_arithmetic3A_80 : vector<16xi32>
    %and3A_82 = arith.constant 127 : i32
    %and3A_83 = vector.broadcast %and3A_82 : i32 to vector<16xi32>
    %and3A_84 = arith.andi %while3A_42#7, %and3A_83 : vector<16xi32>
    %gather3A_85 = tpu.vector_load_idx %arg16[%shift_right_arithmetic3A_81, %and3A_84] : memref<64x128xf32, #tpu.memory_space<vmem>>[vector<16xi32>, vector<16xi32>], vector<16xf32>,
    %swap3A_86 = arith.constant 2032 : index
    %swap3A_87 = tpu.vector_load %arg20[%swap3A_86] {strides = array<i32>} : memref<2048xf32, #tpu.memory_space<vmem>>, vector<16xf32>,
    tpu.vector_store %arg20[%swap3A_86], %gather3A_85 {strides = array<i32>} : memref<2048xf32, #tpu.memory_space<vmem>>, vector<16xf32>,
    %mul3A_88 = arith.constant 64 : i32
    %mul3A_89 = arith.muli %mul3A_3, %mul3A_88 : i32
    "tpu.region"() ({
      %run_scoped3A = tpu.sem_alloc : memref<!tpu.dma_semaphore, #tpu.memory_space<semaphore_mem>>
      %dma_start3A_92 = tpu.memref_slice %arg5[%mul3A_89] : memref<65536xf32, #tpu.memory_space<hbm>> -> memref<2048xf32, #tpu.memory_space<hbm>>
      %dma_start3A_93 = tpu.memref_slice %arg5[%mul3A_89] : memref<65536xf32, #tpu.memory_space<hbm>> -> memref<2048xf32, #tpu.memory_space<hbm>>
      tpu.enqueue_dma source(%arg19 : memref<2048xf32, #tpu.memory_space<vmem>>) target(%dma_start3A_93 : memref<2048xf32, #tpu.memory_space<hbm>>) target_semaphore(%run_scoped3A : memref<!tpu.dma_semaphore, #tpu.memory_space<semaphore_mem>>)
      %dma_wait3A_94 = tpu.memref_slice %arg5[%mul3A_89] : memref<65536xf32, #tpu.memory_space<hbm>> -> memref<2048xf32, #tpu.memory_space<hbm>>
      %dma_wait3A_95 = tpu.memref_slice %arg5[%mul3A_89] : memref<65536xf32, #tpu.memory_space<hbm>> -> memref<2048xf32, #tpu.memory_space<hbm>>
      tpu.wait_dma2 semaphore(%run_scoped3A : memref<!tpu.dma_semaphore, #tpu.memory_space<semaphore_mem>>) src(%arg19 : memref<2048xf32, #tpu.memory_space<vmem>>) dst(%dma_wait3A_95 : memref<2048xf32, #tpu.memory_space<hbm>>)
      tpu.yield
    }) : () -> ()
    %mul3A_90 = arith.constant 64 : i32
    %mul3A_91 = arith.muli %mul3A_3, %mul3A_90 : i32
    "tpu.region"() ({
      %run_scoped3A = tpu.sem_alloc : memref<!tpu.dma_semaphore, #tpu.memory_space<semaphore_mem>>
      %dma_start3A_92 = tpu.memref_slice %arg6[%mul3A_91] : memref<65536xf32, #tpu.memory_space<hbm>> -> memref<2048xf32, #tpu.memory_space<hbm>>
      %dma_start3A_93 = tpu.memref_slice %arg6[%mul3A_91] : memref<65536xf32, #tpu.memory_space<hbm>> -> memref<2048xf32, #tpu.memory_space<hbm>>
      tpu.enqueue_dma source(%arg20 : memref<2048xf32, #tpu.memory_space<vmem>>) target(%dma_start3A_93 : memref<2048xf32, #tpu.memory_space<hbm>>) target_semaphore(%run_scoped3A : memref<!tpu.dma_semaphore, #tpu.memory_space<semaphore_mem>>)
      %dma_wait3A_94 = tpu.memref_slice %arg6[%mul3A_91] : memref<65536xf32, #tpu.memory_space<hbm>> -> memref<2048xf32, #tpu.memory_space<hbm>>
      %dma_wait3A_95 = tpu.memref_slice %arg6[%mul3A_91] : memref<65536xf32, #tpu.memory_space<hbm>> -> memref<2048xf32, #tpu.memory_space<hbm>>
      tpu.wait_dma2 semaphore(%run_scoped3A : memref<!tpu.dma_semaphore, #tpu.memory_space<semaphore_mem>>) src(%arg20 : memref<2048xf32, #tpu.memory_space<vmem>>) dst(%dma_wait3A_95 : memref<2048xf32, #tpu.memory_space<hbm>>)
      tpu.yield
    }) : () -> ()
    return
  }
}

module attributes {stable_mosaic.version = 14 : i64} {
  func.func @_qmean_body(%arg0: i32, %arg1: memref<128x200x32xf32, #tpu.memory_space<vmem>>, %arg2: memref<128x32xf32, #tpu.memory_space<vmem>>) attributes {dimension_semantics = [#tpu.dimension_semantics<arbitrary>], iteration_bounds = array<i64: 8>, scalar_prefetch = 0 : i64, scratch_operands = 0 : i64, tpu.core_type = #tpu.core_type<tc>, window_params = [{transform_indices = @transform_0, window_bounds = array<i64: 128, 200, 32>}, {transform_indices = @transform_1, window_bounds = array<i64: 128, 32>}]} {
    %get3A = arith.constant 0 : index
    %get3A_0 = arith.constant 0 : index
    %get3A_1 = arith.constant 0 : index
    %get3A_2 = vector.load %arg1[%get3A, %get3A_0, %get3A_1] : memref<128x200x32xf32, #tpu.memory_space<vmem>>, vector<128x200x32xf32>
    %reduce_sum3A = arith.constant dense<0.000000e+00> : vector<128x32xf32>
    %reduce_sum3A_3 = vector.multi_reduction <add>, %get3A_2, %reduce_sum3A [1] : vector<128x200x32xf32> to vector<128x32xf32>
    %div3A = arith.constant 2.000000e+02 : f32
    %div3A_4 = vector.broadcast %div3A : f32 to vector<128x32xf32>
    %div3A_5 = arith.divf %reduce_sum3A_3, %div3A_4 : vector<128x32xf32>
    %swap3A = arith.constant 0 : index
    %swap3A_6 = arith.constant 0 : index
    %swap3A_7 = vector.load %arg2[%swap3A, %swap3A_6] : memref<128x32xf32, #tpu.memory_space<vmem>>, vector<128x32xf32>
    tpu.vector_store %arg2[%swap3A, %swap3A_6], %div3A_5 {strides = array<i32>} : memref<128x32xf32, #tpu.memory_space<vmem>>, vector<128x32xf32>,
    return
  }
  func.func @transform_0(%arg0: i32) -> (i32, i32, i32) {
    %c0_i32 = arith.constant 0 : i32
    %c0_i32_0 = arith.constant 0 : i32
    %c0_i32_1 = arith.constant 0 : i32
    return %arg0, %c0_i32, %c0_i32_0 : i32, i32, i32
  }
  func.func @transform_1(%arg0: i32) -> (i32, i32) {
    %c0_i32 = arith.constant 0 : i32
    %c0_i32_0 = arith.constant 0 : i32
    return %arg0, %c0_i32 : i32, i32
  }
}

module attributes {stable_mosaic.version = 14 : i64} {
  func.func @_dist_body(%arg0: i32, %arg1: memref<1024x32xf32, #tpu.memory_space<vmem>>, %arg2: memref<32x2048xf32, #tpu.memory_space<vmem>>, %arg3: memref<16384x128xf32, #tpu.memory_space<vmem>>, %arg4: memref<1x1024x16xf32, #tpu.memory_space<vmem>>) attributes {dimension_semantics = [#tpu.dimension_semantics<arbitrary>], iteration_bounds = array<i64: 49>, scalar_prefetch = 0 : i64, scratch_operands = 0 : i64, tpu.core_type = #tpu.core_type<tc>, window_params = [{pipeline_mode = #tpu.pipeline_mode<synchronous>, transform_indices = @transform_0, window_bounds = array<i64: 1024, 32>}, {transform_indices = @transform_1, window_bounds = array<i64: 32, 2048>}, {transform_indices = @transform_2, window_bounds = array<i64: 16384, 128>}, {transform_indices = @transform_3, window_bounds = array<i64: 1, 1024, 16>}]} {
    %get3A = arith.constant 0 : index
    %get3A_0 = arith.constant 0 : index
    %get3A_1 = vector.load %arg1[%get3A, %get3A_0] : memref<1024x32xf32, #tpu.memory_space<vmem>>, vector<1024x32xf32>
    %get3A_2 = arith.constant 0 : index
    %get3A_3 = arith.constant 0 : index
    %get3A_4 = vector.load %arg2[%get3A_2, %get3A_3] : memref<32x2048xf32, #tpu.memory_space<vmem>>, vector<32x2048xf32>
    %dot_general3A = arith.constant dense<0.000000e+00> : vector<1024x2048xf32>
    %dot_general3A_5 = tpu.matmul %get3A_1, %get3A_4, %dot_general3A {dimension_numbers = #tpu.dot_dimension_numbers<[1], [0], [0], [1], [0, 0, 1, 1], [], []>, transpose_lhs_hint = false} : vector<1024x32xf32>, vector<32x2048xf32>, vector<1024x2048xf32> -> vector<1024x2048xf32>
    %mul3A = arith.mulf %get3A_1, %get3A_1 : vector<1024x32xf32>
    %reduce_sum3A = arith.constant dense<0.000000e+00> : vector<1024xf32>
    %reduce_sum3A_6 = vector.multi_reduction <add>, %mul3A, %reduce_sum3A [1] : vector<1024x32xf32> to vector<1024xf32>
    %broadcast_in_dim3A = vector.shape_cast %reduce_sum3A_6 : vector<1024xf32> to vector<1024x1xf32>
    %mul3A_7 = arith.mulf %get3A_4, %get3A_4 : vector<32x2048xf32>
    %reduce_sum3A_8 = arith.constant dense<0.000000e+00> : vector<2048xf32>
    %reduce_sum3A_9 = vector.multi_reduction <add>, %mul3A_7, %reduce_sum3A_8 [0] : vector<32x2048xf32> to vector<2048xf32>
    %broadcast_in_dim3A_10 = vector.shape_cast %reduce_sum3A_9 : vector<2048xf32> to vector<1x2048xf32>
    %add3A = vector.broadcast %broadcast_in_dim3A : vector<1024x1xf32> to vector<1024x2048xf32>
    %add3A_11 = vector.broadcast %broadcast_in_dim3A_10 : vector<1x2048xf32> to vector<1024x2048xf32>
    %add3A_12 = arith.addf %add3A, %add3A_11 : vector<1024x2048xf32>
    %mul3A_13 = arith.constant 2.000000e+00 : f32
    %mul3A_14 = vector.broadcast %mul3A_13 : f32 to vector<1024x2048xf32>
    %mul3A_15 = arith.mulf %mul3A_14, %dot_general3A_5 : vector<1024x2048xf32>
    %sub3A = arith.subf %add3A_12, %mul3A_15 : vector<1024x2048xf32>
    %mul3A_16 = arith.constant 2048 : i32
    %mul3A_17 = arith.muli %arg0, %mul3A_16 : i32
    %iota3A = tpu.iota {dimensions = array<i32: 1>} : vector<1x2048xi32>
    %add3A_18 = vector.broadcast %mul3A_17 : i32 to vector<1x2048xi32>
    %add3A_19 = arith.addi %add3A_18, %iota3A : vector<1x2048xi32>
    %lt3A = arith.constant 100000 : i32
    %lt3A_20 = vector.broadcast %lt3A : i32 to vector<1x2048xi32>
    %lt3A_21 = arith.cmpi slt, %add3A_19, %lt3A_20 : vector<1x2048xi32>
    %jit3A = arith.constant 1.000000e+30 : f32
    %broadcast_in_dim3A_22 = vector.shape_cast %lt3A_21 : vector<1x2048xi1> to vector<1x2048xi1>
    %broadcast_in_dim3A_23 = vector.broadcast %broadcast_in_dim3A_22 : vector<1x2048xi1> to vector<1024x2048xi1>
    %broadcast_in_dim3A_24 = vector.broadcast %jit3A : f32 to vector<1024x2048xf32>
    %select_n3A = arith.select %broadcast_in_dim3A_23, %sub3A, %broadcast_in_dim3A_24 : vector<1024x2048xi1>, vector<1024x2048xf32>
    %slice3A = vector.extract_strided_slice %select_n3A {offsets = [0, 0], sizes = [1024, 128], strides = [1, 1]} : vector<1024x2048xf32> to vector<1024x128xf32>
    %swap3A = arith.constant 0 : index
    %swap3A_25 = arith.constant 0 : index
    %swap3A_26 = vector.load %arg3[%swap3A, %swap3A_25] : memref<16384x128xf32, #tpu.memory_space<vmem>>, vector<1024x128xf32>
    tpu.vector_store %arg3[%swap3A, %swap3A_25], %slice3A {strides = array<i32>} : memref<16384x128xf32, #tpu.memory_space<vmem>>, vector<1024x128xf32>,
    %slice3A_27 = vector.extract_strided_slice %select_n3A {offsets = [0, 128], sizes = [1024, 128], strides = [1, 1]} : vector<1024x2048xf32> to vector<1024x128xf32>
    %swap3A_28 = arith.constant 1024 : index
    %swap3A_29 = arith.constant 0 : index
    %swap3A_30 = vector.load %arg3[%swap3A_28, %swap3A_29] : memref<16384x128xf32, #tpu.memory_space<vmem>>, vector<1024x128xf32>
    tpu.vector_store %arg3[%swap3A_28, %swap3A_29], %slice3A_27 {strides = array<i32>} : memref<16384x128xf32, #tpu.memory_space<vmem>>, vector<1024x128xf32>,
    %slice3A_31 = vector.extract_strided_slice %select_n3A {offsets = [0, 256], sizes = [1024, 128], strides = [1, 1]} : vector<1024x2048xf32> to vector<1024x128xf32>
    %swap3A_32 = arith.constant 2048 : index
    %swap3A_33 = arith.constant 0 : index
    %swap3A_34 = vector.load %arg3[%swap3A_32, %swap3A_33] : memref<16384x128xf32, #tpu.memory_space<vmem>>, vector<1024x128xf32>
    tpu.vector_store %arg3[%swap3A_32, %swap3A_33], %slice3A_31 {strides = array<i32>} : memref<16384x128xf32, #tpu.memory_space<vmem>>, vector<1024x128xf32>,
    %slice3A_35 = vector.extract_strided_slice %select_n3A {offsets = [0, 384], sizes = [1024, 128], strides = [1, 1]} : vector<1024x2048xf32> to vector<1024x128xf32>
    %swap3A_36 = arith.constant 3072 : index
    %swap3A_37 = arith.constant 0 : index
    %swap3A_38 = vector.load %arg3[%swap3A_36, %swap3A_37] : memref<16384x128xf32, #tpu.memory_space<vmem>>, vector<1024x128xf32>
    tpu.vector_store %arg3[%swap3A_36, %swap3A_37], %slice3A_35 {strides = array<i32>} : memref<16384x128xf32, #tpu.memory_space<vmem>>, vector<1024x128xf32>,
    %slice3A_39 = vector.extract_strided_slice %select_n3A {offsets = [0, 512], sizes = [1024, 128], strides = [1, 1]} : vector<1024x2048xf32> to vector<1024x128xf32>
    %swap3A_40 = arith.constant 4096 : index
    %swap3A_41 = arith.constant 0 : index
    %swap3A_42 = vector.load %arg3[%swap3A_40, %swap3A_41] : memref<16384x128xf32, #tpu.memory_space<vmem>>, vector<1024x128xf32>
    tpu.vector_store %arg3[%swap3A_40, %swap3A_41], %slice3A_39 {strides = array<i32>} : memref<16384x128xf32, #tpu.memory_space<vmem>>, vector<1024x128xf32>,
    %slice3A_43 = vector.extract_strided_slice %select_n3A {offsets = [0, 640], sizes = [1024, 128], strides = [1, 1]} : vector<1024x2048xf32> to vector<1024x128xf32>
    %swap3A_44 = arith.constant 5120 : index
    %swap3A_45 = arith.constant 0 : index
    %swap3A_46 = vector.load %arg3[%swap3A_44, %swap3A_45] : memref<16384x128xf32, #tpu.memory_space<vmem>>, vector<1024x128xf32>
    tpu.vector_store %arg3[%swap3A_44, %swap3A_45], %slice3A_43 {strides = array<i32>} : memref<16384x128xf32, #tpu.memory_space<vmem>>, vector<1024x128xf32>,
    %slice3A_47 = vector.extract_strided_slice %select_n3A {offsets = [0, 768], sizes = [1024, 128], strides = [1, 1]} : vector<1024x2048xf32> to vector<1024x128xf32>
    %swap3A_48 = arith.constant 6144 : index
    %swap3A_49 = arith.constant 0 : index
    %swap3A_50 = vector.load %arg3[%swap3A_48, %swap3A_49] : memref<16384x128xf32, #tpu.memory_space<vmem>>, vector<1024x128xf32>
    tpu.vector_store %arg3[%swap3A_48, %swap3A_49], %slice3A_47 {strides = array<i32>} : memref<16384x128xf32, #tpu.memory_space<vmem>>, vector<1024x128xf32>,
    %slice3A_51 = vector.extract_strided_slice %select_n3A {offsets = [0, 896], sizes = [1024, 128], strides = [1, 1]} : vector<1024x2048xf32> to vector<1024x128xf32>
    %swap3A_52 = arith.constant 7168 : index
    %swap3A_53 = arith.constant 0 : index
    %swap3A_54 = vector.load %arg3[%swap3A_52, %swap3A_53] : memref<16384x128xf32, #tpu.memory_space<vmem>>, vector<1024x128xf32>
    tpu.vector_store %arg3[%swap3A_52, %swap3A_53], %slice3A_51 {strides = array<i32>} : memref<16384x128xf32, #tpu.memory_space<vmem>>, vector<1024x128xf32>,
    %slice3A_55 = vector.extract_strided_slice %select_n3A {offsets = [0, 1024], sizes = [1024, 128], strides = [1, 1]} : vector<1024x2048xf32> to vector<1024x128xf32>
    %swap3A_56 = arith.constant 8192 : index
    %swap3A_57 = arith.constant 0 : index
    %swap3A_58 = vector.load %arg3[%swap3A_56, %swap3A_57] : memref<16384x128xf32, #tpu.memory_space<vmem>>, vector<1024x128xf32>
    tpu.vector_store %arg3[%swap3A_56, %swap3A_57], %slice3A_55 {strides = array<i32>} : memref<16384x128xf32, #tpu.memory_space<vmem>>, vector<1024x128xf32>,
    %slice3A_59 = vector.extract_strided_slice %select_n3A {offsets = [0, 1152], sizes = [1024, 128], strides = [1, 1]} : vector<1024x2048xf32> to vector<1024x128xf32>
    %swap3A_60 = arith.constant 9216 : index
    %swap3A_61 = arith.constant 0 : index
    %swap3A_62 = vector.load %arg3[%swap3A_60, %swap3A_61] : memref<16384x128xf32, #tpu.memory_space<vmem>>, vector<1024x128xf32>
    tpu.vector_store %arg3[%swap3A_60, %swap3A_61], %slice3A_59 {strides = array<i32>} : memref<16384x128xf32, #tpu.memory_space<vmem>>, vector<1024x128xf32>,
    %slice3A_63 = vector.extract_strided_slice %select_n3A {offsets = [0, 1280], sizes = [1024, 128], strides = [1, 1]} : vector<1024x2048xf32> to vector<1024x128xf32>
    %swap3A_64 = arith.constant 10240 : index
    %swap3A_65 = arith.constant 0 : index
    %swap3A_66 = vector.load %arg3[%swap3A_64, %swap3A_65] : memref<16384x128xf32, #tpu.memory_space<vmem>>, vector<1024x128xf32>
    tpu.vector_store %arg3[%swap3A_64, %swap3A_65], %slice3A_63 {strides = array<i32>} : memref<16384x128xf32, #tpu.memory_space<vmem>>, vector<1024x128xf32>,
    %slice3A_67 = vector.extract_strided_slice %select_n3A {offsets = [0, 1408], sizes = [1024, 128], strides = [1, 1]} : vector<1024x2048xf32> to vector<1024x128xf32>
    %swap3A_68 = arith.constant 11264 : index
    %swap3A_69 = arith.constant 0 : index
    %swap3A_70 = vector.load %arg3[%swap3A_68, %swap3A_69] : memref<16384x128xf32, #tpu.memory_space<vmem>>, vector<1024x128xf32>
    tpu.vector_store %arg3[%swap3A_68, %swap3A_69], %slice3A_67 {strides = array<i32>} : memref<16384x128xf32, #tpu.memory_space<vmem>>, vector<1024x128xf32>,
    %slice3A_71 = vector.extract_strided_slice %select_n3A {offsets = [0, 1536], sizes = [1024, 128], strides = [1, 1]} : vector<1024x2048xf32> to vector<1024x128xf32>
    %swap3A_72 = arith.constant 12288 : index
    %swap3A_73 = arith.constant 0 : index
    %swap3A_74 = vector.load %arg3[%swap3A_72, %swap3A_73] : memref<16384x128xf32, #tpu.memory_space<vmem>>, vector<1024x128xf32>
    tpu.vector_store %arg3[%swap3A_72, %swap3A_73], %slice3A_71 {strides = array<i32>} : memref<16384x128xf32, #tpu.memory_space<vmem>>, vector<1024x128xf32>,
    %slice3A_75 = vector.extract_strided_slice %select_n3A {offsets = [0, 1664], sizes = [1024, 128], strides = [1, 1]} : vector<1024x2048xf32> to vector<1024x128xf32>
    %swap3A_76 = arith.constant 13312 : index
    %swap3A_77 = arith.constant 0 : index
    %swap3A_78 = vector.load %arg3[%swap3A_76, %swap3A_77] : memref<16384x128xf32, #tpu.memory_space<vmem>>, vector<1024x128xf32>
    tpu.vector_store %arg3[%swap3A_76, %swap3A_77], %slice3A_75 {strides = array<i32>} : memref<16384x128xf32, #tpu.memory_space<vmem>>, vector<1024x128xf32>,
    %slice3A_79 = vector.extract_strided_slice %select_n3A {offsets = [0, 1792], sizes = [1024, 128], strides = [1, 1]} : vector<1024x2048xf32> to vector<1024x128xf32>
    %swap3A_80 = arith.constant 14336 : index
    %swap3A_81 = arith.constant 0 : index
    %swap3A_82 = vector.load %arg3[%swap3A_80, %swap3A_81] : memref<16384x128xf32, #tpu.memory_space<vmem>>, vector<1024x128xf32>
    tpu.vector_store %arg3[%swap3A_80, %swap3A_81], %slice3A_79 {strides = array<i32>} : memref<16384x128xf32, #tpu.memory_space<vmem>>, vector<1024x128xf32>,
    %slice3A_83 = vector.extract_strided_slice %select_n3A {offsets = [0, 1920], sizes = [1024, 128], strides = [1, 1]} : vector<1024x2048xf32> to vector<1024x128xf32>
    %swap3A_84 = arith.constant 15360 : index
    %swap3A_85 = arith.constant 0 : index
    %swap3A_86 = vector.load %arg3[%swap3A_84, %swap3A_85] : memref<16384x128xf32, #tpu.memory_space<vmem>>, vector<1024x128xf32>
    tpu.vector_store %arg3[%swap3A_84, %swap3A_85], %slice3A_83 {strides = array<i32>} : memref<16384x128xf32, #tpu.memory_space<vmem>>, vector<1024x128xf32>,
    %reshape3A = vector.shape_cast %select_n3A : vector<1024x2048xf32> to vector<1024x16x128xf32>
    %reduce_min3A = arith.constant dense<0x7F800000> : vector<1024x16xf32>
    %reduce_min3A_87 = vector.multi_reduction <minimumf>, %reshape3A, %reduce_min3A [2] : vector<1024x16x128xf32> to vector<1024x16xf32>
    %broadcast_in_dim3A_88 = vector.shape_cast %reduce_min3A_87 : vector<1024x16xf32> to vector<1x1024x16xf32>
    %swap3A_89 = arith.constant 0 : index
    %swap3A_90 = arith.constant 0 : index
    %swap3A_91 = arith.constant 0 : index
    %swap3A_92 = vector.load %arg4[%swap3A_89, %swap3A_90, %swap3A_91] : memref<1x1024x16xf32, #tpu.memory_space<vmem>>, vector<1x1024x16xf32>
    tpu.vector_store %arg4[%swap3A_89, %swap3A_90, %swap3A_91], %broadcast_in_dim3A_88 {strides = array<i32>} : memref<1x1024x16xf32, #tpu.memory_space<vmem>>, vector<1x1024x16xf32>,
    return
  }
  func.func @transform_0(%arg0: i32) -> (i32, i32) {
    %c0_i32 = arith.constant 0 : i32
    %c0_i32_0 = arith.constant 0 : i32
    %c0_i32_1 = arith.constant 0 : i32
    return %c0_i32, %c0_i32_0 : i32, i32
  }
  func.func @transform_1(%arg0: i32) -> (i32, i32) {
    %c0_i32 = arith.constant 0 : i32
    %c0_i32_0 = arith.constant 0 : i32
    return %c0_i32, %arg0 : i32, i32
  }
  func.func @transform_2(%arg0: i32) -> (i32, i32) {
    %c0_i32 = arith.constant 0 : i32
    %c0_i32_0 = arith.constant 0 : i32
    return %arg0, %c0_i32 : i32, i32
  }
  func.func @transform_3(%arg0: i32) -> (i32, i32, i32) {
    %c0_i32 = arith.constant 0 : i32
    %c0_i32_0 = arith.constant 0 : i32
    %c0_i32_1 = arith.constant 0 : i32
    return %arg0, %c0_i32, %c0_i32_0 : i32, i32, i32
  }
}

module attributes {stable_mosaic.version = 14 : i64} {
  func.func @_mlp_body(%arg0: i32, %arg1: memref<1024x64xf32, #tpu.memory_space<vmem>>, %arg2: memref<1024x64xf32, #tpu.memory_space<vmem>>, %arg3: memref<1024x1xf32, #tpu.memory_space<vmem>>, %arg4: memref<60x128xf32, #tpu.memory_space<vmem>>, %arg5: memref<1x128xf32, #tpu.memory_space<vmem>>, %arg6: memref<128x60xf32, #tpu.memory_space<vmem>>, %arg7: memref<1x60xf32, #tpu.memory_space<vmem>>, %arg8: memref<62x128xf32, #tpu.memory_space<vmem>>, %arg9: memref<1x128xf32, #tpu.memory_space<vmem>>, %arg10: memref<128x2xf32, #tpu.memory_space<vmem>>, %arg11: memref<1x2xf32, #tpu.memory_space<vmem>>, %arg12: memref<1024x1xf32, #tpu.memory_space<vmem>>) attributes {dimension_semantics = [#tpu.dimension_semantics<arbitrary>], iteration_bounds = array<i64: 1>, scalar_prefetch = 0 : i64, scratch_operands = 0 : i64, tpu.core_type = #tpu.core_type<tc>, window_params = [{pipeline_mode = #tpu.pipeline_mode<synchronous>, transform_indices = @transform_0, window_bounds = array<i64: 1024, 64>}, {pipeline_mode = #tpu.pipeline_mode<synchronous>, transform_indices = @transform_1, window_bounds = array<i64: 1024, 64>}, {pipeline_mode = #tpu.pipeline_mode<synchronous>, transform_indices = @transform_2, window_bounds = array<i64: 1024, 1>}, {pipeline_mode = #tpu.pipeline_mode<synchronous>, transform_indices = @transform_3, window_bounds = array<i64: 60, 128>}, {pipeline_mode = #tpu.pipeline_mode<synchronous>, transform_indices = @transform_4, window_bounds = array<i64: 1, 128>}, {pipeline_mode = #tpu.pipeline_mode<synchronous>, transform_indices = @transform_5, window_bounds = array<i64: 128, 60>}, {pipeline_mode = #tpu.pipeline_mode<synchronous>, transform_indices = @transform_6, window_bounds = array<i64: 1, 60>}, {pipeline_mode = #tpu.pipeline_mode<synchronous>, transform_indices = @transform_7, window_bounds = array<i64: 62, 128>}, {pipeline_mode = #tpu.pipeline_mode<synchronous>, transform_indices = @transform_8, window_bounds = array<i64: 1, 128>}, {pipeline_mode = #tpu.pipeline_mode<synchronous>, transform_indices = @transform_9, window_bounds = array<i64: 128, 2>}, {pipeline_mode = #tpu.pipeline_mode<synchronous>, transform_indices = @transform_10, window_bounds = array<i64: 1, 2>}, {pipeline_mode = #tpu.pipeline_mode<synchronous>, transform_indices = @transform_11, window_bounds = array<i64: 1024, 1>}]} {
    %get3A = arith.constant 0 : index
    %get3A_0 = arith.constant 0 : index
    %get3A_1 = vector.load %arg1[%get3A, %get3A_0] : memref<1024x64xf32, #tpu.memory_space<vmem>>, vector<1024x64xf32>
    %slice3A = vector.extract_strided_slice %get3A_1 {offsets = [0, 0], sizes = [1024, 60], strides = [1, 1]} : vector<1024x64xf32> to vector<1024x60xf32>
    %get3A_2 = arith.constant 0 : index
    %get3A_3 = arith.constant 0 : index
    %get3A_4 = vector.load %arg2[%get3A_2, %get3A_3] : memref<1024x64xf32, #tpu.memory_space<vmem>>, vector<1024x64xf32>
    %slice3A_5 = vector.extract_strided_slice %get3A_4 {offsets = [0, 0], sizes = [1024, 60], strides = [1, 1]} : vector<1024x64xf32> to vector<1024x60xf32>
    %get3A_6 = arith.constant 0 : index
    %get3A_7 = arith.constant 0 : index
    %get3A_8 = vector.load %arg3[%get3A_6, %get3A_7] : memref<1024x1xf32, #tpu.memory_space<vmem>>, vector<1024x1xf32>
    %get3A_9 = arith.constant 0 : index
    %get3A_10 = arith.constant 0 : index
    %get3A_11 = vector.load %arg4[%get3A_9, %get3A_10] : memref<60x128xf32, #tpu.memory_space<vmem>>, vector<60x128xf32>
    %dot_general3A = arith.constant dense<0.000000e+00> : vector<1024x128xf32>
    %dot_general3A_12 = tpu.matmul %slice3A, %get3A_11, %dot_general3A {dimension_numbers = #tpu.dot_dimension_numbers<[1], [0], [0], [1], [0, 0, 1, 1], [], []>, transpose_lhs_hint = false} : vector<1024x60xf32>, vector<60x128xf32>, vector<1024x128xf32> -> vector<1024x128xf32>
    %get3A_13 = arith.constant 0 : index
    %get3A_14 = arith.constant 0 : index
    %get3A_15 = vector.load %arg5[%get3A_13, %get3A_14] : memref<1x128xf32, #tpu.memory_space<vmem>>, vector<1x128xf32>
    %add3A = vector.broadcast %get3A_15 : vector<1x128xf32> to vector<1024x128xf32>
    %add3A_16 = arith.addf %dot_general3A_12, %add3A : vector<1024x128xf32>
    %max3A = arith.constant 0.000000e+00 : f32
    %max3A_17 = vector.broadcast %max3A : f32 to vector<1024x128xf32>
    %max3A_18 = arith.maximumf %add3A_16, %max3A_17 : vector<1024x128xf32>
    %get3A_19 = arith.constant 0 : index
    %get3A_20 = arith.constant 0 : index
    %get3A_21 = vector.load %arg6[%get3A_19, %get3A_20] : memref<128x60xf32, #tpu.memory_space<vmem>>, vector<128x60xf32>
    %dot_general3A_22 = arith.constant dense<0.000000e+00> : vector<1024x60xf32>
    %dot_general3A_23 = tpu.matmul %max3A_18, %get3A_21, %dot_general3A_22 {dimension_numbers = #tpu.dot_dimension_numbers<[1], [0], [0], [1], [0, 0, 1, 1], [], []>, transpose_lhs_hint = false} : vector<1024x128xf32>, vector<128x60xf32>, vector<1024x60xf32> -> vector<1024x60xf32>
    %get3A_24 = arith.constant 0 : index
    %get3A_25 = arith.constant 0 : index
    %get3A_26 = vector.load %arg7[%get3A_24, %get3A_25] : memref<1x60xf32, #tpu.memory_space<vmem>>, vector<1x60xf32>
    %add3A_27 = vector.broadcast %get3A_26 : vector<1x60xf32> to vector<1024x60xf32>
    %add3A_28 = arith.addf %dot_general3A_23, %add3A_27 : vector<1024x60xf32>
    %reduce_max3A = arith.constant dense<0xFF800000> : vector<1024xf32>
    %reduce_max3A_29 = vector.multi_reduction <maximumf>, %add3A_28, %reduce_max3A [1] : vector<1024x60xf32> to vector<1024xf32>
    %broadcast_in_dim3A = vector.shape_cast %reduce_max3A_29 : vector<1024xf32> to vector<1024x1xf32>
    %sub3A = vector.broadcast %broadcast_in_dim3A : vector<1024x1xf32> to vector<1024x60xf32>
    %sub3A_30 = arith.subf %add3A_28, %sub3A : vector<1024x60xf32>
    %exp3A = math.exp %sub3A_30 : vector<1024x60xf32>
    %reduce_sum3A = arith.constant dense<0.000000e+00> : vector<1024xf32>
    %reduce_sum3A_31 = vector.multi_reduction <add>, %exp3A, %reduce_sum3A [1] : vector<1024x60xf32> to vector<1024xf32>
    %broadcast_in_dim3A_32 = vector.shape_cast %reduce_sum3A_31 : vector<1024xf32> to vector<1024x1xf32>
    %div3A = vector.broadcast %broadcast_in_dim3A_32 : vector<1024x1xf32> to vector<1024x60xf32>
    %div3A_33 = arith.divf %exp3A, %div3A : vector<1024x60xf32>
    %mul3A = arith.mulf %div3A_33, %slice3A_5 : vector<1024x60xf32>
    %reduce_sum3A_34 = arith.constant dense<0.000000e+00> : vector<1024xf32>
    %reduce_sum3A_35 = vector.multi_reduction <add>, %mul3A, %reduce_sum3A_34 [1] : vector<1024x60xf32> to vector<1024xf32>
    %broadcast_in_dim3A_36 = vector.shape_cast %reduce_sum3A_35 : vector<1024xf32> to vector<1024x1xf32>
    %get3A_37 = arith.constant 0 : index
    %get3A_38 = arith.constant 0 : index
    %get3A_39 = vector.load %arg8[%get3A_37, %get3A_38] : memref<62x128xf32, #tpu.memory_space<vmem>>, vector<62x128xf32>
    %slice3A_40 = vector.extract_strided_slice %get3A_39 {offsets = [0, 0], sizes = [1, 128], strides = [1, 1]} : vector<62x128xf32> to vector<1x128xf32>
    %mul3A_41 = vector.broadcast %get3A_8 : vector<1024x1xf32> to vector<1024x128xf32>
    %mul3A_42 = vector.broadcast %slice3A_40 : vector<1x128xf32> to vector<1024x128xf32>
    %mul3A_43 = arith.mulf %mul3A_41, %mul3A_42 : vector<1024x128xf32>
    %slice3A_44 = vector.extract_strided_slice %get3A_39 {offsets = [1, 0], sizes = [1, 128], strides = [1, 1]} : vector<62x128xf32> to vector<1x128xf32>
    %mul3A_45 = vector.broadcast %broadcast_in_dim3A_36 : vector<1024x1xf32> to vector<1024x128xf32>
    %mul3A_46 = vector.broadcast %slice3A_44 : vector<1x128xf32> to vector<1024x128xf32>
    %mul3A_47 = arith.mulf %mul3A_45, %mul3A_46 : vector<1024x128xf32>
    %add3A_48 = arith.addf %mul3A_43, %mul3A_47 : vector<1024x128xf32>
    %slice3A_49 = vector.extract_strided_slice %get3A_39 {offsets = [2, 0], sizes = [60, 128], strides = [1, 1]} : vector<62x128xf32> to vector<60x128xf32>
    %dot_general3A_50 = arith.constant dense<0.000000e+00> : vector<1024x128xf32>
    %dot_general3A_51 = tpu.matmul %slice3A, %slice3A_49, %dot_general3A_50 {dimension_numbers = #tpu.dot_dimension_numbers<[1], [0], [0], [1], [0, 0, 1, 1], [], []>, transpose_lhs_hint = false} : vector<1024x60xf32>, vector<60x128xf32>, vector<1024x128xf32> -> vector<1024x128xf32>
    %add3A_52 = arith.addf %add3A_48, %dot_general3A_51 : vector<1024x128xf32>
    %get3A_53 = arith.constant 0 : index
    %get3A_54 = arith.constant 0 : index
    %get3A_55 = vector.load %arg9[%get3A_53, %get3A_54] : memref<1x128xf32, #tpu.memory_space<vmem>>, vector<1x128xf32>
    %add3A_56 = vector.broadcast %get3A_55 : vector<1x128xf32> to vector<1024x128xf32>
    %add3A_57 = arith.addf %add3A_52, %add3A_56 : vector<1024x128xf32>
    %max3A_58 = arith.constant 0.000000e+00 : f32
    %max3A_59 = vector.broadcast %max3A_58 : f32 to vector<1024x128xf32>
    %max3A_60 = arith.maximumf %add3A_57, %max3A_59 : vector<1024x128xf32>
    %get3A_61 = arith.constant 0 : index
    %get3A_62 = arith.constant 0 : index
    %get3A_63 = vector.load %arg10[%get3A_61, %get3A_62] : memref<128x2xf32, #tpu.memory_space<vmem>>, vector<128x2xf32>
    %dot_general3A_64 = arith.constant dense<0.000000e+00> : vector<1024x2xf32>
    %dot_general3A_65 = tpu.matmul %max3A_60, %get3A_63, %dot_general3A_64 {dimension_numbers = #tpu.dot_dimension_numbers<[1], [0], [0], [1], [0, 0, 1, 1], [], []>, transpose_lhs_hint = false} : vector<1024x128xf32>, vector<128x2xf32>, vector<1024x2xf32> -> vector<1024x2xf32>
    %get3A_66 = arith.constant 0 : index
    %get3A_67 = arith.constant 0 : index
    %get3A_68 = vector.load %arg11[%get3A_66, %get3A_67] : memref<1x2xf32, #tpu.memory_space<vmem>>, vector<1x2xf32>
    %add3A_69 = vector.broadcast %get3A_68 : vector<1x2xf32> to vector<1024x2xf32>
    %add3A_70 = arith.addf %dot_general3A_65, %add3A_69 : vector<1024x2xf32>
    %reduce_max3A_71 = arith.constant dense<0xFF800000> : vector<1024xf32>
    %reduce_max3A_72 = vector.multi_reduction <maximumf>, %add3A_70, %reduce_max3A_71 [1] : vector<1024x2xf32> to vector<1024xf32>
    %broadcast_in_dim3A_73 = vector.shape_cast %reduce_max3A_72 : vector<1024xf32> to vector<1024x1xf32>
    %sub3A_74 = vector.broadcast %broadcast_in_dim3A_73 : vector<1024x1xf32> to vector<1024x2xf32>
    %sub3A_75 = arith.subf %add3A_70, %sub3A_74 : vector<1024x2xf32>
    %exp3A_76 = math.exp %sub3A_75 : vector<1024x2xf32>
    %reduce_sum3A_77 = arith.constant dense<0.000000e+00> : vector<1024xf32>
    %reduce_sum3A_78 = vector.multi_reduction <add>, %exp3A_76, %reduce_sum3A_77 [1] : vector<1024x2xf32> to vector<1024xf32>
    %broadcast_in_dim3A_79 = vector.shape_cast %reduce_sum3A_78 : vector<1024xf32> to vector<1024x1xf32>
    %div3A_80 = vector.broadcast %broadcast_in_dim3A_79 : vector<1024x1xf32> to vector<1024x2xf32>
    %div3A_81 = arith.divf %exp3A_76, %div3A_80 : vector<1024x2xf32>
    %slice3A_82 = vector.extract_strided_slice %div3A_81 {offsets = [0, 0], sizes = [1024, 1], strides = [1, 1]} : vector<1024x2xf32> to vector<1024x1xf32>
    %mul3A_83 = arith.mulf %get3A_8, %slice3A_82 : vector<1024x1xf32>
    %slice3A_84 = vector.extract_strided_slice %div3A_81 {offsets = [0, 1], sizes = [1024, 1], strides = [1, 1]} : vector<1024x2xf32> to vector<1024x1xf32>
    %mul3A_85 = arith.mulf %broadcast_in_dim3A_36, %slice3A_84 : vector<1024x1xf32>
    %add3A_86 = arith.addf %mul3A_83, %mul3A_85 : vector<1024x1xf32>
    %swap3A = arith.constant 0 : index
    %swap3A_87 = arith.constant 0 : index
    %swap3A_88 = vector.load %arg12[%swap3A, %swap3A_87] : memref<1024x1xf32, #tpu.memory_space<vmem>>, vector<1024x1xf32>
    tpu.vector_store %arg12[%swap3A, %swap3A_87], %add3A_86 {strides = array<i32>} : memref<1024x1xf32, #tpu.memory_space<vmem>>, vector<1024x1xf32>,
    return
  }
  func.func @transform_0(%arg0: i32) -> (i32, i32) {
    %c0_i32 = arith.constant 0 : i32
    %c0_i32_0 = arith.constant 0 : i32
    %c0_i32_1 = arith.constant 0 : i32
    return %c0_i32, %c0_i32_0 : i32, i32
  }
  func.func @transform_1(%arg0: i32) -> (i32, i32) {
    %c0_i32 = arith.constant 0 : i32
    %c0_i32_0 = arith.constant 0 : i32
    %c0_i32_1 = arith.constant 0 : i32
    return %c0_i32, %c0_i32_0 : i32, i32
  }
  func.func @transform_2(%arg0: i32) -> (i32, i32) {
    %c0_i32 = arith.constant 0 : i32
    %c0_i32_0 = arith.constant 0 : i32
    %c0_i32_1 = arith.constant 0 : i32
    return %c0_i32, %c0_i32_0 : i32, i32
  }
  func.func @transform_3(%arg0: i32) -> (i32, i32) {
    %c0_i32 = arith.constant 0 : i32
    %c0_i32_0 = arith.constant 0 : i32
    %c0_i32_1 = arith.constant 0 : i32
    return %c0_i32, %c0_i32_0 : i32, i32
  }
  func.func @transform_4(%arg0: i32) -> (i32, i32) {
    %c0_i32 = arith.constant 0 : i32
    %c0_i32_0 = arith.constant 0 : i32
    %c0_i32_1 = arith.constant 0 : i32
    return %c0_i32, %c0_i32_0 : i32, i32
  }
  func.func @transform_5(%arg0: i32) -> (i32, i32) {
    %c0_i32 = arith.constant 0 : i32
    %c0_i32_0 = arith.constant 0 : i32
    %c0_i32_1 = arith.constant 0 : i32
    return %c0_i32, %c0_i32_0 : i32, i32
  }
  func.func @transform_6(%arg0: i32) -> (i32, i32) {
    %c0_i32 = arith.constant 0 : i32
    %c0_i32_0 = arith.constant 0 : i32
    %c0_i32_1 = arith.constant 0 : i32
    return %c0_i32, %c0_i32_0 : i32, i32
  }
  func.func @transform_7(%arg0: i32) -> (i32, i32) {
    %c0_i32 = arith.constant 0 : i32
    %c0_i32_0 = arith.constant 0 : i32
    %c0_i32_1 = arith.constant 0 : i32
    return %c0_i32, %c0_i32_0 : i32, i32
  }
  func.func @transform_8(%arg0: i32) -> (i32, i32) {
    %c0_i32 = arith.constant 0 : i32
    %c0_i32_0 = arith.constant 0 : i32
    %c0_i32_1 = arith.constant 0 : i32
    return %c0_i32, %c0_i32_0 : i32, i32
  }
  func.func @transform_9(%arg0: i32) -> (i32, i32) {
    %c0_i32 = arith.constant 0 : i32
    %c0_i32_0 = arith.constant 0 : i32
    %c0_i32_1 = arith.constant 0 : i32
    return %c0_i32, %c0_i32_0 : i32, i32
  }
  func.func @transform_10(%arg0: i32) -> (i32, i32) {
    %c0_i32 = arith.constant 0 : i32
    %c0_i32_0 = arith.constant 0 : i32
    %c0_i32_1 = arith.constant 0 : i32
    return %c0_i32, %c0_i32_0 : i32, i32
  }
  func.func @transform_11(%arg0: i32) -> (i32, i32) {
    %c0_i32 = arith.constant 0 : i32
    %c0_i32_0 = arith.constant 0 : i32
    %c0_i32_1 = arith.constant 0 : i32
    return %c0_i32, %c0_i32_0 : i32, i32
  }
}

</mosaic_0001>

<sc_bundles>
// kernel: kernel.6.cloned.1.call-start
scs
__scs_entry_jumppad:
0x0: {  	(pc) =	sbr.rel $0x88, $3  }
0x1: {  	(tag) =	ssettag $0x0;
	lr =	simm.s32 $0x1  }
0x2: {  	[smem:$0x3F95] =	sst lr;
	_ =	strace $0xD0000000  }
0x3: {  	_ = 	snop  }
0x4: {  	_ = 	snop  }
0x5: {  	_ = 	snop  }
0x6: {  	_ = 	snop  }
0x7: {  	_ = 	snop  }
__scs_overlays_trampoline_lowered:
0x8: {  	[smem:$0x3FA4] =	sst s0  }
0x9: {  	[smem:$0x3FA5] =	sst s1  }
0xa: {  	[smem:$0x3FA6] =	sst s2  }
0xb: {  	[smem:$0x3FA7] =	sst s3  }
0xc: {  	[smem:$0x3FA8] =	sst s4  }
0xd: {  	[smem:$0x3FA9] =	sst s5  }
0xe: {  	[smem:$0x3FAA] =	sst s6  }
0xf: {  	[smem:$0x3FAB] =	sst s7  }
0x10: {  	[smem:$0x3FAC] =	sst s8  }
0x11: {  	[smem:$0x3FAD] =	sst s9;
	s0 =	simm.s32 @!p0 $0x0  }
0x12: {  	s1 =	sld [smem:$0x3F93];
	s0 =	simm.s32 @p0 $0x1  }
0x13: {  	[smem:$0x3FAE] =	sst s0;
	s0 =	simm.s32 @!p1 $0x0  }
0x14: {  	s2 =	sld [smem:$0x3F92];
	s0 =	simm.s32 @p1 $0x1  }
0x15: {  	[smem:$0x3FAF] =	sst s0;
	s0 =	simm.s32 @!p2 $0x0  }
0x16: {  	s3 =	sld [smem:$0x3FDB];
	s0 =	simm.s32 @p2 $0x1  }
0x17: {  	s4 =	simm.s32 $0x1BF5;
	[smem:$0x3FB1] =	sst s0  }
0x18: {  	s0 =	sld [smem:$0x3F94];
	_ =	swait.ge [sflag:s4], $0x0  }
0x19: {  	s7 =	sld [smem:$0x3F95]  }
0x1a: {  	s8 =	sadd.s32 $0xFFFFE003, lr  }
0x1b: {  	s9 =	sadd.s32 $0xFFFFFEF7, lr;
	s5 =	simm.s32 $0xFFFFFFFF;
	p2 =	slt.u32 s8, $0xFFFFF086  }
0x1c: {  	p1 =	slt.u32 s9, $0xF7A;
	s5 =	simm.s32 @!p2 $0x0  }
0x1d: {  	s5 =	simm.s32 @p1 $0x1;
	p0 =	seq.s32 s7, s2  }
0x1e: {  	s7 =	smul.u32 @!p0 $0xF7A, s2;
	p2 =	seq.s32 @!p0 s5, $0x0  }
0x1f: {  	s9 =	smul.u32 $0xF7A, s1;
	s8 =	simm.s32 @!p0 $0x1BF5;
	p2 =	por !p2, p0  }
0x20: {  	[sflag:s8] =	ssyncset.s32 @!p0 $0xFFFFF086;
	s6 =	sadd.s32 @!p0 s3, s7;
	s7 =	simm.s32 @!p0 $0x108  }
0x21: {  	s3 =	sadd.s32 s3, s9;
	s6 =	sadd.s32 @!p0 $0x88, s6;
	s7 =	simm.s32 @p2 $0x1082  }
0x22: {  	[simem:s7], [sflag:s8] =	dma.local @!p0 [hbm:s6], $0xF7A  }
0x23: {  	s9 =	sor.u32 $0xD0000000, s2;
	s6 =	simm.s32 $0x108;
	_ =	swait.ge @!p0 [sflag:s8], $0x0  }
0x24: {  	s3 =	sadd.s32 $0x88, s3;
	s6 =	simm.s32 @!p1 $0x1082;
	[sflag:s4] =	ssyncset.s32 $0xFFFFF086  }
0x25: {  	[simem:s6], [sflag:s4] =	dma.local [hbm:s3], $0xF7A  }
0x26: {  	[smem:$0x3F95] =	sst s1;
	(tag) =	ssettag s2;
	_ =	strace s9  }
0x27: {  	s1 =	sld [smem:$0x3FA5]  }
0x28: {  	s2 =	sld [smem:$0x3FA6]  }
0x29: {  	s4 =	sld [smem:$0x3FA8]  }
0x2a: {  	p0 =	seq.s32 s5, $0x0;
	s5 =	sld [smem:$0x3FA9]  }
0x2b: {  	s6 =	sld [smem:$0x3FAA]  }
0x2c: {  	s7 =	sld [smem:$0x3FAB]  }
0x2d: {  	s3 =	simm.s32 $0x108;
	s8 =	sld [smem:$0x3FAC]  }
0x2e: {  	s3 =	simm.s32 @!p0 $0x1082;
	s9 =	sld [smem:$0x3FAD]  }
0x2f: {  	lr =	sadd.s32 s0, s3;
	s0 =	sld [smem:$0x3FA4]  }
0x30: {  	s3 =	sld [smem:$0x3FA7]  }
0x31: {  	[smem:$0x3FB0] =	sst s10  }
0x32: {  	s10 =	sld [smem:$0x3FAE];
	_ =	sdelay $0x3  }
0x33: {  	p0 =	seq.s32 s10, $0x1;
	s10 =	sld [smem:$0x3FB0];
	_ =	sdelay $0x3  }
0x34: {  	[smem:$0x3FB0] =	sst s10  }
0x35: {  	s10 =	sld [smem:$0x3FAF];
	_ =	sdelay $0x3  }
0x36: {  	p1 =	seq.s32 s10, $0x1;
	s10 =	sld [smem:$0x3FB0];
	_ =	sdelay $0x3  }
0x37: {  	[smem:$0x3FB0] =	sst s10  }
0x38: {  	s10 =	sld [smem:$0x3FB1]  }
0x39: {  	_ = 	snop;
	(pc) =	sbr.ind lr, $3  }
0x3a: {  	_ = 	snop  }
0x3b: {  	_ = 	snop  }
0x3c: {  	p2 =	seq.s32 s10, $0x1;
	s10 =	sld [smem:$0x3FB0]  }
0x3d: {  	_ =	shalt  }
0x3e: {  	_ =	shalt  }
0x3f: {  	_ =	shalt  }
0x40: {  	_ =	shalt  }
0x41: {  	_ =	shalt  }
0x42: {  	_ =	shalt  }
0x43: {  	_ =	shalt  }
0x44: {  	_ =	shalt  }
0x45: {  	_ =	shalt  }
0x46: {  	_ =	shalt  }
0x47: {  	_ =	shalt  }
0x48: {  	_ =	shalt  }
0x49: {  	_ =	shalt  }
0x4a: {  	_ =	shalt  }
0x4b: {  	_ =	shalt  }
0x4c: {  	_ =	shalt  }
0x4d: {  	_ =	shalt  }
0x4e: {  	_ =	shalt  }
0x4f: {  	_ =	shalt  }
0x50: {  	_ =	shalt  }
0x51: {  	_ =	shalt  }
0x52: {  	_ =	shalt  }
0x53: {  	_ =	shalt  }
0x54: {  	_ =	shalt  }
0x55: {  	_ =	shalt  }
0x56: {  	_ =	shalt  }
0x57: {  	_ =	shalt  }
0x58: {  	_ =	shalt  }
0x59: {  	_ =	shalt  }
0x5a: {  	_ =	shalt  }
0x5b: {  	_ =	shalt  }
0x5c: {  	_ =	shalt  }
0x5d: {  	_ =	shalt  }
0x5e: {  	_ =	shalt  }
0x5f: {  	_ =	shalt  }
0x60: {  	_ =	shalt  }
0x61: {  	_ =	shalt  }
0x62: {  	_ =	shalt  }
0x63: {  	_ =	shalt  }
0x64: {  	_ =	shalt  }
0x65: {  	_ =	shalt  }
0x66: {  	_ =	shalt  }
0x67: {  	_ =	shalt  }
0x68: {  	_ =	shalt  }
0x69: {  	_ =	shalt  }
0x6a: {  	_ =	shalt  }
0x6b: {  	_ =	shalt  }
0x6c: {  	_ =	shalt  }
0x6d: {  	_ =	shalt  }
0x6e: {  	_ =	shalt  }
0x6f: {  	_ =	shalt  }
0x70: {  	_ =	shalt  }
0x71: {  	_ =	shalt  }
0x72: {  	_ =	shalt  }
0x73: {  	_ =	shalt  }
0x74: {  	_ =	shalt  }
0x75: {  	_ =	shalt  }
0x76: {  	_ =	shalt  }
0x77: {  	_ =	shalt  }
0x78: {  	_ =	shalt  }
0x79: {  	_ =	shalt  }
0x7a: {  	_ =	shalt  }
0x7b: {  	_ =	shalt  }
0x7c: {  	_ =	shalt  }
0x7d: {  	_ =	shalt  }
0x7e: {  	_ =	shalt  }
0x7f: {  	_ =	shalt  }
0x80: {  	_ =	shalt  }
0x81: {  	_ =	shalt  }
0x82: {  	_ =	shalt  }
0x83: {  	_ =	shalt  }
0x84: {  	_ =	shalt  }
0x85: {  	_ =	shalt  }
0x86: {  	_ =	shalt  }
0x87: {  	_ =	shalt  }
.Lfunc_end0:
.L_simem_size_0:
called_computation_lowered:
.L_overlay_start_0:
0x88: {  	s2 =	sld [smem:$0x3FD9]  }
0x89: {  	s3 =	sld [smem:$0x3FFE];
	_ =	sdelay $0x1  }
0x8a: {  	s1 =	srdreg.scid  }
0x8b: {  	s0 =	sand.u32 $0x1, s1  }
0x8c: {  	s16 =	sshll.u32 s0, $0xA;
	s2 =	sadd.s32 s3, s2  }
0x8d: {  	s2 =	sadd.s32 s2, s16  }
0x8e: {  	[smem:$0x3FBC] =	sst s2  }
0x8f: {  	_ = 	snop  }
0x90: {  	(tm) =	ssettm $0x1  }
0x91: {  	s17 =	sld [smem:$0x3FFB];
	_ =	sdelay $0x3  }
0x92: {  	_ =	strace s17  }
0x93: {  	s2 =	sld [smem:$0x3FFC];
	_ =	sdelay $0x3  }
0x94: {  	_ =	strace s2  }
0x95: {  	s2 =	sld [smem:$0x3FFD];
	_ =	sdelay $0x3  }
0x96: {  	_ =	strace s2  }
0x97: {  	_ =	strace $0x8FFFFFFF  }
0x98: {  	s18 =	sld [smem:$0x3FDB];
	_ =	sdelay $0x1  }
0x99: {  	s19 =	simm.s32 $_scs_section_size  }
0x9a: {  	s4 =	simm.s32 $_size__tile_overlayer_lowered;
	s5 =	simm.s32 $_tile_overlayer_lowered  }
0x9b: {  	s22 =	simm.s32 $0x1BFF;
	s21 =	sshll.u32 s5, $0x1;
	s2 =	sadd.s32 s19, s18  }
0x9c: {  	s6 =	simm.s32 $0x0;
	s20 =	sshll.u32 s4, $0x1;
	s4 =	sadd.s32 s21, s2  }
0x9d: {  	[timem:s6], [sflag:s22] =	dma.local [hbm:s4], s20  }
0x9e: {  	_ =	swait.ge [sflag:s22], s20  }
0x9f: {  	s3 =	ssub.s32 $0x0, s20;
	[sflag:s22] =	ssyncset.done $0x0  }
0xa0: {  	[sflag:s22] =	ssyncadd.s32 s3;
	_ =	sdelay $0x1  }
0xa1: {  	s23 =	simm.s32 $0x1B8B  }
0xa2: {  	_ =	swait.ge [sflag:s23], $0x1  }
0xa3: {  	[sflag:s23] =	ssyncset.done $0x0  }
0xa4: {  	s25 =	simm.s32 $0x1B8E;
	s24 =	sld [smem:$0x3FFE];
	[sflag:s23] =	ssyncadd.s32 $0xFFFFFFFF  }
0xa5: {  	s26 =	simm.s32 $execute0_lowered;
	[smem:$0x3FD2] =	sst s25  }
0xa6: {  	s4 =	sshll.u32 s26, $0x1;
	_ =	strace $0x80000046;
	[dreg:$0x1] =	wrdreg $0xFFFFFFFF  }
0xa7: {  	s28 =	simm.s32 $_size_execute0_lowered;
	s2 =	sadd.s32 s2, s4;
	[dreg:$0x0] =	wrdreg $0x0  }
0xa8: {  	s4 =	sshll.u32 s28, $0x1;
	[dreg:$0x2] =	wrdreg s2  }
0xa9: {  	[dreg:$0x3] =	wrdreg s4  }
0xaa: {  	[dreg:$0x4] =	wrdreg $0xC0  }
0xab: {  	_ =	task [dreg:s6], $0x5FFFF  }
0xac: {  	[dreg:$0x1] =	wrdreg $0xFFFFFFFF  }
0xad: {  	[dreg:$0x0] =	wrdreg $0x60  }
0xae: {  	[dreg:$0x2] =	wrdreg s24  }
0xaf: {  	[dreg:$0x3] =	wrdreg $0x9  }
0xb0: {  	_ =	task.clear_ibuf [dreg:s6], $0x4FFFF;
	_ =	strace $0x90000046  }
0xb1: {  	s29 =	simm.s32 $0x9;
	_ =	strace $0x80000048  }
0xb2: {  	_ =	swait.ge [sflag:s29], $0x1  }
0xb3: {  	[sflag:s29] =	ssyncadd.s32 $0xFFFFFFFF  }
0xb4: {  	_ =	strace $0x90000048  }
0xb5: {  	_ =	sfence  }
0xb6: {  	s30 =	sld [smem:$0x0];
	_ =	sdelay $0x2  }
0xb7: {  	s31 =	sshll.u32 s1, $0xD;
	s1 =	sshrl.u32 s1, $0x2  }
0xb8: {  	s3 =	sand.u32 $0x4000, s31;
	s1 =	sadd.s32 s1, s30  }
0xb9: {  	s0 =	sor.u32 s3, s0;
	s1 =	sshll.u32 s1, $0x11  }
0xba: {  	s0 =	sor.u32 s1, s0  }
0xbb: {  	s0 =	sadd.s32 $0x8F2B, s0  }
0xbc: {  	[sflag:s0] =	ssyncadd.remote.s32 $0x1  }
0xbd: {  	_ =	sfence.sel $0xFFFF  }
0xbe: {  	[dreg:$0x0] =	wrdreg $0xFFFFFFFF;
	(pc) =	sbr.abs _section_cstart, $3  }
0xbf: {  	[dreg:$0x1] =	wrdreg $0xFFFFFFFF  }
0xc0: {  	_ =	task.clear_ibuf [dreg:s6], $0x2FFFF;
	_ =	strace $0x9FFFFFFF  }
0xc1: {  	(tm) =	ssettm $0x7FFFFFFF  }
tec
execute0_lowered:
.L_overlay_start_1:
0x0: {  	(tag) =	ssettag $0x1  }
0x1: {  	s0 =	rddreg [dreg:$0x0]  }
0x2: {  	s8 =	simm.s32 $0x0;
	s1 =	srdreg.scid;
	s2 =	stileid.u32  }
0x3: {  	s11 =	simm.s32 $0x80;
	s12 =	simm.s32 $0x400;
	s13 =	simm.s32 $0x1  }
0x4: {  	s14 =	simm.s32 $0x4480;
	s15 =	simm.s32 $0x40;
	s16 =	simm.s32 $0x380  }
0x5: {  	s17 =	simm.s32 $0x480;
	s18 =	simm.s32 $0x2480;
	s19 =	simm.s32 $0x4  }
0x6: {  	s20 =	simm.s32 $0x2;
	s21 =	simm.s32 $0x3;
	s22 =	simm.s32 $0x4800  }
0x7: {  	s23 =	simm.s32 $0x4900;
	s24 =	simm.s32 $0x4880;
	s25 =	simm.s32 $0x6900  }
0x8: {  	s28 =	simm.s32 $0x6;
	s1 =	sand.u32 $0x1, s1;
	s2 =	sshll.u32 s2, $0x1  }
0x9: {  	[smem:$0x7FF] =	sst s8;
	s3 =	sadd.s32 $0x2E00, s0;
	s2 =	sor.u32 s1, s2  }
0xa: {  	s4 =	sadd.s32 $0xC6E00, s0;
	s5 =	sadd.s32 $0x1EE00, s0;
	s7 =	smul.u32 $0xE00, s2  }
0xb: {  	_ =	strace $0x80000047;
	s1 =	ssub.s32 $0x2, s1;
	s6 =	sshll.u32 s2, $0x8  }
.Ltmp0:
0xc: {  	s0 =	sadd.s32 s6, s0;
	s29 =	sadd.s32 s3, s7;
	(pc) =	sbr.rel .LBB2_1-.Ltmp0, $4  }
0xd: {  	s26 =	sshrl.u32 s1, $0x1;
	s30 =	sadd.s32 $0x22000, s0;
	[dreg:$0x2] =	wrdreg s29  }
0xe: {  	s1 =	ssub.s32 s1, s26;
	s0 =	sadd.s32 $0x24000, s0;
	[dreg:$0x3] =	wrdreg s30  }
0xf: {  	s6 =	sshll.u32 s2, $0x5;
	s31 =	smax.u32 s1, $0x1;
	[dreg:$0x4] =	wrdreg s0  }
0x10: {  	v0 =	vlaneseq.u32;
	s26 =	simm.s32 $0x5;
	s7 =	simm.s32 $0x0;
	[dreg:$0x5] =	wrdreg s31  }
.LBB2_34:
0x11: {  	v2 =	vimm.f32 $3.000000010e+38;
	v3 =	vimm.f32 $3.000000010e+38;
	v4 =	vimm.f32 $3.000000010e+38  }
0x12: {  	v9 =	vimm.s32 $0x0;
	v5 =	vimm.s32 $0x0;
	v6 =	vimm.s32 $0x0;
	s8 =	simm.s32 $0x0;
	s7 =	rddreg [dreg:$0x6]  }
.LBB2_42:
0x13: {  	_ =	swait.ge [sflag:s28], $0x2000  }
0x14: {  	[sflag:s28] =	ssyncset.done $0x0  }
0x15: {  	[sflag:s28] =	ssyncadd.s32 $0xFFFFE000  }
0x16: {  	[tilespmem:$0x98C0] =	vst v1  }
0x17: {  	v1 =	vld.idx.msk [tilespmem:v11+s25+$0x0], $0xffff;
	_ =	sdelay $0x3  }
0x18: {  	[tilespmem:$0x98D0] =	vst v2  }
0x19: {  	[tilespmem:$0xA0C0] =	vst v1  }
0x1a: {  	v1 =	vld.idx.msk [tilespmem:v9+s25+$0x0], $0xffff;
	_ =	sdelay $0x3  }
0x1b: {  	[tilespmem:$0x98E0] =	vst v3  }
0x1c: {  	[tilespmem:$0xA0D0] =	vst v1  }
0x1d: {  	v1 =	vld.idx.msk [tilespmem:v5+s25+$0x0], $0xffff;
	_ =	sdelay $0x3  }
0x1e: {  	[tilespmem:$0x98F0] =	vst v4  }
0x1f: {  	[tilespmem:$0xA0E0] =	vst v1  }
0x20: {  	v1 =	vld.idx.msk [tilespmem:v6+s25+$0x0], $0xffff;
	_ =	sdelay $0x4  }
0x21: {  	s1 =	simm.s32 $0x9100;
	s29 =	simm.s32 $0x7;
	s0 =	rddreg [dreg:$0x3];
	[tilespmem:$0xA0F0] =	vst v1  }
0x22: {  	[hbm4b:s0+s8] =	stream.linear.scatter [tilespmem:s1], [sflag:$0x7], $0x800, $0x38;
	[tilespmem:$0xA100] =	vst v63  }
0x23: {  	_ =	swait.ge [sflag:s29], $0x800  }
0x24: {  	[sflag:s29] =	ssyncset.done $0x0  }
0x25: {  	s2 =	simm.s32 $0x9900;
	s30 =	rddreg [dreg:$0x4];
	[sflag:s29] =	ssyncadd.s32 $0xFFFFF800  }
0x26: {  	[hbm4b:s30+s8] =	stream.linear.scatter [tilespmem:s2], [sflag:$0x7], $0x800, $0x38;
	[tilespmem:$0xA100] =	vst v63  }
0x27: {  	_ =	swait.ge [sflag:s29], $0x800  }
0x28: {  	s7 =	sadd.s32 $0x1, s7;
	s31 =	rddreg [dreg:$0x5]  }
0x29: {  	p0 =	sne.s32 s7, s31  }
.Ltmp1:
0x2a: {  	_ = 	snop;
	(pc) =	sbr.rel @!p0 .LBB2_43-.Ltmp1, $3  }
0x2b: {  	_ =	sdelay $0x1  }
0x2c: {  	[sflag:s29] =	ssyncset.done $0x0  }
0x2d: {  	[sflag:s29] =	ssyncadd.s32 $0xFFFFF800  }
.LBB2_1:
.Ltmp2:
0x2e: {  	(pc) =	sbr.rel .LBB2_2-.Ltmp2, $4  }
0x2f: {  	_ = 	snop  }
0x30: {  	[dreg:$0x6] =	wrdreg s7  }
0x31: {  	s0 =	rddreg [dreg:$0x2];
	s29 =	simm.f32 $0.0e+00;
	s1 =	simm.s32 $0x0  }
0x32: {  	[tilespmem:s8], [sflag:$0x1] =	stream.strided.gather [hbm4b:s0+s11], $0x380, s12, s11, $0x38;
	[tilespmem:$0xA100] =	vst v63  }
.LBB2_22:
0x33: {  	v10 =	vimm.f32 $3.000000010e+38;
	v11 =	vimm.f32 $3.000000010e+38;
	v12 =	vimm.f32 $3.000000010e+38  }
0x34: {  	v17 =	vimm.s32 $0x0;
	v13 =	vimm.s32 $0x0;
	v14 =	vimm.s32 $0x0  }
.LBB2_30:
0x35: {  	_ =	swait.ge [sflag:s21], $0x2000  }
0x36: {  	[sflag:s21] =	ssyncset.done $0x0  }
0x37: {  	s0 =	sshll.u32 s1, $0x7;
	[sflag:s21] =	ssyncadd.s32 $0xFFFFE000  }
0x38: {  	[tilespmem:s0+$0x9100] =	vst v9  }
0x39: {  	v9 =	vld.idx.msk [tilespmem:v19+s18+$0x0], $0xffff;
	_ =	sdelay $0x3  }
0x3a: {  	[tilespmem:s0+$0x9110] =	vst v10  }
0x3b: {  	[tilespmem:s0+$0x9900] =	vst v9  }
0x3c: {  	v9 =	vld.idx.msk [tilespmem:v17+s18+$0x0], $0xffff;
	_ =	sdelay $0x3  }
0x3d: {  	[tilespmem:s0+$0x9120] =	vst v11  }
0x3e: {  	[tilespmem:s0+$0x9910] =	vst v9  }
0x3f: {  	v9 =	vld.idx.msk [tilespmem:v13+s18+$0x0], $0xffff;
	_ =	sdelay $0x3  }
0x40: {  	[tilespmem:s0+$0x9130] =	vst v12  }
0x41: {  	[tilespmem:s0+$0x9920] =	vst v9  }
0x42: {  	v9 =	vld.idx.msk [tilespmem:v14+s18+$0x0], $0xffff;
	_ =	sdelay $0x1  }
0x43: {  	s1 =	sadd.s32 $0x1, s1  }
0x44: {  	p0 =	sne.s32 s1, $0x10  }
.Ltmp3:
0x45: {  	_ = 	snop;
	(pc) =	sbr.rel @!p0 .LBB2_31-.Ltmp3, $4  }
0x46: {  	[tilespmem:s0+$0x9930] =	vst v9  }
0x47: {  	[tilespmem:s23], [sflag:$0x5] =	stream.indirect.gather [hbm4b:s4+s15], $0x80, s22, s15, $0xb8;
	[tilespmem:$0xA100] =	vst v63  }
0x48: {  	_ = 	snop  }
0x49: {  	[tilespmem:s25], [sflag:$0x6] =	stream.indirect.gather [hbm4b:s5+s15], $0x80, s24, s15, $0xb8;
	[tilespmem:$0xA100] =	vst v63  }
.LBB2_2:
0x4a: {  	_ =	swait.ge [sflag:s13], $0x380  }
0x4b: {  	[sflag:s13] =	ssyncset.done $0x0  }
0x4c: {  	s2 =	simm.s32 $0x0;
	[sflag:s13] =	ssyncadd.s32 $0xFFFFFC80  }
0x4d: {  	v1 =	vld [tilespmem:s2+$0x0];
	_ =	sdelay $0x3  }
0x4e: {  	v4 =	vimm.f32 $3.000000010e+38  }
0x4f: {  	vm0 =	vlt.f32 v1, v4  }
0x50: {  	v2 =	vmpcnt.ones.xlane vm0;
	_ =	sdelay $0x1  }
0x51: {  	(v2sf) =	vpush v2, $0x0;
	_ =	sdelay $0xe  }
0x52: {  	s7 =	spop (v2sf)  }
0x53: {  	p0 =	slt.s32 s7, $0x1  }
0x54: {  	v2 =	vlaneseq.u32 @!p0  }
0x55: {  	v3 =	vor.u32 @!p0 s2, v2  }
0x56: {  	(xrf1) =	vsort.ascd.msk.f32 @!p0 $0xffff, v1, v3;
	_ =	sdelay $0xb  }
0x57: {  	v1 =	vmul.u32 @!p0 $0xFFFFFFFF, v2;
	_ =	sdelay $0x1  }
0x58: {  	v1 =	vadd.s32 @!p0 $0xF, v1;
	v2, v3, _ =	vpop @!p0 (xrf1)  }
0x59: {  	v2 =	vperm.xlane @!p0 v2, v1  }
0x5a: {  	v3 =	vperm.xlane @!p0 v3, v1  }
0x5b: {  	v12 =	vimm.s32 $0x0;
	vm0 =	vle.f32 @!p0 v4, v2  }
0x5c: {  	v5 =	vsel @!p0 vm0, v2, v4;
	v6 =	vsel @!p0 vm0, v3, v12  }
0x5d: {  	(xrf1) =	vsort.ascd.msk.f32 @!p0 $0xffff, v5, v6;
	_ =	sdelay $0xd  }
0x5e: {  	v5, v6, _ =	vpop @!p0 (xrf1)  }
0x5f: {  	v5 =	vperm.xlane @!p0 v5, v1  }
0x60: {  	v6 =	vperm.xlane @!p0 v6, v1  }
0x61: {  	v2 =	vsel @!p0 vm0, v4, v2;
	v3 =	vsel @!p0 vm0, v12, v3;
	vm0 =	vle.f32 @!p0 v4, v5  }
0x62: {  	(xrf1) =	vsort.ascd.msk.f32 @!p0 $0xffff, v2, v3;
	v2 =	vsel @!p0 vm0, v5, v4;
	v3 =	vsel @!p0 vm0, v6, v12  }
0x63: {  	(xrf1) =	vsort.ascd.msk.f32 @!p0 $0xffff, v2, v3;
	_ =	sdelay $0xc  }
0x64: {  	v2, v3, _ =	vpop @!p0 (xrf1)  }
0x65: {  	v7, v8, _ =	vpop @!p0 (xrf1)  }
0x66: {  	v7 =	vperm.xlane @!p0 v7, v1  }
0x67: {  	v8 =	vperm.xlane @!p0 v8, v1  }
0x68: {  	v5 =	vsel @!p0 vm0, v4, v5;
	v6 =	vsel @!p0 vm0, v12, v6;
	vm0 =	vle.f32 @!p0 v4, v7  }
0x69: {  	(xrf1) =	vsort.ascd.msk.f32 @!p0 $0xffff, v5, v6;
	v5 =	vsel @!p0 vm0, v7, v4;
	v6 =	vsel @!p0 vm0, v8, v12  }
0x6a: {  	(xrf1) =	vsort.ascd.msk.f32 @!p0 $0xffff, v5, v6;
	_ =	sdelay $0xc  }
0x6b: {  	v6, v10, _ =	vpop @!p0 (xrf1)  }
0x6c: {  	v5, v9, _ =	vpop @!p0 (xrf1)  }
0x6d: {  	v5 =	vperm.xlane @!p0 v5, v1  }
0x6e: {  	v1 =	vperm.xlane @!p0 v9, v1  }
0x6f: {  	v7 =	vsel @!p0 vm0, v4, v7;
	v8 =	vsel @!p0 vm0, v12, v8;
	vm0 =	vle.f32 @!p0 v4, v5  }
0x70: {  	(xrf1) =	vsort.ascd.msk.f32 @!p0 $0xffff, v7, v8;
	v5 =	vsel @!p0 vm0, v4, v5;
	v1 =	vsel @!p0 vm0, v12, v1  }
0x71: {  	(xrf1) =	vsort.ascd.msk.f32 @!p0 $0xffff, v5, v1;
	_ =	sdelay $0xb  }
0x72: {  	s7 =	simm.s32 $0x10  }
0x73: {  	v8 =	vpsel p0, v4, v6;
	v6 =	vpsel p0, v12, v10;
	v10 =	vld [tilespmem:s7+$0x0];
	v9 =	vpsel p0, v4, v2;
	v1, v2, _ =	vpop @!p0 (xrf1)  }
0x74: {  	v5 =	vpsel p0, v12, v3;
	v7 =	vpsel p0, v4, v1;
	v3 =	vpsel p0, v12, v2;
	v1, v2, _ =	vpop @!p0 (xrf1)  }
0x75: {  	s8 =	simm.s32 $0x20;
	s9 =	simm.s32 $0x10;
	v11 =	vbroadcast @!p0 v1, $0xF;
	v1 =	vpsel p0, v4, v1;
	v2 =	vpsel p0, v12, v2  }
.LBB2_3:
0x76: {  	_ = 	snop  }
0x77: {  	s2 =	smov.u32 s8;
	s8 =	sadd.s32 $0x10, s8;
	v4 =	vpsel p0, v4, v11  }
0x78: {  	p1 =	sne.s32 s8, $0x310;
	vm0 =	vlt.f32 v10, v4  }
0x79: {  	v11 =	vmpcnt.ones.xlane vm0;
	_ =	sdelay $0x1  }
0x7a: {  	(v2sf) =	vpush v11, $0x0;
	_ =	sdelay $0xe  }
0x7b: {  	s10 =	spop (v2sf)  }
0x7c: {  	p0 =	slt.s32 s10, $0x1  }
0x7d: {  	v11 =	vlaneseq.u32 @!p0  }
0x7e: {  	v12 =	vor.u32 @!p0 s7, v11;
	v11 =	vmul.u32 @!p0 $0xFFFFFFFF, v11;
	s7 =	smov.u32 s2  }
0x7f: {  	(xrf1) =	vsort.ascd.msk.f32 @!p0 $0xffff, v10, v12;
	_ =	sdelay $0xd  }
0x80: {  	v10 =	vadd.s32 @!p0 $0xF, v11;
	v11, v12, _ =	vpop @!p0 (xrf1)  }
0x81: {  	v11 =	vperm.xlane @!p0 v11, v10;
	v12 =	vperm.xlane @!p0 v12, v10;
	_ =	sdelay $0x1  }
0x82: {  	vm0 =	vle.f32 @!p0 v9, v11  }
0x83: {  	v13 =	vsel @!p0 vm0, v9, v11;
	v11 =	vsel @!p0 vm0, v11, v9;
	v14 =	vsel @!p0 vm0, v12, v5  }
0x84: {  	v12 =	vsel @!p0 vm0, v5, v12;
	(xrf1) =	vsort.ascd.msk.f32 @!p0 $0xffff, v11, v14  }
0x85: {  	(xrf1) =	vsort.ascd.msk.f32 @!p0 $0xffff, v13, v12;
	_ =	sdelay $0xc  }
0x86: {  	v11, v12, _ =	vpop @!p0 (xrf1)  }
0x87: {  	v11 =	vperm.xlane @!p0 v11, v10;
	v12 =	vperm.xlane @!p0 v12, v10;
	v13, v14, _ =	vpop @!p0 (xrf1)  }
0x88: {  	v9 =	vpsel p0, v9, v13;
	v5 =	vpsel p0, v5, v14  }
0x89: {  	vm0 =	vle.f32 @!p0 v8, v11  }
0x8a: {  	v13 =	vsel @!p0 vm0, v8, v11;
	v11 =	vsel @!p0 vm0, v11, v8;
	v14 =	vsel @!p0 vm0, v12, v6  }
0x8b: {  	v12 =	vsel @!p0 vm0, v6, v12;
	(xrf1) =	vsort.ascd.msk.f32 @!p0 $0xffff, v11, v14  }
0x8c: {  	(xrf1) =	vsort.ascd.msk.f32 @!p0 $0xffff, v13, v12;
	_ =	sdelay $0xc  }
0x8d: {  	v11, v12, _ =	vpop @!p0 (xrf1)  }
0x8e: {  	v11 =	vperm.xlane @!p0 v11, v10;
	v12 =	vperm.xlane @!p0 v12, v10;
	v13, v14, _ =	vpop @!p0 (xrf1)  }
0x8f: {  	v8 =	vpsel p0, v8, v13;
	v6 =	vpsel p0, v6, v14  }
0x90: {  	vm0 =	vle.f32 @!p0 v7, v11  }
0x91: {  	v13 =	vsel @!p0 vm0, v7, v11;
	v11 =	vsel @!p0 vm0, v11, v7;
	v14 =	vsel @!p0 vm0, v12, v3  }
0x92: {  	v12 =	vsel @!p0 vm0, v3, v12;
	(xrf1) =	vsort.ascd.msk.f32 @!p0 $0xffff, v11, v14  }
0x93: {  	(xrf1) =	vsort.ascd.msk.f32 @!p0 $0xffff, v13, v12;
	_ =	sdelay $0xc  }
0x94: {  	v11, v12, _ =	vpop @!p0 (xrf1)  }
0x95: {  	v11 =	vperm.xlane @!p0 v11, v10;
	v10 =	vperm.xlane @!p0 v12, v10;
	v12, v13, _ =	vpop @!p0 (xrf1)  }
0x96: {  	v7 =	vpsel p0, v7, v12;
	v3 =	vpsel p0, v3, v13  }
0x97: {  	vm0 =	vle.f32 @!p0 v1, v11  }
0x98: {  	v11 =	vsel @!p0 vm0, v1, v11;
	v10 =	vsel @!p0 vm0, v2, v10  }
0x99: {  	(xrf1) =	vsort.ascd.msk.f32 @!p0 $0xffff, v11, v10;
	_ =	sdelay $0xa  }
.Ltmp4:
0x9a: {  	(pc) =	sbr.rel @p1 .LBB2_3-.Ltmp4, $4  }
0x9b: {  	s9 =	sadd.s32 $0x10, s9  }
0x9c: {  	v10 =	vld [tilespmem:s9+$0x0]  }
0x9d: {  	v12, v13, _ =	vpop @!p0 (xrf1)  }
0x9e: {  	v11 =	vbroadcast @!p0 v12, $0xF;
	v1 =	vpsel p0, v1, v12;
	v2 =	vpsel p0, v2, v13  }
0x9f: {  	_ = 	snop  }
0xa0: {  	v4 =	vpsel p0, v4, v11  }
0xa1: {  	vm0 =	vlt.f32 v10, v4  }
0xa2: {  	v4 =	vmpcnt.ones.xlane vm0;
	_ =	sdelay $0x1  }
0xa3: {  	(v2sf) =	vpush v4, $0x0;
	_ =	sdelay $0xe  }
0xa4: {  	s2 =	spop (v2sf)  }
0xa5: {  	p0 =	slt.s32 s2, $0x1  }
0xa6: {  	v4 =	vlaneseq.u32 @!p0  }
0xa7: {  	v11 =	vor.u32 @!p0 s7, v4  }
0xa8: {  	(xrf1) =	vsort.ascd.msk.f32 @!p0 $0xffff, v10, v11;
	_ =	sdelay $0xb  }
0xa9: {  	v4 =	vmul.u32 @!p0 $0xFFFFFFFF, v4;
	_ =	sdelay $0x1  }
0xaa: {  	v4 =	vadd.s32 @!p0 $0xF, v4;
	v10, v11, _ =	vpop @!p0 (xrf1)  }
0xab: {  	v10 =	vperm.xlane @!p0 v10, v4  }
0xac: {  	v11 =	vperm.xlane @!p0 v11, v4  }
0xad: {  	vm0 =	vle.f32 @!p0 v9, v10  }
0xae: {  	v12 =	vsel @!p0 vm0, v10, v9;
	v13 =	vsel @!p0 vm0, v11, v5  }
0xaf: {  	(xrf1) =	vsort.ascd.msk.f32 @!p0 $0xffff, v12, v13;
	_ =	sdelay $0xd  }
0xb0: {  	v12, v13, _ =	vpop @!p0 (xrf1)  }
0xb1: {  	v12 =	vperm.xlane @!p0 v12, v4  }
0xb2: {  	v13 =	vperm.xlane @!p0 v13, v4  }
0xb3: {  	v9 =	vsel @!p0 vm0, v9, v10;
	v10 =	vsel @!p0 vm0, v5, v11;
	vm0 =	vle.f32 @!p0 v8, v12  }
0xb4: {  	(xrf1) =	vsort.ascd.msk.f32 @!p0 $0xffff, v9, v10;
	v9 =	vsel @!p0 vm0, v12, v8;
	v10 =	vsel @!p0 vm0, v13, v6  }
0xb5: {  	(xrf1) =	vsort.ascd.msk.f32 @!p0 $0xffff, v9, v10;
	_ =	sdelay $0xc  }
0xb6: {  	v9, v10, _ =	vpop @!p0 (xrf1)  }
0xb7: {  	v9, v11, _ =	vpop @!p0 (xrf1)  }
0xb8: {  	v9 =	vperm.xlane @!p0 v9, v4  }
0xb9: {  	v11 =	vperm.xlane @!p0 v11, v4  }
0xba: {  	v8 =	vsel @!p0 vm0, v8, v12;
	v12 =	vsel @!p0 vm0, v6, v13;
	vm0 =	vle.f32 @!p0 v7, v9  }
0xbb: {  	(xrf1) =	vsort.ascd.msk.f32 @!p0 $0xffff, v8, v12;
	v8 =	vsel @!p0 vm0, v9, v7;
	v12 =	vsel @!p0 vm0, v11, v3  }
0xbc: {  	(xrf1) =	vsort.ascd.msk.f32 @!p0 $0xffff, v8, v12;
	_ =	sdelay $0xc  }
0xbd: {  	v8, v12, _ =	vpop @!p0 (xrf1)  }
0xbe: {  	v8, v13, _ =	vpop @!p0 (xrf1)  }
0xbf: {  	v8 =	vperm.xlane @!p0 v8, v4  }
0xc0: {  	v7 =	vsel @!p0 vm0, v7, v9;
	v9 =	vsel @!p0 vm0, v3, v11;
	v4 =	vperm.xlane @!p0 v13, v4  }
0xc1: {  	(xrf1) =	vsort.ascd.msk.f32 @!p0 $0xffff, v7, v9;
	vm0 =	vle.f32 @!p0 v1, v8  }
0xc2: {  	v7 =	vsel @!p0 vm0, v1, v8;
	v4 =	vsel @!p0 vm0, v2, v4  }
0xc3: {  	(xrf1) =	vsort.ascd.msk.f32 @!p0 $0xffff, v7, v4;
	_ =	sdelay $0x8  }
0xc4: {  	s31 =	sshll.u32 s1, $0x1;
	v58 =	vpsel p0, v5, v10  }
0xc5: {  	s9 =	sor.u32 s6, s31;
	v5 =	vshll.u32 v58, $0xA  }
0xc6: {  	[tilespmem:$0x400] =	vst v58;
	v5 =	vadd.s32 s9, v5;
	v59 =	vpsel p0, v6, v12  }
0xc7: {  	s10 =	sshrl.u32 s9, $0x3;
	[tilespmem:$0x380] =	vst v5;
	v60 =	vshll.u32 v59, $0xA;
	v7, v8, _ =	vpop @!p0 (xrf1)  }
0xc8: {  	s8 =	sshll.u32 s1, $0x8;
	s7 =	smul.u32 $0x1C00, s10;
	[tilespmem:$0x410] =	vst v59;
	v61 =	vadd.s32 s9, v60;
	v3 =	vpsel p0, v3, v8  }
0xc9: {  	p1 =	seq.s32 s1, $0x0;
	s8 =	sand.u32 $0x300, s8;
	[tilespmem:$0x390] =	vst v61;
	v62 =	vshll.u32 v3, $0xA;
	v5, v7, _ =	vpop @!p0 (xrf1)  }
.Ltmp5:
0xca: {  	s7 =	sor.u32 s7, s8;
	[tilespmem:$0x420] =	vst v3;
	v4 =	vadd.s32 s9, v62;
	v2 =	vpsel p0, v2, v7;
	(pc) =	sbr.rel @p1 .LBB2_17-.Ltmp5, $4  }
0xcb: {  	s30 =	sor.u32 $0x80, s7;
	[tilespmem:$0x3A0] =	vst v4;
	v63 =	vshll.u32 v2, $0xA  }
0xcc: {  	s2 =	sshrl.u32 s30, $0x3;
	[tilespmem:$0x430] =	vst v2;
	v3 =	vadd.s32 s9, v63  }
0xcd: {  	s2 =	sadd.s32 s3, s2;
	[tilespmem:$0x3B0] =	vst v3  }
0xce: {  	v1 =	vpsel p0, v1, v5;
	[tilespmem:s14], [sflag:$0x4] =	stream.strided.gather [hbm4b:s2+s11], $0x380, s12, s11, $0x38;
	[tilespmem:$0xA100] =	vst v63  }
0xcf: {  	s7 =	simm.s32 $0x0  }
0xd0: {  	v2 =	vor.u32 s7, v0;
	_ =	sdelay $0x1  }
0xd1: {  	_ =	swait.ge [sflag:s26], $0x2000  }
0xd2: {  	[sflag:s26] =	ssyncset.done $0x0  }
0xd3: {  	[sflag:s26] =	ssyncadd.s32 $0xFFFFE000  }
0xd4: {  	v3 =	vld.idx.msk [tilespmem:v2+s23+$0x0], $0xffff;
	_ =	sdelay $0x1  }
0xd5: {  	v4 =	vor.u32 $0x10, v0  }
0xd6: {  	v5 =	vor.u32 s7, v4  }
0xd7: {  	v2 =	vmov s29  }
0xd8: {  	s2 =	simm.s32 $0x0;
	s8 =	simm.s32 $0x0;
	vm0 =	vle.f32 v3, v2  }
0xd9: {  	[tilespmem:s2+$0x8900] =	vst.msk vm0, v3;
	v3 =	vor.u32 s8, v0;
	v6 =	vmpcnt.ones.xlane vm0  }
0xda: {  	[tilespmem:s2+$0x8D00] =	vst.msk vm0, v3  }
0xdb: {  	v5 =	vld.idx.msk [tilespmem:v5+s23+$0x0], $0xffff;
	(v2sf) =	vpush v6, $0x0;
	_ =	sdelay $0x4  }
0xdc: {  	vm9 =	vle.f32 v5, v2  }
0xdd: {  	v3 =	vmpcnt.ones.xlane vm9;
	_ =	sdelay $0x1  }
0xde: {  	(v2sf) =	vpush v3, $0x0;
	_ =	sdelay $0x6  }
0xdf: {  	v3 =	vor.u32 $0x20, v0;
	s10 =	spop (v2sf)  }
0xe0: {  	v6 =	vor.u32 s7, v3;
	s2 =	sadd.s32 $0x0, s10  }
0xe1: {  	p0 =	slt.s32 s2, $0x3F0  }
0xe2: {  	s30 =	simm.s32 $0x10;
	s2 =	simm.s32 @!p0 $0x3F0  }
0xe3: {  	[tilespmem:s2+$0x8900] =	vst.msk vm9, v5;
	v5 =	vor.u32 s30, v0  }
0xe4: {  	[tilespmem:s2+$0x8D00] =	vst.msk vm9, v5  }
0xe5: {  	v6 =	vld.idx.msk [tilespmem:v6+s23+$0x0], $0xffff;
	_ =	sdelay $0x1  }
0xe6: {  	v5 =	vor.u32 $0x30, v0;
	s0 =	spop (v2sf)  }
0xe7: {  	v7 =	vor.u32 s7, v5;
	s2 =	sadd.s32 s2, s0  }
0xe8: {  	p0 =	slt.s32 s2, $0x3F0  }
0xe9: {  	s9 =	simm.s32 $0x20;
	s2 =	simm.s32 @!p0 $0x3F0;
	vm10 =	vle.f32 v6, v2  }
0xea: {  	[tilespmem:s2+$0x8900] =	vst.msk vm10, v6;
	v6 =	vor.u32 s9, v0;
	v8 =	vmpcnt.ones.xlane vm10  }
0xeb: {  	[tilespmem:s2+$0x8D00] =	vst.msk vm10, v6  }
0xec: {  	v7 =	vld.idx.msk [tilespmem:v7+s23+$0x0], $0xffff;
	(v2sf) =	vpush v8, $0x0;
	_ =	sdelay $0x4  }
0xed: {  	vm11 =	vle.f32 v7, v2  }
0xee: {  	v6 =	vmpcnt.ones.xlane vm11;
	_ =	sdelay $0x1  }
0xef: {  	(v2sf) =	vpush v6, $0x0;
	_ =	sdelay $0x6  }
0xf0: {  	v6 =	vor.u32 $0x40, v0;
	s10 =	spop (v2sf)  }
0xf1: {  	v8 =	vor.u32 s7, v6;
	s2 =	sadd.s32 s2, s10  }
0xf2: {  	p0 =	slt.s32 s2, $0x3F0  }
0xf3: {  	s30 =	simm.s32 $0x30;
	s2 =	simm.s32 @!p0 $0x3F0  }
0xf4: {  	[tilespmem:s2+$0x8900] =	vst.msk vm11, v7;
	v7 =	vor.u32 s30, v0  }
0xf5: {  	[tilespmem:s2+$0x8D00] =	vst.msk vm11, v7  }
0xf6: {  	v8 =	vld.idx.msk [tilespmem:v8+s23+$0x0], $0xffff;
	_ =	sdelay $0x1  }
0xf7: {  	v7 =	vor.u32 $0x50, v0;
	s0 =	spop (v2sf)  }
0xf8: {  	v9 =	vor.u32 s7, v7;
	s2 =	sadd.s32 s2, s0  }
0xf9: {  	p0 =	slt.s32 s2, $0x3F0  }
0xfa: {  	s9 =	simm.s32 $0x40;
	s2 =	simm.s32 @!p0 $0x3F0;
	vm12 =	vle.f32 v8, v2  }
0xfb: {  	[tilespmem:s2+$0x8900] =	vst.msk vm12, v8;
	v8 =	vor.u32 s9, v0;
	v10 =	vmpcnt.ones.xlane vm12  }
0xfc: {  	[tilespmem:s2+$0x8D00] =	vst.msk vm12, v8  }
0xfd: {  	v9 =	vld.idx.msk [tilespmem:v9+s23+$0x0], $0xffff;
	(v2sf) =	vpush v10, $0x0;
	_ =	sdelay $0x4  }
0xfe: {  	vm13 =	vle.f32 v9, v2  }
0xff: {  	v8 =	vmpcnt.ones.xlane vm13;
	_ =	sdelay $0x1  }
0x100: {  	(v2sf) =	vpush v8, $0x0;
	_ =	sdelay $0x6  }
0x101: {  	v8 =	vor.u32 $0x60, v0;
	s10 =	spop (v2sf)  }
0x102: {  	v10 =	vor.u32 s7, v8;
	s2 =	sadd.s32 s2, s10  }
0x103: {  	p0 =	slt.s32 s2, $0x3F0  }
0x104: {  	s30 =	simm.s32 $0x50;
	s2 =	simm.s32 @!p0 $0x3F0  }
0x105: {  	[tilespmem:s2+$0x8900] =	vst.msk vm13, v9;
	v9 =	vor.u32 s30, v0  }
0x106: {  	[tilespmem:s2+$0x8D00] =	vst.msk vm13, v9  }
0x107: {  	v10 =	vld.idx.msk [tilespmem:v10+s23+$0x0], $0xffff;
	_ =	sdelay $0x1  }
0x108: {  	v9 =	vor.u32 $0x70, v0;
	s0 =	spop (v2sf)  }
0x109: {  	v11 =	vor.u32 s7, v9;
	s2 =	sadd.s32 s2, s0  }
0x10a: {  	p0 =	slt.s32 s2, $0x3F0  }
0x10b: {  	s8 =	simm.s32 $0x60;
	s2 =	simm.s32 @!p0 $0x3F0;
	vm14 =	vle.f32 v10, v2  }
0x10c: {  	[tilespmem:s2+$0x8900] =	vst.msk vm14, v10;
	v10 =	vor.u32 s8, v0  }
0x10d: {  	[tilespmem:s2+$0x8D00] =	vst.msk vm14, v10  }
0x10e: {  	v10 =	vld.idx.msk [tilespmem:v11+s23+$0x0], $0xffff;
	v11 =	vmpcnt.ones.xlane vm14;
	_ =	sdelay $0x1  }
0x10f: {  	(v2sf) =	vpush v11, $0x0;
	_ =	sdelay $0x3  }
0x110: {  	vm15 =	vle.f32 v10, v2  }
0x111: {  	v11 =	vmpcnt.ones.xlane vm15;
	_ =	sdelay $0x1  }
0x112: {  	(v2sf) =	vpush v11, $0x0;
	_ =	sdelay $0x7  }
0x113: {  	s7 =	simm.s32 $0x80;
	s9 =	spop (v2sf)  }
0x114: {  	v11 =	vor.u32 s7, v0;
	s2 =	sadd.s32 s2, s9  }
0x115: {  	p0 =	slt.s32 s2, $0x3F0  }
0x116: {  	s10 =	simm.s32 $0x70;
	s2 =	simm.s32 @!p0 $0x3F0  }
0x117: {  	[tilespmem:s2+$0x8900] =	vst.msk vm15, v10;
	v10 =	vor.u32 s10, v0  }
0x118: {  	[tilespmem:s2+$0x8D00] =	vst.msk vm15, v10  }
0x119: {  	v11 =	vld.idx.msk [tilespmem:v11+s23+$0x0], $0xffff  }
0x11a: {  	s30 =	spop (v2sf)  }
0x11b: {  	s29 =	simm.s32 $0xF0;
	s2 =	sadd.s32 s2, s30  }
0x11c: {  	s8 =	simm.s32 $0x1;
	s9 =	simm.s32 $0x170;
	v10 =	vor.u32 s7, v4;
	p1 =	slt.s32 s2, $0x3F0  }
.LBB2_6:
0x11d: {  	s0 =	sadd.s32 $0xFFFFFF90, s29  }
0x11e: {  	vm0 =	vle.f32 v11, v2;
	s2 =	simm.s32 @!p1 $0x3F0;
	s10 =	smov.u32 s9;
	s30 =	sadd.s32 $0x80, s9  }
0x11f: {  	p0 =	sne.s32 s9, $0x1FF0;
	[tilespmem:s2+$0x8900] =	vst.msk vm0, v11;
	v11 =	vor.u32 s0, v0;
	v12 =	vmpcnt.ones.xlane vm0  }
0x120: {  	[tilespmem:s2+$0x8D00] =	vst.msk vm0, v11  }
0x121: {  	v10 =	vld.idx.msk [tilespmem:v10+s23+$0x0], $0xffff;
	(v2sf) =	vpush v12, $0x0;
	_ =	sdelay $0x5  }
0x122: {  	vm0 =	vle.f32 v10, v2  }
0x123: {  	v11 =	vmpcnt.ones.xlane vm0;
	_ =	sdelay $0x1  }
0x124: {  	(v2sf) =	vpush v11, $0x0;
	_ =	sdelay $0x5  }
0x125: {  	s0 =	spop (v2sf)  }
0x126: {  	v11 =	vor.u32 s7, v3;
	s0 =	sadd.s32 s2, s0  }
0x127: {  	p1 =	slt.s32 s0, $0x3F0  }
0x128: {  	s2 =	sadd.s32 $0xFFFFFFA0, s29;
	s0 =	simm.s32 @!p1 $0x3F0  }
0x129: {  	[tilespmem:s0+$0x8900] =	vst.msk vm0, v10;
	v10 =	vor.u32 s2, v0  }
0x12a: {  	[tilespmem:s0+$0x8D00] =	vst.msk vm0, v10  }
0x12b: {  	v10 =	vld.idx.msk [tilespmem:v11+s23+$0x0], $0xffff;
	_ =	sdelay $0x2  }
0x12c: {  	s2 =	spop (v2sf)  }
0x12d: {  	v11 =	vor.u32 s7, v5;
	s0 =	sadd.s32 s0, s2  }
0x12e: {  	p1 =	slt.s32 s0, $0x3F0  }
0x12f: {  	s2 =	sadd.s32 $0xFFFFFFB0, s29;
	vm0 =	vle.f32 v10, v2;
	s0 =	simm.s32 @!p1 $0x3F0  }
0x130: {  	v12 =	vmpcnt.ones.xlane vm0;
	[tilespmem:s0+$0x8900] =	vst.msk vm0, v10;
	v10 =	vor.u32 s2, v0  }
0x131: {  	[tilespmem:s0+$0x8D00] =	vst.msk vm0, v10  }
0x132: {  	v10 =	vld.idx.msk [tilespmem:v11+s23+$0x0], $0xffff;
	(v2sf) =	vpush v12, $0x0;
	_ =	sdelay $0x5  }
0x133: {  	vm0 =	vle.f32 v10, v2  }
0x134: {  	v11 =	vmpcnt.ones.xlane vm0;
	_ =	sdelay $0x1  }
0x135: {  	(v2sf) =	vpush v11, $0x0;
	_ =	sdelay $0x5  }
0x136: {  	s2 =	spop (v2sf)  }
0x137: {  	v11 =	vor.u32 s7, v6;
	s0 =	sadd.s32 s0, s2  }
0x138: {  	p1 =	slt.s32 s0, $0x3F0  }
0x139: {  	s2 =	sadd.s32 $0xFFFFFFC0, s29;
	s0 =	simm.s32 @!p1 $0x3F0  }
0x13a: {  	[tilespmem:s0+$0x8900] =	vst.msk vm0, v10;
	v10 =	vor.u32 s2, v0  }
0x13b: {  	[tilespmem:s0+$0x8D00] =	vst.msk vm0, v10  }
0x13c: {  	v10 =	vld.idx.msk [tilespmem:v11+s23+$0x0], $0xffff;
	_ =	sdelay $0x2  }
0x13d: {  	s2 =	spop (v2sf)  }
0x13e: {  	v11 =	vor.u32 s7, v7;
	s0 =	sadd.s32 s0, s2  }
0x13f: {  	p1 =	slt.s32 s0, $0x3F0  }
0x140: {  	s2 =	sadd.s32 $0xFFFFFFD0, s29;
	vm0 =	vle.f32 v10, v2;
	s0 =	simm.s32 @!p1 $0x3F0  }
0x141: {  	v12 =	vmpcnt.ones.xlane vm0;
	[tilespmem:s0+$0x8900] =	vst.msk vm0, v10;
	v10 =	vor.u32 s2, v0  }
0x142: {  	[tilespmem:s0+$0x8D00] =	vst.msk vm0, v10  }
0x143: {  	v10 =	vld.idx.msk [tilespmem:v11+s23+$0x0], $0xffff;
	(v2sf) =	vpush v12, $0x0;
	_ =	sdelay $0x5  }
0x144: {  	vm0 =	vle.f32 v10, v2  }
0x145: {  	v11 =	vmpcnt.ones.xlane vm0;
	_ =	sdelay $0x1  }
0x146: {  	(v2sf) =	vpush v11, $0x0;
	_ =	sdelay $0x5  }
0x147: {  	s2 =	spop (v2sf)  }
0x148: {  	v11 =	vor.u32 s7, v8;
	s0 =	sadd.s32 s0, s2  }
0x149: {  	p1 =	slt.s32 s0, $0x3F0  }
0x14a: {  	s2 =	sadd.s32 $0xFFFFFFE0, s29;
	s0 =	simm.s32 @!p1 $0x3F0  }
0x14b: {  	[tilespmem:s0+$0x8900] =	vst.msk vm0, v10;
	v10 =	vor.u32 s2, v0  }
0x14c: {  	[tilespmem:s0+$0x8D00] =	vst.msk vm0, v10  }
0x14d: {  	v10 =	vld.idx.msk [tilespmem:v11+s23+$0x0], $0xffff;
	_ =	sdelay $0x2  }
0x14e: {  	s2 =	spop (v2sf)  }
0x14f: {  	v11 =	vor.u32 s7, v9;
	s0 =	sadd.s32 s0, s2  }
0x150: {  	p1 =	slt.s32 s0, $0x3F0  }
0x151: {  	s2 =	sadd.s32 $0xFFFFFFF0, s29;
	vm0 =	vle.f32 v10, v2;
	s0 =	simm.s32 @!p1 $0x3F0  }
0x152: {  	v12 =	vmpcnt.ones.xlane vm0;
	[tilespmem:s0+$0x8900] =	vst.msk vm0, v10;
	v10 =	vor.u32 s2, v0  }
0x153: {  	[tilespmem:s0+$0x8D00] =	vst.msk vm0, v10  }
0x154: {  	v10 =	vld.idx.msk [tilespmem:v11+s23+$0x0], $0xffff;
	(v2sf) =	vpush v12, $0x0;
	_ =	sdelay $0x5  }
0x155: {  	vm0 =	vle.f32 v10, v2  }
0x156: {  	v11 =	vmpcnt.ones.xlane vm0;
	_ =	sdelay $0x1  }
0x157: {  	(v2sf) =	vpush v11, $0x0;
	_ =	sdelay $0x4  }
0x158: {  	s8 =	sadd.s32 $0x1, s8  }
0x159: {  	s7 =	sshll.u32 s8, $0x7;
	s2 =	spop (v2sf)  }
0x15a: {  	v11 =	vor.u32 s7, v0;
	s0 =	sadd.s32 s0, s2  }
0x15b: {  	p1 =	slt.s32 s0, $0x3F0  }
0x15c: {  	s0 =	simm.s32 @!p1 $0x3F0  }
0x15d: {  	[tilespmem:s0+$0x8900] =	vst.msk vm0, v10;
	v10 =	vor.u32 s29, v0;
	s29 =	smov.u32 s10  }
0x15e: {  	[tilespmem:s0+$0x8D00] =	vst.msk vm0, v10  }
0x15f: {  	v11 =	vld.idx.msk [tilespmem:v11+s23+$0x0], $0xffff  }
.Ltmp6:
0x160: {  	(pc) =	sbr.rel @p0 .LBB2_6-.Ltmp6, $4  }
0x161: {  	_ = 	snop  }
0x162: {  	s2 =	spop (v2sf)  }
0x163: {  	v10 =	vor.u32 s7, v4;
	s2 =	sadd.s32 s0, s2  }
0x164: {  	s9 =	smov.u32 s30;
	p1 =	slt.s32 s2, $0x3F0  }
0x165: {  	_ = 	snop  }
0x166: {  	vm0 =	vle.f32 v11, v2;
	s0 =	sadd.s32 $0xFFFFFF90, s29;
	s2 =	simm.s32 @!p1 $0x3F0  }
0x167: {  	[tilespmem:s2+$0x8900] =	vst.msk vm0, v11;
	v4 =	vor.u32 s0, v0;
	v51 =	vmpcnt.ones.xlane vm0  }
0x168: {  	[tilespmem:s2+$0x8D00] =	vst.msk vm0, v4  }
0x169: {  	v4 =	vld.idx.msk [tilespmem:v10+s23+$0x0], $0xffff;
	(v2sf) =	vpush v51, $0x0;
	_ =	sdelay $0x4  }
0x16a: {  	vm9 =	vle.f32 v4, v2  }
0x16b: {  	v52 =	vmpcnt.ones.xlane vm9;
	_ =	sdelay $0x1  }
0x16c: {  	(v2sf) =	vpush v52, $0x0;
	_ =	sdelay $0x6  }
0x16d: {  	s9 =	spop (v2sf)  }
0x16e: {  	v3 =	vor.u32 s7, v3;
	s0 =	sadd.s32 s2, s9  }
0x16f: {  	p0 =	slt.s32 s0, $0x3F0  }
0x170: {  	s10 =	sadd.s32 $0xFFFFFFA0, s29;
	s0 =	simm.s32 @!p0 $0x3F0  }
0x171: {  	v53 =	vor.u32 s10, v0;
	[tilespmem:s0+$0x8900] =	vst.msk vm9, v4  }
0x172: {  	[tilespmem:s0+$0x8D00] =	vst.msk vm9, v53  }
0x173: {  	v3 =	vld.idx.msk [tilespmem:v3+s23+$0x0], $0xffff;
	_ =	sdelay $0x1  }
0x174: {  	s30 =	spop (v2sf)  }
0x175: {  	v54 =	vor.u32 s7, v5;
	s0 =	sadd.s32 s0, s30  }
0x176: {  	p0 =	slt.s32 s0, $0x3F0  }
0x177: {  	s8 =	sadd.s32 $0xFFFFFFB0, s29;
	s0 =	simm.s32 @!p0 $0x3F0;
	vm10 =	vle.f32 v3, v2  }
0x178: {  	[tilespmem:s0+$0x8900] =	vst.msk vm10, v3;
	v3 =	vor.u32 s8, v0;
	v55 =	vmpcnt.ones.xlane vm10  }
0x179: {  	[tilespmem:s0+$0x8D00] =	vst.msk vm10, v3  }
0x17a: {  	v3 =	vld.idx.msk [tilespmem:v54+s23+$0x0], $0xffff;
	(v2sf) =	vpush v55, $0x0;
	_ =	sdelay $0x4  }
0x17b: {  	vm11 =	vle.f32 v3, v2  }
0x17c: {  	v56 =	vmpcnt.ones.xlane vm11;
	_ =	sdelay $0x1  }
0x17d: {  	(v2sf) =	vpush v56, $0x0;
	_ =	sdelay $0x6  }
0x17e: {  	s9 =	spop (v2sf)  }
0x17f: {  	v57 =	vor.u32 s7, v6;
	s0 =	sadd.s32 s0, s9  }
0x180: {  	p0 =	slt.s32 s0, $0x3F0  }
0x181: {  	s10 =	sadd.s32 $0xFFFFFFC0, s29;
	s0 =	simm.s32 @!p0 $0x3F0  }
0x182: {  	[tilespmem:s0+$0x8900] =	vst.msk vm11, v3;
	v3 =	vor.u32 s10, v0  }
0x183: {  	[tilespmem:s0+$0x8D00] =	vst.msk vm11, v3  }
0x184: {  	v3 =	vld.idx.msk [tilespmem:v57+s23+$0x0], $0xffff;
	_ =	sdelay $0x1  }
0x185: {  	s30 =	spop (v2sf)  }
0x186: {  	v58 =	vor.u32 s7, v7;
	s0 =	sadd.s32 s0, s30  }
0x187: {  	p0 =	slt.s32 s0, $0x3F0  }
0x188: {  	s8 =	sadd.s32 $0xFFFFFFD0, s29;
	s0 =	simm.s32 @!p0 $0x3F0;
	vm12 =	vle.f32 v3, v2  }
0x189: {  	[tilespmem:s0+$0x8900] =	vst.msk vm12, v3;
	v3 =	vor.u32 s8, v0;
	v59 =	vmpcnt.ones.xlane vm12  }
0x18a: {  	[tilespmem:s0+$0x8D00] =	vst.msk vm12, v3  }
0x18b: {  	v3 =	vld.idx.msk [tilespmem:v58+s23+$0x0], $0xffff;
	(v2sf) =	vpush v59, $0x0;
	_ =	sdelay $0x4  }
0x18c: {  	vm13 =	vle.f32 v3, v2  }
0x18d: {  	v60 =	vmpcnt.ones.xlane vm13;
	_ =	sdelay $0x1  }
0x18e: {  	(v2sf) =	vpush v60, $0x0;
	_ =	sdelay $0x6  }
0x18f: {  	s9 =	spop (v2sf)  }
0x190: {  	v61 =	vor.u32 s7, v8;
	s0 =	sadd.s32 s0, s9  }
0x191: {  	p0 =	slt.s32 s0, $0x3F0  }
0x192: {  	s10 =	sadd.s32 $0xFFFFFFE0, s29;
	s0 =	simm.s32 @!p0 $0x3F0  }
0x193: {  	[tilespmem:s0+$0x8900] =	vst.msk vm13, v3;
	v3 =	vor.u32 s10, v0  }
0x194: {  	[tilespmem:s0+$0x8D00] =	vst.msk vm13, v3  }
0x195: {  	v3 =	vld.idx.msk [tilespmem:v61+s23+$0x0], $0xffff;
	_ =	sdelay $0x1  }
0x196: {  	s30 =	spop (v2sf)  }
0x197: {  	v62 =	vor.u32 s7, v9;
	s0 =	sadd.s32 s0, s30  }
0x198: {  	p0 =	slt.s32 s0, $0x3F0  }
0x199: {  	s8 =	sadd.s32 $0xFFFFFFF0, s29;
	s0 =	simm.s32 @!p0 $0x3F0;
	vm14 =	vle.f32 v3, v2  }
0x19a: {  	[tilespmem:s0+$0x8900] =	vst.msk vm14, v3;
	v3 =	vor.u32 s8, v0  }
0x19b: {  	[tilespmem:s0+$0x8D00] =	vst.msk vm14, v3  }
0x19c: {  	v3 =	vld.idx.msk [tilespmem:v62+s23+$0x0], $0xffff;
	_ =	sdelay $0x2  }
0x19d: {  	v63 =	vmpcnt.ones.xlane vm14;
	_ =	sdelay $0x1  }
0x19e: {  	(v2sf) =	vpush v63, $0x0;
	vm15 =	vle.f32 v3, v2  }
0x19f: {  	v2 =	vmpcnt.ones.xlane vm15;
	_ =	sdelay $0x1  }
0x1a0: {  	(v2sf) =	vpush v2, $0x0;
	_ =	sdelay $0xb  }
0x1a1: {  	s9 =	spop (v2sf)  }
0x1a2: {  	s0 =	sadd.s32 s0, s9  }
0x1a3: {  	p0 =	slt.s32 s0, $0x3F0  }
0x1a4: {  	s0 =	simm.s32 @!p0 $0x3F0;
	s10 =	spop (v2sf)  }
0x1a5: {  	s7 =	sadd.s32 s0, s10  }
0x1a6: {  	p0 =	slt.s32 s7, $0x3F0  }
0x1a7: {  	s7 =	simm.s32 @!p0 $0x3F0  }
0x1a8: {  	s30 =	sadd.s32 $0xF, s7  }
0x1a9: {  	s2 =	sshra.s32 s30, $0x4  }
0x1aa: {  	p0 =	slt.s32 s2, $0x1  }
.Ltmp7:
0x1ab: {  	_ = 	snop;
	(pc) =	sbr.rel @p0 .LBB2_8-.Ltmp7, $4  }
0x1ac: {  	_ = 	snop  }
0x1ad: {  	v2 =	vor.u32 s29, v0;
	[tilespmem:s0+$0x8900] =	vst.msk vm15, v3  }
0x1ae: {  	[tilespmem:s0+$0x8D00] =	vst.msk vm15, v2;
	v2 =	vimm.f32 $3.000000010e+38  }
0x1af: {  	v12 =	vimm.s32 $0x0;
	[tilespmem:s7+$0x8900] =	vst v2  }
0x1b0: {  	s2 =	sadd.s32 $0xFFFFFFFF, s2  }
0x1b1: {  	p0 =	sne.s32 s2, $0x0  }
.Ltmp8:
0x1b2: {  	_ = 	snop;
	(pc) =	sbr.rel @!p0 .LBB2_10-.Ltmp8, $3  }
0x1b3: {  	_ =	sdelay $0x1  }
0x1b4: {  	s0 =	simm.s32 $0x8900  }
0x1b5: {  	s7 =	simm.s32 $0x8D00;
	p1 =	por $0x0, $0x0;
	v13 =	vld [tilespmem:s0+$0x0]  }
0x1b6: {  	_ =	sdelay $0x3  }
0x1b7: {  	vm0 =	vlt.f32 v13, v2  }
0x1b8: {  	v3 =	vmpcnt.ones.xlane vm0;
	_ =	sdelay $0x1  }
0x1b9: {  	(v2sf) =	vpush v3, $0x0;
	_ =	sdelay $0xe  }
0x1ba: {  	s0 =	spop (v2sf)  }
0x1bb: {  	p0 =	slt.s32 s0, $0x1  }
0x1bc: {  	v3 =	vld @!p0 [tilespmem:s7+$0x0];
	_ =	sdelay $0x4  }
0x1bd: {  	(xrf1) =	vsort.ascd.msk.f32 @!p0 $0xffff, v13, v3;
	_ =	sdelay $0xa  }
0x1be: {  	v3 =	vlaneseq.u32 @!p0  }
0x1bf: {  	v3 =	vmul.u32 @!p0 $0xFFFFFFFF, v3;
	_ =	sdelay $0x1  }
0x1c0: {  	v3 =	vadd.s32 @!p0 $0xF, v3;
	v4, v5, _ =	vpop @!p0 (xrf1)  }
0x1c1: {  	v4 =	vperm.xlane @!p0 v4, v3  }
0x1c2: {  	v5 =	vperm.xlane @!p0 v5, v3  }
0x1c3: {  	vm0 =	vle.f32 @!p0 v2, v4  }
0x1c4: {  	v6 =	vsel @!p0 vm0, v4, v2;
	v7 =	vsel @!p0 vm0, v5, v12  }
0x1c5: {  	(xrf1) =	vsort.ascd.msk.f32 @!p0 $0xffff, v6, v7;
	_ =	sdelay $0xd  }
0x1c6: {  	v6, v7, _ =	vpop @!p0 (xrf1)  }
0x1c7: {  	v6 =	vperm.xlane @!p0 v6, v3  }
0x1c8: {  	v7 =	vperm.xlane @!p0 v7, v3  }
0x1c9: {  	v4 =	vsel @!p0 vm0, v2, v4;
	v5 =	vsel @!p0 vm0, v12, v5;
	vm0 =	vle.f32 @!p0 v2, v6  }
0x1ca: {  	(xrf1) =	vsort.ascd.msk.f32 @!p0 $0xffff, v4, v5;
	v4 =	vsel @!p0 vm0, v6, v2;
	v5 =	vsel @!p0 vm0, v7, v12  }
0x1cb: {  	(xrf1) =	vsort.ascd.msk.f32 @!p0 $0xffff, v4, v5;
	_ =	sdelay $0xc  }
0x1cc: {  	v4, v5, _ =	vpop @!p0 (xrf1)  }
0x1cd: {  	v8, v9, _ =	vpop @!p0 (xrf1)  }
0x1ce: {  	v8 =	vperm.xlane @!p0 v8, v3  }
0x1cf: {  	v9 =	vperm.xlane @!p0 v9, v3  }
0x1d0: {  	v6 =	vsel @!p0 vm0, v2, v6;
	v7 =	vsel @!p0 vm0, v12, v7;
	vm0 =	vle.f32 @!p0 v2, v8  }
0x1d1: {  	(xrf1) =	vsort.ascd.msk.f32 @!p0 $0xffff, v6, v7;
	v6 =	vsel @!p0 vm0, v8, v2;
	v7 =	vsel @!p0 vm0, v9, v12  }
0x1d2: {  	(xrf1) =	vsort.ascd.msk.f32 @!p0 $0xffff, v6, v7;
	_ =	sdelay $0xc  }
0x1d3: {  	v6, v7, _ =	vpop @!p0 (xrf1)  }
0x1d4: {  	v10, v11, _ =	vpop @!p0 (xrf1)  }
0x1d5: {  	v10 =	vperm.xlane @!p0 v10, v3  }
0x1d6: {  	v3 =	vperm.xlane @!p0 v11, v3  }
0x1d7: {  	v8 =	vsel @!p0 vm0, v2, v8;
	v9 =	vsel @!p0 vm0, v12, v9;
	vm0 =	vle.f32 @!p0 v2, v10  }
0x1d8: {  	(xrf1) =	vsort.ascd.msk.f32 @!p0 $0xffff, v8, v9;
	v8 =	vsel @!p0 vm0, v2, v10;
	v3 =	vsel @!p0 vm0, v12, v3  }
0x1d9: {  	(xrf1) =	vsort.ascd.msk.f32 @!p0 $0xffff, v8, v3;
	_ =	sdelay $0x9  }
0x1da: {  	s9 =	sadd.s32 $0xFFFFFFFF, s2  }
0x1db: {  	p2 =	sne.s32 s9, $0x0  }
.Ltmp9:
0x1dc: {  	_ = 	snop;
	(pc) =	sbr.rel @!p2 .LBB2_12-.Ltmp9, $4  }
0x1dd: {  	s10 =	simm.s32 $0x8910;
	v11 =	vpsel p0, v12, v5;
	v8, v9, _ =	vpop @!p0 (xrf1)  }
0x1de: {  	v13 =	vld [tilespmem:s10+$0x0];
	v5 =	vpsel p0, v12, v7;
	v3 =	vpsel p0, v2, v4;
	v4 =	vpsel p0, v2, v6;
	v10, v15, _ =	vpop @!p0 (xrf1)  }
0x1df: {  	v6 =	vpsel p0, v2, v8;
	v7 =	vpsel p0, v12, v9;
	v14 =	vbroadcast @!p0 v10, $0xF  }
0x1e0: {  	p1 =	por $0x1, $0x1;
	s8 =	simm.s32 $0x8D00;
	v8 =	vpsel p0, v2, v10;
	v9 =	vpsel p0, v12, v15;
	v10 =	vimm.f32 $3.000000010e+38  }
.LBB2_13:
0x1e1: {  	_ = 	snop  }
0x1e2: {  	s9 =	sadd.s32 $0xFFFFFFFF, s9;
	s8 =	sadd.s32 $0x10, s8;
	v10 =	vpsel p0, v10, v14  }
0x1e3: {  	p2 =	sne.s32 s9, $0x0;
	vm0 =	vlt.f32 v13, v10  }
0x1e4: {  	v12 =	vmpcnt.ones.xlane vm0;
	_ =	sdelay $0x1  }
0x1e5: {  	(v2sf) =	vpush v12, $0x0;
	_ =	sdelay $0xe  }
0x1e6: {  	s0 =	spop (v2sf)  }
0x1e7: {  	p0 =	slt.s32 s0, $0x1  }
0x1e8: {  	v12 =	vld @!p0 [tilespmem:s8+$0x0];
	v14 =	vlaneseq.u32 @!p0  }
0x1e9: {  	v14 =	vmul.u32 @!p0 $0xFFFFFFFF, v14;
	_ =	sdelay $0x3  }
0x1ea: {  	(xrf1) =	vsort.ascd.msk.f32 @!p0 $0xffff, v13, v12;
	_ =	sdelay $0xd  }
0x1eb: {  	v12 =	vadd.s32 @!p0 $0xF, v14;
	v13, v14, _ =	vpop @!p0 (xrf1)  }
0x1ec: {  	v13 =	vperm.xlane @!p0 v13, v12;
	v14 =	vperm.xlane @!p0 v14, v12;
	_ =	sdelay $0x1  }
0x1ed: {  	vm0 =	vle.f32 @!p0 v3, v13  }
0x1ee: {  	v15 =	vsel @!p0 vm0, v3, v13;
	v13 =	vsel @!p0 vm0, v13, v3;
	v16 =	vsel @!p0 vm0, v14, v11  }
0x1ef: {  	v14 =	vsel @!p0 vm0, v11, v14;
	(xrf1) =	vsort.ascd.msk.f32 @!p0 $0xffff, v13, v16  }
0x1f0: {  	(xrf1) =	vsort.ascd.msk.f32 @!p0 $0xffff, v15, v14;
	_ =	sdelay $0xc  }
0x1f1: {  	v13, v14, _ =	vpop @!p0 (xrf1)  }
0x1f2: {  	v13 =	vperm.xlane @!p0 v13, v12;
	v14 =	vperm.xlane @!p0 v14, v12;
	v15, v16, _ =	vpop @!p0 (xrf1)  }
0x1f3: {  	v3 =	vpsel p0, v3, v15;
	v11 =	vpsel p0, v11, v16  }
0x1f4: {  	vm0 =	vle.f32 @!p0 v4, v13  }
0x1f5: {  	v15 =	vsel @!p0 vm0, v4, v13;
	v13 =	vsel @!p0 vm0, v13, v4;
	v16 =	vsel @!p0 vm0, v14, v5  }
0x1f6: {  	v14 =	vsel @!p0 vm0, v5, v14;
	(xrf1) =	vsort.ascd.msk.f32 @!p0 $0xffff, v13, v16  }
0x1f7: {  	(xrf1) =	vsort.ascd.msk.f32 @!p0 $0xffff, v15, v14;
	_ =	sdelay $0xc  }
0x1f8: {  	v13, v14, _ =	vpop @!p0 (xrf1)  }
0x1f9: {  	v13 =	vperm.xlane @!p0 v13, v12;
	v14 =	vperm.xlane @!p0 v14, v12;
	v15, v16, _ =	vpop @!p0 (xrf1)  }
0x1fa: {  	v4 =	vpsel p0, v4, v15;
	v5 =	vpsel p0, v5, v16  }
0x1fb: {  	vm0 =	vle.f32 @!p0 v6, v13  }
0x1fc: {  	v15 =	vsel @!p0 vm0, v6, v13;
	v13 =	vsel @!p0 vm0, v13, v6;
	v16 =	vsel @!p0 vm0, v14, v7  }
0x1fd: {  	v14 =	vsel @!p0 vm0, v7, v14;
	(xrf1) =	vsort.ascd.msk.f32 @!p0 $0xffff, v13, v16  }
0x1fe: {  	(xrf1) =	vsort.ascd.msk.f32 @!p0 $0xffff, v15, v14;
	_ =	sdelay $0xc  }
0x1ff: {  	v13, v14, _ =	vpop @!p0 (xrf1)  }
0x200: {  	v13 =	vperm.xlane @!p0 v13, v12;
	v12 =	vperm.xlane @!p0 v14, v12;
	v14, v15, _ =	vpop @!p0 (xrf1)  }
0x201: {  	v6 =	vpsel p0, v6, v14;
	v7 =	vpsel p0, v7, v15  }
0x202: {  	vm0 =	vle.f32 @!p0 v8, v13  }
0x203: {  	v13 =	vsel @!p0 vm0, v8, v13;
	v12 =	vsel @!p0 vm0, v9, v12  }
0x204: {  	(xrf1) =	vsort.ascd.msk.f32 @!p0 $0xffff, v13, v12;
	_ =	sdelay $0xa  }
.Ltmp10:
0x205: {  	(pc) =	sbr.rel @p2 .LBB2_13-.Ltmp10, $4  }
0x206: {  	s10 =	sadd.s32 $0x10, s10  }
0x207: {  	v13 =	vld [tilespmem:s10+$0x0]  }
0x208: {  	v12, v15, _ =	vpop @!p0 (xrf1)  }
0x209: {  	v14 =	vbroadcast @!p0 v12, $0xF;
	v8 =	vpsel p0, v8, v12;
	v9 =	vpsel p0, v9, v15  }
0x20a: {  	v12 =	vmov v11  }
.LBB2_15:
0x20b: {  	p0 =	por !p0, !p1  }
0x20c: {  	v10 =	vpsel p0, v14, v10  }
0x20d: {  	v2 =	vpsel p1, v10, v2  }
0x20e: {  	vm0 =	vlt.f32 v13, v2  }
0x20f: {  	v2 =	vmpcnt.ones.xlane vm0;
	_ =	sdelay $0x1  }
0x210: {  	(v2sf) =	vpush v2, $0x0;
	_ =	sdelay $0xe  }
0x211: {  	s0 =	sadd.s32 @p1 $0x10, s8;
	s2 =	spop (v2sf)  }
0x212: {  	s7 =	smov.u32 @p1 s0;
	p0 =	slt.s32 s2, $0x1  }
0x213: {  	v2 =	vld @!p0 [tilespmem:s7+$0x0];
	_ =	sdelay $0x4  }
0x214: {  	(xrf1) =	vsort.ascd.msk.f32 @!p0 $0xffff, v13, v2;
	_ =	sdelay $0xa  }
0x215: {  	v2 =	vlaneseq.u32 @!p0  }
0x216: {  	v2 =	vmul.u32 @!p0 $0xFFFFFFFF, v2;
	_ =	sdelay $0x1  }
0x217: {  	v2 =	vadd.s32 @!p0 $0xF, v2;
	v10, v11, _ =	vpop @!p0 (xrf1)  }
0x218: {  	v10 =	vperm.xlane @!p0 v10, v2  }
0x219: {  	v11 =	vperm.xlane @!p0 v11, v2  }
0x21a: {  	vm0 =	vle.f32 @!p0 v3, v10  }
0x21b: {  	v13 =	vsel @!p0 vm0, v10, v3;
	v14 =	vsel @!p0 vm0, v11, v12  }
0x21c: {  	(xrf1) =	vsort.ascd.msk.f32 @!p0 $0xffff, v13, v14;
	_ =	sdelay $0xd  }
0x21d: {  	v13, v14, _ =	vpop @!p0 (xrf1)  }
0x21e: {  	v13 =	vperm.xlane @!p0 v13, v2  }
0x21f: {  	v14 =	vperm.xlane @!p0 v14, v2  }
0x220: {  	v10 =	vsel @!p0 vm0, v3, v10;
	v11 =	vsel @!p0 vm0, v12, v11;
	vm0 =	vle.f32 @!p0 v4, v13  }
0x221: {  	(xrf1) =	vsort.ascd.msk.f32 @!p0 $0xffff, v10, v11;
	v10 =	vsel @!p0 vm0, v13, v4;
	v11 =	vsel @!p0 vm0, v14, v5  }
0x222: {  	(xrf1) =	vsort.ascd.msk.f32 @!p0 $0xffff, v10, v11;
	_ =	sdelay $0xc  }
0x223: {  	v10, v11, _ =	vpop @!p0 (xrf1)  }
0x224: {  	v15, v16, _ =	vpop @!p0 (xrf1)  }
0x225: {  	v15 =	vperm.xlane @!p0 v15, v2  }
0x226: {  	v16 =	vperm.xlane @!p0 v16, v2  }
0x227: {  	v13 =	vsel @!p0 vm0, v4, v13;
	v14 =	vsel @!p0 vm0, v5, v14;
	vm0 =	vle.f32 @!p0 v6, v15  }
0x228: {  	(xrf1) =	vsort.ascd.msk.f32 @!p0 $0xffff, v13, v14;
	v13 =	vsel @!p0 vm0, v15, v6;
	v14 =	vsel @!p0 vm0, v16, v7  }
0x229: {  	(xrf1) =	vsort.ascd.msk.f32 @!p0 $0xffff, v13, v14;
	_ =	sdelay $0xc  }
0x22a: {  	v13, v14, _ =	vpop @!p0 (xrf1)  }
0x22b: {  	v17, v18, _ =	vpop @!p0 (xrf1)  }
0x22c: {  	v17 =	vperm.xlane @!p0 v17, v2  }
0x22d: {  	v15 =	vsel @!p0 vm0, v6, v15;
	v16 =	vsel @!p0 vm0, v7, v16;
	v2 =	vperm.xlane @!p0 v18, v2  }
0x22e: {  	(xrf1) =	vsort.ascd.msk.f32 @!p0 $0xffff, v15, v16;
	vm0 =	vle.f32 @!p0 v8, v17  }
0x22f: {  	v15 =	vsel @!p0 vm0, v8, v17;
	v2 =	vsel @!p0 vm0, v9, v2  }
0x230: {  	(xrf1) =	vsort.ascd.msk.f32 @!p0 $0xffff, v15, v2;
	_ =	sdelay $0xa  }
.Ltmp11:
0x231: {  	_ = 	snop;
	(pc) =	sbr.rel .LBB2_16-.Ltmp11, $4  }
0x232: {  	v12 =	vpsel p0, v12, v11;
	v11, v15, _ =	vpop @!p0 (xrf1)  }
0x233: {  	v2 =	vpsel p0, v3, v10  }
0x234: {  	v3 =	vpsel p0, v4, v13;
	v10 =	vpsel p0, v5, v14;
	v4 =	vpsel p0, v6, v11;
	v5, v11, _ =	vpop @!p0 (xrf1)  }
0x235: {  	v6 =	vpsel p0, v7, v15;
	v5 =	vpsel p0, v8, v5;
	v7 =	vpsel p0, v9, v11  }
.LBB2_8:
0x236: {  	v3 =	vimm.f32 $3.000000010e+38;
	v4 =	vimm.f32 $3.000000010e+38;
	v5 =	vimm.f32 $3.000000010e+38  }
0x237: {  	v10 =	vimm.s32 $0x0;
	v6 =	vimm.s32 $0x0;
	v7 =	vimm.s32 $0x0  }
.LBB2_16:
0x238: {  	_ =	swait.ge [sflag:s28], $0x2000  }
0x239: {  	[sflag:s28] =	ssyncset.done $0x0  }
0x23a: {  	s0 =	sshll.u32 s1, $0x7;
	[sflag:s28] =	ssyncadd.s32 $0xFFFFE000  }
0x23b: {  	[tilespmem:s0+$0x90C0] =	vst v2  }
0x23c: {  	v2 =	vld.idx.msk [tilespmem:v12+s25+$0x0], $0xffff;
	_ =	sdelay $0x3  }
0x23d: {  	[tilespmem:s0+$0x90D0] =	vst v3  }
0x23e: {  	[tilespmem:s0+$0x98C0] =	vst v2  }
0x23f: {  	v2 =	vld.idx.msk [tilespmem:v10+s25+$0x0], $0xffff;
	_ =	sdelay $0x3  }
0x240: {  	[tilespmem:s0+$0x90E0] =	vst v4  }
0x241: {  	[tilespmem:s0+$0x98D0] =	vst v2  }
0x242: {  	v2 =	vld.idx.msk [tilespmem:v6+s25+$0x0], $0xffff;
	_ =	sdelay $0x3  }
0x243: {  	[tilespmem:s0+$0x90F0] =	vst v5  }
0x244: {  	[tilespmem:s0+$0x98E0] =	vst v2  }
0x245: {  	v2 =	vld.idx.msk [tilespmem:v7+s25+$0x0], $0xffff;
	_ =	sdelay $0x4  }
0x246: {  	[tilespmem:s0+$0x98F0] =	vst v2  }
.LBB2_17:
0x247: {  	[tilespmem:s17], [sflag:$0x2] =	stream.indirect.gather [hbm4b:s4+s15], $0x80, s16, s15, $0xb8;
	[tilespmem:$0xA100] =	vst v63  }
0x248: {  	_ = 	snop  }
0x249: {  	[tilespmem:s18], [sflag:$0x3] =	stream.indirect.gather [hbm4b:s5+s15], $0x80, s12, s15, $0xb8;
	[tilespmem:$0xA100] =	vst v63  }
0x24a: {  	_ =	swait.ge [sflag:s19], $0x380  }
0x24b: {  	[sflag:s19] =	ssyncset.done $0x0  }
0x24c: {  	s0 =	simm.s32 $0x4480;
	[sflag:s19] =	ssyncadd.s32 $0xFFFFFC80  }
0x24d: {  	v2 =	vld [tilespmem:s0+$0x0];
	_ =	sdelay $0x3  }
0x24e: {  	v6 =	vimm.f32 $3.000000010e+38  }
0x24f: {  	vm0 =	vlt.f32 v2, v6  }
0x250: {  	v3 =	vmpcnt.ones.xlane vm0;
	_ =	sdelay $0x1  }
0x251: {  	(v2sf) =	vpush v3, $0x0;
	_ =	sdelay $0xe  }
0x252: {  	s30 =	spop (v2sf)  }
0x253: {  	p0 =	slt.s32 s30, $0x1  }
0x254: {  	s0 =	simm.s32 $0x0;
	v3 =	vlaneseq.u32 @!p0  }
0x255: {  	v4 =	vor.u32 @!p0 s0, v3  }
0x256: {  	(xrf1) =	vsort.ascd.msk.f32 @!p0 $0xffff, v2, v4;
	_ =	sdelay $0xb  }
0x257: {  	v2 =	vmul.u32 @!p0 $0xFFFFFFFF, v3;
	_ =	sdelay $0x1  }
0x258: {  	v2 =	vadd.s32 @!p0 $0xF, v2;
	v3, v4, _ =	vpop @!p0 (xrf1)  }
0x259: {  	v3 =	vperm.xlane @!p0 v3, v2  }
0x25a: {  	v4 =	vperm.xlane @!p0 v4, v2  }
0x25b: {  	v13 =	vimm.s32 $0x0;
	vm0 =	vle.f32 @!p0 v6, v3  }
0x25c: {  	v5 =	vsel @!p0 vm0, v3, v6;
	v7 =	vsel @!p0 vm0, v4, v13  }
0x25d: {  	(xrf1) =	vsort.ascd.msk.f32 @!p0 $0xffff, v5, v7;
	_ =	sdelay $0xd  }
0x25e: {  	v5, v7, _ =	vpop @!p0 (xrf1)  }
0x25f: {  	v5 =	vperm.xlane @!p0 v5, v2  }
0x260: {  	v7 =	vperm.xlane @!p0 v7, v2  }
0x261: {  	v3 =	vsel @!p0 vm0, v6, v3;
	v4 =	vsel @!p0 vm0, v13, v4;
	vm0 =	vle.f32 @!p0 v6, v5  }
0x262: {  	(xrf1) =	vsort.ascd.msk.f32 @!p0 $0xffff, v3, v4;
	v3 =	vsel @!p0 vm0, v5, v6;
	v4 =	vsel @!p0 vm0, v7, v13  }
0x263: {  	(xrf1) =	vsort.ascd.msk.f32 @!p0 $0xffff, v3, v4;
	_ =	sdelay $0xc  }
0x264: {  	v3, v4, _ =	vpop @!p0 (xrf1)  }
0x265: {  	v8, v9, _ =	vpop @!p0 (xrf1)  }
0x266: {  	v8 =	vperm.xlane @!p0 v8, v2  }
0x267: {  	v9 =	vperm.xlane @!p0 v9, v2  }
0x268: {  	v5 =	vsel @!p0 vm0, v6, v5;
	v7 =	vsel @!p0 vm0, v13, v7;
	vm0 =	vle.f32 @!p0 v6, v8  }
0x269: {  	(xrf1) =	vsort.ascd.msk.f32 @!p0 $0xffff, v5, v7;
	v5 =	vsel @!p0 vm0, v8, v6;
	v7 =	vsel @!p0 vm0, v9, v13  }
0x26a: {  	(xrf1) =	vsort.ascd.msk.f32 @!p0 $0xffff, v5, v7;
	_ =	sdelay $0xc  }
0x26b: {  	v7, v11, _ =	vpop @!p0 (xrf1)  }
0x26c: {  	v5, v10, _ =	vpop @!p0 (xrf1)  }
0x26d: {  	v5 =	vperm.xlane @!p0 v5, v2  }
0x26e: {  	v2 =	vperm.xlane @!p0 v10, v2  }
0x26f: {  	v8 =	vsel @!p0 vm0, v6, v8;
	v9 =	vsel @!p0 vm0, v13, v9;
	vm0 =	vle.f32 @!p0 v6, v5  }
0x270: {  	(xrf1) =	vsort.ascd.msk.f32 @!p0 $0xffff, v8, v9;
	v5 =	vsel @!p0 vm0, v6, v5;
	v2 =	vsel @!p0 vm0, v13, v2  }
0x271: {  	(xrf1) =	vsort.ascd.msk.f32 @!p0 $0xffff, v5, v2;
	_ =	sdelay $0xb  }
0x272: {  	s8 =	simm.s32 $0x4490  }
0x273: {  	v10 =	vpsel p0, v6, v3;
	v5 =	vpsel p0, v13, v4;
	v4 =	vpsel p0, v13, v11;
	v11 =	vld [tilespmem:s8+$0x0];
	v2, v3, _ =	vpop @!p0 (xrf1)  }
0x274: {  	v9 =	vpsel p0, v6, v7;
	v8 =	vpsel p0, v6, v2;
	v2 =	vpsel p0, v13, v3;
	v3, v14, _ =	vpop @!p0 (xrf1)  }
0x275: {  	s7 =	simm.s32 $0x10;
	s9 =	simm.s32 $0x20;
	v12 =	vbroadcast @!p0 v3, $0xF;
	v7 =	vpsel p0, v6, v3;
	v3 =	vpsel p0, v13, v14  }
.LBB2_18:
0x276: {  	_ = 	snop  }
0x277: {  	s0 =	smov.u32 s9;
	s9 =	sadd.s32 $0x10, s9;
	v6 =	vpsel p0, v6, v12  }
0x278: {  	p1 =	sne.s32 s9, $0x310;
	vm0 =	vlt.f32 v11, v6  }
0x279: {  	v12 =	vmpcnt.ones.xlane vm0;
	_ =	sdelay $0x1  }
0x27a: {  	(v2sf) =	vpush v12, $0x0;
	_ =	sdelay $0xe  }
0x27b: {  	s2 =	spop (v2sf)  }
0x27c: {  	p0 =	slt.s32 s2, $0x1  }
0x27d: {  	v12 =	vlaneseq.u32 @!p0  }
0x27e: {  	v13 =	vor.u32 @!p0 s7, v12;
	v12 =	vmul.u32 @!p0 $0xFFFFFFFF, v12;
	s7 =	smov.u32 s0  }
0x27f: {  	(xrf1) =	vsort.ascd.msk.f32 @!p0 $0xffff, v11, v13;
	_ =	sdelay $0xd  }
0x280: {  	v11 =	vadd.s32 @!p0 $0xF, v12;
	v12, v13, _ =	vpop @!p0 (xrf1)  }
0x281: {  	v12 =	vperm.xlane @!p0 v12, v11;
	v13 =	vperm.xlane @!p0 v13, v11;
	_ =	sdelay $0x1  }
0x282: {  	vm0 =	vle.f32 @!p0 v10, v12  }
0x283: {  	v14 =	vsel @!p0 vm0, v10, v12;
	v12 =	vsel @!p0 vm0, v12, v10;
	v15 =	vsel @!p0 vm0, v13, v5  }
0x284: {  	v13 =	vsel @!p0 vm0, v5, v13;
	(xrf1) =	vsort.ascd.msk.f32 @!p0 $0xffff, v12, v15  }
0x285: {  	(xrf1) =	vsort.ascd.msk.f32 @!p0 $0xffff, v14, v13;
	_ =	sdelay $0xc  }
0x286: {  	v12, v13, _ =	vpop @!p0 (xrf1)  }
0x287: {  	v12 =	vperm.xlane @!p0 v12, v11;
	v13 =	vperm.xlane @!p0 v13, v11;
	v14, v15, _ =	vpop @!p0 (xrf1)  }
0x288: {  	v10 =	vpsel p0, v10, v14;
	v5 =	vpsel p0, v5, v15  }
0x289: {  	vm0 =	vle.f32 @!p0 v9, v12  }
0x28a: {  	v14 =	vsel @!p0 vm0, v9, v12;
	v12 =	vsel @!p0 vm0, v12, v9;
	v15 =	vsel @!p0 vm0, v13, v4  }
0x28b: {  	v13 =	vsel @!p0 vm0, v4, v13;
	(xrf1) =	vsort.ascd.msk.f32 @!p0 $0xffff, v12, v15  }
0x28c: {  	(xrf1) =	vsort.ascd.msk.f32 @!p0 $0xffff, v14, v13;
	_ =	sdelay $0xc  }
0x28d: {  	v12, v13, _ =	vpop @!p0 (xrf1)  }
0x28e: {  	v12 =	vperm.xlane @!p0 v12, v11;
	v13 =	vperm.xlane @!p0 v13, v11;
	v14, v15, _ =	vpop @!p0 (xrf1)  }
0x28f: {  	v9 =	vpsel p0, v9, v14;
	v4 =	vpsel p0, v4, v15  }
0x290: {  	vm0 =	vle.f32 @!p0 v8, v12  }
0x291: {  	v14 =	vsel @!p0 vm0, v8, v12;
	v12 =	vsel @!p0 vm0, v12, v8;
	v15 =	vsel @!p0 vm0, v13, v2  }
0x292: {  	v13 =	vsel @!p0 vm0, v2, v13;
	(xrf1) =	vsort.ascd.msk.f32 @!p0 $0xffff, v12, v15  }
0x293: {  	(xrf1) =	vsort.ascd.msk.f32 @!p0 $0xffff, v14, v13;
	_ =	sdelay $0xc  }
0x294: {  	v12, v13, _ =	vpop @!p0 (xrf1)  }
0x295: {  	v12 =	vperm.xlane @!p0 v12, v11;
	v11 =	vperm.xlane @!p0 v13, v11;
	v13, v14, _ =	vpop @!p0 (xrf1)  }
0x296: {  	v8 =	vpsel p0, v8, v13;
	v2 =	vpsel p0, v2, v14  }
0x297: {  	vm0 =	vle.f32 @!p0 v7, v12  }
0x298: {  	v12 =	vsel @!p0 vm0, v7, v12;
	v11 =	vsel @!p0 vm0, v3, v11  }
0x299: {  	(xrf1) =	vsort.ascd.msk.f32 @!p0 $0xffff, v12, v11;
	_ =	sdelay $0xa  }
.Ltmp12:
0x29a: {  	(pc) =	sbr.rel @p1 .LBB2_18-.Ltmp12, $4  }
0x29b: {  	s8 =	sadd.s32 $0x10, s8  }
0x29c: {  	v11 =	vld [tilespmem:s8+$0x0]  }
0x29d: {  	v13, v14, _ =	vpop @!p0 (xrf1)  }
0x29e: {  	v12 =	vbroadcast @!p0 v13, $0xF;
	v7 =	vpsel p0, v7, v13;
	v3 =	vpsel p0, v3, v14  }
0x29f: {  	_ = 	snop  }
0x2a0: {  	v6 =	vpsel p0, v6, v12  }
0x2a1: {  	vm0 =	vlt.f32 v11, v6  }
0x2a2: {  	v6 =	vmpcnt.ones.xlane vm0;
	_ =	sdelay $0x1  }
0x2a3: {  	(v2sf) =	vpush v6, $0x0;
	_ =	sdelay $0xe  }
0x2a4: {  	s0 =	spop (v2sf)  }
0x2a5: {  	p0 =	slt.s32 s0, $0x1  }
0x2a6: {  	v6 =	vlaneseq.u32 @!p0  }
0x2a7: {  	v12 =	vor.u32 @!p0 s7, v6  }
0x2a8: {  	(xrf1) =	vsort.ascd.msk.f32 @!p0 $0xffff, v11, v12;
	_ =	sdelay $0xb  }
0x2a9: {  	v6 =	vmul.u32 @!p0 $0xFFFFFFFF, v6;
	_ =	sdelay $0x1  }
0x2aa: {  	v6 =	vadd.s32 @!p0 $0xF, v6;
	v11, v12, _ =	vpop @!p0 (xrf1)  }
0x2ab: {  	v11 =	vperm.xlane @!p0 v11, v6  }
0x2ac: {  	v12 =	vperm.xlane @!p0 v12, v6  }
0x2ad: {  	vm0 =	vle.f32 @!p0 v10, v11  }
0x2ae: {  	v13 =	vsel @!p0 vm0, v11, v10;
	v14 =	vsel @!p0 vm0, v12, v5  }
0x2af: {  	(xrf1) =	vsort.ascd.msk.f32 @!p0 $0xffff, v13, v14;
	_ =	sdelay $0xd  }
0x2b0: {  	v13, v14, _ =	vpop @!p0 (xrf1)  }
0x2b1: {  	v13 =	vperm.xlane @!p0 v13, v6  }
0x2b2: {  	v14 =	vperm.xlane @!p0 v14, v6  }
0x2b3: {  	v10 =	vsel @!p0 vm0, v10, v11;
	v11 =	vsel @!p0 vm0, v5, v12;
	vm0 =	vle.f32 @!p0 v9, v13  }
0x2b4: {  	(xrf1) =	vsort.ascd.msk.f32 @!p0 $0xffff, v10, v11;
	v10 =	vsel @!p0 vm0, v13, v9;
	v11 =	vsel @!p0 vm0, v14, v4  }
0x2b5: {  	(xrf1) =	vsort.ascd.msk.f32 @!p0 $0xffff, v10, v11;
	_ =	sdelay $0xc  }
0x2b6: {  	v10, v11, _ =	vpop @!p0 (xrf1)  }
0x2b7: {  	v10, v12, _ =	vpop @!p0 (xrf1)  }
0x2b8: {  	v10 =	vperm.xlane @!p0 v10, v6  }
0x2b9: {  	v12 =	vperm.xlane @!p0 v12, v6  }
0x2ba: {  	v9 =	vsel @!p0 vm0, v9, v13;
	v13 =	vsel @!p0 vm0, v4, v14;
	vm0 =	vle.f32 @!p0 v8, v10  }
0x2bb: {  	(xrf1) =	vsort.ascd.msk.f32 @!p0 $0xffff, v9, v13;
	v9 =	vsel @!p0 vm0, v10, v8;
	v13 =	vsel @!p0 vm0, v12, v2  }
0x2bc: {  	(xrf1) =	vsort.ascd.msk.f32 @!p0 $0xffff, v9, v13;
	_ =	sdelay $0xc  }
0x2bd: {  	v9, v13, _ =	vpop @!p0 (xrf1)  }
0x2be: {  	v9, v14, _ =	vpop @!p0 (xrf1)  }
0x2bf: {  	v9 =	vperm.xlane @!p0 v9, v6  }
0x2c0: {  	v6 =	vperm.xlane @!p0 v14, v6  }
0x2c1: {  	v8 =	vsel @!p0 vm0, v8, v10;
	v10 =	vsel @!p0 vm0, v2, v12;
	vm0 =	vle.f32 @!p0 v7, v9  }
0x2c2: {  	(xrf1) =	vsort.ascd.msk.f32 @!p0 $0xffff, v8, v10;
	v8 =	vsel @!p0 vm0, v7, v9;
	v6 =	vsel @!p0 vm0, v3, v6  }
0x2c3: {  	(xrf1) =	vsort.ascd.msk.f32 @!p0 $0xffff, v8, v6;
	_ =	sdelay $0xc  }
0x2c4: {  	v6, v9, _ =	vpop @!p0 (xrf1)  }
0x2c5: {  	v6, v10, _ =	vpop @!p0 (xrf1)  }
0x2c6: {  	v8 =	vpsel p0, v7, v6  }
0x2c7: {  	(v2sf) =	vpush v8, $0xB;
	_ =	sdelay $0x3  }
0x2c8: {  	s9 =	sor.u32 $0x1, s31;
	v5 =	vpsel p0, v5, v11  }
0x2c9: {  	s2 =	sor.u32 s6, s9;
	v6 =	vshll.u32 v5, $0xA  }
0x2ca: {  	p1 =	sgt.u32 s9, $0x1E;
	[tilespmem:$0x4880] =	vst v5;
	v4 =	vpsel p0, v4, v13;
	v6 =	vadd.s32 s2, v6  }
0x2cb: {  	s0 =	sadd.s32 @!p1 $0x1, s2;
	[tilespmem:$0x4800] =	vst v6;
	v6 =	vshll.u32 v4, $0xA  }
0x2cc: {  	s7 =	sshrl.u32 @!p1 s0, $0x3;
	[tilespmem:$0x4890] =	vst v4;
	v2 =	vpsel p0, v2, v9;
	v5 =	vadd.s32 s2, v6  }
0x2cd: {  	s0 =	sshll.u32 @!p1 s0, $0x7;
	s7 =	smul.u32 @!p1 $0x1C00, s7;
	[tilespmem:$0x4810] =	vst v5;
	v5 =	vshll.u32 v2, $0xA  }
0x2ce: {  	s0 =	sand.u32 @!p1 $0x300, s0;
	[tilespmem:$0x48A0] =	vst v2;
	v3 =	vpsel p0, v3, v10;
	v4 =	vadd.s32 s2, v5  }
0x2cf: {  	s0 =	sor.u32 @!p1 s0, s7;
	[tilespmem:$0x4820] =	vst v4;
	v4 =	vshll.u32 v3, $0xA  }
0x2d0: {  	s8 =	simm.s32 @!p1 $0x400;
	s9 =	simm.s32 @!p1 $0x0;
	s0 =	sshrl.u32 @!p1 s0, $0x3;
	[tilespmem:$0x48B0] =	vst v3;
	v2 =	vadd.s32 s2, v4  }
0x2d1: {  	s7 =	simm.s32 $0x0;
	s0 =	sadd.s32 @!p1 s3, s0;
	s2 =	simm.s32 @!p1 $0x80;
	[tilespmem:$0x4830] =	vst v2  }
0x2d2: {  	v2 =	vor.u32 s7, v0;
	[tilespmem:s9], [sflag:$0x1] =	stream.strided.gather @!p1 [hbm4b:s0+s2], $0x380, s8, s2, $0x38;
	[tilespmem:$0xA100] =	vst v63  }
0x2d3: {  	s29 =	spop (v2sf)  }
0x2d4: {  	_ =	swait.ge [sflag:s20], $0x2000  }
0x2d5: {  	[sflag:s20] =	ssyncset.done $0x0  }
0x2d6: {  	[sflag:s20] =	ssyncadd.s32 $0xFFFFE000  }
0x2d7: {  	v3 =	vld.idx.msk [tilespmem:v2+s17+$0x0], $0xffff;
	_ =	sdelay $0x1  }
0x2d8: {  	v2 =	vor.u32 $0x10, v0  }
0x2d9: {  	v9 =	vbroadcast v1, $0xB;
	v1 =	vor.u32 s7, v2;
	_ =	sdelay $0x1  }
0x2da: {  	s10 =	simm.s32 $0x0;
	s8 =	simm.s32 $0x0;
	vm8 =	vle.f32 v3, v9  }
0x2db: {  	[tilespmem:s10+$0x8900] =	vst.msk vm8, v3;
	v3 =	vor.u32 s8, v0;
	v4 =	vmpcnt.ones.xlane vm8  }
0x2dc: {  	[tilespmem:s10+$0x8D00] =	vst.msk vm8, v3  }
0x2dd: {  	v3 =	vld.idx.msk [tilespmem:v1+s17+$0x0], $0xffff;
	(v2sf) =	vpush v4, $0x0;
	_ =	sdelay $0x4  }
0x2de: {  	vm9 =	vle.f32 v3, v9  }
0x2df: {  	v1 =	vmpcnt.ones.xlane vm9;
	_ =	sdelay $0x1  }
0x2e0: {  	(v2sf) =	vpush v1, $0x0;
	_ =	sdelay $0x6  }
0x2e1: {  	v1 =	vor.u32 $0x20, v0;
	s9 =	spop (v2sf)  }
0x2e2: {  	v4 =	vor.u32 s7, v1;
	s0 =	sadd.s32 $0x0, s9  }
0x2e3: {  	p0 =	slt.s32 s0, $0x3F0  }
0x2e4: {  	s10 =	simm.s32 $0x10;
	s0 =	simm.s32 @!p0 $0x3F0  }
0x2e5: {  	[tilespmem:s0+$0x8900] =	vst.msk vm9, v3;
	v3 =	vor.u32 s10, v0  }
0x2e6: {  	[tilespmem:s0+$0x8D00] =	vst.msk vm9, v3  }
0x2e7: {  	v4 =	vld.idx.msk [tilespmem:v4+s17+$0x0], $0xffff;
	_ =	sdelay $0x1  }
0x2e8: {  	v3 =	vor.u32 $0x30, v0;
	s8 =	spop (v2sf)  }
0x2e9: {  	v5 =	vor.u32 s7, v3;
	s0 =	sadd.s32 s0, s8  }
0x2ea: {  	p0 =	slt.s32 s0, $0x3F0  }
0x2eb: {  	s9 =	simm.s32 $0x20;
	s0 =	simm.s32 @!p0 $0x3F0;
	vm10 =	vle.f32 v4, v9  }
0x2ec: {  	[tilespmem:s0+$0x8900] =	vst.msk vm10, v4;
	v4 =	vor.u32 s9, v0;
	v6 =	vmpcnt.ones.xlane vm10  }
0x2ed: {  	[tilespmem:s0+$0x8D00] =	vst.msk vm10, v4  }
0x2ee: {  	v5 =	vld.idx.msk [tilespmem:v5+s17+$0x0], $0xffff;
	(v2sf) =	vpush v6, $0x0;
	_ =	sdelay $0x4  }
0x2ef: {  	vm11 =	vle.f32 v5, v9  }
0x2f0: {  	v4 =	vmpcnt.ones.xlane vm11;
	_ =	sdelay $0x1  }
0x2f1: {  	(v2sf) =	vpush v4, $0x0;
	_ =	sdelay $0x6  }
0x2f2: {  	v4 =	vor.u32 $0x40, v0;
	s10 =	spop (v2sf)  }
0x2f3: {  	v6 =	vor.u32 s7, v4;
	s0 =	sadd.s32 s0, s10  }
0x2f4: {  	p0 =	slt.s32 s0, $0x3F0  }
0x2f5: {  	s8 =	simm.s32 $0x30;
	s0 =	simm.s32 @!p0 $0x3F0  }
0x2f6: {  	[tilespmem:s0+$0x8900] =	vst.msk vm11, v5;
	v5 =	vor.u32 s8, v0  }
0x2f7: {  	[tilespmem:s0+$0x8D00] =	vst.msk vm11, v5  }
0x2f8: {  	v6 =	vld.idx.msk [tilespmem:v6+s17+$0x0], $0xffff;
	_ =	sdelay $0x1  }
0x2f9: {  	v5 =	vor.u32 $0x50, v0;
	s9 =	spop (v2sf)  }
0x2fa: {  	v7 =	vor.u32 s7, v5;
	s0 =	sadd.s32 s0, s9  }
0x2fb: {  	p0 =	slt.s32 s0, $0x3F0  }
0x2fc: {  	s10 =	simm.s32 $0x40;
	s0 =	simm.s32 @!p0 $0x3F0;
	vm12 =	vle.f32 v6, v9  }
0x2fd: {  	[tilespmem:s0+$0x8900] =	vst.msk vm12, v6;
	v6 =	vor.u32 s10, v0;
	v10 =	vmpcnt.ones.xlane vm12  }
0x2fe: {  	[tilespmem:s0+$0x8D00] =	vst.msk vm12, v6  }
0x2ff: {  	v7 =	vld.idx.msk [tilespmem:v7+s17+$0x0], $0xffff;
	(v2sf) =	vpush v10, $0x0;
	_ =	sdelay $0x4  }
0x300: {  	vm13 =	vle.f32 v7, v9  }
0x301: {  	v6 =	vmpcnt.ones.xlane vm13;
	_ =	sdelay $0x1  }
0x302: {  	(v2sf) =	vpush v6, $0x0;
	_ =	sdelay $0x6  }
0x303: {  	v6 =	vor.u32 $0x60, v0;
	s8 =	spop (v2sf)  }
0x304: {  	v10 =	vor.u32 s7, v6;
	s0 =	sadd.s32 s0, s8  }
0x305: {  	p0 =	slt.s32 s0, $0x3F0  }
0x306: {  	s9 =	simm.s32 $0x50;
	s0 =	simm.s32 @!p0 $0x3F0  }
0x307: {  	[tilespmem:s0+$0x8900] =	vst.msk vm13, v7;
	v7 =	vor.u32 s9, v0  }
0x308: {  	[tilespmem:s0+$0x8D00] =	vst.msk vm13, v7  }
0x309: {  	v10 =	vld.idx.msk [tilespmem:v10+s17+$0x0], $0xffff;
	_ =	sdelay $0x1  }
0x30a: {  	v7 =	vor.u32 $0x70, v0;
	s10 =	spop (v2sf)  }
0x30b: {  	v11 =	vor.u32 s7, v7;
	s0 =	sadd.s32 s0, s10  }
0x30c: {  	p0 =	slt.s32 s0, $0x3F0  }
0x30d: {  	s7 =	simm.s32 $0x60;
	s0 =	simm.s32 @!p0 $0x3F0;
	vm14 =	vle.f32 v10, v9  }
0x30e: {  	[tilespmem:s0+$0x8900] =	vst.msk vm14, v10;
	v10 =	vor.u32 s7, v0  }
0x30f: {  	[tilespmem:s0+$0x8D00] =	vst.msk vm14, v10  }
0x310: {  	v10 =	vld.idx.msk [tilespmem:v11+s17+$0x0], $0xffff;
	v11 =	vmpcnt.ones.xlane vm14;
	_ =	sdelay $0x1  }
0x311: {  	(v2sf) =	vpush v11, $0x0;
	_ =	sdelay $0x3  }
0x312: {  	vm15 =	vle.f32 v10, v9  }
0x313: {  	v11 =	vmpcnt.ones.xlane vm15;
	_ =	sdelay $0x1  }
0x314: {  	(v2sf) =	vpush v11, $0x0;
	_ =	sdelay $0x7  }
0x315: {  	s7 =	simm.s32 $0x80;
	s8 =	spop (v2sf)  }
0x316: {  	v11 =	vor.u32 s7, v0;
	s0 =	sadd.s32 s0, s8  }
0x317: {  	p0 =	slt.s32 s0, $0x3F0  }
0x318: {  	s9 =	simm.s32 $0x70;
	s0 =	simm.s32 @!p0 $0x3F0  }
0x319: {  	[tilespmem:s0+$0x8900] =	vst.msk vm15, v10;
	v10 =	vor.u32 s9, v0  }
0x31a: {  	[tilespmem:s0+$0x8D00] =	vst.msk vm15, v10  }
0x31b: {  	v11 =	vld.idx.msk [tilespmem:v11+s17+$0x0], $0xffff  }
0x31c: {  	s10 =	spop (v2sf)  }
0x31d: {  	s31 =	simm.s32 $0xF0;
	s2 =	sadd.s32 s0, s10  }
0x31e: {  	s30 =	simm.s32 $0x170;
	s8 =	simm.s32 $0x1;
	v10 =	vor.u32 s7, v2;
	p1 =	slt.s32 s2, $0x3F0  }
.LBB2_20:
0x31f: {  	s0 =	sadd.s32 $0xFFFFFF90, s31  }
0x320: {  	vm0 =	vle.f32 v11, v9;
	s2 =	simm.s32 @!p1 $0x3F0;
	s10 =	smov.u32 s30;
	s9 =	sadd.s32 $0x80, s30  }
0x321: {  	p0 =	sne.s32 s30, $0x1FF0;
	[tilespmem:s2+$0x8900] =	vst.msk vm0, v11;
	v11 =	vor.u32 s0, v0;
	v12 =	vmpcnt.ones.xlane vm0  }
0x322: {  	[tilespmem:s2+$0x8D00] =	vst.msk vm0, v11  }
0x323: {  	v10 =	vld.idx.msk [tilespmem:v10+s17+$0x0], $0xffff;
	(v2sf) =	vpush v12, $0x0;
	_ =	sdelay $0x5  }
0x324: {  	vm0 =	vle.f32 v10, v9  }
0x325: {  	v11 =	vmpcnt.ones.xlane vm0;
	_ =	sdelay $0x1  }
0x326: {  	(v2sf) =	vpush v11, $0x0;
	_ =	sdelay $0x5  }
0x327: {  	s0 =	spop (v2sf)  }
0x328: {  	v11 =	vor.u32 s7, v1;
	s0 =	sadd.s32 s2, s0  }
0x329: {  	p1 =	slt.s32 s0, $0x3F0  }
0x32a: {  	s2 =	sadd.s32 $0xFFFFFFA0, s31;
	s0 =	simm.s32 @!p1 $0x3F0  }
0x32b: {  	[tilespmem:s0+$0x8900] =	vst.msk vm0, v10;
	v10 =	vor.u32 s2, v0  }
0x32c: {  	[tilespmem:s0+$0x8D00] =	vst.msk vm0, v10  }
0x32d: {  	v10 =	vld.idx.msk [tilespmem:v11+s17+$0x0], $0xffff;
	_ =	sdelay $0x2  }
0x32e: {  	s2 =	spop (v2sf)  }
0x32f: {  	v11 =	vor.u32 s7, v3;
	s0 =	sadd.s32 s0, s2  }
0x330: {  	p1 =	slt.s32 s0, $0x3F0  }
0x331: {  	s2 =	sadd.s32 $0xFFFFFFB0, s31;
	vm0 =	vle.f32 v10, v9;
	s0 =	simm.s32 @!p1 $0x3F0  }
0x332: {  	v12 =	vmpcnt.ones.xlane vm0;
	[tilespmem:s0+$0x8900] =	vst.msk vm0, v10;
	v10 =	vor.u32 s2, v0  }
0x333: {  	[tilespmem:s0+$0x8D00] =	vst.msk vm0, v10  }
0x334: {  	v10 =	vld.idx.msk [tilespmem:v11+s17+$0x0], $0xffff;
	(v2sf) =	vpush v12, $0x0;
	_ =	sdelay $0x5  }
0x335: {  	vm0 =	vle.f32 v10, v9  }
0x336: {  	v11 =	vmpcnt.ones.xlane vm0;
	_ =	sdelay $0x1  }
0x337: {  	(v2sf) =	vpush v11, $0x0;
	_ =	sdelay $0x5  }
0x338: {  	s2 =	spop (v2sf)  }
0x339: {  	v11 =	vor.u32 s7, v4;
	s0 =	sadd.s32 s0, s2  }
0x33a: {  	p1 =	slt.s32 s0, $0x3F0  }
0x33b: {  	s2 =	sadd.s32 $0xFFFFFFC0, s31;
	s0 =	simm.s32 @!p1 $0x3F0  }
0x33c: {  	[tilespmem:s0+$0x8900] =	vst.msk vm0, v10;
	v10 =	vor.u32 s2, v0  }
0x33d: {  	[tilespmem:s0+$0x8D00] =	vst.msk vm0, v10  }
0x33e: {  	v10 =	vld.idx.msk [tilespmem:v11+s17+$0x0], $0xffff;
	_ =	sdelay $0x2  }
0x33f: {  	s2 =	spop (v2sf)  }
0x340: {  	v11 =	vor.u32 s7, v5;
	s0 =	sadd.s32 s0, s2  }
0x341: {  	p1 =	slt.s32 s0, $0x3F0  }
0x342: {  	s2 =	sadd.s32 $0xFFFFFFD0, s31;
	vm0 =	vle.f32 v10, v9;
	s0 =	simm.s32 @!p1 $0x3F0  }
0x343: {  	v12 =	vmpcnt.ones.xlane vm0;
	[tilespmem:s0+$0x8900] =	vst.msk vm0, v10;
	v10 =	vor.u32 s2, v0  }
0x344: {  	[tilespmem:s0+$0x8D00] =	vst.msk vm0, v10  }
0x345: {  	v10 =	vld.idx.msk [tilespmem:v11+s17+$0x0], $0xffff;
	(v2sf) =	vpush v12, $0x0;
	_ =	sdelay $0x5  }
0x346: {  	vm0 =	vle.f32 v10, v9  }
0x347: {  	v11 =	vmpcnt.ones.xlane vm0;
	_ =	sdelay $0x1  }
0x348: {  	(v2sf) =	vpush v11, $0x0;
	_ =	sdelay $0x5  }
0x349: {  	s2 =	spop (v2sf)  }
0x34a: {  	v11 =	vor.u32 s7, v6;
	s0 =	sadd.s32 s0, s2  }
0x34b: {  	p1 =	slt.s32 s0, $0x3F0  }
0x34c: {  	s2 =	sadd.s32 $0xFFFFFFE0, s31;
	s0 =	simm.s32 @!p1 $0x3F0  }
0x34d: {  	[tilespmem:s0+$0x8900] =	vst.msk vm0, v10;
	v10 =	vor.u32 s2, v0  }
0x34e: {  	[tilespmem:s0+$0x8D00] =	vst.msk vm0, v10  }
0x34f: {  	v10 =	vld.idx.msk [tilespmem:v11+s17+$0x0], $0xffff;
	_ =	sdelay $0x2  }
0x350: {  	s2 =	spop (v2sf)  }
0x351: {  	v11 =	vor.u32 s7, v7;
	s0 =	sadd.s32 s0, s2  }
0x352: {  	p1 =	slt.s32 s0, $0x3F0  }
0x353: {  	s2 =	sadd.s32 $0xFFFFFFF0, s31;
	vm0 =	vle.f32 v10, v9;
	s0 =	simm.s32 @!p1 $0x3F0  }
0x354: {  	v12 =	vmpcnt.ones.xlane vm0;
	[tilespmem:s0+$0x8900] =	vst.msk vm0, v10;
	v10 =	vor.u32 s2, v0  }
0x355: {  	[tilespmem:s0+$0x8D00] =	vst.msk vm0, v10  }
0x356: {  	v10 =	vld.idx.msk [tilespmem:v11+s17+$0x0], $0xffff;
	(v2sf) =	vpush v12, $0x0;
	_ =	sdelay $0x5  }
0x357: {  	vm0 =	vle.f32 v10, v9  }
0x358: {  	v11 =	vmpcnt.ones.xlane vm0;
	_ =	sdelay $0x1  }
0x359: {  	(v2sf) =	vpush v11, $0x0;
	_ =	sdelay $0x4  }
0x35a: {  	s8 =	sadd.s32 $0x1, s8  }
0x35b: {  	s7 =	sshll.u32 s8, $0x7;
	s2 =	spop (v2sf)  }
0x35c: {  	v11 =	vor.u32 s7, v0;
	s0 =	sadd.s32 s0, s2  }
0x35d: {  	p1 =	slt.s32 s0, $0x3F0  }
0x35e: {  	s0 =	simm.s32 @!p1 $0x3F0  }
0x35f: {  	[tilespmem:s0+$0x8900] =	vst.msk vm0, v10;
	v10 =	vor.u32 s31, v0;
	s31 =	smov.u32 s10  }
0x360: {  	[tilespmem:s0+$0x8D00] =	vst.msk vm0, v10  }
0x361: {  	v11 =	vld.idx.msk [tilespmem:v11+s17+$0x0], $0xffff  }
.Ltmp13:
0x362: {  	(pc) =	sbr.rel @p0 .LBB2_20-.Ltmp13, $4  }
0x363: {  	_ = 	snop  }
0x364: {  	s2 =	spop (v2sf)  }
0x365: {  	v10 =	vor.u32 s7, v2;
	s2 =	sadd.s32 s0, s2  }
0x366: {  	s30 =	smov.u32 s9;
	p1 =	slt.s32 s2, $0x3F0  }
0x367: {  	_ = 	snop  }
0x368: {  	vm0 =	vle.f32 v11, v9;
	s0 =	sadd.s32 $0xFFFFFF90, s31;
	s2 =	simm.s32 @!p1 $0x3F0  }
0x369: {  	[tilespmem:s2+$0x8900] =	vst.msk vm0, v11;
	v11 =	vor.u32 s0, v0;
	v12 =	vmpcnt.ones.xlane vm0  }
0x36a: {  	[tilespmem:s2+$0x8D00] =	vst.msk vm0, v11  }
0x36b: {  	v10 =	vld.idx.msk [tilespmem:v10+s17+$0x0], $0xffff;
	(v2sf) =	vpush v12, $0x0;
	_ =	sdelay $0x4  }
0x36c: {  	vm9 =	vle.f32 v10, v9  }
0x36d: {  	v11 =	vmpcnt.ones.xlane vm9;
	_ =	sdelay $0x1  }
0x36e: {  	(v2sf) =	vpush v11, $0x0;
	_ =	sdelay $0x6  }
0x36f: {  	s9 =	spop (v2sf)  }
0x370: {  	v11 =	vor.u32 s7, v1;
	s0 =	sadd.s32 s2, s9  }
0x371: {  	p0 =	slt.s32 s0, $0x3F0  }
0x372: {  	s10 =	sadd.s32 $0xFFFFFFA0, s31;
	s0 =	simm.s32 @!p0 $0x3F0  }
0x373: {  	[tilespmem:s0+$0x8900] =	vst.msk vm9, v10;
	v10 =	vor.u32 s10, v0  }
0x374: {  	[tilespmem:s0+$0x8D00] =	vst.msk vm9, v10  }
0x375: {  	v10 =	vld.idx.msk [tilespmem:v11+s17+$0x0], $0xffff;
	_ =	sdelay $0x1  }
0x376: {  	s30 =	spop (v2sf)  }
0x377: {  	v11 =	vor.u32 s7, v3;
	s0 =	sadd.s32 s0, s30  }
0x378: {  	p0 =	slt.s32 s0, $0x3F0  }
0x379: {  	s8 =	sadd.s32 $0xFFFFFFB0, s31;
	s0 =	simm.s32 @!p0 $0x3F0;
	vm10 =	vle.f32 v10, v9  }
0x37a: {  	[tilespmem:s0+$0x8900] =	vst.msk vm10, v10;
	v10 =	vor.u32 s8, v0;
	v62 =	vmpcnt.ones.xlane vm10  }
0x37b: {  	[tilespmem:s0+$0x8D00] =	vst.msk vm10, v10  }
0x37c: {  	v10 =	vld.idx.msk [tilespmem:v11+s17+$0x0], $0xffff;
	(v2sf) =	vpush v62, $0x0;
	_ =	sdelay $0x4  }
0x37d: {  	vm11 =	vle.f32 v10, v9  }
0x37e: {  	v11 =	vmpcnt.ones.xlane vm11;
	_ =	sdelay $0x1  }
0x37f: {  	(v2sf) =	vpush v11, $0x0;
	_ =	sdelay $0x6  }
0x380: {  	s9 =	spop (v2sf)  }
0x381: {  	v11 =	vor.u32 s7, v4;
	s0 =	sadd.s32 s0, s9  }
0x382: {  	p0 =	slt.s32 s0, $0x3F0  }
0x383: {  	s10 =	sadd.s32 $0xFFFFFFC0, s31;
	s0 =	simm.s32 @!p0 $0x3F0  }
0x384: {  	[tilespmem:s0+$0x8900] =	vst.msk vm11, v10;
	v10 =	vor.u32 s10, v0  }
0x385: {  	[tilespmem:s0+$0x8D00] =	vst.msk vm11, v10  }
0x386: {  	v10 =	vld.idx.msk [tilespmem:v11+s17+$0x0], $0xffff;
	_ =	sdelay $0x1  }
0x387: {  	s30 =	spop (v2sf)  }
0x388: {  	v11 =	vor.u32 s7, v5;
	s0 =	sadd.s32 s0, s30  }
0x389: {  	p0 =	slt.s32 s0, $0x3F0  }
0x38a: {  	s8 =	sadd.s32 $0xFFFFFFD0, s31;
	s0 =	simm.s32 @!p0 $0x3F0;
	vm12 =	vle.f32 v10, v9  }
0x38b: {  	[tilespmem:s0+$0x8900] =	vst.msk vm12, v10;
	v10 =	vor.u32 s8, v0;
	v63 =	vmpcnt.ones.xlane vm12  }
0x38c: {  	[tilespmem:s0+$0x8D00] =	vst.msk vm12, v10  }
0x38d: {  	v10 =	vld.idx.msk [tilespmem:v11+s17+$0x0], $0xffff;
	(v2sf) =	vpush v63, $0x0;
	_ =	sdelay $0x4  }
0x38e: {  	vm13 =	vle.f32 v10, v9  }
0x38f: {  	v11 =	vmpcnt.ones.xlane vm13;
	_ =	sdelay $0x1  }
0x390: {  	(v2sf) =	vpush v11, $0x0;
	_ =	sdelay $0x6  }
0x391: {  	s9 =	spop (v2sf)  }
0x392: {  	v11 =	vor.u32 s7, v6;
	s0 =	sadd.s32 s0, s9  }
0x393: {  	p0 =	slt.s32 s0, $0x3F0  }
0x394: {  	s10 =	sadd.s32 $0xFFFFFFE0, s31;
	s0 =	simm.s32 @!p0 $0x3F0  }
0x395: {  	[tilespmem:s0+$0x8900] =	vst.msk vm13, v10;
	v10 =	vor.u32 s10, v0  }
0x396: {  	[tilespmem:s0+$0x8D00] =	vst.msk vm13, v10  }
0x397: {  	v10 =	vld.idx.msk [tilespmem:v11+s17+$0x0], $0xffff;
	_ =	sdelay $0x1  }
0x398: {  	s30 =	spop (v2sf)  }
0x399: {  	v11 =	vor.u32 s7, v7;
	s0 =	sadd.s32 s0, s30  }
0x39a: {  	p0 =	slt.s32 s0, $0x3F0  }
0x39b: {  	s8 =	sadd.s32 $0xFFFFFFF0, s31;
	s0 =	simm.s32 @!p0 $0x3F0;
	vm14 =	vle.f32 v10, v9  }
0x39c: {  	[tilespmem:s0+$0x8900] =	vst.msk vm14, v10;
	v10 =	vor.u32 s8, v0  }
0x39d: {  	[tilespmem:s0+$0x8D00] =	vst.msk vm14, v10  }
0x39e: {  	v10 =	vld.idx.msk [tilespmem:v11+s17+$0x0], $0xffff;
	_ =	sdelay $0x2  }
0x39f: {  	v11 =	vmpcnt.ones.xlane vm14;
	_ =	sdelay $0x1  }
0x3a0: {  	(v2sf) =	vpush v11, $0x0;
	vm15 =	vle.f32 v10, v9  }
0x3a1: {  	v9 =	vmpcnt.ones.xlane vm15;
	_ =	sdelay $0x1  }
0x3a2: {  	(v2sf) =	vpush v9, $0x0;
	_ =	sdelay $0xb  }
0x3a3: {  	s9 =	spop (v2sf)  }
0x3a4: {  	s0 =	sadd.s32 s0, s9  }
0x3a5: {  	p0 =	slt.s32 s0, $0x3F0  }
0x3a6: {  	s0 =	simm.s32 @!p0 $0x3F0;
	s10 =	spop (v2sf)  }
0x3a7: {  	s7 =	sadd.s32 s0, s10  }
0x3a8: {  	p0 =	slt.s32 s7, $0x3F0  }
0x3a9: {  	s7 =	simm.s32 @!p0 $0x3F0  }
0x3aa: {  	s30 =	sadd.s32 $0xF, s7  }
0x3ab: {  	s2 =	sshra.s32 s30, $0x4  }
0x3ac: {  	p0 =	slt.s32 s2, $0x1  }
.Ltmp14:
0x3ad: {  	_ = 	snop;
	(pc) =	sbr.rel @p0 .LBB2_22-.Ltmp14, $4  }
0x3ae: {  	_ = 	snop  }
0x3af: {  	v9 =	vor.u32 s31, v0;
	[tilespmem:s0+$0x8900] =	vst.msk vm15, v10  }
0x3b0: {  	[tilespmem:s0+$0x8D00] =	vst.msk vm15, v9;
	v9 =	vimm.f32 $3.000000010e+38  }
0x3b1: {  	v19 =	vimm.s32 $0x0;
	[tilespmem:s7+$0x8900] =	vst v9  }
0x3b2: {  	s2 =	sadd.s32 $0xFFFFFFFF, s2  }
0x3b3: {  	p0 =	sne.s32 s2, $0x0  }
.Ltmp15:
0x3b4: {  	_ = 	snop;
	(pc) =	sbr.rel @!p0 .LBB2_24-.Ltmp15, $3  }
0x3b5: {  	_ =	sdelay $0x1  }
0x3b6: {  	s0 =	simm.s32 $0x8900  }
0x3b7: {  	s7 =	simm.s32 $0x8D00;
	p1 =	por $0x0, $0x0;
	v20 =	vld [tilespmem:s0+$0x0]  }
0x3b8: {  	_ =	sdelay $0x3  }
0x3b9: {  	vm0 =	vlt.f32 v20, v9  }
0x3ba: {  	v10 =	vmpcnt.ones.xlane vm0;
	_ =	sdelay $0x1  }
0x3bb: {  	(v2sf) =	vpush v10, $0x0;
	_ =	sdelay $0xe  }
0x3bc: {  	s0 =	spop (v2sf)  }
0x3bd: {  	p0 =	slt.s32 s0, $0x1  }
0x3be: {  	v10 =	vld @!p0 [tilespmem:s7+$0x0];
	_ =	sdelay $0x4  }
0x3bf: {  	(xrf1) =	vsort.ascd.msk.f32 @!p0 $0xffff, v20, v10;
	_ =	sdelay $0xa  }
0x3c0: {  	v10 =	vlaneseq.u32 @!p0  }
0x3c1: {  	v10 =	vmul.u32 @!p0 $0xFFFFFFFF, v10;
	_ =	sdelay $0x1  }
0x3c2: {  	v10 =	vadd.s32 @!p0 $0xF, v10;
	v11, v12, _ =	vpop @!p0 (xrf1)  }
0x3c3: {  	v11 =	vperm.xlane @!p0 v11, v10  }
0x3c4: {  	v12 =	vperm.xlane @!p0 v12, v10  }
0x3c5: {  	vm0 =	vle.f32 @!p0 v9, v11  }
0x3c6: {  	v13 =	vsel @!p0 vm0, v11, v9;
	v14 =	vsel @!p0 vm0, v12, v19  }
0x3c7: {  	(xrf1) =	vsort.ascd.msk.f32 @!p0 $0xffff, v13, v14;
	_ =	sdelay $0xd  }
0x3c8: {  	v13, v14, _ =	vpop @!p0 (xrf1)  }
0x3c9: {  	v13 =	vperm.xlane @!p0 v13, v10  }
0x3ca: {  	v14 =	vperm.xlane @!p0 v14, v10  }
0x3cb: {  	v11 =	vsel @!p0 vm0, v9, v11;
	v12 =	vsel @!p0 vm0, v19, v12;
	vm0 =	vle.f32 @!p0 v9, v13  }
0x3cc: {  	(xrf1) =	vsort.ascd.msk.f32 @!p0 $0xffff, v11, v12;
	v11 =	vsel @!p0 vm0, v13, v9;
	v12 =	vsel @!p0 vm0, v14, v19  }
0x3cd: {  	(xrf1) =	vsort.ascd.msk.f32 @!p0 $0xffff, v11, v12;
	_ =	sdelay $0xc  }
0x3ce: {  	v11, v12, _ =	vpop @!p0 (xrf1)  }
0x3cf: {  	v15, v16, _ =	vpop @!p0 (xrf1)  }
0x3d0: {  	v15 =	vperm.xlane @!p0 v15, v10  }
0x3d1: {  	v16 =	vperm.xlane @!p0 v16, v10  }
0x3d2: {  	v13 =	vsel @!p0 vm0, v9, v13;
	v14 =	vsel @!p0 vm0, v19, v14;
	vm0 =	vle.f32 @!p0 v9, v15  }
0x3d3: {  	(xrf1) =	vsort.ascd.msk.f32 @!p0 $0xffff, v13, v14;
	v13 =	vsel @!p0 vm0, v15, v9;
	v14 =	vsel @!p0 vm0, v16, v19  }
0x3d4: {  	(xrf1) =	vsort.ascd.msk.f32 @!p0 $0xffff, v13, v14;
	_ =	sdelay $0xc  }
0x3d5: {  	v13, v14, _ =	vpop @!p0 (xrf1)  }
0x3d6: {  	v17, v18, _ =	vpop @!p0 (xrf1)  }
0x3d7: {  	v17 =	vperm.xlane @!p0 v17, v10  }
0x3d8: {  	v10 =	vperm.xlane @!p0 v18, v10  }
0x3d9: {  	v15 =	vsel @!p0 vm0, v9, v15;
	v16 =	vsel @!p0 vm0, v19, v16;
	vm0 =	vle.f32 @!p0 v9, v17  }
0x3da: {  	(xrf1) =	vsort.ascd.msk.f32 @!p0 $0xffff, v15, v16;
	v15 =	vsel @!p0 vm0, v9, v17;
	v10 =	vsel @!p0 vm0, v19, v10  }
0x3db: {  	(xrf1) =	vsort.ascd.msk.f32 @!p0 $0xffff, v15, v10;
	_ =	sdelay $0x9  }
0x3dc: {  	s9 =	sadd.s32 $0xFFFFFFFF, s2  }
0x3dd: {  	p2 =	sne.s32 s9, $0x0  }
.Ltmp16:
0x3de: {  	_ = 	snop;
	(pc) =	sbr.rel @!p2 .LBB2_26-.Ltmp16, $4  }
0x3df: {  	s10 =	simm.s32 $0x8910;
	v18 =	vpsel p0, v19, v12;
	v15, v16, _ =	vpop @!p0 (xrf1)  }
0x3e0: {  	v20 =	vld [tilespmem:s10+$0x0];
	v12 =	vpsel p0, v19, v14;
	v10 =	vpsel p0, v9, v11;
	v11 =	vpsel p0, v9, v13;
	v17, v22, _ =	vpop @!p0 (xrf1)  }
0x3e1: {  	v13 =	vpsel p0, v9, v15;
	v14 =	vpsel p0, v19, v16;
	v21 =	vbroadcast @!p0 v17, $0xF  }
0x3e2: {  	p1 =	por $0x1, $0x1;
	s8 =	simm.s32 $0x8D00;
	v15 =	vpsel p0, v9, v17;
	v16 =	vpsel p0, v19, v22;
	v17 =	vimm.f32 $3.000000010e+38  }
.LBB2_27:
0x3e3: {  	_ = 	snop  }
0x3e4: {  	s9 =	sadd.s32 $0xFFFFFFFF, s9;
	s8 =	sadd.s32 $0x10, s8;
	v17 =	vpsel p0, v17, v21  }
0x3e5: {  	p2 =	sne.s32 s9, $0x0;
	vm0 =	vlt.f32 v20, v17  }
0x3e6: {  	v19 =	vmpcnt.ones.xlane vm0;
	_ =	sdelay $0x1  }
0x3e7: {  	(v2sf) =	vpush v19, $0x0;
	_ =	sdelay $0xe  }
0x3e8: {  	s0 =	spop (v2sf)  }
0x3e9: {  	p0 =	slt.s32 s0, $0x1  }
0x3ea: {  	v19 =	vld @!p0 [tilespmem:s8+$0x0];
	v21 =	vlaneseq.u32 @!p0  }
0x3eb: {  	v21 =	vmul.u32 @!p0 $0xFFFFFFFF, v21;
	_ =	sdelay $0x3  }
0x3ec: {  	(xrf1) =	vsort.ascd.msk.f32 @!p0 $0xffff, v20, v19;
	_ =	sdelay $0xd  }
0x3ed: {  	v19 =	vadd.s32 @!p0 $0xF, v21;
	v20, v21, _ =	vpop @!p0 (xrf1)  }
0x3ee: {  	v20 =	vperm.xlane @!p0 v20, v19;
	v21 =	vperm.xlane @!p0 v21, v19;
	_ =	sdelay $0x1  }
0x3ef: {  	vm0 =	vle.f32 @!p0 v10, v20  }
0x3f0: {  	v22 =	vsel @!p0 vm0, v10, v20;
	v20 =	vsel @!p0 vm0, v20, v10;
	v23 =	vsel @!p0 vm0, v21, v18  }
0x3f1: {  	v21 =	vsel @!p0 vm0, v18, v21;
	(xrf1) =	vsort.ascd.msk.f32 @!p0 $0xffff, v20, v23  }
0x3f2: {  	(xrf1) =	vsort.ascd.msk.f32 @!p0 $0xffff, v22, v21;
	_ =	sdelay $0xc  }
0x3f3: {  	v20, v21, _ =	vpop @!p0 (xrf1)  }
0x3f4: {  	v20 =	vperm.xlane @!p0 v20, v19;
	v21 =	vperm.xlane @!p0 v21, v19;
	v22, v23, _ =	vpop @!p0 (xrf1)  }
0x3f5: {  	v10 =	vpsel p0, v10, v22;
	v18 =	vpsel p0, v18, v23  }
0x3f6: {  	vm0 =	vle.f32 @!p0 v11, v20  }
0x3f7: {  	v22 =	vsel @!p0 vm0, v11, v20;
	v20 =	vsel @!p0 vm0, v20, v11;
	v23 =	vsel @!p0 vm0, v21, v12  }
0x3f8: {  	v21 =	vsel @!p0 vm0, v12, v21;
	(xrf1) =	vsort.ascd.msk.f32 @!p0 $0xffff, v20, v23  }
0x3f9: {  	(xrf1) =	vsort.ascd.msk.f32 @!p0 $0xffff, v22, v21;
	_ =	sdelay $0xc  }
0x3fa: {  	v20, v21, _ =	vpop @!p0 (xrf1)  }
0x3fb: {  	v20 =	vperm.xlane @!p0 v20, v19;
	v21 =	vperm.xlane @!p0 v21, v19;
	v22, v23, _ =	vpop @!p0 (xrf1)  }
0x3fc: {  	v11 =	vpsel p0, v11, v22;
	v12 =	vpsel p0, v12, v23  }
0x3fd: {  	vm0 =	vle.f32 @!p0 v13, v20  }
0x3fe: {  	v22 =	vsel @!p0 vm0, v13, v20;
	v20 =	vsel @!p0 vm0, v20, v13;
	v23 =	vsel @!p0 vm0, v21, v14  }
0x3ff: {  	v21 =	vsel @!p0 vm0, v14, v21;
	(xrf1) =	vsort.ascd.msk.f32 @!p0 $0xffff, v20, v23  }
0x400: {  	(xrf1) =	vsort.ascd.msk.f32 @!p0 $0xffff, v22, v21;
	_ =	sdelay $0xc  }
0x401: {  	v20, v21, _ =	vpop @!p0 (xrf1)  }
0x402: {  	v20 =	vperm.xlane @!p0 v20, v19;
	v19 =	vperm.xlane @!p0 v21, v19;
	v21, v22, _ =	vpop @!p0 (xrf1)  }
0x403: {  	v13 =	vpsel p0, v13, v21;
	v14 =	vpsel p0, v14, v22  }
0x404: {  	vm0 =	vle.f32 @!p0 v15, v20  }
0x405: {  	v20 =	vsel @!p0 vm0, v15, v20;
	v19 =	vsel @!p0 vm0, v16, v19  }
0x406: {  	(xrf1) =	vsort.ascd.msk.f32 @!p0 $0xffff, v20, v19;
	_ =	sdelay $0xa  }
.Ltmp17:
0x407: {  	(pc) =	sbr.rel @p2 .LBB2_27-.Ltmp17, $4  }
0x408: {  	s10 =	sadd.s32 $0x10, s10  }
0x409: {  	v20 =	vld [tilespmem:s10+$0x0]  }
0x40a: {  	v19, v22, _ =	vpop @!p0 (xrf1)  }
0x40b: {  	v21 =	vbroadcast @!p0 v19, $0xF;
	v15 =	vpsel p0, v15, v19;
	v16 =	vpsel p0, v16, v22  }
0x40c: {  	v19 =	vmov v18  }
.LBB2_29:
0x40d: {  	p0 =	por !p0, !p1  }
0x40e: {  	v17 =	vpsel p0, v21, v17  }
0x40f: {  	v9 =	vpsel p1, v17, v9  }
0x410: {  	vm0 =	vlt.f32 v20, v9  }
0x411: {  	v9 =	vmpcnt.ones.xlane vm0;
	_ =	sdelay $0x1  }
0x412: {  	(v2sf) =	vpush v9, $0x0;
	_ =	sdelay $0xe  }
0x413: {  	s0 =	sadd.s32 @p1 $0x10, s8;
	s2 =	spop (v2sf)  }
0x414: {  	s7 =	smov.u32 @p1 s0;
	p0 =	slt.s32 s2, $0x1  }
0x415: {  	v9 =	vld @!p0 [tilespmem:s7+$0x0];
	_ =	sdelay $0x4  }
0x416: {  	(xrf1) =	vsort.ascd.msk.f32 @!p0 $0xffff, v20, v9;
	_ =	sdelay $0xa  }
0x417: {  	v9 =	vlaneseq.u32 @!p0  }
0x418: {  	v9 =	vmul.u32 @!p0 $0xFFFFFFFF, v9;
	_ =	sdelay $0x1  }
0x419: {  	v9 =	vadd.s32 @!p0 $0xF, v9;
	v17, v18, _ =	vpop @!p0 (xrf1)  }
0x41a: {  	v17 =	vperm.xlane @!p0 v17, v9  }
0x41b: {  	v18 =	vperm.xlane @!p0 v18, v9  }
0x41c: {  	vm0 =	vle.f32 @!p0 v10, v17  }
0x41d: {  	v20 =	vsel @!p0 vm0, v17, v10;
	v21 =	vsel @!p0 vm0, v18, v19  }
0x41e: {  	(xrf1) =	vsort.ascd.msk.f32 @!p0 $0xffff, v20, v21;
	_ =	sdelay $0xd  }
0x41f: {  	v20, v21, _ =	vpop @!p0 (xrf1)  }
0x420: {  	v20 =	vperm.xlane @!p0 v20, v9  }
0x421: {  	v21 =	vperm.xlane @!p0 v21, v9  }
0x422: {  	v17 =	vsel @!p0 vm0, v10, v17;
	v18 =	vsel @!p0 vm0, v19, v18;
	vm0 =	vle.f32 @!p0 v11, v20  }
0x423: {  	(xrf1) =	vsort.ascd.msk.f32 @!p0 $0xffff, v17, v18;
	v17 =	vsel @!p0 vm0, v20, v11;
	v18 =	vsel @!p0 vm0, v21, v12  }
0x424: {  	(xrf1) =	vsort.ascd.msk.f32 @!p0 $0xffff, v17, v18;
	_ =	sdelay $0xc  }
0x425: {  	v17, v18, _ =	vpop @!p0 (xrf1)  }
0x426: {  	v22, v23, _ =	vpop @!p0 (xrf1)  }
0x427: {  	v22 =	vperm.xlane @!p0 v22, v9  }
0x428: {  	v23 =	vperm.xlane @!p0 v23, v9  }
0x429: {  	v20 =	vsel @!p0 vm0, v11, v20;
	v21 =	vsel @!p0 vm0, v12, v21;
	vm0 =	vle.f32 @!p0 v13, v22  }
0x42a: {  	(xrf1) =	vsort.ascd.msk.f32 @!p0 $0xffff, v20, v21;
	v20 =	vsel @!p0 vm0, v22, v13;
	v21 =	vsel @!p0 vm0, v23, v14  }
0x42b: {  	(xrf1) =	vsort.ascd.msk.f32 @!p0 $0xffff, v20, v21;
	_ =	sdelay $0xc  }
0x42c: {  	v20, v21, _ =	vpop @!p0 (xrf1)  }
0x42d: {  	v24, v25, _ =	vpop @!p0 (xrf1)  }
0x42e: {  	v24 =	vperm.xlane @!p0 v24, v9  }
0x42f: {  	v22 =	vsel @!p0 vm0, v13, v22;
	v23 =	vsel @!p0 vm0, v14, v23;
	v9 =	vperm.xlane @!p0 v25, v9  }
0x430: {  	(xrf1) =	vsort.ascd.msk.f32 @!p0 $0xffff, v22, v23;
	vm0 =	vle.f32 @!p0 v15, v24  }
0x431: {  	v22 =	vsel @!p0 vm0, v15, v24;
	v9 =	vsel @!p0 vm0, v16, v9  }
0x432: {  	(xrf1) =	vsort.ascd.msk.f32 @!p0 $0xffff, v22, v9;
	_ =	sdelay $0xa  }
.Ltmp18:
0x433: {  	_ = 	snop;
	(pc) =	sbr.rel .LBB2_30-.Ltmp18, $4  }
0x434: {  	v19 =	vpsel p0, v19, v18;
	v18, v22, _ =	vpop @!p0 (xrf1)  }
0x435: {  	v9 =	vpsel p0, v10, v17  }
0x436: {  	v10 =	vpsel p0, v11, v20;
	v17 =	vpsel p0, v12, v21;
	v11 =	vpsel p0, v13, v18;
	v12, v18, _ =	vpop @!p0 (xrf1)  }
0x437: {  	v13 =	vpsel p0, v14, v22;
	v12 =	vpsel p0, v15, v12;
	v14 =	vpsel p0, v16, v18  }
.LBB2_24:
.Ltmp19:
0x438: {  	(pc) =	sbr.rel .LBB2_29-.Ltmp19, $4  }
0x439: {  	_ = 	snop  }
0x43a: {  	v17 =	vimm.f32 $3.000000010e+38;
	v10 =	vimm.f32 $3.000000010e+38  }
0x43b: {  	v11 =	vimm.f32 $3.000000010e+38;
	v12 =	vimm.s32 $0x0;
	v13 =	vimm.f32 $3.000000010e+38  }
0x43c: {  	s8 =	simm.s32 $0x8D00;
	v14 =	vimm.s32 $0x0;
	v15 =	vimm.f32 $3.000000010e+38;
	v16 =	vimm.s32 $0x0  }
.LBB2_26:
.Ltmp20:
0x43d: {  	(pc) =	sbr.rel .LBB2_29-.Ltmp20, $2  }
0x43e: {  	_ =	sdelay $0x2  }
0x43f: {  	v17 =	vimm.f32 $3.000000010e+38;
	s8 =	simm.s32 $0x8D00;
	v19 =	vmov v18  }
.LBB2_10:
.Ltmp21:
0x440: {  	(pc) =	sbr.rel .LBB2_15-.Ltmp21, $4  }
0x441: {  	_ = 	snop  }
0x442: {  	v10 =	vimm.f32 $3.000000010e+38;
	v3 =	vimm.f32 $3.000000010e+38  }
0x443: {  	v4 =	vimm.f32 $3.000000010e+38;
	v5 =	vimm.s32 $0x0;
	v6 =	vimm.f32 $3.000000010e+38  }
0x444: {  	s8 =	simm.s32 $0x8D00;
	v7 =	vimm.s32 $0x0;
	v8 =	vimm.f32 $3.000000010e+38;
	v9 =	vimm.s32 $0x0  }
.LBB2_12:
.Ltmp22:
0x445: {  	(pc) =	sbr.rel .LBB2_15-.Ltmp22, $2  }
0x446: {  	_ =	sdelay $0x2  }
0x447: {  	v10 =	vimm.f32 $3.000000010e+38;
	s8 =	simm.s32 $0x8D00;
	v12 =	vmov v11  }
.LBB2_31:
0x448: {  	s1 =	simm.s32 $0x0  }
0x449: {  	v9 =	vor.u32 s1, v0;
	_ =	sdelay $0x1  }
0x44a: {  	_ =	swait.ge [sflag:s26], $0x2000  }
0x44b: {  	[sflag:s26] =	ssyncset.done $0x0  }
0x44c: {  	[sflag:s26] =	ssyncadd.s32 $0xFFFFE000  }
0x44d: {  	v9 =	vld.idx.msk [tilespmem:v9+s23+$0x0], $0xffff;
	_ =	sdelay $0x2  }
0x44e: {  	v8 =	vbroadcast v8, $0xB;
	v10 =	vor.u32 s1, v2;
	_ =	sdelay $0x1  }
0x44f: {  	s0 =	simm.s32 $0x0;
	s2 =	simm.s32 $0x0;
	vm0 =	vle.f32 v9, v8  }
0x450: {  	[tilespmem:s0+$0x8900] =	vst.msk vm0, v9;
	v9 =	vor.u32 s2, v0;
	v11 =	vmpcnt.ones.xlane vm0  }
0x451: {  	[tilespmem:s0+$0x8D00] =	vst.msk vm0, v9  }
0x452: {  	v9 =	vld.idx.msk [tilespmem:v10+s23+$0x0], $0xffff;
	(v2sf) =	vpush v11, $0x0;
	_ =	sdelay $0x4  }
0x453: {  	vm9 =	vle.f32 v9, v8  }
0x454: {  	v10 =	vmpcnt.ones.xlane vm9;
	_ =	sdelay $0x1  }
0x455: {  	(v2sf) =	vpush v10, $0x0;
	_ =	sdelay $0x6  }
0x456: {  	s10 =	spop (v2sf)  }
0x457: {  	v10 =	vor.u32 s1, v1;
	s0 =	sadd.s32 $0x0, s10  }
0x458: {  	p0 =	slt.s32 s0, $0x3F0  }
0x459: {  	s30 =	simm.s32 $0x10;
	s0 =	simm.s32 @!p0 $0x3F0  }
0x45a: {  	[tilespmem:s0+$0x8900] =	vst.msk vm9, v9;
	v9 =	vor.u32 s30, v0  }
0x45b: {  	[tilespmem:s0+$0x8D00] =	vst.msk vm9, v9  }
0x45c: {  	v9 =	vld.idx.msk [tilespmem:v10+s23+$0x0], $0xffff;
	_ =	sdelay $0x1  }
0x45d: {  	s31 =	spop (v2sf)  }
0x45e: {  	v10 =	vor.u32 s1, v3;
	s0 =	sadd.s32 s0, s31  }
0x45f: {  	p0 =	slt.s32 s0, $0x3F0  }
0x460: {  	s7 =	simm.s32 $0x20;
	s0 =	simm.s32 @!p0 $0x3F0;
	vm10 =	vle.f32 v9, v8  }
0x461: {  	[tilespmem:s0+$0x8900] =	vst.msk vm10, v9;
	v9 =	vor.u32 s7, v0;
	v11 =	vmpcnt.ones.xlane vm10  }
0x462: {  	[tilespmem:s0+$0x8D00] =	vst.msk vm10, v9  }
0x463: {  	v9 =	vld.idx.msk [tilespmem:v10+s23+$0x0], $0xffff;
	(v2sf) =	vpush v11, $0x0;
	_ =	sdelay $0x4  }
0x464: {  	vm11 =	vle.f32 v9, v8  }
0x465: {  	v10 =	vmpcnt.ones.xlane vm11;
	_ =	sdelay $0x1  }
0x466: {  	(v2sf) =	vpush v10, $0x0;
	_ =	sdelay $0x6  }
0x467: {  	s8 =	spop (v2sf)  }
0x468: {  	v10 =	vor.u32 s1, v4;
	s0 =	sadd.s32 s0, s8  }
0x469: {  	p0 =	slt.s32 s0, $0x3F0  }
0x46a: {  	s9 =	simm.s32 $0x30;
	s0 =	simm.s32 @!p0 $0x3F0  }
0x46b: {  	[tilespmem:s0+$0x8900] =	vst.msk vm11, v9;
	v9 =	vor.u32 s9, v0  }
0x46c: {  	[tilespmem:s0+$0x8D00] =	vst.msk vm11, v9  }
0x46d: {  	v9 =	vld.idx.msk [tilespmem:v10+s23+$0x0], $0xffff;
	_ =	sdelay $0x1  }
0x46e: {  	s10 =	spop (v2sf)  }
0x46f: {  	v10 =	vor.u32 s1, v5;
	s0 =	sadd.s32 s0, s10  }
0x470: {  	p0 =	slt.s32 s0, $0x3F0  }
0x471: {  	s30 =	simm.s32 $0x40;
	s0 =	simm.s32 @!p0 $0x3F0;
	vm12 =	vle.f32 v9, v8  }
0x472: {  	[tilespmem:s0+$0x8900] =	vst.msk vm12, v9;
	v9 =	vor.u32 s30, v0;
	v11 =	vmpcnt.ones.xlane vm12  }
0x473: {  	[tilespmem:s0+$0x8D00] =	vst.msk vm12, v9  }
0x474: {  	v9 =	vld.idx.msk [tilespmem:v10+s23+$0x0], $0xffff;
	(v2sf) =	vpush v11, $0x0;
	_ =	sdelay $0x4  }
0x475: {  	vm13 =	vle.f32 v9, v8  }
0x476: {  	v10 =	vmpcnt.ones.xlane vm13;
	_ =	sdelay $0x1  }
0x477: {  	(v2sf) =	vpush v10, $0x0;
	_ =	sdelay $0x6  }
0x478: {  	s31 =	spop (v2sf)  }
0x479: {  	v10 =	vor.u32 s1, v6;
	s0 =	sadd.s32 s0, s31  }
0x47a: {  	p0 =	slt.s32 s0, $0x3F0  }
0x47b: {  	s7 =	simm.s32 $0x50;
	s0 =	simm.s32 @!p0 $0x3F0  }
0x47c: {  	[tilespmem:s0+$0x8900] =	vst.msk vm13, v9;
	v9 =	vor.u32 s7, v0  }
0x47d: {  	[tilespmem:s0+$0x8D00] =	vst.msk vm13, v9  }
0x47e: {  	v9 =	vld.idx.msk [tilespmem:v10+s23+$0x0], $0xffff;
	_ =	sdelay $0x1  }
0x47f: {  	s8 =	spop (v2sf)  }
0x480: {  	v10 =	vor.u32 s1, v7;
	s0 =	sadd.s32 s0, s8  }
0x481: {  	p0 =	slt.s32 s0, $0x3F0  }
0x482: {  	s9 =	simm.s32 $0x60;
	s0 =	simm.s32 @!p0 $0x3F0;
	vm14 =	vle.f32 v9, v8  }
0x483: {  	[tilespmem:s0+$0x8900] =	vst.msk vm14, v9;
	v9 =	vor.u32 s9, v0  }
0x484: {  	[tilespmem:s0+$0x8D00] =	vst.msk vm14, v9  }
0x485: {  	v9 =	vld.idx.msk [tilespmem:v10+s23+$0x0], $0xffff;
	v10 =	vmpcnt.ones.xlane vm14;
	_ =	sdelay $0x1  }
0x486: {  	(v2sf) =	vpush v10, $0x0;
	_ =	sdelay $0x3  }
0x487: {  	vm15 =	vle.f32 v9, v8  }
0x488: {  	v10 =	vmpcnt.ones.xlane vm15;
	_ =	sdelay $0x1  }
0x489: {  	(v2sf) =	vpush v10, $0x0;
	_ =	sdelay $0x7  }
0x48a: {  	s7 =	simm.s32 $0x80;
	s10 =	spop (v2sf)  }
0x48b: {  	v10 =	vor.u32 s7, v0;
	s0 =	sadd.s32 s0, s10  }
0x48c: {  	p0 =	slt.s32 s0, $0x3F0  }
0x48d: {  	s30 =	simm.s32 $0x70;
	s0 =	simm.s32 @!p0 $0x3F0  }
0x48e: {  	[tilespmem:s0+$0x8900] =	vst.msk vm15, v9;
	v9 =	vor.u32 s30, v0  }
0x48f: {  	[tilespmem:s0+$0x8D00] =	vst.msk vm15, v9  }
0x490: {  	v10 =	vld.idx.msk [tilespmem:v10+s23+$0x0], $0xffff  }
0x491: {  	s31 =	spop (v2sf)  }
0x492: {  	s29 =	simm.s32 $0x170;
	s2 =	sadd.s32 s0, s31  }
0x493: {  	s1 =	simm.s32 $0xF0;
	s8 =	simm.s32 $0x1;
	v9 =	vor.u32 s7, v2;
	p1 =	slt.s32 s2, $0x3F0  }
.LBB2_32:
0x494: {  	s0 =	sadd.s32 $0xFFFFFF90, s1  }
0x495: {  	vm0 =	vle.f32 v10, v8;
	s2 =	simm.s32 @!p1 $0x3F0;
	s10 =	smov.u32 s29;
	s9 =	sadd.s32 $0x80, s29  }
0x496: {  	p0 =	sne.s32 s29, $0x1FF0;
	[tilespmem:s2+$0x8900] =	vst.msk vm0, v10;
	v10 =	vor.u32 s0, v0;
	v11 =	vmpcnt.ones.xlane vm0  }
0x497: {  	[tilespmem:s2+$0x8D00] =	vst.msk vm0, v10  }
0x498: {  	v9 =	vld.idx.msk [tilespmem:v9+s23+$0x0], $0xffff;
	(v2sf) =	vpush v11, $0x0;
	_ =	sdelay $0x5  }
0x499: {  	vm0 =	vle.f32 v9, v8  }
0x49a: {  	v10 =	vmpcnt.ones.xlane vm0;
	_ =	sdelay $0x1  }
0x49b: {  	(v2sf) =	vpush v10, $0x0;
	_ =	sdelay $0x5  }
0x49c: {  	s0 =	spop (v2sf)  }
0x49d: {  	v10 =	vor.u32 s7, v1;
	s0 =	sadd.s32 s2, s0  }
0x49e: {  	p1 =	slt.s32 s0, $0x3F0  }
0x49f: {  	s2 =	sadd.s32 $0xFFFFFFA0, s1;
	s0 =	simm.s32 @!p1 $0x3F0  }
0x4a0: {  	[tilespmem:s0+$0x8900] =	vst.msk vm0, v9;
	v9 =	vor.u32 s2, v0  }
0x4a1: {  	[tilespmem:s0+$0x8D00] =	vst.msk vm0, v9  }
0x4a2: {  	v9 =	vld.idx.msk [tilespmem:v10+s23+$0x0], $0xffff;
	_ =	sdelay $0x2  }
0x4a3: {  	s2 =	spop (v2sf)  }
0x4a4: {  	v10 =	vor.u32 s7, v3;
	s0 =	sadd.s32 s0, s2  }
0x4a5: {  	p1 =	slt.s32 s0, $0x3F0  }
0x4a6: {  	s2 =	sadd.s32 $0xFFFFFFB0, s1;
	vm0 =	vle.f32 v9, v8;
	s0 =	simm.s32 @!p1 $0x3F0  }
0x4a7: {  	v11 =	vmpcnt.ones.xlane vm0;
	[tilespmem:s0+$0x8900] =	vst.msk vm0, v9;
	v9 =	vor.u32 s2, v0  }
0x4a8: {  	[tilespmem:s0+$0x8D00] =	vst.msk vm0, v9  }
0x4a9: {  	v9 =	vld.idx.msk [tilespmem:v10+s23+$0x0], $0xffff;
	(v2sf) =	vpush v11, $0x0;
	_ =	sdelay $0x5  }
0x4aa: {  	vm0 =	vle.f32 v9, v8  }
0x4ab: {  	v10 =	vmpcnt.ones.xlane vm0;
	_ =	sdelay $0x1  }
0x4ac: {  	(v2sf) =	vpush v10, $0x0;
	_ =	sdelay $0x5  }
0x4ad: {  	s2 =	spop (v2sf)  }
0x4ae: {  	v10 =	vor.u32 s7, v4;
	s0 =	sadd.s32 s0, s2  }
0x4af: {  	p1 =	slt.s32 s0, $0x3F0  }
0x4b0: {  	s2 =	sadd.s32 $0xFFFFFFC0, s1;
	s0 =	simm.s32 @!p1 $0x3F0  }
0x4b1: {  	[tilespmem:s0+$0x8900] =	vst.msk vm0, v9;
	v9 =	vor.u32 s2, v0  }
0x4b2: {  	[tilespmem:s0+$0x8D00] =	vst.msk vm0, v9  }
0x4b3: {  	v9 =	vld.idx.msk [tilespmem:v10+s23+$0x0], $0xffff;
	_ =	sdelay $0x2  }
0x4b4: {  	s2 =	spop (v2sf)  }
0x4b5: {  	v10 =	vor.u32 s7, v5;
	s0 =	sadd.s32 s0, s2  }
0x4b6: {  	p1 =	slt.s32 s0, $0x3F0  }
0x4b7: {  	s2 =	sadd.s32 $0xFFFFFFD0, s1;
	vm0 =	vle.f32 v9, v8;
	s0 =	simm.s32 @!p1 $0x3F0  }
0x4b8: {  	v11 =	vmpcnt.ones.xlane vm0;
	[tilespmem:s0+$0x8900] =	vst.msk vm0, v9;
	v9 =	vor.u32 s2, v0  }
0x4b9: {  	[tilespmem:s0+$0x8D00] =	vst.msk vm0, v9  }
0x4ba: {  	v9 =	vld.idx.msk [tilespmem:v10+s23+$0x0], $0xffff;
	(v2sf) =	vpush v11, $0x0;
	_ =	sdelay $0x5  }
0x4bb: {  	vm0 =	vle.f32 v9, v8  }
0x4bc: {  	v10 =	vmpcnt.ones.xlane vm0;
	_ =	sdelay $0x1  }
0x4bd: {  	(v2sf) =	vpush v10, $0x0;
	_ =	sdelay $0x5  }
0x4be: {  	s2 =	spop (v2sf)  }
0x4bf: {  	v10 =	vor.u32 s7, v6;
	s0 =	sadd.s32 s0, s2  }
0x4c0: {  	p1 =	slt.s32 s0, $0x3F0  }
0x4c1: {  	s2 =	sadd.s32 $0xFFFFFFE0, s1;
	s0 =	simm.s32 @!p1 $0x3F0  }
0x4c2: {  	[tilespmem:s0+$0x8900] =	vst.msk vm0, v9;
	v9 =	vor.u32 s2, v0  }
0x4c3: {  	[tilespmem:s0+$0x8D00] =	vst.msk vm0, v9  }
0x4c4: {  	v9 =	vld.idx.msk [tilespmem:v10+s23+$0x0], $0xffff;
	_ =	sdelay $0x2  }
0x4c5: {  	s2 =	spop (v2sf)  }
0x4c6: {  	v10 =	vor.u32 s7, v7;
	s0 =	sadd.s32 s0, s2  }
0x4c7: {  	p1 =	slt.s32 s0, $0x3F0  }
0x4c8: {  	s2 =	sadd.s32 $0xFFFFFFF0, s1;
	vm0 =	vle.f32 v9, v8;
	s0 =	simm.s32 @!p1 $0x3F0  }
0x4c9: {  	v11 =	vmpcnt.ones.xlane vm0;
	[tilespmem:s0+$0x8900] =	vst.msk vm0, v9;
	v9 =	vor.u32 s2, v0  }
0x4ca: {  	[tilespmem:s0+$0x8D00] =	vst.msk vm0, v9  }
0x4cb: {  	v9 =	vld.idx.msk [tilespmem:v10+s23+$0x0], $0xffff;
	(v2sf) =	vpush v11, $0x0;
	_ =	sdelay $0x5  }
0x4cc: {  	vm0 =	vle.f32 v9, v8  }
0x4cd: {  	v10 =	vmpcnt.ones.xlane vm0;
	_ =	sdelay $0x1  }
0x4ce: {  	(v2sf) =	vpush v10, $0x0;
	_ =	sdelay $0x4  }
0x4cf: {  	s8 =	sadd.s32 $0x1, s8  }
0x4d0: {  	s7 =	sshll.u32 s8, $0x7;
	s2 =	spop (v2sf)  }
0x4d1: {  	v10 =	vor.u32 s7, v0;
	s0 =	sadd.s32 s0, s2  }
0x4d2: {  	p1 =	slt.s32 s0, $0x3F0  }
0x4d3: {  	s0 =	simm.s32 @!p1 $0x3F0  }
0x4d4: {  	[tilespmem:s0+$0x8900] =	vst.msk vm0, v9;
	v9 =	vor.u32 s1, v0;
	s1 =	smov.u32 s10  }
0x4d5: {  	[tilespmem:s0+$0x8D00] =	vst.msk vm0, v9  }
0x4d6: {  	v10 =	vld.idx.msk [tilespmem:v10+s23+$0x0], $0xffff  }
.Ltmp23:
0x4d7: {  	(pc) =	sbr.rel @p0 .LBB2_32-.Ltmp23, $4  }
0x4d8: {  	_ = 	snop  }
0x4d9: {  	s2 =	spop (v2sf)  }
0x4da: {  	v9 =	vor.u32 s7, v2;
	s2 =	sadd.s32 s0, s2  }
0x4db: {  	s29 =	smov.u32 s9;
	p1 =	slt.s32 s2, $0x3F0  }
0x4dc: {  	_ = 	snop  }
0x4dd: {  	vm0 =	vle.f32 v10, v8;
	s0 =	sadd.s32 $0xFFFFFF90, s1;
	s2 =	simm.s32 @!p1 $0x3F0  }
0x4de: {  	[tilespmem:s2+$0x8900] =	vst.msk vm0, v10;
	v2 =	vor.u32 s0, v0;
	v10 =	vmpcnt.ones.xlane vm0  }
0x4df: {  	[tilespmem:s2+$0x8D00] =	vst.msk vm0, v2  }
0x4e0: {  	v2 =	vld.idx.msk [tilespmem:v9+s23+$0x0], $0xffff;
	(v2sf) =	vpush v10, $0x0;
	_ =	sdelay $0x4  }
0x4e1: {  	vm9 =	vle.f32 v2, v8  }
0x4e2: {  	v9 =	vmpcnt.ones.xlane vm9;
	_ =	sdelay $0x1  }
0x4e3: {  	(v2sf) =	vpush v9, $0x0;
	_ =	sdelay $0x6  }
0x4e4: {  	s29 =	spop (v2sf)  }
0x4e5: {  	v1 =	vor.u32 s7, v1;
	s0 =	sadd.s32 s2, s29  }
0x4e6: {  	p0 =	slt.s32 s0, $0x3F0  }
0x4e7: {  	s30 =	sadd.s32 $0xFFFFFFA0, s1;
	s0 =	simm.s32 @!p0 $0x3F0  }
0x4e8: {  	[tilespmem:s0+$0x8900] =	vst.msk vm9, v2;
	v2 =	vor.u32 s30, v0  }
0x4e9: {  	[tilespmem:s0+$0x8D00] =	vst.msk vm9, v2  }
0x4ea: {  	v1 =	vld.idx.msk [tilespmem:v1+s23+$0x0], $0xffff;
	_ =	sdelay $0x1  }
0x4eb: {  	s31 =	spop (v2sf)  }
0x4ec: {  	v2 =	vor.u32 s7, v3;
	s0 =	sadd.s32 s0, s31  }
0x4ed: {  	p0 =	slt.s32 s0, $0x3F0  }
0x4ee: {  	s8 =	sadd.s32 $0xFFFFFFB0, s1;
	s0 =	simm.s32 @!p0 $0x3F0;
	vm10 =	vle.f32 v1, v8  }
0x4ef: {  	[tilespmem:s0+$0x8900] =	vst.msk vm10, v1;
	v1 =	vor.u32 s8, v0;
	v3 =	vmpcnt.ones.xlane vm10  }
0x4f0: {  	[tilespmem:s0+$0x8D00] =	vst.msk vm10, v1  }
0x4f1: {  	v1 =	vld.idx.msk [tilespmem:v2+s23+$0x0], $0xffff;
	(v2sf) =	vpush v3, $0x0;
	_ =	sdelay $0x4  }
0x4f2: {  	vm11 =	vle.f32 v1, v8  }
0x4f3: {  	v2 =	vmpcnt.ones.xlane vm11;
	_ =	sdelay $0x1  }
0x4f4: {  	(v2sf) =	vpush v2, $0x0;
	_ =	sdelay $0x6  }
0x4f5: {  	s9 =	spop (v2sf)  }
0x4f6: {  	v2 =	vor.u32 s7, v4;
	s0 =	sadd.s32 s0, s9  }
0x4f7: {  	p0 =	slt.s32 s0, $0x3F0  }
0x4f8: {  	s10 =	sadd.s32 $0xFFFFFFC0, s1;
	s0 =	simm.s32 @!p0 $0x3F0  }
0x4f9: {  	[tilespmem:s0+$0x8900] =	vst.msk vm11, v1;
	v1 =	vor.u32 s10, v0  }
0x4fa: {  	[tilespmem:s0+$0x8D00] =	vst.msk vm11, v1  }
0x4fb: {  	v1 =	vld.idx.msk [tilespmem:v2+s23+$0x0], $0xffff;
	_ =	sdelay $0x1  }
0x4fc: {  	s29 =	spop (v2sf)  }
0x4fd: {  	v2 =	vor.u32 s7, v5;
	s0 =	sadd.s32 s0, s29  }
0x4fe: {  	p0 =	slt.s32 s0, $0x3F0  }
0x4ff: {  	s30 =	sadd.s32 $0xFFFFFFD0, s1;
	s0 =	simm.s32 @!p0 $0x3F0;
	vm12 =	vle.f32 v1, v8  }
0x500: {  	[tilespmem:s0+$0x8900] =	vst.msk vm12, v1;
	v1 =	vor.u32 s30, v0;
	v3 =	vmpcnt.ones.xlane vm12  }
0x501: {  	[tilespmem:s0+$0x8D00] =	vst.msk vm12, v1  }
0x502: {  	v1 =	vld.idx.msk [tilespmem:v2+s23+$0x0], $0xffff;
	(v2sf) =	vpush v3, $0x0;
	_ =	sdelay $0x4  }
0x503: {  	vm13 =	vle.f32 v1, v8  }
0x504: {  	v2 =	vmpcnt.ones.xlane vm13;
	_ =	sdelay $0x1  }
0x505: {  	(v2sf) =	vpush v2, $0x0;
	_ =	sdelay $0x6  }
0x506: {  	s31 =	spop (v2sf)  }
0x507: {  	v2 =	vor.u32 s7, v6;
	s0 =	sadd.s32 s0, s31  }
0x508: {  	p0 =	slt.s32 s0, $0x3F0  }
0x509: {  	s8 =	sadd.s32 $0xFFFFFFE0, s1;
	s0 =	simm.s32 @!p0 $0x3F0  }
0x50a: {  	[tilespmem:s0+$0x8900] =	vst.msk vm13, v1;
	v1 =	vor.u32 s8, v0  }
0x50b: {  	[tilespmem:s0+$0x8D00] =	vst.msk vm13, v1  }
0x50c: {  	v1 =	vld.idx.msk [tilespmem:v2+s23+$0x0], $0xffff;
	_ =	sdelay $0x1  }
0x50d: {  	s9 =	spop (v2sf)  }
0x50e: {  	v2 =	vor.u32 s7, v7;
	s0 =	sadd.s32 s0, s9  }
0x50f: {  	p0 =	slt.s32 s0, $0x3F0  }
0x510: {  	s10 =	sadd.s32 $0xFFFFFFF0, s1;
	s0 =	simm.s32 @!p0 $0x3F0;
	vm14 =	vle.f32 v1, v8  }
0x511: {  	[tilespmem:s0+$0x8900] =	vst.msk vm14, v1;
	v1 =	vor.u32 s10, v0  }
0x512: {  	[tilespmem:s0+$0x8D00] =	vst.msk vm14, v1  }
0x513: {  	v1 =	vld.idx.msk [tilespmem:v2+s23+$0x0], $0xffff;
	_ =	sdelay $0x2  }
0x514: {  	v2 =	vmpcnt.ones.xlane vm14;
	_ =	sdelay $0x1  }
0x515: {  	(v2sf) =	vpush v2, $0x0;
	vm15 =	vle.f32 v1, v8  }
0x516: {  	v2 =	vmpcnt.ones.xlane vm15;
	_ =	sdelay $0x1  }
0x517: {  	(v2sf) =	vpush v2, $0x0;
	_ =	sdelay $0xb  }
0x518: {  	s29 =	spop (v2sf)  }
0x519: {  	s0 =	sadd.s32 s0, s29  }
0x51a: {  	p0 =	slt.s32 s0, $0x3F0  }
0x51b: {  	s0 =	simm.s32 @!p0 $0x3F0;
	s30 =	spop (v2sf)  }
0x51c: {  	s2 =	sadd.s32 s0, s30  }
0x51d: {  	p0 =	slt.s32 s2, $0x3F0  }
0x51e: {  	s2 =	simm.s32 @!p0 $0x3F0  }
0x51f: {  	s31 =	sadd.s32 $0xF, s2  }
0x520: {  	[tilespmem:s0+$0x8900] =	vst.msk vm15, v1;
	v1 =	vor.u32 s1, v0;
	s1 =	sshra.s32 s31, $0x4  }
0x521: {  	p0 =	slt.s32 s1, $0x1  }
.Ltmp24:
0x522: {  	_ = 	snop;
	(pc) =	sbr.rel @p0 .LBB2_34-.Ltmp24, $3  }
0x523: {  	_ =	sdelay $0x1  }
0x524: {  	[tilespmem:s0+$0x8D00] =	vst.msk vm15, v1;
	v1 =	vimm.f32 $3.000000010e+38  }
0x525: {  	v11 =	vimm.s32 $0x0;
	[tilespmem:s2+$0x8900] =	vst v1  }
0x526: {  	s2 =	sadd.s32 $0xFFFFFFFF, s1  }
0x527: {  	p0 =	sne.s32 s2, $0x0  }
.Ltmp25:
0x528: {  	_ = 	snop;
	(pc) =	sbr.rel @!p0 .LBB2_36-.Ltmp25, $3  }
0x529: {  	_ =	sdelay $0x1  }
0x52a: {  	s0 =	simm.s32 $0x8900  }
0x52b: {  	s1 =	simm.s32 $0x8D00;
	p1 =	por $0x0, $0x0;
	v12 =	vld [tilespmem:s0+$0x0]  }
0x52c: {  	_ =	sdelay $0x3  }
0x52d: {  	vm0 =	vlt.f32 v12, v1  }
0x52e: {  	v2 =	vmpcnt.ones.xlane vm0;
	_ =	sdelay $0x1  }
0x52f: {  	(v2sf) =	vpush v2, $0x0;
	_ =	sdelay $0xe  }
0x530: {  	s0 =	spop (v2sf)  }
0x531: {  	p0 =	slt.s32 s0, $0x1  }
0x532: {  	v2 =	vld @!p0 [tilespmem:s1+$0x0];
	_ =	sdelay $0x4  }
0x533: {  	(xrf1) =	vsort.ascd.msk.f32 @!p0 $0xffff, v12, v2;
	_ =	sdelay $0xa  }
0x534: {  	v2 =	vlaneseq.u32 @!p0  }
0x535: {  	v2 =	vmul.u32 @!p0 $0xFFFFFFFF, v2;
	_ =	sdelay $0x1  }
0x536: {  	v2 =	vadd.s32 @!p0 $0xF, v2;
	v3, v4, _ =	vpop @!p0 (xrf1)  }
0x537: {  	v3 =	vperm.xlane @!p0 v3, v2  }
0x538: {  	v4 =	vperm.xlane @!p0 v4, v2  }
0x539: {  	vm0 =	vle.f32 @!p0 v1, v3  }
0x53a: {  	v5 =	vsel @!p0 vm0, v3, v1;
	v6 =	vsel @!p0 vm0, v4, v11  }
0x53b: {  	(xrf1) =	vsort.ascd.msk.f32 @!p0 $0xffff, v5, v6;
	_ =	sdelay $0xd  }
0x53c: {  	v5, v6, _ =	vpop @!p0 (xrf1)  }
0x53d: {  	v5 =	vperm.xlane @!p0 v5, v2  }
0x53e: {  	v6 =	vperm.xlane @!p0 v6, v2  }
0x53f: {  	v3 =	vsel @!p0 vm0, v1, v3;
	v4 =	vsel @!p0 vm0, v11, v4;
	vm0 =	vle.f32 @!p0 v1, v5  }
0x540: {  	(xrf1) =	vsort.ascd.msk.f32 @!p0 $0xffff, v3, v4;
	v3 =	vsel @!p0 vm0, v5, v1;
	v4 =	vsel @!p0 vm0, v6, v11  }
0x541: {  	(xrf1) =	vsort.ascd.msk.f32 @!p0 $0xffff, v3, v4;
	_ =	sdelay $0xc  }
0x542: {  	v3, v4, _ =	vpop @!p0 (xrf1)  }
0x543: {  	v7, v8, _ =	vpop @!p0 (xrf1)  }
0x544: {  	v7 =	vperm.xlane @!p0 v7, v2  }
0x545: {  	v8 =	vperm.xlane @!p0 v8, v2  }
0x546: {  	v5 =	vsel @!p0 vm0, v1, v5;
	v6 =	vsel @!p0 vm0, v11, v6;
	vm0 =	vle.f32 @!p0 v1, v7  }
0x547: {  	(xrf1) =	vsort.ascd.msk.f32 @!p0 $0xffff, v5, v6;
	v5 =	vsel @!p0 vm0, v7, v1;
	v6 =	vsel @!p0 vm0, v8, v11  }
0x548: {  	(xrf1) =	vsort.ascd.msk.f32 @!p0 $0xffff, v5, v6;
	_ =	sdelay $0xc  }
0x549: {  	v5, v6, _ =	vpop @!p0 (xrf1)  }
0x54a: {  	v9, v10, _ =	vpop @!p0 (xrf1)  }
0x54b: {  	v9 =	vperm.xlane @!p0 v9, v2  }
0x54c: {  	v2 =	vperm.xlane @!p0 v10, v2  }
0x54d: {  	v7 =	vsel @!p0 vm0, v1, v7;
	v8 =	vsel @!p0 vm0, v11, v8;
	vm0 =	vle.f32 @!p0 v1, v9  }
0x54e: {  	(xrf1) =	vsort.ascd.msk.f32 @!p0 $0xffff, v7, v8;
	v7 =	vsel @!p0 vm0, v1, v9;
	v2 =	vsel @!p0 vm0, v11, v2  }
0x54f: {  	(xrf1) =	vsort.ascd.msk.f32 @!p0 $0xffff, v7, v2;
	_ =	sdelay $0x9  }
0x550: {  	s8 =	sadd.s32 $0xFFFFFFFF, s2  }
0x551: {  	p2 =	sne.s32 s8, $0x0  }
.Ltmp26:
0x552: {  	_ = 	snop;
	(pc) =	sbr.rel @!p2 .LBB2_38-.Ltmp26, $4  }
0x553: {  	s9 =	simm.s32 $0x8910;
	v10 =	vpsel p0, v11, v4;
	v7, v8, _ =	vpop @!p0 (xrf1)  }
0x554: {  	v12 =	vld [tilespmem:s9+$0x0];
	v4 =	vpsel p0, v11, v6;
	v2 =	vpsel p0, v1, v3;
	v3 =	vpsel p0, v1, v5;
	v9, v14, _ =	vpop @!p0 (xrf1)  }
0x555: {  	v5 =	vpsel p0, v1, v7;
	v6 =	vpsel p0, v11, v8;
	v13 =	vbroadcast @!p0 v9, $0xF  }
0x556: {  	p1 =	por $0x1, $0x1;
	s7 =	simm.s32 $0x8D00;
	v7 =	vpsel p0, v1, v9;
	v8 =	vpsel p0, v11, v14;
	v9 =	vimm.f32 $3.000000010e+38  }
.LBB2_39:
0x557: {  	_ = 	snop  }
0x558: {  	s8 =	sadd.s32 $0xFFFFFFFF, s8;
	s7 =	sadd.s32 $0x10, s7;
	v9 =	vpsel p0, v9, v13  }
0x559: {  	p2 =	sne.s32 s8, $0x0;
	vm0 =	vlt.f32 v12, v9  }
0x55a: {  	v11 =	vmpcnt.ones.xlane vm0;
	_ =	sdelay $0x1  }
0x55b: {  	(v2sf) =	vpush v11, $0x0;
	_ =	sdelay $0xe  }
0x55c: {  	s0 =	spop (v2sf)  }
0x55d: {  	p0 =	slt.s32 s0, $0x1  }
0x55e: {  	v11 =	vld @!p0 [tilespmem:s7+$0x0];
	v13 =	vlaneseq.u32 @!p0  }
0x55f: {  	v13 =	vmul.u32 @!p0 $0xFFFFFFFF, v13;
	_ =	sdelay $0x3  }
0x560: {  	(xrf1) =	vsort.ascd.msk.f32 @!p0 $0xffff, v12, v11;
	_ =	sdelay $0xd  }
0x561: {  	v11 =	vadd.s32 @!p0 $0xF, v13;
	v12, v13, _ =	vpop @!p0 (xrf1)  }
0x562: {  	v12 =	vperm.xlane @!p0 v12, v11;
	v13 =	vperm.xlane @!p0 v13, v11;
	_ =	sdelay $0x1  }
0x563: {  	vm0 =	vle.f32 @!p0 v2, v12  }
0x564: {  	v14 =	vsel @!p0 vm0, v2, v12;
	v12 =	vsel @!p0 vm0, v12, v2;
	v15 =	vsel @!p0 vm0, v13, v10  }
0x565: {  	v13 =	vsel @!p0 vm0, v10, v13;
	(xrf1) =	vsort.ascd.msk.f32 @!p0 $0xffff, v12, v15  }
0x566: {  	(xrf1) =	vsort.ascd.msk.f32 @!p0 $0xffff, v14, v13;
	_ =	sdelay $0xc  }
0x567: {  	v12, v13, _ =	vpop @!p0 (xrf1)  }
0x568: {  	v12 =	vperm.xlane @!p0 v12, v11;
	v13 =	vperm.xlane @!p0 v13, v11;
	v14, v15, _ =	vpop @!p0 (xrf1)  }
0x569: {  	v2 =	vpsel p0, v2, v14;
	v10 =	vpsel p0, v10, v15  }
0x56a: {  	vm0 =	vle.f32 @!p0 v3, v12  }
0x56b: {  	v14 =	vsel @!p0 vm0, v3, v12;
	v12 =	vsel @!p0 vm0, v12, v3;
	v15 =	vsel @!p0 vm0, v13, v4  }
0x56c: {  	v13 =	vsel @!p0 vm0, v4, v13;
	(xrf1) =	vsort.ascd.msk.f32 @!p0 $0xffff, v12, v15  }
0x56d: {  	(xrf1) =	vsort.ascd.msk.f32 @!p0 $0xffff, v14, v13;
	_ =	sdelay $0xc  }
0x56e: {  	v12, v13, _ =	vpop @!p0 (xrf1)  }
0x56f: {  	v12 =	vperm.xlane @!p0 v12, v11;
	v13 =	vperm.xlane @!p0 v13, v11;
	v14, v15, _ =	vpop @!p0 (xrf1)  }
0x570: {  	v3 =	vpsel p0, v3, v14;
	v4 =	vpsel p0, v4, v15  }
0x571: {  	vm0 =	vle.f32 @!p0 v5, v12  }
0x572: {  	v14 =	vsel @!p0 vm0, v5, v12;
	v12 =	vsel @!p0 vm0, v12, v5;
	v15 =	vsel @!p0 vm0, v13, v6  }
0x573: {  	v13 =	vsel @!p0 vm0, v6, v13;
	(xrf1) =	vsort.ascd.msk.f32 @!p0 $0xffff, v12, v15  }
0x574: {  	(xrf1) =	vsort.ascd.msk.f32 @!p0 $0xffff, v14, v13;
	_ =	sdelay $0xc  }
0x575: {  	v12, v13, _ =	vpop @!p0 (xrf1)  }
0x576: {  	v12 =	vperm.xlane @!p0 v12, v11;
	v11 =	vperm.xlane @!p0 v13, v11;
	v13, v14, _ =	vpop @!p0 (xrf1)  }
0x577: {  	v5 =	vpsel p0, v5, v13;
	v6 =	vpsel p0, v6, v14  }
0x578: {  	vm0 =	vle.f32 @!p0 v7, v12  }
0x579: {  	v12 =	vsel @!p0 vm0, v7, v12;
	v11 =	vsel @!p0 vm0, v8, v11  }
0x57a: {  	(xrf1) =	vsort.ascd.msk.f32 @!p0 $0xffff, v12, v11;
	_ =	sdelay $0xa  }
.Ltmp27:
0x57b: {  	(pc) =	sbr.rel @p2 .LBB2_39-.Ltmp27, $4  }
0x57c: {  	s9 =	sadd.s32 $0x10, s9  }
0x57d: {  	v12 =	vld [tilespmem:s9+$0x0]  }
0x57e: {  	v11, v14, _ =	vpop @!p0 (xrf1)  }
0x57f: {  	v13 =	vbroadcast @!p0 v11, $0xF;
	v7 =	vpsel p0, v7, v11;
	v8 =	vpsel p0, v8, v14  }
0x580: {  	v11 =	vmov v10  }
.LBB2_41:
0x581: {  	p0 =	por !p0, !p1  }
0x582: {  	v9 =	vpsel p0, v13, v9  }
0x583: {  	v1 =	vpsel p1, v9, v1  }
0x584: {  	vm0 =	vlt.f32 v12, v1  }
0x585: {  	v1 =	vmpcnt.ones.xlane vm0;
	_ =	sdelay $0x1  }
0x586: {  	(v2sf) =	vpush v1, $0x0;
	_ =	sdelay $0xe  }
0x587: {  	s0 =	sadd.s32 @p1 $0x10, s7;
	s2 =	spop (v2sf)  }
0x588: {  	s1 =	smov.u32 @p1 s0;
	p0 =	slt.s32 s2, $0x1  }
0x589: {  	v1 =	vld @!p0 [tilespmem:s1+$0x0];
	_ =	sdelay $0x4  }
0x58a: {  	(xrf1) =	vsort.ascd.msk.f32 @!p0 $0xffff, v12, v1;
	_ =	sdelay $0xa  }
0x58b: {  	v1 =	vlaneseq.u32 @!p0  }
0x58c: {  	v1 =	vmul.u32 @!p0 $0xFFFFFFFF, v1;
	_ =	sdelay $0x1  }
0x58d: {  	v1 =	vadd.s32 @!p0 $0xF, v1;
	v9, v10, _ =	vpop @!p0 (xrf1)  }
0x58e: {  	v9 =	vperm.xlane @!p0 v9, v1  }
0x58f: {  	v10 =	vperm.xlane @!p0 v10, v1  }
0x590: {  	vm0 =	vle.f32 @!p0 v2, v9  }
0x591: {  	v12 =	vsel @!p0 vm0, v9, v2;
	v13 =	vsel @!p0 vm0, v10, v11  }
0x592: {  	(xrf1) =	vsort.ascd.msk.f32 @!p0 $0xffff, v12, v13;
	_ =	sdelay $0xd  }
0x593: {  	v12, v13, _ =	vpop @!p0 (xrf1)  }
0x594: {  	v12 =	vperm.xlane @!p0 v12, v1  }
0x595: {  	v13 =	vperm.xlane @!p0 v13, v1  }
0x596: {  	v9 =	vsel @!p0 vm0, v2, v9;
	v10 =	vsel @!p0 vm0, v11, v10;
	vm0 =	vle.f32 @!p0 v3, v12  }
0x597: {  	(xrf1) =	vsort.ascd.msk.f32 @!p0 $0xffff, v9, v10;
	v9 =	vsel @!p0 vm0, v12, v3;
	v10 =	vsel @!p0 vm0, v13, v4  }
0x598: {  	(xrf1) =	vsort.ascd.msk.f32 @!p0 $0xffff, v9, v10;
	_ =	sdelay $0xc  }
0x599: {  	v9, v10, _ =	vpop @!p0 (xrf1)  }
0x59a: {  	v14, v15, _ =	vpop @!p0 (xrf1)  }
0x59b: {  	v14 =	vperm.xlane @!p0 v14, v1  }
0x59c: {  	v15 =	vperm.xlane @!p0 v15, v1  }
0x59d: {  	v12 =	vsel @!p0 vm0, v3, v12;
	v13 =	vsel @!p0 vm0, v4, v13;
	vm0 =	vle.f32 @!p0 v5, v14  }
0x59e: {  	(xrf1) =	vsort.ascd.msk.f32 @!p0 $0xffff, v12, v13;
	v12 =	vsel @!p0 vm0, v14, v5;
	v13 =	vsel @!p0 vm0, v15, v6  }
0x59f: {  	(xrf1) =	vsort.ascd.msk.f32 @!p0 $0xffff, v12, v13;
	_ =	sdelay $0xc  }
0x5a0: {  	v12, v13, _ =	vpop @!p0 (xrf1)  }
0x5a1: {  	v16, v17, _ =	vpop @!p0 (xrf1)  }
0x5a2: {  	v16 =	vperm.xlane @!p0 v16, v1  }
0x5a3: {  	v14 =	vsel @!p0 vm0, v5, v14;
	v15 =	vsel @!p0 vm0, v6, v15;
	v1 =	vperm.xlane @!p0 v17, v1  }
0x5a4: {  	(xrf1) =	vsort.ascd.msk.f32 @!p0 $0xffff, v14, v15;
	vm0 =	vle.f32 @!p0 v7, v16  }
0x5a5: {  	v14 =	vsel @!p0 vm0, v7, v16;
	v1 =	vsel @!p0 vm0, v8, v1  }
0x5a6: {  	(xrf1) =	vsort.ascd.msk.f32 @!p0 $0xffff, v14, v1;
	_ =	sdelay $0xa  }
.Ltmp28:
0x5a7: {  	_ = 	snop;
	(pc) =	sbr.rel .LBB2_42-.Ltmp28, $4  }
0x5a8: {  	v11 =	vpsel p0, v11, v10;
	v10, v14, _ =	vpop @!p0 (xrf1)  }
0x5a9: {  	v1 =	vpsel p0, v2, v9  }
0x5aa: {  	v2 =	vpsel p0, v3, v12;
	v9 =	vpsel p0, v4, v13;
	v3 =	vpsel p0, v5, v10;
	v4, v10, _ =	vpop @!p0 (xrf1)  }
0x5ab: {  	s8 =	simm.s32 $0x0;
	s7 =	rddreg [dreg:$0x6];
	v5 =	vpsel p0, v6, v14;
	v4 =	vpsel p0, v7, v4;
	v6 =	vpsel p0, v8, v10  }
.LBB2_36:
.Ltmp29:
0x5ac: {  	(pc) =	sbr.rel .LBB2_41-.Ltmp29, $4  }
0x5ad: {  	_ = 	snop  }
0x5ae: {  	v9 =	vimm.f32 $3.000000010e+38;
	v2 =	vimm.f32 $3.000000010e+38  }
0x5af: {  	v3 =	vimm.f32 $3.000000010e+38;
	v4 =	vimm.s32 $0x0;
	v5 =	vimm.f32 $3.000000010e+38  }
0x5b0: {  	s7 =	simm.s32 $0x8D00;
	v6 =	vimm.s32 $0x0;
	v7 =	vimm.f32 $3.000000010e+38;
	v8 =	vimm.s32 $0x0  }
.LBB2_38:
.Ltmp30:
0x5b1: {  	(pc) =	sbr.rel .LBB2_41-.Ltmp30, $2  }
0x5b2: {  	_ =	sdelay $0x2  }
0x5b3: {  	v9 =	vimm.f32 $3.000000010e+38;
	s7 =	simm.s32 $0x8D00;
	v11 =	vmov v10  }
.LBB2_43:
0x5b4: {  	_ =	sfence.sel $0x180000  }
0x5b5: {  	[bflag:$0x0] =	sbarrier.arrive $0xFFFF  }
0x5b6: {  	_ =	strace $0x90000047  }
0x5b7: {  	s0 =	stileid.u32;
	[bflag:$0x2] =	sbarrier.arrive $0xFFFF  }
0x5b8: {  	p0 =	sne.s32 s0, $0x0;
	s0 =	rddreg [dreg:$0x1]  }
0x5b9: {  	s0 =	sadd.s32 @!p0 $0x100000, s0  }
0x5ba: {  	[sflag:s0] =	ssyncadd.tile.s32 @!p0 $0x1;
	_ =	shalt  }
.Lfunc_end2:
_tile_overlayer_lowered:
.L_overlay_start_2:
0x5bb: {  	(tag) =	ssettag $0x2  }
0x5bc: {  	s0 =	rddreg [dreg:$0x0];
	s2 =	stileid.u32  }
0x5bd: {  	s1 =	rddreg [dreg:$0x1];
	p0 =	sne.s32 s2, $0x0  }
0x5be: {  	s3 =	rddreg [dreg:$0x2];
	[bflag:$0x3] =	sbarrier.arrive $0xFFFF;
	s2 =	simm.s32 @!p0 $0x1C07  }
0x5bf: {  	[timem:s3], [sflag:s2] =	dma.local @!p0 [hbm:s0], s1  }
0x5c0: {  	s0 =	simm.s32 @!p0 $0x7  }
0x5c1: {  	_ =	swait.ge @!p0 [sflag:s0], s1  }
0x5c2: {  	s1 =	ssub.s32 @!p0 $0x0, s1;
	[sflag:s0] =	ssyncset.done @!p0 $0x0  }
0x5c3: {  	[sflag:s0] =	ssyncadd.s32 @!p0 s1  }
0x5c4: {  	[bflag:$0x3] =	sbarrier.arrive $0xFFFF  }
0x5c5: {  	_ =	shalt  }

</sc_bundles>
